<compile_context>
chip_gen: v7x
topology: tpu7x:2x2x1
jax: 0.10.2.dev20260603
libtpu: 0.0.44.dev20260713+nightly
codegen_flags: <defaults>
</compile_context>

<pallas_src>
import functools

import jax
import jax.numpy as jnp
from jax import lax
from jax.experimental import pallas as pl
from jax.experimental.pallas import tpu as pltpu
from jax.experimental.pallas import tpu_sc as plsc

_SC_CORES = 2
_SC_SUBCORES = 16
_NW = _SC_CORES * _SC_SUBCORES
_CH = 128
_WC = 512
_EB = 4096
_BN = 1000
_BE = 4096

_F32 = jnp.float32


def _ln(x, g, b):
    mu = jnp.mean(x, axis=-1, keepdims=True)
    var = jnp.mean((x - mu) ** 2, axis=-1, keepdims=True)
    return g * (x - mu) / jnp.sqrt(var + 1e-5) + b


def _silu(x):
    return x * jax.nn.sigmoid(x)


def _pack_bf16(x):
    k = x.shape[-1] // 2
    a = x[:, :k].astype(jnp.bfloat16)
    b = x[:, k:].astype(jnp.bfloat16)
    au = lax.bitcast_convert_type(a, jnp.uint16).astype(jnp.uint32)
    bu = lax.bitcast_convert_type(b, jnp.uint16).astype(jnp.uint32)
    return lax.bitcast_convert_type((au << 16) | bu, _F32)


def _unpack_bf16(p):
    u = lax.bitcast_convert_type(p, jnp.uint32)
    hi = lax.bitcast_convert_type((u >> 16).astype(jnp.uint16), jnp.bfloat16)
    lo = lax.bitcast_convert_type(u.astype(jnp.uint16), jnp.bfloat16)
    return jnp.concatenate([hi, lo], axis=-1)


def _sc_gather(table, idx):
    ew = idx.shape[0]
    tail = table.shape[1:]
    per_w = ew // _NW
    nring = 4
    n4 = per_w // (nring * _CH)
    mesh = plsc.VectorSubcoreMesh(core_axis_name="c", subcore_axis_name="s")

    @functools.partial(
        pl.kernel,
        out_type=jax.ShapeDtypeStruct((ew,) + tail, table.dtype),
        mesh=mesh,
        scratch_types=[
            pltpu.VMEM((per_w,), jnp.int32),
        ] + [pltpu.VMEM((_CH,) + tail, table.dtype)] * nring
          + [pltpu.SemaphoreType.DMA] * (2 * nring),
    )
    def gk(table_hbm, idx_hbm, out_hbm, idx_v, *bufs_sems):
        rows = bufs_sems[:nring]
        sems = bufs_sems[nring:2 * nring]
        wsems = bufs_sems[2 * nring:]
        wid = lax.axis_index("s") * _SC_CORES + lax.axis_index("c")
        base = wid * per_w
        pltpu.sync_copy(idx_hbm.at[pl.ds(base, per_w)], idx_v)

        def body(p, carry):
            offs = [(nring * p + j) * _CH for j in range(nring)]
            descs = []
            for j in range(nring):
                @pl.when(p > 0)
                def _(j=j):
                    pltpu.make_async_copy(
                        rows[j], out_hbm.at[pl.ds(base + offs[j], _CH)],
                        wsems[j]).wait()
                descs.append(pltpu.async_copy(
                    table_hbm.at[idx_v.at[pl.ds(offs[j], _CH)]],
                    rows[j], sems[j]))
            for j in range(nring):
                descs[j].wait()
                pltpu.async_copy(
                    rows[j], out_hbm.at[pl.ds(base + offs[j], _CH)],
                    wsems[j])
            return carry

        lax.fori_loop(0, n4, body, 0)
        for j in range(nring):
            pltpu.make_async_copy(
                rows[j], out_hbm.at[pl.ds(base, _CH)], wsems[j]).wait()

    return gk(table, idx)


def _sc_gather2(table, idx_a, idx_b, table_b=None):
    ew = idx_a.shape[0]
    d = table.shape[1]
    per_w = ew // _NW
    n_ch = per_w // _CH
    mesh = plsc.VectorSubcoreMesh(core_axis_name="c", subcore_axis_name="s")

    @functools.partial(
        pl.kernel,
        out_type=[
            jax.ShapeDtypeStruct((ew, d), _F32),
            jax.ShapeDtypeStruct((ew, d), _F32),
        ],
        mesh=mesh,
        scratch_types=[
            pltpu.VMEM((per_w,), jnp.int32),
            pltpu.VMEM((per_w,), jnp.int32),
            pltpu.VMEM((_CH, d), _F32),
            pltpu.VMEM((_CH, d), _F32),
            pltpu.SemaphoreType.DMA,
            pltpu.SemaphoreType.DMA,
            pltpu.SemaphoreType.DMA,
            pltpu.SemaphoreType.DMA,
        ],
    )
    def gk(table_hbm, tb_hbm, ia_hbm, ib_hbm, oa_hbm, ob_hbm,
           ia_v, ib_v, rows0, rows1, sem0, sem1, wsem0, wsem1):
        wid = lax.axis_index("s") * _SC_CORES + lax.axis_index("c")
        base = wid * per_w
        pltpu.sync_copy(ia_hbm.at[pl.ds(base, per_w)], ia_v)
        pltpu.sync_copy(ib_hbm.at[pl.ds(base, per_w)], ib_v)

        def body(t, carry):
            off = t * _CH

            @pl.when(t > 0)
            def _():
                pltpu.make_async_copy(
                    rows0, oa_hbm.at[pl.ds(base + off, _CH)], wsem0).wait()
                pltpu.make_async_copy(
                    rows1, ob_hbm.at[pl.ds(base + off, _CH)], wsem1).wait()

            d0 = pltpu.async_copy(
                table_hbm.at[ia_v.at[pl.ds(off, _CH)]], rows0, sem0)
            d1 = pltpu.async_copy(
                tb_hbm.at[ib_v.at[pl.ds(off, _CH)]], rows1, sem1)
            d0.wait()
            pltpu.async_copy(rows0, oa_hbm.at[pl.ds(base + off, _CH)], wsem0)
            d1.wait()
            pltpu.async_copy(rows1, ob_hbm.at[pl.ds(base + off, _CH)], wsem1)
            return carry

        lax.fori_loop(0, n_ch, body, 0)
        pltpu.make_async_copy(
            rows0, oa_hbm.at[pl.ds(base, _CH)], wsem0).wait()
        pltpu.make_async_copy(
            rows1, ob_hbm.at[pl.ds(base, _CH)], wsem1).wait()

    return gk(table, table_b if table_b is not None else table, idx_a, idx_b)


def _embed_body(af_ref, w_ref, b_ref, g_ref, be_ref, wm_ref, h_ref, m_ref):
    x = jnp.dot(af_ref[...], w_ref[...], preferred_element_type=_F32) + b_ref[...]
    h = _ln(_silu(x), g_ref[...], be_ref[...])
    h_ref[...] = h
    m_ref[...] = _pack_bf16(
        jnp.dot(h, wm_ref[...], preferred_element_type=_F32))


def _embed_call(af, w, b, g, be, wm):
    n = af.shape[0]
    gh = w.shape[1]
    grid = (n // _BN,)
    full = lambda i: (0, 0)
    return pl.pallas_call(
        _embed_body,
        grid=grid,
        in_specs=[
            pl.BlockSpec((_BN, af.shape[1]), lambda i: (i, 0)),
            pl.BlockSpec(w.shape, full),
            pl.BlockSpec(b.shape, full),
            pl.BlockSpec(g.shape, full),
            pl.BlockSpec(be.shape, full),
            pl.BlockSpec(wm.shape, full),
        ],
        out_specs=[
            pl.BlockSpec((_BN, gh), lambda i: (i, 0)),
            pl.BlockSpec((_BN, gh // 2), lambda i: (i, 0)),
        ],
        out_shape=[
            jax.ShapeDtypeStruct((n, gh), _F32),
            jax.ShapeDtypeStruct((n, gh // 2), _F32),
        ],
    )(af, w, b, g, be, wm)


def _enc_body(asrc_ref, adst_ref, d_ref, c_ref, w1a_ref, w1b_ref, w1r_ref,
              b1_ref, w2_ref, b2_ref, g_ref, be_ref, out_ref, *, wsq):
    bf = jnp.bfloat16
    dd = d_ref[...]
    nb = dd.shape[0]
    bins = c_ref.shape[1]
    dist3 = dd[:, :, None]
    cen3 = c_ref[...].reshape(1, 1, bins)
    rbf = jnp.exp(-((dist3 - cen3) ** 2) / wsq).reshape(nb * 128, bins)
    x = (jnp.dot(asrc_ref[...].astype(bf), w1a_ref[...].astype(bf),
                 preferred_element_type=_F32)
         + jnp.dot(adst_ref[...].astype(bf), w1b_ref[...].astype(bf),
                   preferred_element_type=_F32)
         + jnp.dot(rbf, w1r_ref[...], preferred_element_type=_F32)
         + b1_ref[...])
    x = _silu(x)
    y = _silu(jnp.dot(x.astype(bf), w2_ref[...].astype(bf),
                      preferred_element_type=_F32) + b2_ref[...])
    out_ref[...] = _ln(y, g_ref[...], be_ref[...])


def _enc_call(asrc, adst, d2d, centers, w1a, w1b, w1r, b1, w2, b2, g, be, wsq):
    ew = asrc.shape[0]
    eh = w2.shape[1]
    grid = (ew // _BE,)
    full = lambda i: (0, 0)
    return pl.pallas_call(
        functools.partial(_enc_body, wsq=wsq),
        grid=grid,
        in_specs=[
            pl.BlockSpec((_BE, asrc.shape[1]), lambda i: (i, 0)),
            pl.BlockSpec((_BE, adst.shape[1]), lambda i: (i, 0)),
            pl.BlockSpec((_BE // 128, 128), lambda i: (i, 0)),
            pl.BlockSpec(centers.shape, full),
            pl.BlockSpec(w1a.shape, full),
            pl.BlockSpec(w1b.shape, full),
            pl.BlockSpec(w1r.shape, full),
            pl.BlockSpec(b1.shape, full),
            pl.BlockSpec(w2.shape, full),
            pl.BlockSpec(b2.shape, full),
            pl.BlockSpec(g.shape, full),
            pl.BlockSpec(be.shape, full),
        ],
        out_specs=pl.BlockSpec((_BE, eh), lambda i: (i, 0)),
        out_shape=jax.ShapeDtypeStruct((ew, eh), _F32),
    )(asrc, adst, d2d, centers, w1a, w1b, w1r, b1, w2, b2, g, be)


def _seg_body(starts_ref, ef_hbm, m_hbm, dr_hbm, wg_ref, bg_ref,
              h_ref, ws_ref, bs_ref, g_ref, b_ref, wm_ref,
              h2_ref, m2_ref, hbf_ref,
              acc, ef_a, m_a, dr_a, ef_b, m_b, dr_b,
              sa1, sa2, sa3, sb1, sb2, sb3, *, eh, gh):
    c = pl.program_id(0)
    s = starts_ref[c]
    e = starts_ref[c + 1]
    base0 = (s // 128) * 128
    n_it = (e - base0 + _EB - 1) // _EB
    acc[...] = jnp.zeros_like(acc)
    wg = wg_ref[...].astype(jnp.bfloat16)
    bg = bg_ref[...]

    def copies(t, efb, mb, drb, s1, s2, s3):
        b = base0 + t * _EB
        return (pltpu.make_async_copy(ef_hbm.at[pl.ds(b, _EB)], efb, s1),
                pltpu.make_async_copy(m_hbm.at[pl.ds(b, _EB)], mb, s2),
                pltpu.make_async_copy(
                    dr_hbm.at[pl.ds(b // 128, _EB // 128)], drb, s3))

    def issue(t, efb, mb, drb, s1, s2, s3):
        for cp in copies(t, efb, mb, drb, s1, s2, s3):
            cp.start()

    def compute(t, efb, mb, drb, s1, s2, s3):
        for cp in copies(t, efb, mb, drb, s1, s2, s3):
            cp.wait()
        b = base0 + t * _EB
        gate = jax.nn.sigmoid(
            jnp.dot(efb[...].astype(jnp.bfloat16), wg,
                    preferred_element_type=_F32) + bg)
        val = gate * _unpack_bf16(mb[...]).astype(_F32)
        gidx = lax.broadcasted_iota(jnp.int32, (_EB, 1), 0) + b
        keep = (gidx >= s) & (gidx < e)
        rhs = jnp.where(keep, jnp.concatenate([val, gate], axis=1), 0.0)
        onehot = (drb[...][:, :, None]
                  == lax.broadcasted_iota(jnp.int32, (_EB // 128, 128, _WC), 2))
        onehot = onehot.astype(jnp.bfloat16).reshape(_EB, _WC)
        acc[...] += lax.dot_general(
            onehot, rhs.astype(jnp.bfloat16), (((0,), (0,)), ((), ())),
            preferred_element_type=_F32)

    buf_a = (ef_a, m_a, dr_a, sa1, sa2, sa3)
    buf_b = (ef_b, m_b, dr_b, sb1, sb2, sb3)

    @pl.when(n_it > 0)
    def _():
        issue(0, *buf_a)

    def it(t, carry):
        @pl.when(lax.rem(t, 2) == 0)
        def _():
            @pl.when(t + 1 < n_it)
            def _():
                issue(t + 1, *buf_b)
            compute(t, *buf_a)

        @pl.when(lax.rem(t, 2) == 1)
        def _():
            @pl.when(t + 1 < n_it)
            def _():
                issue(t + 1, *buf_a)
            compute(t, *buf_b)

        return carry

    lax.fori_loop(0, n_it, it, 0)

    h = h_ref[...]
    ad = acc[...]
    agg = ad[:, :gh]
    den = ad[:, gh:]
    x = (jnp.dot(h, ws_ref[...], preferred_element_type=_F32) + bs_ref[...]
         + agg / (den + 1e-6))
    h2 = _ln(_silu(x) + h, g_ref[...], b_ref[...])
    h2_ref[...] = h2
    m2_ref[...] = _pack_bf16(
        jnp.dot(h2, wm_ref[...], preferred_element_type=_F32))
    hbf_ref[...] = _pack_bf16(h2)


def _seg_call(starts, ef, msrc, dr2d, wg, bg, h, ws, bs, g, b, wm):
    eh = ef.shape[1]
    gh = wg.shape[1]
    nc = starts.shape[0] - 1
    grid = (nc,)
    full = lambda c: (0, 0)
    return pl.pallas_call(
        functools.partial(_seg_body, eh=eh, gh=gh),
        grid=grid,
        in_specs=[
            pl.BlockSpec(memory_space=pltpu.SMEM),
            pl.BlockSpec(memory_space=pl.ANY),
            pl.BlockSpec(memory_space=pl.ANY),
            pl.BlockSpec(memory_space=pl.ANY),
            pl.BlockSpec(wg.shape, full),
            pl.BlockSpec(bg.shape, full),
            pl.BlockSpec((_WC, gh), lambda c: (c, 0)),
            pl.BlockSpec(ws.shape, full),
            pl.BlockSpec(bs.shape, full),
            pl.BlockSpec(g.shape, full),
            pl.BlockSpec(b.shape, full),
            pl.BlockSpec(wm.shape, full),
        ],
        out_specs=[
            pl.BlockSpec((_WC, gh), lambda c: (c, 0)),
            pl.BlockSpec((_WC, gh // 2), lambda c: (c, 0)),
            pl.BlockSpec((_WC, gh // 2), lambda c: (c, 0)),
        ],
        out_shape=[
            jax.ShapeDtypeStruct((nc * _WC, gh), _F32),
            jax.ShapeDtypeStruct((nc * _WC, gh // 2), _F32),
            jax.ShapeDtypeStruct((nc * _WC, gh // 2), _F32),
        ],
        scratch_shapes=[
            pltpu.VMEM((_WC, 2 * gh), _F32),
            pltpu.VMEM((_EB, eh), _F32),
            pltpu.VMEM((_EB, gh // 2), _F32),
            pltpu.VMEM((_EB // 128, 128), jnp.int32),
            pltpu.VMEM((_EB, eh), _F32),
            pltpu.VMEM((_EB, gh // 2), _F32),
            pltpu.VMEM((_EB // 128, 128), jnp.int32),
            pltpu.SemaphoreType.DMA,
            pltpu.SemaphoreType.DMA,
            pltpu.SemaphoreType.DMA,
            pltpu.SemaphoreType.DMA,
            pltpu.SemaphoreType.DMA,
            pltpu.SemaphoreType.DMA,
        ],
    )(starts, ef, msrc, dr2d, wg, bg, h, ws, bs, g, b, wm)


def _head_body(ef_ref, hs_ref, hd_ref, w1e_ref, w1s_ref, w1d_ref, b1_ref,
               w2_ref, b2_ref, w3_ref, b3_ref, wo_ref, bo_ref, out_ref):
    bf = jnp.bfloat16
    hs = _unpack_bf16(hs_ref[...])
    hd = _unpack_bf16(hd_ref[...])
    p = _silu(jnp.dot(ef_ref[...].astype(bf), w1e_ref[...].astype(bf),
                      preferred_element_type=_F32)
              + jnp.dot(hs, w1s_ref[...].astype(bf),
                        preferred_element_type=_F32)
              + jnp.dot(hd, w1d_ref[...].astype(bf),
                        preferred_element_type=_F32)
              + b1_ref[...])
    p = _silu(jnp.dot(p.astype(bf), w2_ref[...].astype(bf),
                      preferred_element_type=_F32) + b2_ref[...])
    p = _silu(jnp.dot(p.astype(bf), w3_ref[...].astype(bf),
                      preferred_element_type=_F32) + b3_ref[...])
    v = (jnp.dot(p, wo_ref[...], preferred_element_type=_F32)
         + bo_ref[...])[:, 0:1]
    out_ref[...] = v.reshape(out_ref.shape)


def _head_call(ef, hsrc, hdst, w1e, w1s, w1d, b1, w2, b2, w3, b3, wo, bo):
    ew = ef.shape[0]
    grid = (ew // _BE,)
    full = lambda i: (0, 0)
    return pl.pallas_call(
        _head_body,
        grid=grid,
        in_specs=[
            pl.BlockSpec((_BE, ef.shape[1]), lambda i: (i, 0)),
            pl.BlockSpec((_BE, hsrc.shape[1]), lambda i: (i, 0)),
            pl.BlockSpec((_BE, hdst.shape[1]), lambda i: (i, 0)),
            pl.BlockSpec(w1e.shape, full),
            pl.BlockSpec(w1s.shape, full),
            pl.BlockSpec(w1d.shape, full),
            pl.BlockSpec(b1.shape, full),
            pl.BlockSpec(w2.shape, full),
            pl.BlockSpec(b2.shape, full),
            pl.BlockSpec(w3.shape, full),
            pl.BlockSpec(b3.shape, full),
            pl.BlockSpec(wo.shape, full),
            pl.BlockSpec(bo.shape, full),
        ],
        out_specs=pl.BlockSpec((_BE // 128, 128), lambda i: (i, 0)),
        out_shape=jax.ShapeDtypeStruct((ew // 128, 128), _F32),
    )(ef, hsrc, hdst, w1e, w1s, w1d, b1, w2, b2, w3, b3, wo, bo)


def kernel(atom_features, edge_index, r, params):
    n, af = atom_features.shape
    e = edge_index.shape[1]
    nl = params["Wm"].shape[0]
    gh = params["Wm"].shape[2]
    eh = params["W_e2"].shape[0]
    bins = params["W_e1"].shape[0] - 2 * af

    src = edge_index[0]
    dst = edge_index[1]

    eidx = jnp.arange(e, dtype=jnp.int32)
    dst_s, perm, src_s = lax.sort((dst, eidx, src), num_keys=1)

    chunk = _NW * _CH * 4
    ew = ((e + _EB + chunk - 1) // chunk) * chunk
    padw = ew - e

    def padi(x):
        return jnp.concatenate([x, jnp.zeros((padw,), jnp.int32)])

    perm_p = padi(perm)
    srcs_p = padi(src_s)
    src_p = padi(src)
    dst_p = padi(dst)
    drel = padi((dst_s % _WC).astype(jnp.int32)).reshape(ew // 128, 128)

    nc = (n + _WC - 1) // _WC
    bounds = (jnp.arange(nc + 1, dtype=jnp.int32) * _WC).astype(dst_s.dtype)
    starts = jnp.searchsorted(dst_s, bounds).astype(jnp.int32)

    afp = ((af + 127) // 128) * 128
    af_pad = afp - af
    afx = jnp.pad(atom_features, ((0, 0), (0, af_pad)))
    w_emb = jnp.pad(params["W_emb"], ((0, af_pad), (0, 0)))
    dist = jnp.sqrt(jnp.sum(r * r, axis=1))
    d2d = jnp.concatenate([dist, jnp.zeros((padw,), _F32)]).reshape(
        ew // 128, 128)

    w_e1 = params["W_e1"]
    w1a = jnp.pad(w_e1[:af], ((0, af_pad), (0, 0)))
    w1b = jnp.pad(w_e1[af:2 * af], ((0, af_pad), (0, 0)))
    w1r = w_e1[2 * af:]
    centers = jnp.linspace(0.0, 8.0, bins, dtype=_F32).reshape(1, bins)
    width = 8.0 / bins

    row = lambda v: v.reshape(1, -1)

    wp1 = params["Wp1"]
    w1e = wp1[:eh]
    w1s = wp1[eh:eh + gh]
    w1d = wp1[eh + gh:]
    wo = jnp.pad(params["Wo"], ((0, 0), (0, 16 - params["Wo"].shape[1])))
    bo = jnp.pad(params["bo"], (0, 16 - params["bo"].shape[0])).reshape(1, 16)

    h, m = _embed_call(afx, w_emb, row(params["b_emb"]), row(params["g_emb"]),
                       row(params["be_emb"]), params["Wm"][0])

    asrc, adst = _sc_gather2(afx, src_p, dst_p)

    ef = _enc_call(asrc, adst, d2d, centers, w1a, w1b, w1r,
                   row(params["b_e1"]), params["W_e2"], row(params["b_e2"]),
                   row(params["g_e"]), row(params["be_e"]), width * width)

    ef_s = None
    hbf = None
    for i in range(nl):
        if i == 0:
            ef_s, msrc = _sc_gather2(ef, perm_p, srcs_p, table_b=m)
        else:
            msrc = _sc_gather(m, srcs_p)
        wm_next = params["Wm"][(i + 1) % nl]
        h, m, hbf = _seg_call(starts, ef_s, msrc, drel,
                              params["Wg"][i], row(params["bg"][i]),
                              h, params["Ws"][i], row(params["bs"][i]),
                              row(params["g_ln"][i]), row(params["b_ln"][i]),
                              wm_next)

    hsrc, hdst = _sc_gather2(hbf, src_p, dst_p)

    outp = _head_call(ef, hsrc, hdst, w1e, w1s, w1d, row(params["bp1"]),
                      params["Wp2"], row(params["bp2"]),
                      params["Wp3"], row(params["bp3"]), wo, bo)

    return outp.reshape(ew)[:e].reshape(e, 1)

# --- scband reference (transcript-rebuilt; emitter-appended) ---
"""Pipeline reference for scband-icohppredictor-47004122087426 (READ-ONLY COPY).

The authoritative reference and input builder live on the scoring server;
editing this copy changes nothing except your own understanding.
"""

import jax, jax.numpy as jnp
import numpy as np

N = 50000
E = 800000
AF = 92
EH = 128
GH = 256
NL = 4
BINS = 40


def _ln(x, g, b):
    mu = jnp.mean(x, axis=-1, keepdims=True)
    var = jnp.var(x, axis=-1, keepdims=True)
    return g * (x - mu) / jnp.sqrt(var + 1e-5) + b


def setup_inputs(seed: int = 0) -> dict:
    key = jax.random.key(seed)
    ks = [jax.random.fold_in(key, i) for i in range(64)]

    def w(k, shape, scale=0.05):
        return (jax.random.normal(k, shape, dtype=jnp.float32) * scale)

    atom_features = jax.random.normal(ks[0], (N, AF), dtype=jnp.float32)
    edge_index = jax.random.randint(ks[1], (2, E), 0, N, dtype=jnp.int32)
    r = jax.random.uniform(ks[2], (E, 3), dtype=jnp.float32, minval=-4.0, maxval=4.0)

    params = {
        # atom_embedding: Linear(AF, GH) + SiLU + LayerNorm(GH)
        "W_emb": w(ks[3], (AF, GH)), "b_emb": jnp.zeros((GH,), jnp.float32),
        "g_emb": jnp.ones((GH,), jnp.float32), "be_emb": jnp.zeros((GH,), jnp.float32),
        # edge encoder: Linear(2*AF+BINS, EH), Linear(EH, EH), LayerNorm(EH)
        "W_e1": w(ks[4], (2 * AF + BINS, EH)), "b_e1": jnp.zeros((EH,), jnp.float32),
        "W_e2": w(ks[5], (EH, EH)), "b_e2": jnp.zeros((EH,), jnp.float32),
        "g_e": jnp.ones((EH,), jnp.float32), "be_e": jnp.zeros((EH,), jnp.float32),
        # NL EdgeGatedGraphConv layers (gate from edge feats, gated scatter-add agg)
        "Wg": w(ks[6], (NL, EH, GH)), "bg": jnp.zeros((NL, GH), jnp.float32),
        "Wm": w(ks[7], (NL, GH, GH)),
        "Ws": w(ks[8], (NL, GH, GH)), "bs": jnp.zeros((NL, GH), jnp.float32),
        # per-layer LayerNorms
        "g_ln": jnp.ones((NL, GH), jnp.float32), "b_ln": jnp.zeros((NL, GH), jnp.float32),
        # icohp predictor MLP: 640 -> 256 -> 128 -> 64 -> 2
        "Wp1": w(ks[9], (EH + 2 * GH, 256)), "bp1": jnp.zeros((256,), jnp.float32),
        "Wp2": w(ks[10], (256, 128)), "bp2": jnp.zeros((128,), jnp.float32),
        "Wp3": w(ks[11], (128, 64)), "bp3": jnp.zeros((64,), jnp.float32),
        "Wo": w(ks[12], (64, 2)), "bo": jnp.zeros((2,), jnp.float32),
    }
    return {"atom_features": atom_features, "edge_index": edge_index, "r": r, "params": params}


def _forward(atom_features, r, params, edge_index):
    src = edge_index[0]
    dst = edge_index[1]
    # atom embedding
    h = _ln(jax.nn.silu(atom_features @ params["W_emb"] + params["b_emb"]),
            params["g_emb"], params["be_emb"])
    # edge encoder: RBF expansion of distances + pairwise node feats
    d = jnp.linalg.norm(r, axis=-1, keepdims=True)  # [E,1]
    centers = jnp.linspace(0.0, 8.0, BINS)
    width = 8.0 / BINS
    rbf = jnp.exp(-((d - centers) ** 2) / (width ** 2))  # [E,BINS]
    ei = jnp.concatenate([atom_features[src], atom_features[dst], rbf], axis=-1)
    e1 = jax.nn.silu(ei @ params["W_e1"] + params["b_e1"])
    e2 = jax.nn.silu(e1 @ params["W_e2"] + params["b_e2"])
    edge_feat = _ln(e2, params["g_e"], params["be_e"])
    # edge-gated message passing with residual + layernorm
    for i in range(NL):
        gate = jax.nn.sigmoid(edge_feat @ params["Wg"][i] + params["bg"][i])  # [E,GH]
        msg = h[src] @ params["Wm"][i]                                       # [E,GH]
        agg = jax.ops.segment_sum(gate * msg, dst, num_segments=N)
        den = jax.ops.segment_sum(gate, dst, num_segments=N) + 1e-6
        h_new = jax.nn.silu(h @ params["Ws"][i] + params["bs"][i] + agg / den)
        h = _ln(h_new + h, params["g_ln"][i], params["b_ln"][i])
    # per-edge ICOHP prediction head
    pin = jnp.concatenate([edge_feat, h[src], h[dst]], axis=-1)  # [E, EH+2*GH]
    p = jax.nn.silu(pin @ params["Wp1"] + params["bp1"])
    p = jax.nn.silu(p @ params["Wp2"] + params["bp2"])
    p = jax.nn.silu(p @ params["Wp3"] + params["bp3"])
    out = p @ params["Wo"] + params["bo"]  # [E,2] (mean, log_std)
    return out[:, 0:1]  # return_uncertainty=False path


def reference(atom_features, edge_index, r, params):
    return _forward(atom_features, r, params, edge_index)

if __name__ == "__main__":
    import jax
    _d = setup_inputs()
    print(jax.jit(kernel)(*tuple(_d.values())))

</pallas_src>

<mosaic_0001>
#map = affine_map<(d0, d1) -> (0, 0)>
#map1 = affine_map<(d0, d1) -> (0)>
module attributes {stable_mosaic.version = 14 : i64} {
  func.func @gk(%arg0: i32, %arg1: i32, %arg2: memref<50000x128xf32, #tpu.memory_space<hbm>>, %arg3: memref<50000x128xf32, #tpu.memory_space<hbm>>, %arg4: memref<819200xi32, #tpu.memory_space<hbm>>, %arg5: memref<819200xi32, #tpu.memory_space<hbm>>, %arg6: memref<819200x128xf32, #tpu.memory_space<hbm>>, %arg7: memref<819200x128xf32, #tpu.memory_space<hbm>>, %arg8: memref<25600xi32, #tpu.memory_space<vmem>>, %arg9: memref<25600xi32, #tpu.memory_space<vmem>>, %arg10: memref<128x128xf32, #tpu.memory_space<vmem>>, %arg11: memref<128x128xf32, #tpu.memory_space<vmem>>, %arg12: memref<!tpu.dma_semaphore, #tpu.memory_space<semaphore_mem>>, %arg13: memref<!tpu.dma_semaphore, #tpu.memory_space<semaphore_mem>>, %arg14: memref<!tpu.dma_semaphore, #tpu.memory_space<semaphore_mem>>, %arg15: memref<!tpu.dma_semaphore, #tpu.memory_space<semaphore_mem>>) attributes {dimension_semantics = [#tpu.dimension_semantics<core_parallel>, #tpu.dimension_semantics<subcore_parallel>], iteration_bounds = array<i64: 2, 16>, scalar_prefetch = 0 : i64, scratch_operands = 8 : i64, tpu.core_type = #tpu.core_type<sc_vector_subcore>, window_params = [{transform_indices = #map}, {transform_indices = #map}, {transform_indices = #map1}, {transform_indices = #map1}, {transform_indices = #map}, {transform_indices = #map}]} {
    %mul3A = arith.constant 2 : i32
    %mul3A_0 = arith.muli %arg1, %mul3A : i32
    %add3A = arith.addi %mul3A_0, %arg0 : i32
    %mul3A_1 = arith.constant 25600 : i32
    %mul3A_2 = arith.muli %add3A, %mul3A_1 : i32
    "tpu.region"() ({
      %run_scoped3A = tpu.sem_alloc : memref<!tpu.dma_semaphore, #tpu.memory_space<semaphore_mem>>
      %dma_start3A = tpu.memref_slice %arg4[%mul3A_2] : memref<819200xi32, #tpu.memory_space<hbm>> -> memref<25600xi32, #tpu.memory_space<hbm>>
      %dma_start3A_15 = tpu.memref_slice %arg4[%mul3A_2] : memref<819200xi32, #tpu.memory_space<hbm>> -> memref<25600xi32, #tpu.memory_space<hbm>>
      tpu.enqueue_dma source(%dma_start3A_15 : memref<25600xi32, #tpu.memory_space<hbm>>) target(%arg8 : memref<25600xi32, #tpu.memory_space<vmem>>) target_semaphore(%run_scoped3A : memref<!tpu.dma_semaphore, #tpu.memory_space<semaphore_mem>>)
      %dma_wait3A_16 = tpu.memref_slice %arg4[%mul3A_2] : memref<819200xi32, #tpu.memory_space<hbm>> -> memref<25600xi32, #tpu.memory_space<hbm>>
      %dma_wait3A_17 = tpu.memref_slice %arg4[%mul3A_2] : memref<819200xi32, #tpu.memory_space<hbm>> -> memref<25600xi32, #tpu.memory_space<hbm>>
      tpu.wait_dma2 semaphore(%run_scoped3A : memref<!tpu.dma_semaphore, #tpu.memory_space<semaphore_mem>>) src(%dma_wait3A_17 : memref<25600xi32, #tpu.memory_space<hbm>>) dst(%arg8 : memref<25600xi32, #tpu.memory_space<vmem>>)
      tpu.yield
    }) : () -> ()
    "tpu.region"() ({
      %run_scoped3A = tpu.sem_alloc : memref<!tpu.dma_semaphore, #tpu.memory_space<semaphore_mem>>
      %dma_start3A = tpu.memref_slice %arg5[%mul3A_2] : memref<819200xi32, #tpu.memory_space<hbm>> -> memref<25600xi32, #tpu.memory_space<hbm>>
      %dma_start3A_15 = tpu.memref_slice %arg5[%mul3A_2] : memref<819200xi32, #tpu.memory_space<hbm>> -> memref<25600xi32, #tpu.memory_space<hbm>>
      tpu.enqueue_dma source(%dma_start3A_15 : memref<25600xi32, #tpu.memory_space<hbm>>) target(%arg9 : memref<25600xi32, #tpu.memory_space<vmem>>) target_semaphore(%run_scoped3A : memref<!tpu.dma_semaphore, #tpu.memory_space<semaphore_mem>>)
      %dma_wait3A_16 = tpu.memref_slice %arg5[%mul3A_2] : memref<819200xi32, #tpu.memory_space<hbm>> -> memref<25600xi32, #tpu.memory_space<hbm>>
      %dma_wait3A_17 = tpu.memref_slice %arg5[%mul3A_2] : memref<819200xi32, #tpu.memory_space<hbm>> -> memref<25600xi32, #tpu.memory_space<hbm>>
      tpu.wait_dma2 semaphore(%run_scoped3A : memref<!tpu.dma_semaphore, #tpu.memory_space<semaphore_mem>>) src(%dma_wait3A_17 : memref<25600xi32, #tpu.memory_space<hbm>>) dst(%arg9 : memref<25600xi32, #tpu.memory_space<vmem>>)
      tpu.yield
    }) : () -> ()
    %scan3A = arith.constant 0 : i32
    %scan3A_3 = arith.constant 0 : i32
    %scan3A_4 = arith.constant 200 : i32
    %scan3A_5 = arith.addi %scan3A_3, %scan3A_4 : i32
    %scan3A_6 = arith.constant 1 : i32
    scf.for %scan3A_15 = %scan3A_3 to %scan3A_5 step %scan3A_6  : i32 {
      %mul3A_16 = arith.constant 128 : i32
      %mul3A_17 = arith.muli %scan3A_15, %mul3A_16 : i32
      %gt3A = arith.constant 0 : i32
      %gt3A_18 = arith.cmpi sgt, %scan3A_15, %gt3A : i32
      %convert_element_type3A = arith.extui %gt3A_18 : i1 to i32
      %cond3A = arith.constant 0 : i32
      %cond3A_19 = arith.cmpi ne, %convert_element_type3A, %cond3A : i32
      scf.if %cond3A_19 {
        %add3A_45 = arith.addi %mul3A_2, %mul3A_17 : i32
        %dma_wait3A_46 = arith.constant 0 : i32
        %dma_wait3A_47 = tpu.memref_slice %arg6[%add3A_45, %dma_wait3A_46] : memref<819200x128xf32, #tpu.memory_space<hbm>> -> memref<128x128xf32, #tpu.memory_space<hbm>>
        %dma_wait3A_48 = arith.constant 0 : i32
        %dma_wait3A_49 = tpu.memref_slice %arg6[%add3A_45, %dma_wait3A_48] : memref<819200x128xf32, #tpu.memory_space<hbm>> -> memref<128x128xf32, #tpu.memory_space<hbm>>
        tpu.wait_dma2 semaphore(%arg14 : memref<!tpu.dma_semaphore, #tpu.memory_space<semaphore_mem>>) src(%arg10 : memref<128x128xf32, #tpu.memory_space<vmem>>) dst(%dma_wait3A_49 : memref<128x128xf32, #tpu.memory_space<hbm>>)
        %add3A_50 = arith.addi %mul3A_2, %mul3A_17 : i32
        %dma_wait3A_51 = arith.constant 0 : i32
        %dma_wait3A_52 = tpu.memref_slice %arg7[%add3A_50, %dma_wait3A_51] : memref<819200x128xf32, #tpu.memory_space<hbm>> -> memref<128x128xf32, #tpu.memory_space<hbm>>
        %dma_wait3A_53 = arith.constant 0 : i32
        %dma_wait3A_54 = tpu.memref_slice %arg7[%add3A_50, %dma_wait3A_53] : memref<819200x128xf32, #tpu.memory_space<hbm>> -> memref<128x128xf32, #tpu.memory_space<hbm>>
        tpu.wait_dma2 semaphore(%arg15 : memref<!tpu.dma_semaphore, #tpu.memory_space<semaphore_mem>>) src(%arg11 : memref<128x128xf32, #tpu.memory_space<vmem>>) dst(%dma_wait3A_54 : memref<128x128xf32, #tpu.memory_space<hbm>>)
      } else {
      }
      %dma_start3A = tpu.memref_slice %arg8[%mul3A_17] : memref<25600xi32, #tpu.memory_space<vmem>> -> memref<128xi32, #tpu.memory_space<vmem>>
      %dma_start3A_20 = arith.constant 0 : i32
      %dma_start3A_21 = arith.constant 0 : i32
      %dma_start3A_22 = tpu.memref_slice %arg2[%dma_start3A_20, %dma_start3A_21] : memref<50000x128xf32, #tpu.memory_space<hbm>> -> memref<50000x128xf32, #tpu.memory_space<hbm>>
      tpu.enqueue_indirect_dma source(%dma_start3A_22 : memref<50000x128xf32, #tpu.memory_space<hbm>>) target(%arg10 : memref<128x128xf32, #tpu.memory_space<vmem>>) offsets(%dma_start3A : memref<128xi32, #tpu.memory_space<vmem>>) semaphore(%arg12 : memref<!tpu.dma_semaphore, #tpu.memory_space<semaphore_mem>>)
      %dma_start3A_23 = tpu.memref_slice %arg9[%mul3A_17] : memref<25600xi32, #tpu.memory_space<vmem>> -> memref<128xi32, #tpu.memory_space<vmem>>
      %dma_start3A_24 = arith.constant 0 : i32
      %dma_start3A_25 = arith.constant 0 : i32
      %dma_start3A_26 = tpu.memref_slice %arg3[%dma_start3A_24, %dma_start3A_25] : memref<50000x128xf32, #tpu.memory_space<hbm>> -> memref<50000x128xf32, #tpu.memory_space<hbm>>
      tpu.enqueue_indirect_dma source(%dma_start3A_26 : memref<50000x128xf32, #tpu.memory_space<hbm>>) target(%arg11 : memref<128x128xf32, #tpu.memory_space<vmem>>) offsets(%dma_start3A_23 : memref<128xi32, #tpu.memory_space<vmem>>) semaphore(%arg13 : memref<!tpu.dma_semaphore, #tpu.memory_space<semaphore_mem>>)
      %dma_wait3A_27 = tpu.memref_slice %arg8[%mul3A_17] : memref<25600xi32, #tpu.memory_space<vmem>> -> memref<128xi32, #tpu.memory_space<vmem>>
      %dma_wait3A_28 = arith.constant 0 : i32
      %dma_wait3A_29 = arith.constant 0 : i32
      %dma_wait3A_30 = tpu.memref_slice %arg2[%dma_wait3A_28, %dma_wait3A_29] : memref<50000x128xf32, #tpu.memory_space<hbm>> -> memref<50000x128xf32, #tpu.memory_space<hbm>>
      tpu.wait_indirect_dma semaphore(%arg12 : memref<!tpu.dma_semaphore, #tpu.memory_space<semaphore_mem>>) src(%dma_wait3A_30 : memref<50000x128xf32, #tpu.memory_space<hbm>>) dst(%arg10 : memref<128x128xf32, #tpu.memory_space<vmem>>)
      %add3A_31 = arith.addi %mul3A_2, %mul3A_17 : i32
      %dma_start3A_32 = arith.constant 0 : i32
      %dma_start3A_33 = tpu.memref_slice %arg6[%add3A_31, %dma_start3A_32] : memref<819200x128xf32, #tpu.memory_space<hbm>> -> memref<128x128xf32, #tpu.memory_space<hbm>>
      %dma_start3A_34 = arith.constant 0 : i32
      %dma_start3A_35 = tpu.memref_slice %arg6[%add3A_31, %dma_start3A_34] : memref<819200x128xf32, #tpu.memory_space<hbm>> -> memref<128x128xf32, #tpu.memory_space<hbm>>
      tpu.enqueue_dma source(%arg10 : memref<128x128xf32, #tpu.memory_space<vmem>>) target(%dma_start3A_35 : memref<128x128xf32, #tpu.memory_space<hbm>>) target_semaphore(%arg14 : memref<!tpu.dma_semaphore, #tpu.memory_space<semaphore_mem>>)
      %dma_wait3A_36 = tpu.memref_slice %arg9[%mul3A_17] : memref<25600xi32, #tpu.memory_space<vmem>> -> memref<128xi32, #tpu.memory_space<vmem>>
      %dma_wait3A_37 = arith.constant 0 : i32
      %dma_wait3A_38 = arith.constant 0 : i32
      %dma_wait3A_39 = tpu.memref_slice %arg3[%dma_wait3A_37, %dma_wait3A_38] : memref<50000x128xf32, #tpu.memory_space<hbm>> -> memref<50000x128xf32, #tpu.memory_space<hbm>>
      tpu.wait_indirect_dma semaphore(%arg13 : memref<!tpu.dma_semaphore, #tpu.memory_space<semaphore_mem>>) src(%dma_wait3A_39 : memref<50000x128xf32, #tpu.memory_space<hbm>>) dst(%arg11 : memref<128x128xf32, #tpu.memory_space<vmem>>)
      %add3A_40 = arith.addi %mul3A_2, %mul3A_17 : i32
      %dma_start3A_41 = arith.constant 0 : i32
      %dma_start3A_42 = tpu.memref_slice %arg7[%add3A_40, %dma_start3A_41] : memref<819200x128xf32, #tpu.memory_space<hbm>> -> memref<128x128xf32, #tpu.memory_space<hbm>>
      %dma_start3A_43 = arith.constant 0 : i32
      %dma_start3A_44 = tpu.memref_slice %arg7[%add3A_40, %dma_start3A_43] : memref<819200x128xf32, #tpu.memory_space<hbm>> -> memref<128x128xf32, #tpu.memory_space<hbm>>
      tpu.enqueue_dma source(%arg11 : memref<128x128xf32, #tpu.memory_space<vmem>>) target(%dma_start3A_44 : memref<128x128xf32, #tpu.memory_space<hbm>>) target_semaphore(%arg15 : memref<!tpu.dma_semaphore, #tpu.memory_space<semaphore_mem>>)
    }
    %scan3A_7 = arith.constant 200 : i32
    %dma_wait3A = arith.constant 0 : i32
    %dma_wait3A_8 = tpu.memref_slice %arg6[%mul3A_2, %dma_wait3A] : memref<819200x128xf32, #tpu.memory_space<hbm>> -> memref<128x128xf32, #tpu.memory_space<hbm>>
    %dma_wait3A_9 = arith.constant 0 : i32
    %dma_wait3A_10 = tpu.memref_slice %arg6[%mul3A_2, %dma_wait3A_9] : memref<819200x128xf32, #tpu.memory_space<hbm>> -> memref<128x128xf32, #tpu.memory_space<hbm>>
    tpu.wait_dma2 semaphore(%arg14 : memref<!tpu.dma_semaphore, #tpu.memory_space<semaphore_mem>>) src(%arg10 : memref<128x128xf32, #tpu.memory_space<vmem>>) dst(%dma_wait3A_10 : memref<128x128xf32, #tpu.memory_space<hbm>>)
    %dma_wait3A_11 = arith.constant 0 : i32
    %dma_wait3A_12 = tpu.memref_slice %arg7[%mul3A_2, %dma_wait3A_11] : memref<819200x128xf32, #tpu.memory_space<hbm>> -> memref<128x128xf32, #tpu.memory_space<hbm>>
    %dma_wait3A_13 = arith.constant 0 : i32
    %dma_wait3A_14 = tpu.memref_slice %arg7[%mul3A_2, %dma_wait3A_13] : memref<819200x128xf32, #tpu.memory_space<hbm>> -> memref<128x128xf32, #tpu.memory_space<hbm>>
    tpu.wait_dma2 semaphore(%arg15 : memref<!tpu.dma_semaphore, #tpu.memory_space<semaphore_mem>>) src(%arg11 : memref<128x128xf32, #tpu.memory_space<vmem>>) dst(%dma_wait3A_14 : memref<128x128xf32, #tpu.memory_space<hbm>>)
    return
  }
}

#map = affine_map<(d0, d1) -> (0, 0)>
#map1 = affine_map<(d0, d1) -> (0)>
module attributes {stable_mosaic.version = 14 : i64} {
  func.func @gk(%arg0: i32, %arg1: i32, %arg2: memref<50176x128xf32, #tpu.memory_space<hbm>>, %arg3: memref<819200xi32, #tpu.memory_space<hbm>>, %arg4: memref<819200x128xf32, #tpu.memory_space<hbm>>, %arg5: memref<25600xi32, #tpu.memory_space<vmem>>, %arg6: memref<128x128xf32, #tpu.memory_space<vmem>>, %arg7: memref<128x128xf32, #tpu.memory_space<vmem>>, %arg8: memref<128x128xf32, #tpu.memory_space<vmem>>, %arg9: memref<128x128xf32, #tpu.memory_space<vmem>>, %arg10: memref<!tpu.dma_semaphore, #tpu.memory_space<semaphore_mem>>, %arg11: memref<!tpu.dma_semaphore, #tpu.memory_space<semaphore_mem>>, %arg12: memref<!tpu.dma_semaphore, #tpu.memory_space<semaphore_mem>>, %arg13: memref<!tpu.dma_semaphore, #tpu.memory_space<semaphore_mem>>, %arg14: memref<!tpu.dma_semaphore, #tpu.memory_space<semaphore_mem>>, %arg15: memref<!tpu.dma_semaphore, #tpu.memory_space<semaphore_mem>>, %arg16: memref<!tpu.dma_semaphore, #tpu.memory_space<semaphore_mem>>, %arg17: memref<!tpu.dma_semaphore, #tpu.memory_space<semaphore_mem>>) attributes {dimension_semantics = [#tpu.dimension_semantics<core_parallel>, #tpu.dimension_semantics<subcore_parallel>], iteration_bounds = array<i64: 2, 16>, scalar_prefetch = 0 : i64, scratch_operands = 13 : i64, tpu.core_type = #tpu.core_type<sc_vector_subcore>, window_params = [{transform_indices = #map}, {transform_indices = #map1}, {transform_indices = #map}]} {
    %mul3A = arith.constant 2 : i32
    %mul3A_0 = arith.muli %arg1, %mul3A : i32
    %add3A = arith.addi %mul3A_0, %arg0 : i32
    %mul3A_1 = arith.constant 25600 : i32
    %mul3A_2 = arith.muli %add3A, %mul3A_1 : i32
    "tpu.region"() ({
      %run_scoped3A = tpu.sem_alloc : memref<!tpu.dma_semaphore, #tpu.memory_space<semaphore_mem>>
      %dma_start3A = tpu.memref_slice %arg3[%mul3A_2] : memref<819200xi32, #tpu.memory_space<hbm>> -> memref<25600xi32, #tpu.memory_space<hbm>>
      %dma_start3A_23 = tpu.memref_slice %arg3[%mul3A_2] : memref<819200xi32, #tpu.memory_space<hbm>> -> memref<25600xi32, #tpu.memory_space<hbm>>
      tpu.enqueue_dma source(%dma_start3A_23 : memref<25600xi32, #tpu.memory_space<hbm>>) target(%arg5 : memref<25600xi32, #tpu.memory_space<vmem>>) target_semaphore(%run_scoped3A : memref<!tpu.dma_semaphore, #tpu.memory_space<semaphore_mem>>)
      %dma_wait3A_24 = tpu.memref_slice %arg3[%mul3A_2] : memref<819200xi32, #tpu.memory_space<hbm>> -> memref<25600xi32, #tpu.memory_space<hbm>>
      %dma_wait3A_25 = tpu.memref_slice %arg3[%mul3A_2] : memref<819200xi32, #tpu.memory_space<hbm>> -> memref<25600xi32, #tpu.memory_space<hbm>>
      tpu.wait_dma2 semaphore(%run_scoped3A : memref<!tpu.dma_semaphore, #tpu.memory_space<semaphore_mem>>) src(%dma_wait3A_25 : memref<25600xi32, #tpu.memory_space<hbm>>) dst(%arg5 : memref<25600xi32, #tpu.memory_space<vmem>>)
      tpu.yield
    }) : () -> ()
    %scan3A = arith.constant 0 : i32
    %scan3A_3 = arith.constant 0 : i32
    %scan3A_4 = arith.constant 50 : i32
    %scan3A_5 = arith.addi %scan3A_3, %scan3A_4 : i32
    %scan3A_6 = arith.constant 1 : i32
    scf.for %scan3A_23 = %scan3A_3 to %scan3A_5 step %scan3A_6  : i32 {
      %mul3A_24 = arith.constant 4 : i32
      %mul3A_25 = arith.muli %mul3A_24, %scan3A_23 : i32
      %add3A_26 = arith.constant 0 : i32
      %add3A_27 = arith.addi %mul3A_25, %add3A_26 : i32
      %mul3A_28 = arith.constant 128 : i32
      %mul3A_29 = arith.muli %add3A_27, %mul3A_28 : i32
      %mul3A_30 = arith.constant 4 : i32
      %mul3A_31 = arith.muli %mul3A_30, %scan3A_23 : i32
      %add3A_32 = arith.constant 1 : i32
      %add3A_33 = arith.addi %mul3A_31, %add3A_32 : i32
      %mul3A_34 = arith.constant 128 : i32
      %mul3A_35 = arith.muli %add3A_33, %mul3A_34 : i32
      %mul3A_36 = arith.constant 4 : i32
      %mul3A_37 = arith.muli %mul3A_36, %scan3A_23 : i32
      %add3A_38 = arith.constant 2 : i32
      %add3A_39 = arith.addi %mul3A_37, %add3A_38 : i32
      %mul3A_40 = arith.constant 128 : i32
      %mul3A_41 = arith.muli %add3A_39, %mul3A_40 : i32
      %mul3A_42 = arith.constant 4 : i32
      %mul3A_43 = arith.muli %mul3A_42, %scan3A_23 : i32
      %add3A_44 = arith.constant 3 : i32
      %add3A_45 = arith.addi %mul3A_43, %add3A_44 : i32
      %mul3A_46 = arith.constant 128 : i32
      %mul3A_47 = arith.muli %add3A_45, %mul3A_46 : i32
      %gt3A = arith.constant 0 : i32
      %gt3A_48 = arith.cmpi sgt, %scan3A_23, %gt3A : i32
      %convert_element_type3A = arith.extui %gt3A_48 : i1 to i32
      %cond3A = arith.constant 0 : i32
      %cond3A_49 = arith.cmpi ne, %convert_element_type3A, %cond3A : i32
      scf.if %cond3A_49 {
        %add3A_116 = arith.addi %mul3A_2, %mul3A_29 : i32
        %dma_wait3A_117 = arith.constant 0 : i32
        %dma_wait3A_118 = tpu.memref_slice %arg4[%add3A_116, %dma_wait3A_117] : memref<819200x128xf32, #tpu.memory_space<hbm>> -> memref<128x128xf32, #tpu.memory_space<hbm>>
        %dma_wait3A_119 = arith.constant 0 : i32
        %dma_wait3A_120 = tpu.memref_slice %arg4[%add3A_116, %dma_wait3A_119] : memref<819200x128xf32, #tpu.memory_space<hbm>> -> memref<128x128xf32, #tpu.memory_space<hbm>>
        tpu.wait_dma2 semaphore(%arg14 : memref<!tpu.dma_semaphore, #tpu.memory_space<semaphore_mem>>) src(%arg6 : memref<128x128xf32, #tpu.memory_space<vmem>>) dst(%dma_wait3A_120 : memref<128x128xf32, #tpu.memory_space<hbm>>)
      } else {
      }
      %dma_start3A = tpu.memref_slice %arg5[%mul3A_29] : memref<25600xi32, #tpu.memory_space<vmem>> -> memref<128xi32, #tpu.memory_space<vmem>>
      %dma_start3A_50 = arith.constant 0 : i32
      %dma_start3A_51 = arith.constant 0 : i32
      %dma_start3A_52 = tpu.memref_slice %arg2[%dma_start3A_50, %dma_start3A_51] : memref<50176x128xf32, #tpu.memory_space<hbm>> -> memref<50176x128xf32, #tpu.memory_space<hbm>>
      tpu.enqueue_indirect_dma source(%dma_start3A_52 : memref<50176x128xf32, #tpu.memory_space<hbm>>) target(%arg6 : memref<128x128xf32, #tpu.memory_space<vmem>>) offsets(%dma_start3A : memref<128xi32, #tpu.memory_space<vmem>>) semaphore(%arg10 : memref<!tpu.dma_semaphore, #tpu.memory_space<semaphore_mem>>)
      %gt3A_53 = arith.constant 0 : i32
      %gt3A_54 = arith.cmpi sgt, %scan3A_23, %gt3A_53 : i32
      %convert_element_type3A_55 = arith.extui %gt3A_54 : i1 to i32
      %cond3A_56 = arith.constant 0 : i32
      %cond3A_57 = arith.cmpi ne, %convert_element_type3A_55, %cond3A_56 : i32
      scf.if %cond3A_57 {
        %add3A_116 = arith.addi %mul3A_2, %mul3A_35 : i32
        %dma_wait3A_117 = arith.constant 0 : i32
        %dma_wait3A_118 = tpu.memref_slice %arg4[%add3A_116, %dma_wait3A_117] : memref<819200x128xf32, #tpu.memory_space<hbm>> -> memref<128x128xf32, #tpu.memory_space<hbm>>
        %dma_wait3A_119 = arith.constant 0 : i32
        %dma_wait3A_120 = tpu.memref_slice %arg4[%add3A_116, %dma_wait3A_119] : memref<819200x128xf32, #tpu.memory_space<hbm>> -> memref<128x128xf32, #tpu.memory_space<hbm>>
        tpu.wait_dma2 semaphore(%arg15 : memref<!tpu.dma_semaphore, #tpu.memory_space<semaphore_mem>>) src(%arg7 : memref<128x128xf32, #tpu.memory_space<vmem>>) dst(%dma_wait3A_120 : memref<128x128xf32, #tpu.memory_space<hbm>>)
      } else {
      }
      %dma_start3A_58 = tpu.memref_slice %arg5[%mul3A_35] : memref<25600xi32, #tpu.memory_space<vmem>> -> memref<128xi32, #tpu.memory_space<vmem>>
      %dma_start3A_59 = arith.constant 0 : i32
      %dma_start3A_60 = arith.constant 0 : i32
      %dma_start3A_61 = tpu.memref_slice %arg2[%dma_start3A_59, %dma_start3A_60] : memref<50176x128xf32, #tpu.memory_space<hbm>> -> memref<50176x128xf32, #tpu.memory_space<hbm>>
      tpu.enqueue_indirect_dma source(%dma_start3A_61 : memref<50176x128xf32, #tpu.memory_space<hbm>>) target(%arg7 : memref<128x128xf32, #tpu.memory_space<vmem>>) offsets(%dma_start3A_58 : memref<128xi32, #tpu.memory_space<vmem>>) semaphore(%arg11 : memref<!tpu.dma_semaphore, #tpu.memory_space<semaphore_mem>>)
      %gt3A_62 = arith.constant 0 : i32
      %gt3A_63 = arith.cmpi sgt, %scan3A_23, %gt3A_62 : i32
      %convert_element_type3A_64 = arith.extui %gt3A_63 : i1 to i32
      %cond3A_65 = arith.constant 0 : i32
      %cond3A_66 = arith.cmpi ne, %convert_element_type3A_64, %cond3A_65 : i32
      scf.if %cond3A_66 {
        %add3A_116 = arith.addi %mul3A_2, %mul3A_41 : i32
        %dma_wait3A_117 = arith.constant 0 : i32
        %dma_wait3A_118 = tpu.memref_slice %arg4[%add3A_116, %dma_wait3A_117] : memref<819200x128xf32, #tpu.memory_space<hbm>> -> memref<128x128xf32, #tpu.memory_space<hbm>>
        %dma_wait3A_119 = arith.constant 0 : i32
        %dma_wait3A_120 = tpu.memref_slice %arg4[%add3A_116, %dma_wait3A_119] : memref<819200x128xf32, #tpu.memory_space<hbm>> -> memref<128x128xf32, #tpu.memory_space<hbm>>
        tpu.wait_dma2 semaphore(%arg16 : memref<!tpu.dma_semaphore, #tpu.memory_space<semaphore_mem>>) src(%arg8 : memref<128x128xf32, #tpu.memory_space<vmem>>) dst(%dma_wait3A_120 : memref<128x128xf32, #tpu.memory_space<hbm>>)
      } else {
      }
      %dma_start3A_67 = tpu.memref_slice %arg5[%mul3A_41] : memref<25600xi32, #tpu.memory_space<vmem>> -> memref<128xi32, #tpu.memory_space<vmem>>
      %dma_start3A_68 = arith.constant 0 : i32
      %dma_start3A_69 = arith.constant 0 : i32
      %dma_start3A_70 = tpu.memref_slice %arg2[%dma_start3A_68, %dma_start3A_69] : memref<50176x128xf32, #tpu.memory_space<hbm>> -> memref<50176x128xf32, #tpu.memory_space<hbm>>
      tpu.enqueue_indirect_dma source(%dma_start3A_70 : memref<50176x128xf32, #tpu.memory_space<hbm>>) target(%arg8 : memref<128x128xf32, #tpu.memory_space<vmem>>) offsets(%dma_start3A_67 : memref<128xi32, #tpu.memory_space<vmem>>) semaphore(%arg12 : memref<!tpu.dma_semaphore, #tpu.memory_space<semaphore_mem>>)
      %gt3A_71 = arith.constant 0 : i32
      %gt3A_72 = arith.cmpi sgt, %scan3A_23, %gt3A_71 : i32
      %convert_element_type3A_73 = arith.extui %gt3A_72 : i1 to i32
      %cond3A_74 = arith.constant 0 : i32
      %cond3A_75 = arith.cmpi ne, %convert_element_type3A_73, %cond3A_74 : i32
      scf.if %cond3A_75 {
        %add3A_116 = arith.addi %mul3A_2, %mul3A_47 : i32
        %dma_wait3A_117 = arith.constant 0 : i32
        %dma_wait3A_118 = tpu.memref_slice %arg4[%add3A_116, %dma_wait3A_117] : memref<819200x128xf32, #tpu.memory_space<hbm>> -> memref<128x128xf32, #tpu.memory_space<hbm>>
        %dma_wait3A_119 = arith.constant 0 : i32
        %dma_wait3A_120 = tpu.memref_slice %arg4[%add3A_116, %dma_wait3A_119] : memref<819200x128xf32, #tpu.memory_space<hbm>> -> memref<128x128xf32, #tpu.memory_space<hbm>>
        tpu.wait_dma2 semaphore(%arg17 : memref<!tpu.dma_semaphore, #tpu.memory_space<semaphore_mem>>) src(%arg9 : memref<128x128xf32, #tpu.memory_space<vmem>>) dst(%dma_wait3A_120 : memref<128x128xf32, #tpu.memory_space<hbm>>)
      } else {
      }
      %dma_start3A_76 = tpu.memref_slice %arg5[%mul3A_47] : memref<25600xi32, #tpu.memory_space<vmem>> -> memref<128xi32, #tpu.memory_space<vmem>>
      %dma_start3A_77 = arith.constant 0 : i32
      %dma_start3A_78 = arith.constant 0 : i32
      %dma_start3A_79 = tpu.memref_slice %arg2[%dma_start3A_77, %dma_start3A_78] : memref<50176x128xf32, #tpu.memory_space<hbm>> -> memref<50176x128xf32, #tpu.memory_space<hbm>>
      tpu.enqueue_indirect_dma source(%dma_start3A_79 : memref<50176x128xf32, #tpu.memory_space<hbm>>) target(%arg9 : memref<128x128xf32, #tpu.memory_space<vmem>>) offsets(%dma_start3A_76 : memref<128xi32, #tpu.memory_space<vmem>>) semaphore(%arg13 : memref<!tpu.dma_semaphore, #tpu.memory_space<semaphore_mem>>)
      %dma_wait3A_80 = tpu.memref_slice %arg5[%mul3A_29] : memref<25600xi32, #tpu.memory_space<vmem>> -> memref<128xi32, #tpu.memory_space<vmem>>
      %dma_wait3A_81 = arith.constant 0 : i32
      %dma_wait3A_82 = arith.constant 0 : i32
      %dma_wait3A_83 = tpu.memref_slice %arg2[%dma_wait3A_81, %dma_wait3A_82] : memref<50176x128xf32, #tpu.memory_space<hbm>> -> memref<50176x128xf32, #tpu.memory_space<hbm>>
      tpu.wait_indirect_dma semaphore(%arg10 : memref<!tpu.dma_semaphore, #tpu.memory_space<semaphore_mem>>) src(%dma_wait3A_83 : memref<50176x128xf32, #tpu.memory_space<hbm>>) dst(%arg6 : memref<128x128xf32, #tpu.memory_space<vmem>>)
      %add3A_84 = arith.addi %mul3A_2, %mul3A_29 : i32
      %dma_start3A_85 = arith.constant 0 : i32
      %dma_start3A_86 = tpu.memref_slice %arg4[%add3A_84, %dma_start3A_85] : memref<819200x128xf32, #tpu.memory_space<hbm>> -> memref<128x128xf32, #tpu.memory_space<hbm>>
      %dma_start3A_87 = arith.constant 0 : i32
      %dma_start3A_88 = tpu.memref_slice %arg4[%add3A_84, %dma_start3A_87] : memref<819200x128xf32, #tpu.memory_space<hbm>> -> memref<128x128xf32, #tpu.memory_space<hbm>>
      tpu.enqueue_dma source(%arg6 : memref<128x128xf32, #tpu.memory_space<vmem>>) target(%dma_start3A_88 : memref<128x128xf32, #tpu.memory_space<hbm>>) target_semaphore(%arg14 : memref<!tpu.dma_semaphore, #tpu.memory_space<semaphore_mem>>)
      %dma_wait3A_89 = tpu.memref_slice %arg5[%mul3A_35] : memref<25600xi32, #tpu.memory_space<vmem>> -> memref<128xi32, #tpu.memory_space<vmem>>
      %dma_wait3A_90 = arith.constant 0 : i32
      %dma_wait3A_91 = arith.constant 0 : i32
      %dma_wait3A_92 = tpu.memref_slice %arg2[%dma_wait3A_90, %dma_wait3A_91] : memref<50176x128xf32, #tpu.memory_space<hbm>> -> memref<50176x128xf32, #tpu.memory_space<hbm>>
      tpu.wait_indirect_dma semaphore(%arg11 : memref<!tpu.dma_semaphore, #tpu.memory_space<semaphore_mem>>) src(%dma_wait3A_92 : memref<50176x128xf32, #tpu.memory_space<hbm>>) dst(%arg7 : memref<128x128xf32, #tpu.memory_space<vmem>>)
      %add3A_93 = arith.addi %mul3A_2, %mul3A_35 : i32
      %dma_start3A_94 = arith.constant 0 : i32
      %dma_start3A_95 = tpu.memref_slice %arg4[%add3A_93, %dma_start3A_94] : memref<819200x128xf32, #tpu.memory_space<hbm>> -> memref<128x128xf32, #tpu.memory_space<hbm>>
      %dma_start3A_96 = arith.constant 0 : i32
      %dma_start3A_97 = tpu.memref_slice %arg4[%add3A_93, %dma_start3A_96] : memref<819200x128xf32, #tpu.memory_space<hbm>> -> memref<128x128xf32, #tpu.memory_space<hbm>>
      tpu.enqueue_dma source(%arg7 : memref<128x128xf32, #tpu.memory_space<vmem>>) target(%dma_start3A_97 : memref<128x128xf32, #tpu.memory_space<hbm>>) target_semaphore(%arg15 : memref<!tpu.dma_semaphore, #tpu.memory_space<semaphore_mem>>)
      %dma_wait3A_98 = tpu.memref_slice %arg5[%mul3A_41] : memref<25600xi32, #tpu.memory_space<vmem>> -> memref<128xi32, #tpu.memory_space<vmem>>
      %dma_wait3A_99 = arith.constant 0 : i32
      %dma_wait3A_100 = arith.constant 0 : i32
      %dma_wait3A_101 = tpu.memref_slice %arg2[%dma_wait3A_99, %dma_wait3A_100] : memref<50176x128xf32, #tpu.memory_space<hbm>> -> memref<50176x128xf32, #tpu.memory_space<hbm>>
      tpu.wait_indirect_dma semaphore(%arg12 : memref<!tpu.dma_semaphore, #tpu.memory_space<semaphore_mem>>) src(%dma_wait3A_101 : memref<50176x128xf32, #tpu.memory_space<hbm>>) dst(%arg8 : memref<128x128xf32, #tpu.memory_space<vmem>>)
      %add3A_102 = arith.addi %mul3A_2, %mul3A_41 : i32
      %dma_start3A_103 = arith.constant 0 : i32
      %dma_start3A_104 = tpu.memref_slice %arg4[%add3A_102, %dma_start3A_103] : memref<819200x128xf32, #tpu.memory_space<hbm>> -> memref<128x128xf32, #tpu.memory_space<hbm>>
      %dma_start3A_105 = arith.constant 0 : i32
      %dma_start3A_106 = tpu.memref_slice %arg4[%add3A_102, %dma_start3A_105] : memref<819200x128xf32, #tpu.memory_space<hbm>> -> memref<128x128xf32, #tpu.memory_space<hbm>>
      tpu.enqueue_dma source(%arg8 : memref<128x128xf32, #tpu.memory_space<vmem>>) target(%dma_start3A_106 : memref<128x128xf32, #tpu.memory_space<hbm>>) target_semaphore(%arg16 : memref<!tpu.dma_semaphore, #tpu.memory_space<semaphore_mem>>)
      %dma_wait3A_107 = tpu.memref_slice %arg5[%mul3A_47] : memref<25600xi32, #tpu.memory_space<vmem>> -> memref<128xi32, #tpu.memory_space<vmem>>
      %dma_wait3A_108 = arith.constant 0 : i32
      %dma_wait3A_109 = arith.constant 0 : i32
      %dma_wait3A_110 = tpu.memref_slice %arg2[%dma_wait3A_108, %dma_wait3A_109] : memref<50176x128xf32, #tpu.memory_space<hbm>> -> memref<50176x128xf32, #tpu.memory_space<hbm>>
      tpu.wait_indirect_dma semaphore(%arg13 : memref<!tpu.dma_semaphore, #tpu.memory_space<semaphore_mem>>) src(%dma_wait3A_110 : memref<50176x128xf32, #tpu.memory_space<hbm>>) dst(%arg9 : memref<128x128xf32, #tpu.memory_space<vmem>>)
      %add3A_111 = arith.addi %mul3A_2, %mul3A_47 : i32
      %dma_start3A_112 = arith.constant 0 : i32
      %dma_start3A_113 = tpu.memref_slice %arg4[%add3A_111, %dma_start3A_112] : memref<819200x128xf32, #tpu.memory_space<hbm>> -> memref<128x128xf32, #tpu.memory_space<hbm>>
      %dma_start3A_114 = arith.constant 0 : i32
      %dma_start3A_115 = tpu.memref_slice %arg4[%add3A_111, %dma_start3A_114] : memref<819200x128xf32, #tpu.memory_space<hbm>> -> memref<128x128xf32, #tpu.memory_space<hbm>>
      tpu.enqueue_dma source(%arg9 : memref<128x128xf32, #tpu.memory_space<vmem>>) target(%dma_start3A_115 : memref<128x128xf32, #tpu.memory_space<hbm>>) target_semaphore(%arg17 : memref<!tpu.dma_semaphore, #tpu.memory_space<semaphore_mem>>)
    }
    %scan3A_7 = arith.constant 50 : i32
    %dma_wait3A = arith.constant 0 : i32
    %dma_wait3A_8 = tpu.memref_slice %arg4[%mul3A_2, %dma_wait3A] : memref<819200x128xf32, #tpu.memory_space<hbm>> -> memref<128x128xf32, #tpu.memory_space<hbm>>
    %dma_wait3A_9 = arith.constant 0 : i32
    %dma_wait3A_10 = tpu.memref_slice %arg4[%mul3A_2, %dma_wait3A_9] : memref<819200x128xf32, #tpu.memory_space<hbm>> -> memref<128x128xf32, #tpu.memory_space<hbm>>
    tpu.wait_dma2 semaphore(%arg14 : memref<!tpu.dma_semaphore, #tpu.memory_space<semaphore_mem>>) src(%arg6 : memref<128x128xf32, #tpu.memory_space<vmem>>) dst(%dma_wait3A_10 : memref<128x128xf32, #tpu.memory_space<hbm>>)
    %dma_wait3A_11 = arith.constant 0 : i32
    %dma_wait3A_12 = tpu.memref_slice %arg4[%mul3A_2, %dma_wait3A_11] : memref<819200x128xf32, #tpu.memory_space<hbm>> -> memref<128x128xf32, #tpu.memory_space<hbm>>
    %dma_wait3A_13 = arith.constant 0 : i32
    %dma_wait3A_14 = tpu.memref_slice %arg4[%mul3A_2, %dma_wait3A_13] : memref<819200x128xf32, #tpu.memory_space<hbm>> -> memref<128x128xf32, #tpu.memory_space<hbm>>
    tpu.wait_dma2 semaphore(%arg15 : memref<!tpu.dma_semaphore, #tpu.memory_space<semaphore_mem>>) src(%arg7 : memref<128x128xf32, #tpu.memory_space<vmem>>) dst(%dma_wait3A_14 : memref<128x128xf32, #tpu.memory_space<hbm>>)
    %dma_wait3A_15 = arith.constant 0 : i32
    %dma_wait3A_16 = tpu.memref_slice %arg4[%mul3A_2, %dma_wait3A_15] : memref<819200x128xf32, #tpu.memory_space<hbm>> -> memref<128x128xf32, #tpu.memory_space<hbm>>
    %dma_wait3A_17 = arith.constant 0 : i32
    %dma_wait3A_18 = tpu.memref_slice %arg4[%mul3A_2, %dma_wait3A_17] : memref<819200x128xf32, #tpu.memory_space<hbm>> -> memref<128x128xf32, #tpu.memory_space<hbm>>
    tpu.wait_dma2 semaphore(%arg16 : memref<!tpu.dma_semaphore, #tpu.memory_space<semaphore_mem>>) src(%arg8 : memref<128x128xf32, #tpu.memory_space<vmem>>) dst(%dma_wait3A_18 : memref<128x128xf32, #tpu.memory_space<hbm>>)
    %dma_wait3A_19 = arith.constant 0 : i32
    %dma_wait3A_20 = tpu.memref_slice %arg4[%mul3A_2, %dma_wait3A_19] : memref<819200x128xf32, #tpu.memory_space<hbm>> -> memref<128x128xf32, #tpu.memory_space<hbm>>
    %dma_wait3A_21 = arith.constant 0 : i32
    %dma_wait3A_22 = tpu.memref_slice %arg4[%mul3A_2, %dma_wait3A_21] : memref<819200x128xf32, #tpu.memory_space<hbm>> -> memref<128x128xf32, #tpu.memory_space<hbm>>
    tpu.wait_dma2 semaphore(%arg17 : memref<!tpu.dma_semaphore, #tpu.memory_space<semaphore_mem>>) src(%arg9 : memref<128x128xf32, #tpu.memory_space<vmem>>) dst(%dma_wait3A_22 : memref<128x128xf32, #tpu.memory_space<hbm>>)
    return
  }
}

#map = affine_map<(d0, d1) -> (0, 0)>
#map1 = affine_map<(d0, d1) -> (0)>
module attributes {stable_mosaic.version = 14 : i64} {
  func.func @gk(%arg0: i32, %arg1: i32, %arg2: memref<50176x128xf32, #tpu.memory_space<hbm>>, %arg3: memref<819200xi32, #tpu.memory_space<hbm>>, %arg4: memref<819200x128xf32, #tpu.memory_space<hbm>>, %arg5: memref<25600xi32, #tpu.memory_space<vmem>>, %arg6: memref<128x128xf32, #tpu.memory_space<vmem>>, %arg7: memref<128x128xf32, #tpu.memory_space<vmem>>, %arg8: memref<128x128xf32, #tpu.memory_space<vmem>>, %arg9: memref<128x128xf32, #tpu.memory_space<vmem>>, %arg10: memref<!tpu.dma_semaphore, #tpu.memory_space<semaphore_mem>>, %arg11: memref<!tpu.dma_semaphore, #tpu.memory_space<semaphore_mem>>, %arg12: memref<!tpu.dma_semaphore, #tpu.memory_space<semaphore_mem>>, %arg13: memref<!tpu.dma_semaphore, #tpu.memory_space<semaphore_mem>>, %arg14: memref<!tpu.dma_semaphore, #tpu.memory_space<semaphore_mem>>, %arg15: memref<!tpu.dma_semaphore, #tpu.memory_space<semaphore_mem>>, %arg16: memref<!tpu.dma_semaphore, #tpu.memory_space<semaphore_mem>>, %arg17: memref<!tpu.dma_semaphore, #tpu.memory_space<semaphore_mem>>) attributes {dimension_semantics = [#tpu.dimension_semantics<core_parallel>, #tpu.dimension_semantics<subcore_parallel>], iteration_bounds = array<i64: 2, 16>, scalar_prefetch = 0 : i64, scratch_operands = 13 : i64, tpu.core_type = #tpu.core_type<sc_vector_subcore>, window_params = [{transform_indices = #map}, {transform_indices = #map1}, {transform_indices = #map}]} {
    %mul3A = arith.constant 2 : i32
    %mul3A_0 = arith.muli %arg1, %mul3A : i32
    %add3A = arith.addi %mul3A_0, %arg0 : i32
    %mul3A_1 = arith.constant 25600 : i32
    %mul3A_2 = arith.muli %add3A, %mul3A_1 : i32
    "tpu.region"() ({
      %run_scoped3A = tpu.sem_alloc : memref<!tpu.dma_semaphore, #tpu.memory_space<semaphore_mem>>
      %dma_start3A = tpu.memref_slice %arg3[%mul3A_2] : memref<819200xi32, #tpu.memory_space<hbm>> -> memref<25600xi32, #tpu.memory_space<hbm>>
      %dma_start3A_23 = tpu.memref_slice %arg3[%mul3A_2] : memref<819200xi32, #tpu.memory_space<hbm>> -> memref<25600xi32, #tpu.memory_space<hbm>>
      tpu.enqueue_dma source(%dma_start3A_23 : memref<25600xi32, #tpu.memory_space<hbm>>) target(%arg5 : memref<25600xi32, #tpu.memory_space<vmem>>) target_semaphore(%run_scoped3A : memref<!tpu.dma_semaphore, #tpu.memory_space<semaphore_mem>>)
      %dma_wait3A_24 = tpu.memref_slice %arg3[%mul3A_2] : memref<819200xi32, #tpu.memory_space<hbm>> -> memref<25600xi32, #tpu.memory_space<hbm>>
      %dma_wait3A_25 = tpu.memref_slice %arg3[%mul3A_2] : memref<819200xi32, #tpu.memory_space<hbm>> -> memref<25600xi32, #tpu.memory_space<hbm>>
      tpu.wait_dma2 semaphore(%run_scoped3A : memref<!tpu.dma_semaphore, #tpu.memory_space<semaphore_mem>>) src(%dma_wait3A_25 : memref<25600xi32, #tpu.memory_space<hbm>>) dst(%arg5 : memref<25600xi32, #tpu.memory_space<vmem>>)
      tpu.yield
    }) : () -> ()
    %scan3A = arith.constant 0 : i32
    %scan3A_3 = arith.constant 0 : i32
    %scan3A_4 = arith.constant 50 : i32
    %scan3A_5 = arith.addi %scan3A_3, %scan3A_4 : i32
    %scan3A_6 = arith.constant 1 : i32
    scf.for %scan3A_23 = %scan3A_3 to %scan3A_5 step %scan3A_6  : i32 {
      %mul3A_24 = arith.constant 4 : i32
      %mul3A_25 = arith.muli %mul3A_24, %scan3A_23 : i32
      %add3A_26 = arith.constant 0 : i32
      %add3A_27 = arith.addi %mul3A_25, %add3A_26 : i32
      %mul3A_28 = arith.constant 128 : i32
      %mul3A_29 = arith.muli %add3A_27, %mul3A_28 : i32
      %mul3A_30 = arith.constant 4 : i32
      %mul3A_31 = arith.muli %mul3A_30, %scan3A_23 : i32
      %add3A_32 = arith.constant 1 : i32
      %add3A_33 = arith.addi %mul3A_31, %add3A_32 : i32
      %mul3A_34 = arith.constant 128 : i32
      %mul3A_35 = arith.muli %add3A_33, %mul3A_34 : i32
      %mul3A_36 = arith.constant 4 : i32
      %mul3A_37 = arith.muli %mul3A_36, %scan3A_23 : i32
      %add3A_38 = arith.constant 2 : i32
      %add3A_39 = arith.addi %mul3A_37, %add3A_38 : i32
      %mul3A_40 = arith.constant 128 : i32
      %mul3A_41 = arith.muli %add3A_39, %mul3A_40 : i32
      %mul3A_42 = arith.constant 4 : i32
      %mul3A_43 = arith.muli %mul3A_42, %scan3A_23 : i32
      %add3A_44 = arith.constant 3 : i32
      %add3A_45 = arith.addi %mul3A_43, %add3A_44 : i32
      %mul3A_46 = arith.constant 128 : i32
      %mul3A_47 = arith.muli %add3A_45, %mul3A_46 : i32
      %gt3A = arith.constant 0 : i32
      %gt3A_48 = arith.cmpi sgt, %scan3A_23, %gt3A : i32
      %convert_element_type3A = arith.extui %gt3A_48 : i1 to i32
      %cond3A = arith.constant 0 : i32
      %cond3A_49 = arith.cmpi ne, %convert_element_type3A, %cond3A : i32
      scf.if %cond3A_49 {
        %add3A_116 = arith.addi %mul3A_2, %mul3A_29 : i32
        %dma_wait3A_117 = arith.constant 0 : i32
        %dma_wait3A_118 = tpu.memref_slice %arg4[%add3A_116, %dma_wait3A_117] : memref<819200x128xf32, #tpu.memory_space<hbm>> -> memref<128x128xf32, #tpu.memory_space<hbm>>
        %dma_wait3A_119 = arith.constant 0 : i32
        %dma_wait3A_120 = tpu.memref_slice %arg4[%add3A_116, %dma_wait3A_119] : memref<819200x128xf32, #tpu.memory_space<hbm>> -> memref<128x128xf32, #tpu.memory_space<hbm>>
        tpu.wait_dma2 semaphore(%arg14 : memref<!tpu.dma_semaphore, #tpu.memory_space<semaphore_mem>>) src(%arg6 : memref<128x128xf32, #tpu.memory_space<vmem>>) dst(%dma_wait3A_120 : memref<128x128xf32, #tpu.memory_space<hbm>>)
      } else {
      }
      %dma_start3A = tpu.memref_slice %arg5[%mul3A_29] : memref<25600xi32, #tpu.memory_space<vmem>> -> memref<128xi32, #tpu.memory_space<vmem>>
      %dma_start3A_50 = arith.constant 0 : i32
      %dma_start3A_51 = arith.constant 0 : i32
      %dma_start3A_52 = tpu.memref_slice %arg2[%dma_start3A_50, %dma_start3A_51] : memref<50176x128xf32, #tpu.memory_space<hbm>> -> memref<50176x128xf32, #tpu.memory_space<hbm>>
      tpu.enqueue_indirect_dma source(%dma_start3A_52 : memref<50176x128xf32, #tpu.memory_space<hbm>>) target(%arg6 : memref<128x128xf32, #tpu.memory_space<vmem>>) offsets(%dma_start3A : memref<128xi32, #tpu.memory_space<vmem>>) semaphore(%arg10 : memref<!tpu.dma_semaphore, #tpu.memory_space<semaphore_mem>>)
      %gt3A_53 = arith.constant 0 : i32
      %gt3A_54 = arith.cmpi sgt, %scan3A_23, %gt3A_53 : i32
      %convert_element_type3A_55 = arith.extui %gt3A_54 : i1 to i32
      %cond3A_56 = arith.constant 0 : i32
      %cond3A_57 = arith.cmpi ne, %convert_element_type3A_55, %cond3A_56 : i32
      scf.if %cond3A_57 {
        %add3A_116 = arith.addi %mul3A_2, %mul3A_35 : i32
        %dma_wait3A_117 = arith.constant 0 : i32
        %dma_wait3A_118 = tpu.memref_slice %arg4[%add3A_116, %dma_wait3A_117] : memref<819200x128xf32, #tpu.memory_space<hbm>> -> memref<128x128xf32, #tpu.memory_space<hbm>>
        %dma_wait3A_119 = arith.constant 0 : i32
        %dma_wait3A_120 = tpu.memref_slice %arg4[%add3A_116, %dma_wait3A_119] : memref<819200x128xf32, #tpu.memory_space<hbm>> -> memref<128x128xf32, #tpu.memory_space<hbm>>
        tpu.wait_dma2 semaphore(%arg15 : memref<!tpu.dma_semaphore, #tpu.memory_space<semaphore_mem>>) src(%arg7 : memref<128x128xf32, #tpu.memory_space<vmem>>) dst(%dma_wait3A_120 : memref<128x128xf32, #tpu.memory_space<hbm>>)
      } else {
      }
      %dma_start3A_58 = tpu.memref_slice %arg5[%mul3A_35] : memref<25600xi32, #tpu.memory_space<vmem>> -> memref<128xi32, #tpu.memory_space<vmem>>
      %dma_start3A_59 = arith.constant 0 : i32
      %dma_start3A_60 = arith.constant 0 : i32
      %dma_start3A_61 = tpu.memref_slice %arg2[%dma_start3A_59, %dma_start3A_60] : memref<50176x128xf32, #tpu.memory_space<hbm>> -> memref<50176x128xf32, #tpu.memory_space<hbm>>
      tpu.enqueue_indirect_dma source(%dma_start3A_61 : memref<50176x128xf32, #tpu.memory_space<hbm>>) target(%arg7 : memref<128x128xf32, #tpu.memory_space<vmem>>) offsets(%dma_start3A_58 : memref<128xi32, #tpu.memory_space<vmem>>) semaphore(%arg11 : memref<!tpu.dma_semaphore, #tpu.memory_space<semaphore_mem>>)
      %gt3A_62 = arith.constant 0 : i32
      %gt3A_63 = arith.cmpi sgt, %scan3A_23, %gt3A_62 : i32
      %convert_element_type3A_64 = arith.extui %gt3A_63 : i1 to i32
      %cond3A_65 = arith.constant 0 : i32
      %cond3A_66 = arith.cmpi ne, %convert_element_type3A_64, %cond3A_65 : i32
      scf.if %cond3A_66 {
        %add3A_116 = arith.addi %mul3A_2, %mul3A_41 : i32
        %dma_wait3A_117 = arith.constant 0 : i32
        %dma_wait3A_118 = tpu.memref_slice %arg4[%add3A_116, %dma_wait3A_117] : memref<819200x128xf32, #tpu.memory_space<hbm>> -> memref<128x128xf32, #tpu.memory_space<hbm>>
        %dma_wait3A_119 = arith.constant 0 : i32
        %dma_wait3A_120 = tpu.memref_slice %arg4[%add3A_116, %dma_wait3A_119] : memref<819200x128xf32, #tpu.memory_space<hbm>> -> memref<128x128xf32, #tpu.memory_space<hbm>>
        tpu.wait_dma2 semaphore(%arg16 : memref<!tpu.dma_semaphore, #tpu.memory_space<semaphore_mem>>) src(%arg8 : memref<128x128xf32, #tpu.memory_space<vmem>>) dst(%dma_wait3A_120 : memref<128x128xf32, #tpu.memory_space<hbm>>)
      } else {
      }
      %dma_start3A_67 = tpu.memref_slice %arg5[%mul3A_41] : memref<25600xi32, #tpu.memory_space<vmem>> -> memref<128xi32, #tpu.memory_space<vmem>>
      %dma_start3A_68 = arith.constant 0 : i32
      %dma_start3A_69 = arith.constant 0 : i32
      %dma_start3A_70 = tpu.memref_slice %arg2[%dma_start3A_68, %dma_start3A_69] : memref<50176x128xf32, #tpu.memory_space<hbm>> -> memref<50176x128xf32, #tpu.memory_space<hbm>>
      tpu.enqueue_indirect_dma source(%dma_start3A_70 : memref<50176x128xf32, #tpu.memory_space<hbm>>) target(%arg8 : memref<128x128xf32, #tpu.memory_space<vmem>>) offsets(%dma_start3A_67 : memref<128xi32, #tpu.memory_space<vmem>>) semaphore(%arg12 : memref<!tpu.dma_semaphore, #tpu.memory_space<semaphore_mem>>)
      %gt3A_71 = arith.constant 0 : i32
      %gt3A_72 = arith.cmpi sgt, %scan3A_23, %gt3A_71 : i32
      %convert_element_type3A_73 = arith.extui %gt3A_72 : i1 to i32
      %cond3A_74 = arith.constant 0 : i32
      %cond3A_75 = arith.cmpi ne, %convert_element_type3A_73, %cond3A_74 : i32
      scf.if %cond3A_75 {
        %add3A_116 = arith.addi %mul3A_2, %mul3A_47 : i32
        %dma_wait3A_117 = arith.constant 0 : i32
        %dma_wait3A_118 = tpu.memref_slice %arg4[%add3A_116, %dma_wait3A_117] : memref<819200x128xf32, #tpu.memory_space<hbm>> -> memref<128x128xf32, #tpu.memory_space<hbm>>
        %dma_wait3A_119 = arith.constant 0 : i32
        %dma_wait3A_120 = tpu.memref_slice %arg4[%add3A_116, %dma_wait3A_119] : memref<819200x128xf32, #tpu.memory_space<hbm>> -> memref<128x128xf32, #tpu.memory_space<hbm>>
        tpu.wait_dma2 semaphore(%arg17 : memref<!tpu.dma_semaphore, #tpu.memory_space<semaphore_mem>>) src(%arg9 : memref<128x128xf32, #tpu.memory_space<vmem>>) dst(%dma_wait3A_120 : memref<128x128xf32, #tpu.memory_space<hbm>>)
      } else {
      }
      %dma_start3A_76 = tpu.memref_slice %arg5[%mul3A_47] : memref<25600xi32, #tpu.memory_space<vmem>> -> memref<128xi32, #tpu.memory_space<vmem>>
      %dma_start3A_77 = arith.constant 0 : i32
      %dma_start3A_78 = arith.constant 0 : i32
      %dma_start3A_79 = tpu.memref_slice %arg2[%dma_start3A_77, %dma_start3A_78] : memref<50176x128xf32, #tpu.memory_space<hbm>> -> memref<50176x128xf32, #tpu.memory_space<hbm>>
      tpu.enqueue_indirect_dma source(%dma_start3A_79 : memref<50176x128xf32, #tpu.memory_space<hbm>>) target(%arg9 : memref<128x128xf32, #tpu.memory_space<vmem>>) offsets(%dma_start3A_76 : memref<128xi32, #tpu.memory_space<vmem>>) semaphore(%arg13 : memref<!tpu.dma_semaphore, #tpu.memory_space<semaphore_mem>>)
      %dma_wait3A_80 = tpu.memref_slice %arg5[%mul3A_29] : memref<25600xi32, #tpu.memory_space<vmem>> -> memref<128xi32, #tpu.memory_space<vmem>>
      %dma_wait3A_81 = arith.constant 0 : i32
      %dma_wait3A_82 = arith.constant 0 : i32
      %dma_wait3A_83 = tpu.memref_slice %arg2[%dma_wait3A_81, %dma_wait3A_82] : memref<50176x128xf32, #tpu.memory_space<hbm>> -> memref<50176x128xf32, #tpu.memory_space<hbm>>
      tpu.wait_indirect_dma semaphore(%arg10 : memref<!tpu.dma_semaphore, #tpu.memory_space<semaphore_mem>>) src(%dma_wait3A_83 : memref<50176x128xf32, #tpu.memory_space<hbm>>) dst(%arg6 : memref<128x128xf32, #tpu.memory_space<vmem>>)
      %add3A_84 = arith.addi %mul3A_2, %mul3A_29 : i32
      %dma_start3A_85 = arith.constant 0 : i32
      %dma_start3A_86 = tpu.memref_slice %arg4[%add3A_84, %dma_start3A_85] : memref<819200x128xf32, #tpu.memory_space<hbm>> -> memref<128x128xf32, #tpu.memory_space<hbm>>
      %dma_start3A_87 = arith.constant 0 : i32
      %dma_start3A_88 = tpu.memref_slice %arg4[%add3A_84, %dma_start3A_87] : memref<819200x128xf32, #tpu.memory_space<hbm>> -> memref<128x128xf32, #tpu.memory_space<hbm>>
      tpu.enqueue_dma source(%arg6 : memref<128x128xf32, #tpu.memory_space<vmem>>) target(%dma_start3A_88 : memref<128x128xf32, #tpu.memory_space<hbm>>) target_semaphore(%arg14 : memref<!tpu.dma_semaphore, #tpu.memory_space<semaphore_mem>>)
      %dma_wait3A_89 = tpu.memref_slice %arg5[%mul3A_35] : memref<25600xi32, #tpu.memory_space<vmem>> -> memref<128xi32, #tpu.memory_space<vmem>>
      %dma_wait3A_90 = arith.constant 0 : i32
      %dma_wait3A_91 = arith.constant 0 : i32
      %dma_wait3A_92 = tpu.memref_slice %arg2[%dma_wait3A_90, %dma_wait3A_91] : memref<50176x128xf32, #tpu.memory_space<hbm>> -> memref<50176x128xf32, #tpu.memory_space<hbm>>
      tpu.wait_indirect_dma semaphore(%arg11 : memref<!tpu.dma_semaphore, #tpu.memory_space<semaphore_mem>>) src(%dma_wait3A_92 : memref<50176x128xf32, #tpu.memory_space<hbm>>) dst(%arg7 : memref<128x128xf32, #tpu.memory_space<vmem>>)
      %add3A_93 = arith.addi %mul3A_2, %mul3A_35 : i32
      %dma_start3A_94 = arith.constant 0 : i32
      %dma_start3A_95 = tpu.memref_slice %arg4[%add3A_93, %dma_start3A_94] : memref<819200x128xf32, #tpu.memory_space<hbm>> -> memref<128x128xf32, #tpu.memory_space<hbm>>
      %dma_start3A_96 = arith.constant 0 : i32
      %dma_start3A_97 = tpu.memref_slice %arg4[%add3A_93, %dma_start3A_96] : memref<819200x128xf32, #tpu.memory_space<hbm>> -> memref<128x128xf32, #tpu.memory_space<hbm>>
      tpu.enqueue_dma source(%arg7 : memref<128x128xf32, #tpu.memory_space<vmem>>) target(%dma_start3A_97 : memref<128x128xf32, #tpu.memory_space<hbm>>) target_semaphore(%arg15 : memref<!tpu.dma_semaphore, #tpu.memory_space<semaphore_mem>>)
      %dma_wait3A_98 = tpu.memref_slice %arg5[%mul3A_41] : memref<25600xi32, #tpu.memory_space<vmem>> -> memref<128xi32, #tpu.memory_space<vmem>>
      %dma_wait3A_99 = arith.constant 0 : i32
      %dma_wait3A_100 = arith.constant 0 : i32
      %dma_wait3A_101 = tpu.memref_slice %arg2[%dma_wait3A_99, %dma_wait3A_100] : memref<50176x128xf32, #tpu.memory_space<hbm>> -> memref<50176x128xf32, #tpu.memory_space<hbm>>
      tpu.wait_indirect_dma semaphore(%arg12 : memref<!tpu.dma_semaphore, #tpu.memory_space<semaphore_mem>>) src(%dma_wait3A_101 : memref<50176x128xf32, #tpu.memory_space<hbm>>) dst(%arg8 : memref<128x128xf32, #tpu.memory_space<vmem>>)
      %add3A_102 = arith.addi %mul3A_2, %mul3A_41 : i32
      %dma_start3A_103 = arith.constant 0 : i32
      %dma_start3A_104 = tpu.memref_slice %arg4[%add3A_102, %dma_start3A_103] : memref<819200x128xf32, #tpu.memory_space<hbm>> -> memref<128x128xf32, #tpu.memory_space<hbm>>
      %dma_start3A_105 = arith.constant 0 : i32
      %dma_start3A_106 = tpu.memref_slice %arg4[%add3A_102, %dma_start3A_105] : memref<819200x128xf32, #tpu.memory_space<hbm>> -> memref<128x128xf32, #tpu.memory_space<hbm>>
      tpu.enqueue_dma source(%arg8 : memref<128x128xf32, #tpu.memory_space<vmem>>) target(%dma_start3A_106 : memref<128x128xf32, #tpu.memory_space<hbm>>) target_semaphore(%arg16 : memref<!tpu.dma_semaphore, #tpu.memory_space<semaphore_mem>>)
      %dma_wait3A_107 = tpu.memref_slice %arg5[%mul3A_47] : memref<25600xi32, #tpu.memory_space<vmem>> -> memref<128xi32, #tpu.memory_space<vmem>>
      %dma_wait3A_108 = arith.constant 0 : i32
      %dma_wait3A_109 = arith.constant 0 : i32
      %dma_wait3A_110 = tpu.memref_slice %arg2[%dma_wait3A_108, %dma_wait3A_109] : memref<50176x128xf32, #tpu.memory_space<hbm>> -> memref<50176x128xf32, #tpu.memory_space<hbm>>
      tpu.wait_indirect_dma semaphore(%arg13 : memref<!tpu.dma_semaphore, #tpu.memory_space<semaphore_mem>>) src(%dma_wait3A_110 : memref<50176x128xf32, #tpu.memory_space<hbm>>) dst(%arg9 : memref<128x128xf32, #tpu.memory_space<vmem>>)
      %add3A_111 = arith.addi %mul3A_2, %mul3A_47 : i32
      %dma_start3A_112 = arith.constant 0 : i32
      %dma_start3A_113 = tpu.memref_slice %arg4[%add3A_111, %dma_start3A_112] : memref<819200x128xf32, #tpu.memory_space<hbm>> -> memref<128x128xf32, #tpu.memory_space<hbm>>
      %dma_start3A_114 = arith.constant 0 : i32
      %dma_start3A_115 = tpu.memref_slice %arg4[%add3A_111, %dma_start3A_114] : memref<819200x128xf32, #tpu.memory_space<hbm>> -> memref<128x128xf32, #tpu.memory_space<hbm>>
      tpu.enqueue_dma source(%arg9 : memref<128x128xf32, #tpu.memory_space<vmem>>) target(%dma_start3A_115 : memref<128x128xf32, #tpu.memory_space<hbm>>) target_semaphore(%arg17 : memref<!tpu.dma_semaphore, #tpu.memory_space<semaphore_mem>>)
    }
    %scan3A_7 = arith.constant 50 : i32
    %dma_wait3A = arith.constant 0 : i32
    %dma_wait3A_8 = tpu.memref_slice %arg4[%mul3A_2, %dma_wait3A] : memref<819200x128xf32, #tpu.memory_space<hbm>> -> memref<128x128xf32, #tpu.memory_space<hbm>>
    %dma_wait3A_9 = arith.constant 0 : i32
    %dma_wait3A_10 = tpu.memref_slice %arg4[%mul3A_2, %dma_wait3A_9] : memref<819200x128xf32, #tpu.memory_space<hbm>> -> memref<128x128xf32, #tpu.memory_space<hbm>>
    tpu.wait_dma2 semaphore(%arg14 : memref<!tpu.dma_semaphore, #tpu.memory_space<semaphore_mem>>) src(%arg6 : memref<128x128xf32, #tpu.memory_space<vmem>>) dst(%dma_wait3A_10 : memref<128x128xf32, #tpu.memory_space<hbm>>)
    %dma_wait3A_11 = arith.constant 0 : i32
    %dma_wait3A_12 = tpu.memref_slice %arg4[%mul3A_2, %dma_wait3A_11] : memref<819200x128xf32, #tpu.memory_space<hbm>> -> memref<128x128xf32, #tpu.memory_space<hbm>>
    %dma_wait3A_13 = arith.constant 0 : i32
    %dma_wait3A_14 = tpu.memref_slice %arg4[%mul3A_2, %dma_wait3A_13] : memref<819200x128xf32, #tpu.memory_space<hbm>> -> memref<128x128xf32, #tpu.memory_space<hbm>>
    tpu.wait_dma2 semaphore(%arg15 : memref<!tpu.dma_semaphore, #tpu.memory_space<semaphore_mem>>) src(%arg7 : memref<128x128xf32, #tpu.memory_space<vmem>>) dst(%dma_wait3A_14 : memref<128x128xf32, #tpu.memory_space<hbm>>)
    %dma_wait3A_15 = arith.constant 0 : i32
    %dma_wait3A_16 = tpu.memref_slice %arg4[%mul3A_2, %dma_wait3A_15] : memref<819200x128xf32, #tpu.memory_space<hbm>> -> memref<128x128xf32, #tpu.memory_space<hbm>>
    %dma_wait3A_17 = arith.constant 0 : i32
    %dma_wait3A_18 = tpu.memref_slice %arg4[%mul3A_2, %dma_wait3A_17] : memref<819200x128xf32, #tpu.memory_space<hbm>> -> memref<128x128xf32, #tpu.memory_space<hbm>>
    tpu.wait_dma2 semaphore(%arg16 : memref<!tpu.dma_semaphore, #tpu.memory_space<semaphore_mem>>) src(%arg8 : memref<128x128xf32, #tpu.memory_space<vmem>>) dst(%dma_wait3A_18 : memref<128x128xf32, #tpu.memory_space<hbm>>)
    %dma_wait3A_19 = arith.constant 0 : i32
    %dma_wait3A_20 = tpu.memref_slice %arg4[%mul3A_2, %dma_wait3A_19] : memref<819200x128xf32, #tpu.memory_space<hbm>> -> memref<128x128xf32, #tpu.memory_space<hbm>>
    %dma_wait3A_21 = arith.constant 0 : i32
    %dma_wait3A_22 = tpu.memref_slice %arg4[%mul3A_2, %dma_wait3A_21] : memref<819200x128xf32, #tpu.memory_space<hbm>> -> memref<128x128xf32, #tpu.memory_space<hbm>>
    tpu.wait_dma2 semaphore(%arg17 : memref<!tpu.dma_semaphore, #tpu.memory_space<semaphore_mem>>) src(%arg9 : memref<128x128xf32, #tpu.memory_space<vmem>>) dst(%dma_wait3A_22 : memref<128x128xf32, #tpu.memory_space<hbm>>)
    return
  }
}

#map = affine_map<(d0, d1) -> (0, 0)>
#map1 = affine_map<(d0, d1) -> (0)>
module attributes {stable_mosaic.version = 14 : i64} {
  func.func @gk(%arg0: i32, %arg1: i32, %arg2: memref<819200x128xf32, #tpu.memory_space<hbm>>, %arg3: memref<50000x128xf32, #tpu.memory_space<hbm>>, %arg4: memref<819200xi32, #tpu.memory_space<hbm>>, %arg5: memref<819200xi32, #tpu.memory_space<hbm>>, %arg6: memref<819200x128xf32, #tpu.memory_space<hbm>>, %arg7: memref<819200x128xf32, #tpu.memory_space<hbm>>, %arg8: memref<25600xi32, #tpu.memory_space<vmem>>, %arg9: memref<25600xi32, #tpu.memory_space<vmem>>, %arg10: memref<128x128xf32, #tpu.memory_space<vmem>>, %arg11: memref<128x128xf32, #tpu.memory_space<vmem>>, %arg12: memref<!tpu.dma_semaphore, #tpu.memory_space<semaphore_mem>>, %arg13: memref<!tpu.dma_semaphore, #tpu.memory_space<semaphore_mem>>, %arg14: memref<!tpu.dma_semaphore, #tpu.memory_space<semaphore_mem>>, %arg15: memref<!tpu.dma_semaphore, #tpu.memory_space<semaphore_mem>>) attributes {dimension_semantics = [#tpu.dimension_semantics<core_parallel>, #tpu.dimension_semantics<subcore_parallel>], iteration_bounds = array<i64: 2, 16>, scalar_prefetch = 0 : i64, scratch_operands = 8 : i64, tpu.core_type = #tpu.core_type<sc_vector_subcore>, window_params = [{transform_indices = #map}, {transform_indices = #map}, {transform_indices = #map1}, {transform_indices = #map1}, {transform_indices = #map}, {transform_indices = #map}]} {
    %mul3A = arith.constant 2 : i32
    %mul3A_0 = arith.muli %arg1, %mul3A : i32
    %add3A = arith.addi %mul3A_0, %arg0 : i32
    %mul3A_1 = arith.constant 25600 : i32
    %mul3A_2 = arith.muli %add3A, %mul3A_1 : i32
    "tpu.region"() ({
      %run_scoped3A = tpu.sem_alloc : memref<!tpu.dma_semaphore, #tpu.memory_space<semaphore_mem>>
      %dma_start3A = tpu.memref_slice %arg4[%mul3A_2] : memref<819200xi32, #tpu.memory_space<hbm>> -> memref<25600xi32, #tpu.memory_space<hbm>>
      %dma_start3A_15 = tpu.memref_slice %arg4[%mul3A_2] : memref<819200xi32, #tpu.memory_space<hbm>> -> memref<25600xi32, #tpu.memory_space<hbm>>
      tpu.enqueue_dma source(%dma_start3A_15 : memref<25600xi32, #tpu.memory_space<hbm>>) target(%arg8 : memref<25600xi32, #tpu.memory_space<vmem>>) target_semaphore(%run_scoped3A : memref<!tpu.dma_semaphore, #tpu.memory_space<semaphore_mem>>)
      %dma_wait3A_16 = tpu.memref_slice %arg4[%mul3A_2] : memref<819200xi32, #tpu.memory_space<hbm>> -> memref<25600xi32, #tpu.memory_space<hbm>>
      %dma_wait3A_17 = tpu.memref_slice %arg4[%mul3A_2] : memref<819200xi32, #tpu.memory_space<hbm>> -> memref<25600xi32, #tpu.memory_space<hbm>>
      tpu.wait_dma2 semaphore(%run_scoped3A : memref<!tpu.dma_semaphore, #tpu.memory_space<semaphore_mem>>) src(%dma_wait3A_17 : memref<25600xi32, #tpu.memory_space<hbm>>) dst(%arg8 : memref<25600xi32, #tpu.memory_space<vmem>>)
      tpu.yield
    }) : () -> ()
    "tpu.region"() ({
      %run_scoped3A = tpu.sem_alloc : memref<!tpu.dma_semaphore, #tpu.memory_space<semaphore_mem>>
      %dma_start3A = tpu.memref_slice %arg5[%mul3A_2] : memref<819200xi32, #tpu.memory_space<hbm>> -> memref<25600xi32, #tpu.memory_space<hbm>>
      %dma_start3A_15 = tpu.memref_slice %arg5[%mul3A_2] : memref<819200xi32, #tpu.memory_space<hbm>> -> memref<25600xi32, #tpu.memory_space<hbm>>
      tpu.enqueue_dma source(%dma_start3A_15 : memref<25600xi32, #tpu.memory_space<hbm>>) target(%arg9 : memref<25600xi32, #tpu.memory_space<vmem>>) target_semaphore(%run_scoped3A : memref<!tpu.dma_semaphore, #tpu.memory_space<semaphore_mem>>)
      %dma_wait3A_16 = tpu.memref_slice %arg5[%mul3A_2] : memref<819200xi32, #tpu.memory_space<hbm>> -> memref<25600xi32, #tpu.memory_space<hbm>>
      %dma_wait3A_17 = tpu.memref_slice %arg5[%mul3A_2] : memref<819200xi32, #tpu.memory_space<hbm>> -> memref<25600xi32, #tpu.memory_space<hbm>>
      tpu.wait_dma2 semaphore(%run_scoped3A : memref<!tpu.dma_semaphore, #tpu.memory_space<semaphore_mem>>) src(%dma_wait3A_17 : memref<25600xi32, #tpu.memory_space<hbm>>) dst(%arg9 : memref<25600xi32, #tpu.memory_space<vmem>>)
      tpu.yield
    }) : () -> ()
    %scan3A = arith.constant 0 : i32
    %scan3A_3 = arith.constant 0 : i32
    %scan3A_4 = arith.constant 200 : i32
    %scan3A_5 = arith.addi %scan3A_3, %scan3A_4 : i32
    %scan3A_6 = arith.constant 1 : i32
    scf.for %scan3A_15 = %scan3A_3 to %scan3A_5 step %scan3A_6  : i32 {
      %mul3A_16 = arith.constant 128 : i32
      %mul3A_17 = arith.muli %scan3A_15, %mul3A_16 : i32
      %gt3A = arith.constant 0 : i32
      %gt3A_18 = arith.cmpi sgt, %scan3A_15, %gt3A : i32
      %convert_element_type3A = arith.extui %gt3A_18 : i1 to i32
      %cond3A = arith.constant 0 : i32
      %cond3A_19 = arith.cmpi ne, %convert_element_type3A, %cond3A : i32
      scf.if %cond3A_19 {
        %add3A_45 = arith.addi %mul3A_2, %mul3A_17 : i32
        %dma_wait3A_46 = arith.constant 0 : i32
        %dma_wait3A_47 = tpu.memref_slice %arg6[%add3A_45, %dma_wait3A_46] : memref<819200x128xf32, #tpu.memory_space<hbm>> -> memref<128x128xf32, #tpu.memory_space<hbm>>
        %dma_wait3A_48 = arith.constant 0 : i32
        %dma_wait3A_49 = tpu.memref_slice %arg6[%add3A_45, %dma_wait3A_48] : memref<819200x128xf32, #tpu.memory_space<hbm>> -> memref<128x128xf32, #tpu.memory_space<hbm>>
        tpu.wait_dma2 semaphore(%arg14 : memref<!tpu.dma_semaphore, #tpu.memory_space<semaphore_mem>>) src(%arg10 : memref<128x128xf32, #tpu.memory_space<vmem>>) dst(%dma_wait3A_49 : memref<128x128xf32, #tpu.memory_space<hbm>>)
        %add3A_50 = arith.addi %mul3A_2, %mul3A_17 : i32
        %dma_wait3A_51 = arith.constant 0 : i32
        %dma_wait3A_52 = tpu.memref_slice %arg7[%add3A_50, %dma_wait3A_51] : memref<819200x128xf32, #tpu.memory_space<hbm>> -> memref<128x128xf32, #tpu.memory_space<hbm>>
        %dma_wait3A_53 = arith.constant 0 : i32
        %dma_wait3A_54 = tpu.memref_slice %arg7[%add3A_50, %dma_wait3A_53] : memref<819200x128xf32, #tpu.memory_space<hbm>> -> memref<128x128xf32, #tpu.memory_space<hbm>>
        tpu.wait_dma2 semaphore(%arg15 : memref<!tpu.dma_semaphore, #tpu.memory_space<semaphore_mem>>) src(%arg11 : memref<128x128xf32, #tpu.memory_space<vmem>>) dst(%dma_wait3A_54 : memref<128x128xf32, #tpu.memory_space<hbm>>)
      } else {
      }
      %dma_start3A = tpu.memref_slice %arg8[%mul3A_17] : memref<25600xi32, #tpu.memory_space<vmem>> -> memref<128xi32, #tpu.memory_space<vmem>>
      %dma_start3A_20 = arith.constant 0 : i32
      %dma_start3A_21 = arith.constant 0 : i32
      %dma_start3A_22 = tpu.memref_slice %arg2[%dma_start3A_20, %dma_start3A_21] : memref<819200x128xf32, #tpu.memory_space<hbm>> -> memref<819200x128xf32, #tpu.memory_space<hbm>>
      tpu.enqueue_indirect_dma source(%dma_start3A_22 : memref<819200x128xf32, #tpu.memory_space<hbm>>) target(%arg10 : memref<128x128xf32, #tpu.memory_space<vmem>>) offsets(%dma_start3A : memref<128xi32, #tpu.memory_space<vmem>>) semaphore(%arg12 : memref<!tpu.dma_semaphore, #tpu.memory_space<semaphore_mem>>)
      %dma_start3A_23 = tpu.memref_slice %arg9[%mul3A_17] : memref<25600xi32, #tpu.memory_space<vmem>> -> memref<128xi32, #tpu.memory_space<vmem>>
      %dma_start3A_24 = arith.constant 0 : i32
      %dma_start3A_25 = arith.constant 0 : i32
      %dma_start3A_26 = tpu.memref_slice %arg3[%dma_start3A_24, %dma_start3A_25] : memref<50000x128xf32, #tpu.memory_space<hbm>> -> memref<50000x128xf32, #tpu.memory_space<hbm>>
      tpu.enqueue_indirect_dma source(%dma_start3A_26 : memref<50000x128xf32, #tpu.memory_space<hbm>>) target(%arg11 : memref<128x128xf32, #tpu.memory_space<vmem>>) offsets(%dma_start3A_23 : memref<128xi32, #tpu.memory_space<vmem>>) semaphore(%arg13 : memref<!tpu.dma_semaphore, #tpu.memory_space<semaphore_mem>>)
      %dma_wait3A_27 = tpu.memref_slice %arg8[%mul3A_17] : memref<25600xi32, #tpu.memory_space<vmem>> -> memref<128xi32, #tpu.memory_space<vmem>>
      %dma_wait3A_28 = arith.constant 0 : i32
      %dma_wait3A_29 = arith.constant 0 : i32
      %dma_wait3A_30 = tpu.memref_slice %arg2[%dma_wait3A_28, %dma_wait3A_29] : memref<819200x128xf32, #tpu.memory_space<hbm>> -> memref<819200x128xf32, #tpu.memory_space<hbm>>
      tpu.wait_indirect_dma semaphore(%arg12 : memref<!tpu.dma_semaphore, #tpu.memory_space<semaphore_mem>>) src(%dma_wait3A_30 : memref<819200x128xf32, #tpu.memory_space<hbm>>) dst(%arg10 : memref<128x128xf32, #tpu.memory_space<vmem>>)
      %add3A_31 = arith.addi %mul3A_2, %mul3A_17 : i32
      %dma_start3A_32 = arith.constant 0 : i32
      %dma_start3A_33 = tpu.memref_slice %arg6[%add3A_31, %dma_start3A_32] : memref<819200x128xf32, #tpu.memory_space<hbm>> -> memref<128x128xf32, #tpu.memory_space<hbm>>
      %dma_start3A_34 = arith.constant 0 : i32
      %dma_start3A_35 = tpu.memref_slice %arg6[%add3A_31, %dma_start3A_34] : memref<819200x128xf32, #tpu.memory_space<hbm>> -> memref<128x128xf32, #tpu.memory_space<hbm>>
      tpu.enqueue_dma source(%arg10 : memref<128x128xf32, #tpu.memory_space<vmem>>) target(%dma_start3A_35 : memref<128x128xf32, #tpu.memory_space<hbm>>) target_semaphore(%arg14 : memref<!tpu.dma_semaphore, #tpu.memory_space<semaphore_mem>>)
      %dma_wait3A_36 = tpu.memref_slice %arg9[%mul3A_17] : memref<25600xi32, #tpu.memory_space<vmem>> -> memref<128xi32, #tpu.memory_space<vmem>>
      %dma_wait3A_37 = arith.constant 0 : i32
      %dma_wait3A_38 = arith.constant 0 : i32
      %dma_wait3A_39 = tpu.memref_slice %arg3[%dma_wait3A_37, %dma_wait3A_38] : memref<50000x128xf32, #tpu.memory_space<hbm>> -> memref<50000x128xf32, #tpu.memory_space<hbm>>
      tpu.wait_indirect_dma semaphore(%arg13 : memref<!tpu.dma_semaphore, #tpu.memory_space<semaphore_mem>>) src(%dma_wait3A_39 : memref<50000x128xf32, #tpu.memory_space<hbm>>) dst(%arg11 : memref<128x128xf32, #tpu.memory_space<vmem>>)
      %add3A_40 = arith.addi %mul3A_2, %mul3A_17 : i32
      %dma_start3A_41 = arith.constant 0 : i32
      %dma_start3A_42 = tpu.memref_slice %arg7[%add3A_40, %dma_start3A_41] : memref<819200x128xf32, #tpu.memory_space<hbm>> -> memref<128x128xf32, #tpu.memory_space<hbm>>
      %dma_start3A_43 = arith.constant 0 : i32
      %dma_start3A_44 = tpu.memref_slice %arg7[%add3A_40, %dma_start3A_43] : memref<819200x128xf32, #tpu.memory_space<hbm>> -> memref<128x128xf32, #tpu.memory_space<hbm>>
      tpu.enqueue_dma source(%arg11 : memref<128x128xf32, #tpu.memory_space<vmem>>) target(%dma_start3A_44 : memref<128x128xf32, #tpu.memory_space<hbm>>) target_semaphore(%arg15 : memref<!tpu.dma_semaphore, #tpu.memory_space<semaphore_mem>>)
    }
    %scan3A_7 = arith.constant 200 : i32
    %dma_wait3A = arith.constant 0 : i32
    %dma_wait3A_8 = tpu.memref_slice %arg6[%mul3A_2, %dma_wait3A] : memref<819200x128xf32, #tpu.memory_space<hbm>> -> memref<128x128xf32, #tpu.memory_space<hbm>>
    %dma_wait3A_9 = arith.constant 0 : i32
    %dma_wait3A_10 = tpu.memref_slice %arg6[%mul3A_2, %dma_wait3A_9] : memref<819200x128xf32, #tpu.memory_space<hbm>> -> memref<128x128xf32, #tpu.memory_space<hbm>>
    tpu.wait_dma2 semaphore(%arg14 : memref<!tpu.dma_semaphore, #tpu.memory_space<semaphore_mem>>) src(%arg10 : memref<128x128xf32, #tpu.memory_space<vmem>>) dst(%dma_wait3A_10 : memref<128x128xf32, #tpu.memory_space<hbm>>)
    %dma_wait3A_11 = arith.constant 0 : i32
    %dma_wait3A_12 = tpu.memref_slice %arg7[%mul3A_2, %dma_wait3A_11] : memref<819200x128xf32, #tpu.memory_space<hbm>> -> memref<128x128xf32, #tpu.memory_space<hbm>>
    %dma_wait3A_13 = arith.constant 0 : i32
    %dma_wait3A_14 = tpu.memref_slice %arg7[%mul3A_2, %dma_wait3A_13] : memref<819200x128xf32, #tpu.memory_space<hbm>> -> memref<128x128xf32, #tpu.memory_space<hbm>>
    tpu.wait_dma2 semaphore(%arg15 : memref<!tpu.dma_semaphore, #tpu.memory_space<semaphore_mem>>) src(%arg11 : memref<128x128xf32, #tpu.memory_space<vmem>>) dst(%dma_wait3A_14 : memref<128x128xf32, #tpu.memory_space<hbm>>)
    return
  }
}

#map = affine_map<(d0, d1) -> (0, 0)>
#map1 = affine_map<(d0, d1) -> (0)>
module attributes {stable_mosaic.version = 14 : i64} {
  func.func @gk(%arg0: i32, %arg1: i32, %arg2: memref<50176x128xf32, #tpu.memory_space<hbm>>, %arg3: memref<819200xi32, #tpu.memory_space<hbm>>, %arg4: memref<819200x128xf32, #tpu.memory_space<hbm>>, %arg5: memref<25600xi32, #tpu.memory_space<vmem>>, %arg6: memref<128x128xf32, #tpu.memory_space<vmem>>, %arg7: memref<128x128xf32, #tpu.memory_space<vmem>>, %arg8: memref<128x128xf32, #tpu.memory_space<vmem>>, %arg9: memref<128x128xf32, #tpu.memory_space<vmem>>, %arg10: memref<!tpu.dma_semaphore, #tpu.memory_space<semaphore_mem>>, %arg11: memref<!tpu.dma_semaphore, #tpu.memory_space<semaphore_mem>>, %arg12: memref<!tpu.dma_semaphore, #tpu.memory_space<semaphore_mem>>, %arg13: memref<!tpu.dma_semaphore, #tpu.memory_space<semaphore_mem>>, %arg14: memref<!tpu.dma_semaphore, #tpu.memory_space<semaphore_mem>>, %arg15: memref<!tpu.dma_semaphore, #tpu.memory_space<semaphore_mem>>, %arg16: memref<!tpu.dma_semaphore, #tpu.memory_space<semaphore_mem>>, %arg17: memref<!tpu.dma_semaphore, #tpu.memory_space<semaphore_mem>>) attributes {dimension_semantics = [#tpu.dimension_semantics<core_parallel>, #tpu.dimension_semantics<subcore_parallel>], iteration_bounds = array<i64: 2, 16>, scalar_prefetch = 0 : i64, scratch_operands = 13 : i64, tpu.core_type = #tpu.core_type<sc_vector_subcore>, window_params = [{transform_indices = #map}, {transform_indices = #map1}, {transform_indices = #map}]} {
    %mul3A = arith.constant 2 : i32
    %mul3A_0 = arith.muli %arg1, %mul3A : i32
    %add3A = arith.addi %mul3A_0, %arg0 : i32
    %mul3A_1 = arith.constant 25600 : i32
    %mul3A_2 = arith.muli %add3A, %mul3A_1 : i32
    "tpu.region"() ({
      %run_scoped3A = tpu.sem_alloc : memref<!tpu.dma_semaphore, #tpu.memory_space<semaphore_mem>>
      %dma_start3A = tpu.memref_slice %arg3[%mul3A_2] : memref<819200xi32, #tpu.memory_space<hbm>> -> memref<25600xi32, #tpu.memory_space<hbm>>
      %dma_start3A_23 = tpu.memref_slice %arg3[%mul3A_2] : memref<819200xi32, #tpu.memory_space<hbm>> -> memref<25600xi32, #tpu.memory_space<hbm>>
      tpu.enqueue_dma source(%dma_start3A_23 : memref<25600xi32, #tpu.memory_space<hbm>>) target(%arg5 : memref<25600xi32, #tpu.memory_space<vmem>>) target_semaphore(%run_scoped3A : memref<!tpu.dma_semaphore, #tpu.memory_space<semaphore_mem>>)
      %dma_wait3A_24 = tpu.memref_slice %arg3[%mul3A_2] : memref<819200xi32, #tpu.memory_space<hbm>> -> memref<25600xi32, #tpu.memory_space<hbm>>
      %dma_wait3A_25 = tpu.memref_slice %arg3[%mul3A_2] : memref<819200xi32, #tpu.memory_space<hbm>> -> memref<25600xi32, #tpu.memory_space<hbm>>
      tpu.wait_dma2 semaphore(%run_scoped3A : memref<!tpu.dma_semaphore, #tpu.memory_space<semaphore_mem>>) src(%dma_wait3A_25 : memref<25600xi32, #tpu.memory_space<hbm>>) dst(%arg5 : memref<25600xi32, #tpu.memory_space<vmem>>)
      tpu.yield
    }) : () -> ()
    %scan3A = arith.constant 0 : i32
    %scan3A_3 = arith.constant 0 : i32
    %scan3A_4 = arith.constant 50 : i32
    %scan3A_5 = arith.addi %scan3A_3, %scan3A_4 : i32
    %scan3A_6 = arith.constant 1 : i32
    scf.for %scan3A_23 = %scan3A_3 to %scan3A_5 step %scan3A_6  : i32 {
      %mul3A_24 = arith.constant 4 : i32
      %mul3A_25 = arith.muli %mul3A_24, %scan3A_23 : i32
      %add3A_26 = arith.constant 0 : i32
      %add3A_27 = arith.addi %mul3A_25, %add3A_26 : i32
      %mul3A_28 = arith.constant 128 : i32
      %mul3A_29 = arith.muli %add3A_27, %mul3A_28 : i32
      %mul3A_30 = arith.constant 4 : i32
      %mul3A_31 = arith.muli %mul3A_30, %scan3A_23 : i32
      %add3A_32 = arith.constant 1 : i32
      %add3A_33 = arith.addi %mul3A_31, %add3A_32 : i32
      %mul3A_34 = arith.constant 128 : i32
      %mul3A_35 = arith.muli %add3A_33, %mul3A_34 : i32
      %mul3A_36 = arith.constant 4 : i32
      %mul3A_37 = arith.muli %mul3A_36, %scan3A_23 : i32
      %add3A_38 = arith.constant 2 : i32
      %add3A_39 = arith.addi %mul3A_37, %add3A_38 : i32
      %mul3A_40 = arith.constant 128 : i32
      %mul3A_41 = arith.muli %add3A_39, %mul3A_40 : i32
      %mul3A_42 = arith.constant 4 : i32
      %mul3A_43 = arith.muli %mul3A_42, %scan3A_23 : i32
      %add3A_44 = arith.constant 3 : i32
      %add3A_45 = arith.addi %mul3A_43, %add3A_44 : i32
      %mul3A_46 = arith.constant 128 : i32
      %mul3A_47 = arith.muli %add3A_45, %mul3A_46 : i32
      %gt3A = arith.constant 0 : i32
      %gt3A_48 = arith.cmpi sgt, %scan3A_23, %gt3A : i32
      %convert_element_type3A = arith.extui %gt3A_48 : i1 to i32
      %cond3A = arith.constant 0 : i32
      %cond3A_49 = arith.cmpi ne, %convert_element_type3A, %cond3A : i32
      scf.if %cond3A_49 {
        %add3A_116 = arith.addi %mul3A_2, %mul3A_29 : i32
        %dma_wait3A_117 = arith.constant 0 : i32
        %dma_wait3A_118 = tpu.memref_slice %arg4[%add3A_116, %dma_wait3A_117] : memref<819200x128xf32, #tpu.memory_space<hbm>> -> memref<128x128xf32, #tpu.memory_space<hbm>>
        %dma_wait3A_119 = arith.constant 0 : i32
        %dma_wait3A_120 = tpu.memref_slice %arg4[%add3A_116, %dma_wait3A_119] : memref<819200x128xf32, #tpu.memory_space<hbm>> -> memref<128x128xf32, #tpu.memory_space<hbm>>
        tpu.wait_dma2 semaphore(%arg14 : memref<!tpu.dma_semaphore, #tpu.memory_space<semaphore_mem>>) src(%arg6 : memref<128x128xf32, #tpu.memory_space<vmem>>) dst(%dma_wait3A_120 : memref<128x128xf32, #tpu.memory_space<hbm>>)
      } else {
      }
      %dma_start3A = tpu.memref_slice %arg5[%mul3A_29] : memref<25600xi32, #tpu.memory_space<vmem>> -> memref<128xi32, #tpu.memory_space<vmem>>
      %dma_start3A_50 = arith.constant 0 : i32
      %dma_start3A_51 = arith.constant 0 : i32
      %dma_start3A_52 = tpu.memref_slice %arg2[%dma_start3A_50, %dma_start3A_51] : memref<50176x128xf32, #tpu.memory_space<hbm>> -> memref<50176x128xf32, #tpu.memory_space<hbm>>
      tpu.enqueue_indirect_dma source(%dma_start3A_52 : memref<50176x128xf32, #tpu.memory_space<hbm>>) target(%arg6 : memref<128x128xf32, #tpu.memory_space<vmem>>) offsets(%dma_start3A : memref<128xi32, #tpu.memory_space<vmem>>) semaphore(%arg10 : memref<!tpu.dma_semaphore, #tpu.memory_space<semaphore_mem>>)
      %gt3A_53 = arith.constant 0 : i32
      %gt3A_54 = arith.cmpi sgt, %scan3A_23, %gt3A_53 : i32
      %convert_element_type3A_55 = arith.extui %gt3A_54 : i1 to i32
      %cond3A_56 = arith.constant 0 : i32
      %cond3A_57 = arith.cmpi ne, %convert_element_type3A_55, %cond3A_56 : i32
      scf.if %cond3A_57 {
        %add3A_116 = arith.addi %mul3A_2, %mul3A_35 : i32
        %dma_wait3A_117 = arith.constant 0 : i32
        %dma_wait3A_118 = tpu.memref_slice %arg4[%add3A_116, %dma_wait3A_117] : memref<819200x128xf32, #tpu.memory_space<hbm>> -> memref<128x128xf32, #tpu.memory_space<hbm>>
        %dma_wait3A_119 = arith.constant 0 : i32
        %dma_wait3A_120 = tpu.memref_slice %arg4[%add3A_116, %dma_wait3A_119] : memref<819200x128xf32, #tpu.memory_space<hbm>> -> memref<128x128xf32, #tpu.memory_space<hbm>>
        tpu.wait_dma2 semaphore(%arg15 : memref<!tpu.dma_semaphore, #tpu.memory_space<semaphore_mem>>) src(%arg7 : memref<128x128xf32, #tpu.memory_space<vmem>>) dst(%dma_wait3A_120 : memref<128x128xf32, #tpu.memory_space<hbm>>)
      } else {
      }
      %dma_start3A_58 = tpu.memref_slice %arg5[%mul3A_35] : memref<25600xi32, #tpu.memory_space<vmem>> -> memref<128xi32, #tpu.memory_space<vmem>>
      %dma_start3A_59 = arith.constant 0 : i32
      %dma_start3A_60 = arith.constant 0 : i32
      %dma_start3A_61 = tpu.memref_slice %arg2[%dma_start3A_59, %dma_start3A_60] : memref<50176x128xf32, #tpu.memory_space<hbm>> -> memref<50176x128xf32, #tpu.memory_space<hbm>>
      tpu.enqueue_indirect_dma source(%dma_start3A_61 : memref<50176x128xf32, #tpu.memory_space<hbm>>) target(%arg7 : memref<128x128xf32, #tpu.memory_space<vmem>>) offsets(%dma_start3A_58 : memref<128xi32, #tpu.memory_space<vmem>>) semaphore(%arg11 : memref<!tpu.dma_semaphore, #tpu.memory_space<semaphore_mem>>)
      %gt3A_62 = arith.constant 0 : i32
      %gt3A_63 = arith.cmpi sgt, %scan3A_23, %gt3A_62 : i32
      %convert_element_type3A_64 = arith.extui %gt3A_63 : i1 to i32
      %cond3A_65 = arith.constant 0 : i32
      %cond3A_66 = arith.cmpi ne, %convert_element_type3A_64, %cond3A_65 : i32
      scf.if %cond3A_66 {
        %add3A_116 = arith.addi %mul3A_2, %mul3A_41 : i32
        %dma_wait3A_117 = arith.constant 0 : i32
        %dma_wait3A_118 = tpu.memref_slice %arg4[%add3A_116, %dma_wait3A_117] : memref<819200x128xf32, #tpu.memory_space<hbm>> -> memref<128x128xf32, #tpu.memory_space<hbm>>
        %dma_wait3A_119 = arith.constant 0 : i32
        %dma_wait3A_120 = tpu.memref_slice %arg4[%add3A_116, %dma_wait3A_119] : memref<819200x128xf32, #tpu.memory_space<hbm>> -> memref<128x128xf32, #tpu.memory_space<hbm>>
        tpu.wait_dma2 semaphore(%arg16 : memref<!tpu.dma_semaphore, #tpu.memory_space<semaphore_mem>>) src(%arg8 : memref<128x128xf32, #tpu.memory_space<vmem>>) dst(%dma_wait3A_120 : memref<128x128xf32, #tpu.memory_space<hbm>>)
      } else {
      }
      %dma_start3A_67 = tpu.memref_slice %arg5[%mul3A_41] : memref<25600xi32, #tpu.memory_space<vmem>> -> memref<128xi32, #tpu.memory_space<vmem>>
      %dma_start3A_68 = arith.constant 0 : i32
      %dma_start3A_69 = arith.constant 0 : i32
      %dma_start3A_70 = tpu.memref_slice %arg2[%dma_start3A_68, %dma_start3A_69] : memref<50176x128xf32, #tpu.memory_space<hbm>> -> memref<50176x128xf32, #tpu.memory_space<hbm>>
      tpu.enqueue_indirect_dma source(%dma_start3A_70 : memref<50176x128xf32, #tpu.memory_space<hbm>>) target(%arg8 : memref<128x128xf32, #tpu.memory_space<vmem>>) offsets(%dma_start3A_67 : memref<128xi32, #tpu.memory_space<vmem>>) semaphore(%arg12 : memref<!tpu.dma_semaphore, #tpu.memory_space<semaphore_mem>>)
      %gt3A_71 = arith.constant 0 : i32
      %gt3A_72 = arith.cmpi sgt, %scan3A_23, %gt3A_71 : i32
      %convert_element_type3A_73 = arith.extui %gt3A_72 : i1 to i32
      %cond3A_74 = arith.constant 0 : i32
      %cond3A_75 = arith.cmpi ne, %convert_element_type3A_73, %cond3A_74 : i32
      scf.if %cond3A_75 {
        %add3A_116 = arith.addi %mul3A_2, %mul3A_47 : i32
        %dma_wait3A_117 = arith.constant 0 : i32
        %dma_wait3A_118 = tpu.memref_slice %arg4[%add3A_116, %dma_wait3A_117] : memref<819200x128xf32, #tpu.memory_space<hbm>> -> memref<128x128xf32, #tpu.memory_space<hbm>>
        %dma_wait3A_119 = arith.constant 0 : i32
        %dma_wait3A_120 = tpu.memref_slice %arg4[%add3A_116, %dma_wait3A_119] : memref<819200x128xf32, #tpu.memory_space<hbm>> -> memref<128x128xf32, #tpu.memory_space<hbm>>
        tpu.wait_dma2 semaphore(%arg17 : memref<!tpu.dma_semaphore, #tpu.memory_space<semaphore_mem>>) src(%arg9 : memref<128x128xf32, #tpu.memory_space<vmem>>) dst(%dma_wait3A_120 : memref<128x128xf32, #tpu.memory_space<hbm>>)
      } else {
      }
      %dma_start3A_76 = tpu.memref_slice %arg5[%mul3A_47] : memref<25600xi32, #tpu.memory_space<vmem>> -> memref<128xi32, #tpu.memory_space<vmem>>
      %dma_start3A_77 = arith.constant 0 : i32
      %dma_start3A_78 = arith.constant 0 : i32
      %dma_start3A_79 = tpu.memref_slice %arg2[%dma_start3A_77, %dma_start3A_78] : memref<50176x128xf32, #tpu.memory_space<hbm>> -> memref<50176x128xf32, #tpu.memory_space<hbm>>
      tpu.enqueue_indirect_dma source(%dma_start3A_79 : memref<50176x128xf32, #tpu.memory_space<hbm>>) target(%arg9 : memref<128x128xf32, #tpu.memory_space<vmem>>) offsets(%dma_start3A_76 : memref<128xi32, #tpu.memory_space<vmem>>) semaphore(%arg13 : memref<!tpu.dma_semaphore, #tpu.memory_space<semaphore_mem>>)
      %dma_wait3A_80 = tpu.memref_slice %arg5[%mul3A_29] : memref<25600xi32, #tpu.memory_space<vmem>> -> memref<128xi32, #tpu.memory_space<vmem>>
      %dma_wait3A_81 = arith.constant 0 : i32
      %dma_wait3A_82 = arith.constant 0 : i32
      %dma_wait3A_83 = tpu.memref_slice %arg2[%dma_wait3A_81, %dma_wait3A_82] : memref<50176x128xf32, #tpu.memory_space<hbm>> -> memref<50176x128xf32, #tpu.memory_space<hbm>>
      tpu.wait_indirect_dma semaphore(%arg10 : memref<!tpu.dma_semaphore, #tpu.memory_space<semaphore_mem>>) src(%dma_wait3A_83 : memref<50176x128xf32, #tpu.memory_space<hbm>>) dst(%arg6 : memref<128x128xf32, #tpu.memory_space<vmem>>)
      %add3A_84 = arith.addi %mul3A_2, %mul3A_29 : i32
      %dma_start3A_85 = arith.constant 0 : i32
      %dma_start3A_86 = tpu.memref_slice %arg4[%add3A_84, %dma_start3A_85] : memref<819200x128xf32, #tpu.memory_space<hbm>> -> memref<128x128xf32, #tpu.memory_space<hbm>>
      %dma_start3A_87 = arith.constant 0 : i32
      %dma_start3A_88 = tpu.memref_slice %arg4[%add3A_84, %dma_start3A_87] : memref<819200x128xf32, #tpu.memory_space<hbm>> -> memref<128x128xf32, #tpu.memory_space<hbm>>
      tpu.enqueue_dma source(%arg6 : memref<128x128xf32, #tpu.memory_space<vmem>>) target(%dma_start3A_88 : memref<128x128xf32, #tpu.memory_space<hbm>>) target_semaphore(%arg14 : memref<!tpu.dma_semaphore, #tpu.memory_space<semaphore_mem>>)
      %dma_wait3A_89 = tpu.memref_slice %arg5[%mul3A_35] : memref<25600xi32, #tpu.memory_space<vmem>> -> memref<128xi32, #tpu.memory_space<vmem>>
      %dma_wait3A_90 = arith.constant 0 : i32
      %dma_wait3A_91 = arith.constant 0 : i32
      %dma_wait3A_92 = tpu.memref_slice %arg2[%dma_wait3A_90, %dma_wait3A_91] : memref<50176x128xf32, #tpu.memory_space<hbm>> -> memref<50176x128xf32, #tpu.memory_space<hbm>>
      tpu.wait_indirect_dma semaphore(%arg11 : memref<!tpu.dma_semaphore, #tpu.memory_space<semaphore_mem>>) src(%dma_wait3A_92 : memref<50176x128xf32, #tpu.memory_space<hbm>>) dst(%arg7 : memref<128x128xf32, #tpu.memory_space<vmem>>)
      %add3A_93 = arith.addi %mul3A_2, %mul3A_35 : i32
      %dma_start3A_94 = arith.constant 0 : i32
      %dma_start3A_95 = tpu.memref_slice %arg4[%add3A_93, %dma_start3A_94] : memref<819200x128xf32, #tpu.memory_space<hbm>> -> memref<128x128xf32, #tpu.memory_space<hbm>>
      %dma_start3A_96 = arith.constant 0 : i32
      %dma_start3A_97 = tpu.memref_slice %arg4[%add3A_93, %dma_start3A_96] : memref<819200x128xf32, #tpu.memory_space<hbm>> -> memref<128x128xf32, #tpu.memory_space<hbm>>
      tpu.enqueue_dma source(%arg7 : memref<128x128xf32, #tpu.memory_space<vmem>>) target(%dma_start3A_97 : memref<128x128xf32, #tpu.memory_space<hbm>>) target_semaphore(%arg15 : memref<!tpu.dma_semaphore, #tpu.memory_space<semaphore_mem>>)
      %dma_wait3A_98 = tpu.memref_slice %arg5[%mul3A_41] : memref<25600xi32, #tpu.memory_space<vmem>> -> memref<128xi32, #tpu.memory_space<vmem>>
      %dma_wait3A_99 = arith.constant 0 : i32
      %dma_wait3A_100 = arith.constant 0 : i32
      %dma_wait3A_101 = tpu.memref_slice %arg2[%dma_wait3A_99, %dma_wait3A_100] : memref<50176x128xf32, #tpu.memory_space<hbm>> -> memref<50176x128xf32, #tpu.memory_space<hbm>>
      tpu.wait_indirect_dma semaphore(%arg12 : memref<!tpu.dma_semaphore, #tpu.memory_space<semaphore_mem>>) src(%dma_wait3A_101 : memref<50176x128xf32, #tpu.memory_space<hbm>>) dst(%arg8 : memref<128x128xf32, #tpu.memory_space<vmem>>)
      %add3A_102 = arith.addi %mul3A_2, %mul3A_41 : i32
      %dma_start3A_103 = arith.constant 0 : i32
      %dma_start3A_104 = tpu.memref_slice %arg4[%add3A_102, %dma_start3A_103] : memref<819200x128xf32, #tpu.memory_space<hbm>> -> memref<128x128xf32, #tpu.memory_space<hbm>>
      %dma_start3A_105 = arith.constant 0 : i32
      %dma_start3A_106 = tpu.memref_slice %arg4[%add3A_102, %dma_start3A_105] : memref<819200x128xf32, #tpu.memory_space<hbm>> -> memref<128x128xf32, #tpu.memory_space<hbm>>
      tpu.enqueue_dma source(%arg8 : memref<128x128xf32, #tpu.memory_space<vmem>>) target(%dma_start3A_106 : memref<128x128xf32, #tpu.memory_space<hbm>>) target_semaphore(%arg16 : memref<!tpu.dma_semaphore, #tpu.memory_space<semaphore_mem>>)
      %dma_wait3A_107 = tpu.memref_slice %arg5[%mul3A_47] : memref<25600xi32, #tpu.memory_space<vmem>> -> memref<128xi32, #tpu.memory_space<vmem>>
      %dma_wait3A_108 = arith.constant 0 : i32
      %dma_wait3A_109 = arith.constant 0 : i32
      %dma_wait3A_110 = tpu.memref_slice %arg2[%dma_wait3A_108, %dma_wait3A_109] : memref<50176x128xf32, #tpu.memory_space<hbm>> -> memref<50176x128xf32, #tpu.memory_space<hbm>>
      tpu.wait_indirect_dma semaphore(%arg13 : memref<!tpu.dma_semaphore, #tpu.memory_space<semaphore_mem>>) src(%dma_wait3A_110 : memref<50176x128xf32, #tpu.memory_space<hbm>>) dst(%arg9 : memref<128x128xf32, #tpu.memory_space<vmem>>)
      %add3A_111 = arith.addi %mul3A_2, %mul3A_47 : i32
      %dma_start3A_112 = arith.constant 0 : i32
      %dma_start3A_113 = tpu.memref_slice %arg4[%add3A_111, %dma_start3A_112] : memref<819200x128xf32, #tpu.memory_space<hbm>> -> memref<128x128xf32, #tpu.memory_space<hbm>>
      %dma_start3A_114 = arith.constant 0 : i32
      %dma_start3A_115 = tpu.memref_slice %arg4[%add3A_111, %dma_start3A_114] : memref<819200x128xf32, #tpu.memory_space<hbm>> -> memref<128x128xf32, #tpu.memory_space<hbm>>
      tpu.enqueue_dma source(%arg9 : memref<128x128xf32, #tpu.memory_space<vmem>>) target(%dma_start3A_115 : memref<128x128xf32, #tpu.memory_space<hbm>>) target_semaphore(%arg17 : memref<!tpu.dma_semaphore, #tpu.memory_space<semaphore_mem>>)
    }
    %scan3A_7 = arith.constant 50 : i32
    %dma_wait3A = arith.constant 0 : i32
    %dma_wait3A_8 = tpu.memref_slice %arg4[%mul3A_2, %dma_wait3A] : memref<819200x128xf32, #tpu.memory_space<hbm>> -> memref<128x128xf32, #tpu.memory_space<hbm>>
    %dma_wait3A_9 = arith.constant 0 : i32
    %dma_wait3A_10 = tpu.memref_slice %arg4[%mul3A_2, %dma_wait3A_9] : memref<819200x128xf32, #tpu.memory_space<hbm>> -> memref<128x128xf32, #tpu.memory_space<hbm>>
    tpu.wait_dma2 semaphore(%arg14 : memref<!tpu.dma_semaphore, #tpu.memory_space<semaphore_mem>>) src(%arg6 : memref<128x128xf32, #tpu.memory_space<vmem>>) dst(%dma_wait3A_10 : memref<128x128xf32, #tpu.memory_space<hbm>>)
    %dma_wait3A_11 = arith.constant 0 : i32
    %dma_wait3A_12 = tpu.memref_slice %arg4[%mul3A_2, %dma_wait3A_11] : memref<819200x128xf32, #tpu.memory_space<hbm>> -> memref<128x128xf32, #tpu.memory_space<hbm>>
    %dma_wait3A_13 = arith.constant 0 : i32
    %dma_wait3A_14 = tpu.memref_slice %arg4[%mul3A_2, %dma_wait3A_13] : memref<819200x128xf32, #tpu.memory_space<hbm>> -> memref<128x128xf32, #tpu.memory_space<hbm>>
    tpu.wait_dma2 semaphore(%arg15 : memref<!tpu.dma_semaphore, #tpu.memory_space<semaphore_mem>>) src(%arg7 : memref<128x128xf32, #tpu.memory_space<vmem>>) dst(%dma_wait3A_14 : memref<128x128xf32, #tpu.memory_space<hbm>>)
    %dma_wait3A_15 = arith.constant 0 : i32
    %dma_wait3A_16 = tpu.memref_slice %arg4[%mul3A_2, %dma_wait3A_15] : memref<819200x128xf32, #tpu.memory_space<hbm>> -> memref<128x128xf32, #tpu.memory_space<hbm>>
    %dma_wait3A_17 = arith.constant 0 : i32
    %dma_wait3A_18 = tpu.memref_slice %arg4[%mul3A_2, %dma_wait3A_17] : memref<819200x128xf32, #tpu.memory_space<hbm>> -> memref<128x128xf32, #tpu.memory_space<hbm>>
    tpu.wait_dma2 semaphore(%arg16 : memref<!tpu.dma_semaphore, #tpu.memory_space<semaphore_mem>>) src(%arg8 : memref<128x128xf32, #tpu.memory_space<vmem>>) dst(%dma_wait3A_18 : memref<128x128xf32, #tpu.memory_space<hbm>>)
    %dma_wait3A_19 = arith.constant 0 : i32
    %dma_wait3A_20 = tpu.memref_slice %arg4[%mul3A_2, %dma_wait3A_19] : memref<819200x128xf32, #tpu.memory_space<hbm>> -> memref<128x128xf32, #tpu.memory_space<hbm>>
    %dma_wait3A_21 = arith.constant 0 : i32
    %dma_wait3A_22 = tpu.memref_slice %arg4[%mul3A_2, %dma_wait3A_21] : memref<819200x128xf32, #tpu.memory_space<hbm>> -> memref<128x128xf32, #tpu.memory_space<hbm>>
    tpu.wait_dma2 semaphore(%arg17 : memref<!tpu.dma_semaphore, #tpu.memory_space<semaphore_mem>>) src(%arg9 : memref<128x128xf32, #tpu.memory_space<vmem>>) dst(%dma_wait3A_22 : memref<128x128xf32, #tpu.memory_space<hbm>>)
    return
  }
}

#map = affine_map<(d0, d1) -> (0, 0)>
#map1 = affine_map<(d0, d1) -> (0)>
module attributes {stable_mosaic.version = 14 : i64} {
  func.func @gk(%arg0: i32, %arg1: i32, %arg2: memref<50176x128xf32, #tpu.memory_space<hbm>>, %arg3: memref<50176x128xf32, #tpu.memory_space<hbm>>, %arg4: memref<819200xi32, #tpu.memory_space<hbm>>, %arg5: memref<819200xi32, #tpu.memory_space<hbm>>, %arg6: memref<819200x128xf32, #tpu.memory_space<hbm>>, %arg7: memref<819200x128xf32, #tpu.memory_space<hbm>>, %arg8: memref<25600xi32, #tpu.memory_space<vmem>>, %arg9: memref<25600xi32, #tpu.memory_space<vmem>>, %arg10: memref<128x128xf32, #tpu.memory_space<vmem>>, %arg11: memref<128x128xf32, #tpu.memory_space<vmem>>, %arg12: memref<!tpu.dma_semaphore, #tpu.memory_space<semaphore_mem>>, %arg13: memref<!tpu.dma_semaphore, #tpu.memory_space<semaphore_mem>>, %arg14: memref<!tpu.dma_semaphore, #tpu.memory_space<semaphore_mem>>, %arg15: memref<!tpu.dma_semaphore, #tpu.memory_space<semaphore_mem>>) attributes {dimension_semantics = [#tpu.dimension_semantics<core_parallel>, #tpu.dimension_semantics<subcore_parallel>], iteration_bounds = array<i64: 2, 16>, scalar_prefetch = 0 : i64, scratch_operands = 8 : i64, tpu.core_type = #tpu.core_type<sc_vector_subcore>, window_params = [{transform_indices = #map}, {transform_indices = #map}, {transform_indices = #map1}, {transform_indices = #map1}, {transform_indices = #map}, {transform_indices = #map}]} {
    %mul3A = arith.constant 2 : i32
    %mul3A_0 = arith.muli %arg1, %mul3A : i32
    %add3A = arith.addi %mul3A_0, %arg0 : i32
    %mul3A_1 = arith.constant 25600 : i32
    %mul3A_2 = arith.muli %add3A, %mul3A_1 : i32
    "tpu.region"() ({
      %run_scoped3A = tpu.sem_alloc : memref<!tpu.dma_semaphore, #tpu.memory_space<semaphore_mem>>
      %dma_start3A = tpu.memref_slice %arg4[%mul3A_2] : memref<819200xi32, #tpu.memory_space<hbm>> -> memref<25600xi32, #tpu.memory_space<hbm>>
      %dma_start3A_15 = tpu.memref_slice %arg4[%mul3A_2] : memref<819200xi32, #tpu.memory_space<hbm>> -> memref<25600xi32, #tpu.memory_space<hbm>>
      tpu.enqueue_dma source(%dma_start3A_15 : memref<25600xi32, #tpu.memory_space<hbm>>) target(%arg8 : memref<25600xi32, #tpu.memory_space<vmem>>) target_semaphore(%run_scoped3A : memref<!tpu.dma_semaphore, #tpu.memory_space<semaphore_mem>>)
      %dma_wait3A_16 = tpu.memref_slice %arg4[%mul3A_2] : memref<819200xi32, #tpu.memory_space<hbm>> -> memref<25600xi32, #tpu.memory_space<hbm>>
      %dma_wait3A_17 = tpu.memref_slice %arg4[%mul3A_2] : memref<819200xi32, #tpu.memory_space<hbm>> -> memref<25600xi32, #tpu.memory_space<hbm>>
      tpu.wait_dma2 semaphore(%run_scoped3A : memref<!tpu.dma_semaphore, #tpu.memory_space<semaphore_mem>>) src(%dma_wait3A_17 : memref<25600xi32, #tpu.memory_space<hbm>>) dst(%arg8 : memref<25600xi32, #tpu.memory_space<vmem>>)
      tpu.yield
    }) : () -> ()
    "tpu.region"() ({
      %run_scoped3A = tpu.sem_alloc : memref<!tpu.dma_semaphore, #tpu.memory_space<semaphore_mem>>
      %dma_start3A = tpu.memref_slice %arg5[%mul3A_2] : memref<819200xi32, #tpu.memory_space<hbm>> -> memref<25600xi32, #tpu.memory_space<hbm>>
      %dma_start3A_15 = tpu.memref_slice %arg5[%mul3A_2] : memref<819200xi32, #tpu.memory_space<hbm>> -> memref<25600xi32, #tpu.memory_space<hbm>>
      tpu.enqueue_dma source(%dma_start3A_15 : memref<25600xi32, #tpu.memory_space<hbm>>) target(%arg9 : memref<25600xi32, #tpu.memory_space<vmem>>) target_semaphore(%run_scoped3A : memref<!tpu.dma_semaphore, #tpu.memory_space<semaphore_mem>>)
      %dma_wait3A_16 = tpu.memref_slice %arg5[%mul3A_2] : memref<819200xi32, #tpu.memory_space<hbm>> -> memref<25600xi32, #tpu.memory_space<hbm>>
      %dma_wait3A_17 = tpu.memref_slice %arg5[%mul3A_2] : memref<819200xi32, #tpu.memory_space<hbm>> -> memref<25600xi32, #tpu.memory_space<hbm>>
      tpu.wait_dma2 semaphore(%run_scoped3A : memref<!tpu.dma_semaphore, #tpu.memory_space<semaphore_mem>>) src(%dma_wait3A_17 : memref<25600xi32, #tpu.memory_space<hbm>>) dst(%arg9 : memref<25600xi32, #tpu.memory_space<vmem>>)
      tpu.yield
    }) : () -> ()
    %scan3A = arith.constant 0 : i32
    %scan3A_3 = arith.constant 0 : i32
    %scan3A_4 = arith.constant 200 : i32
    %scan3A_5 = arith.addi %scan3A_3, %scan3A_4 : i32
    %scan3A_6 = arith.constant 1 : i32
    scf.for %scan3A_15 = %scan3A_3 to %scan3A_5 step %scan3A_6  : i32 {
      %mul3A_16 = arith.constant 128 : i32
      %mul3A_17 = arith.muli %scan3A_15, %mul3A_16 : i32
      %gt3A = arith.constant 0 : i32
      %gt3A_18 = arith.cmpi sgt, %scan3A_15, %gt3A : i32
      %convert_element_type3A = arith.extui %gt3A_18 : i1 to i32
      %cond3A = arith.constant 0 : i32
      %cond3A_19 = arith.cmpi ne, %convert_element_type3A, %cond3A : i32
      scf.if %cond3A_19 {
        %add3A_45 = arith.addi %mul3A_2, %mul3A_17 : i32
        %dma_wait3A_46 = arith.constant 0 : i32
        %dma_wait3A_47 = tpu.memref_slice %arg6[%add3A_45, %dma_wait3A_46] : memref<819200x128xf32, #tpu.memory_space<hbm>> -> memref<128x128xf32, #tpu.memory_space<hbm>>
        %dma_wait3A_48 = arith.constant 0 : i32
        %dma_wait3A_49 = tpu.memref_slice %arg6[%add3A_45, %dma_wait3A_48] : memref<819200x128xf32, #tpu.memory_space<hbm>> -> memref<128x128xf32, #tpu.memory_space<hbm>>
        tpu.wait_dma2 semaphore(%arg14 : memref<!tpu.dma_semaphore, #tpu.memory_space<semaphore_mem>>) src(%arg10 : memref<128x128xf32, #tpu.memory_space<vmem>>) dst(%dma_wait3A_49 : memref<128x128xf32, #tpu.memory_space<hbm>>)
        %add3A_50 = arith.addi %mul3A_2, %mul3A_17 : i32
        %dma_wait3A_51 = arith.constant 0 : i32
        %dma_wait3A_52 = tpu.memref_slice %arg7[%add3A_50, %dma_wait3A_51] : memref<819200x128xf32, #tpu.memory_space<hbm>> -> memref<128x128xf32, #tpu.memory_space<hbm>>
        %dma_wait3A_53 = arith.constant 0 : i32
        %dma_wait3A_54 = tpu.memref_slice %arg7[%add3A_50, %dma_wait3A_53] : memref<819200x128xf32, #tpu.memory_space<hbm>> -> memref<128x128xf32, #tpu.memory_space<hbm>>
        tpu.wait_dma2 semaphore(%arg15 : memref<!tpu.dma_semaphore, #tpu.memory_space<semaphore_mem>>) src(%arg11 : memref<128x128xf32, #tpu.memory_space<vmem>>) dst(%dma_wait3A_54 : memref<128x128xf32, #tpu.memory_space<hbm>>)
      } else {
      }
      %dma_start3A = tpu.memref_slice %arg8[%mul3A_17] : memref<25600xi32, #tpu.memory_space<vmem>> -> memref<128xi32, #tpu.memory_space<vmem>>
      %dma_start3A_20 = arith.constant 0 : i32
      %dma_start3A_21 = arith.constant 0 : i32
      %dma_start3A_22 = tpu.memref_slice %arg2[%dma_start3A_20, %dma_start3A_21] : memref<50176x128xf32, #tpu.memory_space<hbm>> -> memref<50176x128xf32, #tpu.memory_space<hbm>>
      tpu.enqueue_indirect_dma source(%dma_start3A_22 : memref<50176x128xf32, #tpu.memory_space<hbm>>) target(%arg10 : memref<128x128xf32, #tpu.memory_space<vmem>>) offsets(%dma_start3A : memref<128xi32, #tpu.memory_space<vmem>>) semaphore(%arg12 : memref<!tpu.dma_semaphore, #tpu.memory_space<semaphore_mem>>)
      %dma_start3A_23 = tpu.memref_slice %arg9[%mul3A_17] : memref<25600xi32, #tpu.memory_space<vmem>> -> memref<128xi32, #tpu.memory_space<vmem>>
      %dma_start3A_24 = arith.constant 0 : i32
      %dma_start3A_25 = arith.constant 0 : i32
      %dma_start3A_26 = tpu.memref_slice %arg3[%dma_start3A_24, %dma_start3A_25] : memref<50176x128xf32, #tpu.memory_space<hbm>> -> memref<50176x128xf32, #tpu.memory_space<hbm>>
      tpu.enqueue_indirect_dma source(%dma_start3A_26 : memref<50176x128xf32, #tpu.memory_space<hbm>>) target(%arg11 : memref<128x128xf32, #tpu.memory_space<vmem>>) offsets(%dma_start3A_23 : memref<128xi32, #tpu.memory_space<vmem>>) semaphore(%arg13 : memref<!tpu.dma_semaphore, #tpu.memory_space<semaphore_mem>>)
      %dma_wait3A_27 = tpu.memref_slice %arg8[%mul3A_17] : memref<25600xi32, #tpu.memory_space<vmem>> -> memref<128xi32, #tpu.memory_space<vmem>>
      %dma_wait3A_28 = arith.constant 0 : i32
      %dma_wait3A_29 = arith.constant 0 : i32
      %dma_wait3A_30 = tpu.memref_slice %arg2[%dma_wait3A_28, %dma_wait3A_29] : memref<50176x128xf32, #tpu.memory_space<hbm>> -> memref<50176x128xf32, #tpu.memory_space<hbm>>
      tpu.wait_indirect_dma semaphore(%arg12 : memref<!tpu.dma_semaphore, #tpu.memory_space<semaphore_mem>>) src(%dma_wait3A_30 : memref<50176x128xf32, #tpu.memory_space<hbm>>) dst(%arg10 : memref<128x128xf32, #tpu.memory_space<vmem>>)
      %add3A_31 = arith.addi %mul3A_2, %mul3A_17 : i32
      %dma_start3A_32 = arith.constant 0 : i32
      %dma_start3A_33 = tpu.memref_slice %arg6[%add3A_31, %dma_start3A_32] : memref<819200x128xf32, #tpu.memory_space<hbm>> -> memref<128x128xf32, #tpu.memory_space<hbm>>
      %dma_start3A_34 = arith.constant 0 : i32
      %dma_start3A_35 = tpu.memref_slice %arg6[%add3A_31, %dma_start3A_34] : memref<819200x128xf32, #tpu.memory_space<hbm>> -> memref<128x128xf32, #tpu.memory_space<hbm>>
      tpu.enqueue_dma source(%arg10 : memref<128x128xf32, #tpu.memory_space<vmem>>) target(%dma_start3A_35 : memref<128x128xf32, #tpu.memory_space<hbm>>) target_semaphore(%arg14 : memref<!tpu.dma_semaphore, #tpu.memory_space<semaphore_mem>>)
      %dma_wait3A_36 = tpu.memref_slice %arg9[%mul3A_17] : memref<25600xi32, #tpu.memory_space<vmem>> -> memref<128xi32, #tpu.memory_space<vmem>>
      %dma_wait3A_37 = arith.constant 0 : i32
      %dma_wait3A_38 = arith.constant 0 : i32
      %dma_wait3A_39 = tpu.memref_slice %arg3[%dma_wait3A_37, %dma_wait3A_38] : memref<50176x128xf32, #tpu.memory_space<hbm>> -> memref<50176x128xf32, #tpu.memory_space<hbm>>
      tpu.wait_indirect_dma semaphore(%arg13 : memref<!tpu.dma_semaphore, #tpu.memory_space<semaphore_mem>>) src(%dma_wait3A_39 : memref<50176x128xf32, #tpu.memory_space<hbm>>) dst(%arg11 : memref<128x128xf32, #tpu.memory_space<vmem>>)
      %add3A_40 = arith.addi %mul3A_2, %mul3A_17 : i32
      %dma_start3A_41 = arith.constant 0 : i32
      %dma_start3A_42 = tpu.memref_slice %arg7[%add3A_40, %dma_start3A_41] : memref<819200x128xf32, #tpu.memory_space<hbm>> -> memref<128x128xf32, #tpu.memory_space<hbm>>
      %dma_start3A_43 = arith.constant 0 : i32
      %dma_start3A_44 = tpu.memref_slice %arg7[%add3A_40, %dma_start3A_43] : memref<819200x128xf32, #tpu.memory_space<hbm>> -> memref<128x128xf32, #tpu.memory_space<hbm>>
      tpu.enqueue_dma source(%arg11 : memref<128x128xf32, #tpu.memory_space<vmem>>) target(%dma_start3A_44 : memref<128x128xf32, #tpu.memory_space<hbm>>) target_semaphore(%arg15 : memref<!tpu.dma_semaphore, #tpu.memory_space<semaphore_mem>>)
    }
    %scan3A_7 = arith.constant 200 : i32
    %dma_wait3A = arith.constant 0 : i32
    %dma_wait3A_8 = tpu.memref_slice %arg6[%mul3A_2, %dma_wait3A] : memref<819200x128xf32, #tpu.memory_space<hbm>> -> memref<128x128xf32, #tpu.memory_space<hbm>>
    %dma_wait3A_9 = arith.constant 0 : i32
    %dma_wait3A_10 = tpu.memref_slice %arg6[%mul3A_2, %dma_wait3A_9] : memref<819200x128xf32, #tpu.memory_space<hbm>> -> memref<128x128xf32, #tpu.memory_space<hbm>>
    tpu.wait_dma2 semaphore(%arg14 : memref<!tpu.dma_semaphore, #tpu.memory_space<semaphore_mem>>) src(%arg10 : memref<128x128xf32, #tpu.memory_space<vmem>>) dst(%dma_wait3A_10 : memref<128x128xf32, #tpu.memory_space<hbm>>)
    %dma_wait3A_11 = arith.constant 0 : i32
    %dma_wait3A_12 = tpu.memref_slice %arg7[%mul3A_2, %dma_wait3A_11] : memref<819200x128xf32, #tpu.memory_space<hbm>> -> memref<128x128xf32, #tpu.memory_space<hbm>>
    %dma_wait3A_13 = arith.constant 0 : i32
    %dma_wait3A_14 = tpu.memref_slice %arg7[%mul3A_2, %dma_wait3A_13] : memref<819200x128xf32, #tpu.memory_space<hbm>> -> memref<128x128xf32, #tpu.memory_space<hbm>>
    tpu.wait_dma2 semaphore(%arg15 : memref<!tpu.dma_semaphore, #tpu.memory_space<semaphore_mem>>) src(%arg11 : memref<128x128xf32, #tpu.memory_space<vmem>>) dst(%dma_wait3A_14 : memref<128x128xf32, #tpu.memory_space<hbm>>)
    return
  }
}

module attributes {stable_mosaic.version = 14 : i64} {
  func.func @_embed_body(%arg0: i32, %arg1: memref<1000x128xf32, #tpu.memory_space<vmem>>, %arg2: memref<128x256xf32, #tpu.memory_space<vmem>>, %arg3: memref<1x256xf32, #tpu.memory_space<vmem>>, %arg4: memref<1x256xf32, #tpu.memory_space<vmem>>, %arg5: memref<1x256xf32, #tpu.memory_space<vmem>>, %arg6: memref<256x256xf32, #tpu.memory_space<vmem>>, %arg7: memref<1000x256xf32, #tpu.memory_space<vmem>>, %arg8: memref<1000x128xf32, #tpu.memory_space<vmem>>) attributes {dimension_semantics = [#tpu.dimension_semantics<arbitrary>], iteration_bounds = array<i64: 50>, scalar_prefetch = 0 : i64, scratch_operands = 0 : i64, tpu.core_type = #tpu.core_type<tc>, window_params = [{transform_indices = @transform_0, window_bounds = array<i64: 1000, 128>}, {pipeline_mode = #tpu.pipeline_mode<synchronous>, transform_indices = @transform_1, window_bounds = array<i64: 128, 256>}, {pipeline_mode = #tpu.pipeline_mode<synchronous>, transform_indices = @transform_2, window_bounds = array<i64: 1, 256>}, {pipeline_mode = #tpu.pipeline_mode<synchronous>, transform_indices = @transform_3, window_bounds = array<i64: 1, 256>}, {pipeline_mode = #tpu.pipeline_mode<synchronous>, transform_indices = @transform_4, window_bounds = array<i64: 1, 256>}, {pipeline_mode = #tpu.pipeline_mode<synchronous>, transform_indices = @transform_5, window_bounds = array<i64: 256, 256>}, {transform_indices = @transform_6, window_bounds = array<i64: 1000, 256>}, {transform_indices = @transform_7, window_bounds = array<i64: 1000, 128>}]} {
    %get3A = arith.constant 0 : index
    %get3A_0 = arith.constant 0 : index
    %get3A_1 = vector.load %arg1[%get3A, %get3A_0] : memref<1000x128xf32, #tpu.memory_space<vmem>>, vector<1000x128xf32>
    %get3A_2 = arith.constant 0 : index
    %get3A_3 = arith.constant 0 : index
    %get3A_4 = vector.load %arg2[%get3A_2, %get3A_3] : memref<128x256xf32, #tpu.memory_space<vmem>>, vector<128x256xf32>
    %dot_general3A = arith.constant dense<0.000000e+00> : vector<1000x256xf32>
    %dot_general3A_5 = tpu.matmul %get3A_1, %get3A_4, %dot_general3A {dimension_numbers = #tpu.dot_dimension_numbers<[1], [0], [0], [1], [0, 0, 1, 1], [], []>, transpose_lhs_hint = false} : vector<1000x128xf32>, vector<128x256xf32>, vector<1000x256xf32> -> vector<1000x256xf32>
    %get3A_6 = arith.constant 0 : index
    %get3A_7 = arith.constant 0 : index
    %get3A_8 = vector.load %arg3[%get3A_6, %get3A_7] : memref<1x256xf32, #tpu.memory_space<vmem>>, vector<1x256xf32>
    %add3A = vector.broadcast %get3A_8 : vector<1x256xf32> to vector<1000x256xf32>
    %add3A_9 = arith.addf %dot_general3A_5, %add3A : vector<1000x256xf32>
    %logistic3A = arith.negf %add3A_9 : vector<1000x256xf32>
    %logistic3A_10 = math.exp %logistic3A : vector<1000x256xf32>
    %logistic3A_11 = arith.constant 1.000000e+00 : f32
    %logistic3A_12 = vector.broadcast %logistic3A_11 : f32 to vector<1000x256xf32>
    %logistic3A_13 = arith.addf %logistic3A_12, %logistic3A_10 : vector<1000x256xf32>
    %logistic3A_14 = arith.divf %logistic3A_12, %logistic3A_13 : vector<1000x256xf32>
    %mul3A = arith.mulf %add3A_9, %logistic3A_14 : vector<1000x256xf32>
    %get3A_15 = arith.constant 0 : index
    %get3A_16 = arith.constant 0 : index
    %get3A_17 = vector.load %arg4[%get3A_15, %get3A_16] : memref<1x256xf32, #tpu.memory_space<vmem>>, vector<1x256xf32>
    %get3A_18 = arith.constant 0 : index
    %get3A_19 = arith.constant 0 : index
    %get3A_20 = vector.load %arg5[%get3A_18, %get3A_19] : memref<1x256xf32, #tpu.memory_space<vmem>>, vector<1x256xf32>
    %reduce_sum3A = arith.constant dense<0.000000e+00> : vector<1000xf32>
    %reduce_sum3A_21 = vector.multi_reduction <add>, %mul3A, %reduce_sum3A [1] : vector<1000x256xf32> to vector<1000xf32>
    %broadcast_in_dim3A = vector.shape_cast %reduce_sum3A_21 : vector<1000xf32> to vector<1000x1xf32>
    %div3A = arith.constant 2.560000e+02 : f32
    %div3A_22 = vector.broadcast %div3A : f32 to vector<1000x1xf32>
    %div3A_23 = arith.divf %broadcast_in_dim3A, %div3A_22 : vector<1000x1xf32>
    %jit3A = arith.constant 0 : i32
    %reduce_sum3A_24 = arith.constant dense<0.000000e+00> : vector<1000xf32>
    %reduce_sum3A_25 = vector.multi_reduction <add>, %mul3A, %reduce_sum3A_24 [1] : vector<1000x256xf32> to vector<1000xf32>
    %broadcast_in_dim3A_26 = vector.shape_cast %reduce_sum3A_25 : vector<1000xf32> to vector<1000x1xf32>
    %div3A_27 = arith.constant 2.560000e+02 : f32
    %div3A_28 = vector.broadcast %div3A_27 : f32 to vector<1000x1xf32>
    %div3A_29 = arith.divf %broadcast_in_dim3A_26, %div3A_28 : vector<1000x1xf32>
    %sub3A = vector.broadcast %div3A_29 : vector<1000x1xf32> to vector<1000x256xf32>
    %sub3A_30 = arith.subf %mul3A, %sub3A : vector<1000x256xf32>
    %square3A = arith.mulf %sub3A_30, %sub3A_30 : vector<1000x256xf32>
    %convert_element_type3A = arith.sitofp %jit3A : i32 to f32
    %sub3A_31 = arith.constant 2.560000e+02 : f32
    %sub3A_32 = arith.subf %sub3A_31, %convert_element_type3A : f32
    %reduce_sum3A_33 = arith.constant dense<0.000000e+00> : vector<1000xf32>
    %reduce_sum3A_34 = vector.multi_reduction <add>, %square3A, %reduce_sum3A_33 [1] : vector<1000x256xf32> to vector<1000xf32>
    %broadcast_in_dim3A_35 = vector.shape_cast %reduce_sum3A_34 : vector<1000xf32> to vector<1000x1xf32>
    %div3A_36 = vector.broadcast %sub3A_32 : f32 to vector<1000x1xf32>
    %div3A_37 = arith.divf %broadcast_in_dim3A_35, %div3A_36 : vector<1000x1xf32>
    %gt3A = arith.constant 0.000000e+00 : f32
    %gt3A_38 = arith.cmpf ogt, %sub3A_32, %gt3A : f32
    %jit3A_39 = arith.constant 0x7FC00000 : f32
    %broadcast_in_dim3A_40 = vector.broadcast %jit3A_39 : f32 to vector<1000x1xf32>
    %select_n3A = arith.select %gt3A_38, %div3A_37, %broadcast_in_dim3A_40 : vector<1000x1xf32>
    %sub3A_41 = vector.broadcast %div3A_23 : vector<1000x1xf32> to vector<1000x256xf32>
    %sub3A_42 = arith.subf %mul3A, %sub3A_41 : vector<1000x256xf32>
    %mul3A_43 = vector.broadcast %get3A_17 : vector<1x256xf32> to vector<1000x256xf32>
    %mul3A_44 = arith.mulf %mul3A_43, %sub3A_42 : vector<1000x256xf32>
    %add3A_45 = arith.constant 9.99999974E-6 : f32
    %add3A_46 = vector.broadcast %add3A_45 : f32 to vector<1000x1xf32>
    %add3A_47 = arith.addf %select_n3A, %add3A_46 : vector<1000x1xf32>
    %sqrt3A = math.sqrt %add3A_47 : vector<1000x1xf32>
    %div3A_48 = vector.broadcast %sqrt3A : vector<1000x1xf32> to vector<1000x256xf32>
    %div3A_49 = arith.divf %mul3A_44, %div3A_48 : vector<1000x256xf32>
    %add3A_50 = vector.broadcast %get3A_20 : vector<1x256xf32> to vector<1000x256xf32>
    %add3A_51 = arith.addf %div3A_49, %add3A_50 : vector<1000x256xf32>
    %swap3A = arith.constant 0 : index
    %swap3A_52 = arith.constant 0 : index
    %swap3A_53 = vector.load %arg7[%swap3A, %swap3A_52] : memref<1000x256xf32, #tpu.memory_space<vmem>>, vector<1000x256xf32>
    tpu.vector_store %arg7[%swap3A, %swap3A_52], %add3A_51 {strides = array<i32>} : memref<1000x256xf32, #tpu.memory_space<vmem>>, vector<1000x256xf32>,
    %get3A_54 = arith.constant 0 : index
    %get3A_55 = arith.constant 0 : index
    %get3A_56 = vector.load %arg6[%get3A_54, %get3A_55] : memref<256x256xf32, #tpu.memory_space<vmem>>, vector<256x256xf32>
    %dot_general3A_57 = arith.constant dense<0.000000e+00> : vector<1000x256xf32>
    %dot_general3A_58 = tpu.matmul %add3A_51, %get3A_56, %dot_general3A_57 {dimension_numbers = #tpu.dot_dimension_numbers<[1], [0], [0], [1], [0, 0, 1, 1], [], []>, transpose_lhs_hint = false} : vector<1000x256xf32>, vector<256x256xf32>, vector<1000x256xf32> -> vector<1000x256xf32>
    %slice3A = vector.extract_strided_slice %dot_general3A_58 {offsets = [0, 0], sizes = [1000, 128], strides = [1, 1]} : vector<1000x256xf32> to vector<1000x128xf32>
    %convert_element_type3A_59 = arith.truncf %slice3A : vector<1000x128xf32> to vector<1000x128xbf16>
    %slice3A_60 = vector.extract_strided_slice %dot_general3A_58 {offsets = [0, 128], sizes = [1000, 128], strides = [1, 1]} : vector<1000x256xf32> to vector<1000x128xf32>
    %convert_element_type3A_61 = arith.truncf %slice3A_60 : vector<1000x128xf32> to vector<1000x128xbf16>
    %bitcast_convert_type3A = tpu.bitcast %convert_element_type3A_59 : vector<1000x128xbf16> -> vector<1000x128xi16>
    %convert_element_type3A_62 = arith.extui %bitcast_convert_type3A : vector<1000x128xi16> to vector<1000x128xi32>
    %bitcast_convert_type3A_63 = tpu.bitcast %convert_element_type3A_61 : vector<1000x128xbf16> -> vector<1000x128xi16>
    %convert_element_type3A_64 = arith.extui %bitcast_convert_type3A_63 : vector<1000x128xi16> to vector<1000x128xi32>
    %shift_left3A = arith.constant 16 : i32
    %shift_left3A_65 = vector.broadcast %shift_left3A : i32 to vector<1000x128xi32>
    %shift_left3A_66 = arith.shli %convert_element_type3A_62, %shift_left3A_65 : vector<1000x128xi32>
    %or3A = arith.ori %shift_left3A_66, %convert_element_type3A_64 : vector<1000x128xi32>
    %bitcast_convert_type3A_67 = tpu.bitcast %or3A : vector<1000x128xi32> -> vector<1000x128xf32>
    %swap3A_68 = arith.constant 0 : index
    %swap3A_69 = arith.constant 0 : index
    %swap3A_70 = vector.load %arg8[%swap3A_68, %swap3A_69] : memref<1000x128xf32, #tpu.memory_space<vmem>>, vector<1000x128xf32>
    tpu.vector_store %arg8[%swap3A_68, %swap3A_69], %bitcast_convert_type3A_67 {strides = array<i32>} : memref<1000x128xf32, #tpu.memory_space<vmem>>, vector<1000x128xf32>,
    return
  }
  func.func @transform_0(%arg0: i32) -> (i32, i32) {
    %c0_i32 = arith.constant 0 : i32
    %c0_i32_0 = arith.constant 0 : i32
    return %arg0, %c0_i32 : i32, i32
  }
  func.func @transform_1(%arg0: i32) -> (i32, i32) {
    %c0_i32 = arith.constant 0 : i32
    %c0_i32_0 = arith.constant 0 : i32
    %c0_i32_1 = arith.constant 0 : i32
    return %c0_i32, %c0_i32_0 : i32, i32
  }
  func.func @transform_2(%arg0: i32) -> (i32, i32) {
    %c0_i32 = arith.constant 0 : i32
    %c0_i32_0 = arith.constant 0 : i32
    %c0_i32_1 = arith.constant 0 : i32
    return %c0_i32, %c0_i32_0 : i32, i32
  }
  func.func @transform_3(%arg0: i32) -> (i32, i32) {
    %c0_i32 = arith.constant 0 : i32
    %c0_i32_0 = arith.constant 0 : i32
    %c0_i32_1 = arith.constant 0 : i32
    return %c0_i32, %c0_i32_0 : i32, i32
  }
  func.func @transform_4(%arg0: i32) -> (i32, i32) {
    %c0_i32 = arith.constant 0 : i32
    %c0_i32_0 = arith.constant 0 : i32
    %c0_i32_1 = arith.constant 0 : i32
    return %c0_i32, %c0_i32_0 : i32, i32
  }
  func.func @transform_5(%arg0: i32) -> (i32, i32) {
    %c0_i32 = arith.constant 0 : i32
    %c0_i32_0 = arith.constant 0 : i32
    %c0_i32_1 = arith.constant 0 : i32
    return %c0_i32, %c0_i32_0 : i32, i32
  }
  func.func @transform_6(%arg0: i32) -> (i32, i32) {
    %c0_i32 = arith.constant 0 : i32
    %c0_i32_0 = arith.constant 0 : i32
    return %arg0, %c0_i32 : i32, i32
  }
  func.func @transform_7(%arg0: i32) -> (i32, i32) {
    %c0_i32 = arith.constant 0 : i32
    %c0_i32_0 = arith.constant 0 : i32
    return %arg0, %c0_i32 : i32, i32
  }
}

module attributes {stable_mosaic.version = 14 : i64} {
  func.func @_enc_body(%arg0: i32, %arg1: memref<4096x128xf32, #tpu.memory_space<vmem>>, %arg2: memref<4096x128xf32, #tpu.memory_space<vmem>>, %arg3: memref<32x128xf32, #tpu.memory_space<vmem>>, %arg4: memref<1x40xf32, #tpu.memory_space<vmem>>, %arg5: memref<128x128xf32, #tpu.memory_space<vmem>>, %arg6: memref<128x128xf32, #tpu.memory_space<vmem>>, %arg7: memref<40x128xf32, #tpu.memory_space<vmem>>, %arg8: memref<1x128xf32, #tpu.memory_space<vmem>>, %arg9: memref<128x128xf32, #tpu.memory_space<vmem>>, %arg10: memref<1x128xf32, #tpu.memory_space<vmem>>, %arg11: memref<1x128xf32, #tpu.memory_space<vmem>>, %arg12: memref<1x128xf32, #tpu.memory_space<vmem>>, %arg13: memref<4096x128xf32, #tpu.memory_space<vmem>>) attributes {dimension_semantics = [#tpu.dimension_semantics<arbitrary>], iteration_bounds = array<i64: 200>, scalar_prefetch = 0 : i64, scratch_operands = 0 : i64, tpu.core_type = #tpu.core_type<tc>, window_params = [{transform_indices = @transform_0, window_bounds = array<i64: 4096, 128>}, {transform_indices = @transform_1, window_bounds = array<i64: 4096, 128>}, {transform_indices = @transform_2, window_bounds = array<i64: 32, 128>}, {pipeline_mode = #tpu.pipeline_mode<synchronous>, transform_indices = @transform_3, window_bounds = array<i64: 1, 40>}, {pipeline_mode = #tpu.pipeline_mode<synchronous>, transform_indices = @transform_4, window_bounds = array<i64: 128, 128>}, {pipeline_mode = #tpu.pipeline_mode<synchronous>, transform_indices = @transform_5, window_bounds = array<i64: 128, 128>}, {pipeline_mode = #tpu.pipeline_mode<synchronous>, transform_indices = @transform_6, window_bounds = array<i64: 40, 128>}, {pipeline_mode = #tpu.pipeline_mode<synchronous>, transform_indices = @transform_7, window_bounds = array<i64: 1, 128>}, {pipeline_mode = #tpu.pipeline_mode<synchronous>, transform_indices = @transform_8, window_bounds = array<i64: 128, 128>}, {pipeline_mode = #tpu.pipeline_mode<synchronous>, transform_indices = @transform_9, window_bounds = array<i64: 1, 128>}, {pipeline_mode = #tpu.pipeline_mode<synchronous>, transform_indices = @transform_10, window_bounds = array<i64: 1, 128>}, {pipeline_mode = #tpu.pipeline_mode<synchronous>, transform_indices = @transform_11, window_bounds = array<i64: 1, 128>}, {transform_indices = @transform_12, window_bounds = array<i64: 4096, 128>}]} {
    %get3A = arith.constant 0 : index
    %get3A_0 = arith.constant 0 : index
    %get3A_1 = vector.load %arg3[%get3A, %get3A_0] : memref<32x128xf32, #tpu.memory_space<vmem>>, vector<32x128xf32>
    %broadcast_in_dim3A = vector.shape_cast %get3A_1 : vector<32x128xf32> to vector<32x128x1xf32>
    %get3A_2 = arith.constant 0 : index
    %get3A_3 = arith.constant 0 : index
    %get3A_4 = vector.load %arg4[%get3A_2, %get3A_3] : memref<1x40xf32, #tpu.memory_space<vmem>>, vector<1x40xf32>
    %reshape3A = vector.shape_cast %get3A_4 : vector<1x40xf32> to vector<1x1x40xf32>
    %sub3A = vector.broadcast %broadcast_in_dim3A : vector<32x128x1xf32> to vector<32x128x40xf32>
    %sub3A_5 = vector.broadcast %reshape3A : vector<1x1x40xf32> to vector<32x128x40xf32>
    %sub3A_6 = arith.subf %sub3A, %sub3A_5 : vector<32x128x40xf32>
    %integer_pow3A = arith.mulf %sub3A_6, %sub3A_6 : vector<32x128x40xf32>
    %neg3A = arith.constant 0.000000e+00 : f32
    %neg3A_7 = vector.broadcast %neg3A : f32 to vector<32x128x40xf32>
    %neg3A_8 = arith.subf %neg3A_7, %integer_pow3A : vector<32x128x40xf32>
    %div3A = arith.constant 4.000000e-02 : f32
    %div3A_9 = vector.broadcast %div3A : f32 to vector<32x128x40xf32>
    %div3A_10 = arith.divf %neg3A_8, %div3A_9 : vector<32x128x40xf32>
    %exp3A = math.exp %div3A_10 : vector<32x128x40xf32>
    %reshape3A_11 = vector.shape_cast %exp3A : vector<32x128x40xf32> to vector<4096x40xf32>
    %get3A_12 = arith.constant 0 : index
    %get3A_13 = arith.constant 0 : index
    %get3A_14 = vector.load %arg1[%get3A_12, %get3A_13] : memref<4096x128xf32, #tpu.memory_space<vmem>>, vector<4096x128xf32>
    %convert_element_type3A = arith.truncf %get3A_14 : vector<4096x128xf32> to vector<4096x128xbf16>
    %get3A_15 = arith.constant 0 : index
    %get3A_16 = arith.constant 0 : index
    %get3A_17 = vector.load %arg5[%get3A_15, %get3A_16] : memref<128x128xf32, #tpu.memory_space<vmem>>, vector<128x128xf32>
    %convert_element_type3A_18 = arith.truncf %get3A_17 : vector<128x128xf32> to vector<128x128xbf16>
    %dot_general3A = arith.constant dense<0.000000e+00> : vector<4096x128xf32>
    %dot_general3A_19 = tpu.matmul %convert_element_type3A, %convert_element_type3A_18, %dot_general3A {dimension_numbers = #tpu.dot_dimension_numbers<[1], [0], [0], [1], [0, 0, 1, 1], [], []>, transpose_lhs_hint = false} : vector<4096x128xbf16>, vector<128x128xbf16>, vector<4096x128xf32> -> vector<4096x128xf32>
    %get3A_20 = arith.constant 0 : index
    %get3A_21 = arith.constant 0 : index
    %get3A_22 = vector.load %arg2[%get3A_20, %get3A_21] : memref<4096x128xf32, #tpu.memory_space<vmem>>, vector<4096x128xf32>
    %convert_element_type3A_23 = arith.truncf %get3A_22 : vector<4096x128xf32> to vector<4096x128xbf16>
    %get3A_24 = arith.constant 0 : index
    %get3A_25 = arith.constant 0 : index
    %get3A_26 = vector.load %arg6[%get3A_24, %get3A_25] : memref<128x128xf32, #tpu.memory_space<vmem>>, vector<128x128xf32>
    %convert_element_type3A_27 = arith.truncf %get3A_26 : vector<128x128xf32> to vector<128x128xbf16>
    %dot_general3A_28 = arith.constant dense<0.000000e+00> : vector<4096x128xf32>
    %dot_general3A_29 = tpu.matmul %convert_element_type3A_23, %convert_element_type3A_27, %dot_general3A_28 {dimension_numbers = #tpu.dot_dimension_numbers<[1], [0], [0], [1], [0, 0, 1, 1], [], []>, transpose_lhs_hint = false} : vector<4096x128xbf16>, vector<128x128xbf16>, vector<4096x128xf32> -> vector<4096x128xf32>
    %add3A = arith.addf %dot_general3A_19, %dot_general3A_29 : vector<4096x128xf32>
    %get3A_30 = arith.constant 0 : index
    %get3A_31 = arith.constant 0 : index
    %get3A_32 = vector.load %arg7[%get3A_30, %get3A_31] : memref<40x128xf32, #tpu.memory_space<vmem>>, vector<40x128xf32>
    %dot_general3A_33 = arith.constant dense<0.000000e+00> : vector<4096x128xf32>
    %dot_general3A_34 = tpu.matmul %reshape3A_11, %get3A_32, %dot_general3A_33 {dimension_numbers = #tpu.dot_dimension_numbers<[1], [0], [0], [1], [0, 0, 1, 1], [], []>, transpose_lhs_hint = false} : vector<4096x40xf32>, vector<40x128xf32>, vector<4096x128xf32> -> vector<4096x128xf32>
    %add3A_35 = arith.addf %add3A, %dot_general3A_34 : vector<4096x128xf32>
    %get3A_36 = arith.constant 0 : index
    %get3A_37 = arith.constant 0 : index
    %get3A_38 = vector.load %arg8[%get3A_36, %get3A_37] : memref<1x128xf32, #tpu.memory_space<vmem>>, vector<1x128xf32>
    %add3A_39 = vector.broadcast %get3A_38 : vector<1x128xf32> to vector<4096x128xf32>
    %add3A_40 = arith.addf %add3A_35, %add3A_39 : vector<4096x128xf32>
    %logistic3A = arith.negf %add3A_40 : vector<4096x128xf32>
    %logistic3A_41 = math.exp %logistic3A : vector<4096x128xf32>
    %logistic3A_42 = arith.constant 1.000000e+00 : f32
    %logistic3A_43 = vector.broadcast %logistic3A_42 : f32 to vector<4096x128xf32>
    %logistic3A_44 = arith.addf %logistic3A_43, %logistic3A_41 : vector<4096x128xf32>
    %logistic3A_45 = arith.divf %logistic3A_43, %logistic3A_44 : vector<4096x128xf32>
    %mul3A = arith.mulf %add3A_40, %logistic3A_45 : vector<4096x128xf32>
    %convert_element_type3A_46 = arith.truncf %mul3A : vector<4096x128xf32> to vector<4096x128xbf16>
    %get3A_47 = arith.constant 0 : index
    %get3A_48 = arith.constant 0 : index
    %get3A_49 = vector.load %arg9[%get3A_47, %get3A_48] : memref<128x128xf32, #tpu.memory_space<vmem>>, vector<128x128xf32>
    %convert_element_type3A_50 = arith.truncf %get3A_49 : vector<128x128xf32> to vector<128x128xbf16>
    %dot_general3A_51 = arith.constant dense<0.000000e+00> : vector<4096x128xf32>
    %dot_general3A_52 = tpu.matmul %convert_element_type3A_46, %convert_element_type3A_50, %dot_general3A_51 {dimension_numbers = #tpu.dot_dimension_numbers<[1], [0], [0], [1], [0, 0, 1, 1], [], []>, transpose_lhs_hint = false} : vector<4096x128xbf16>, vector<128x128xbf16>, vector<4096x128xf32> -> vector<4096x128xf32>
    %get3A_53 = arith.constant 0 : index
    %get3A_54 = arith.constant 0 : index
    %get3A_55 = vector.load %arg10[%get3A_53, %get3A_54] : memref<1x128xf32, #tpu.memory_space<vmem>>, vector<1x128xf32>
    %add3A_56 = vector.broadcast %get3A_55 : vector<1x128xf32> to vector<4096x128xf32>
    %add3A_57 = arith.addf %dot_general3A_52, %add3A_56 : vector<4096x128xf32>
    %logistic3A_58 = arith.negf %add3A_57 : vector<4096x128xf32>
    %logistic3A_59 = math.exp %logistic3A_58 : vector<4096x128xf32>
    %logistic3A_60 = arith.constant 1.000000e+00 : f32
    %logistic3A_61 = vector.broadcast %logistic3A_60 : f32 to vector<4096x128xf32>
    %logistic3A_62 = arith.addf %logistic3A_61, %logistic3A_59 : vector<4096x128xf32>
    %logistic3A_63 = arith.divf %logistic3A_61, %logistic3A_62 : vector<4096x128xf32>
    %mul3A_64 = arith.mulf %add3A_57, %logistic3A_63 : vector<4096x128xf32>
    %get3A_65 = arith.constant 0 : index
    %get3A_66 = arith.constant 0 : index
    %get3A_67 = vector.load %arg11[%get3A_65, %get3A_66] : memref<1x128xf32, #tpu.memory_space<vmem>>, vector<1x128xf32>
    %get3A_68 = arith.constant 0 : index
    %get3A_69 = arith.constant 0 : index
    %get3A_70 = vector.load %arg12[%get3A_68, %get3A_69] : memref<1x128xf32, #tpu.memory_space<vmem>>, vector<1x128xf32>
    %reduce_sum3A = arith.constant dense<0.000000e+00> : vector<4096xf32>
    %reduce_sum3A_71 = vector.multi_reduction <add>, %mul3A_64, %reduce_sum3A [1] : vector<4096x128xf32> to vector<4096xf32>
    %broadcast_in_dim3A_72 = vector.shape_cast %reduce_sum3A_71 : vector<4096xf32> to vector<4096x1xf32>
    %div3A_73 = arith.constant 1.280000e+02 : f32
    %div3A_74 = vector.broadcast %div3A_73 : f32 to vector<4096x1xf32>
    %div3A_75 = arith.divf %broadcast_in_dim3A_72, %div3A_74 : vector<4096x1xf32>
    %jit3A = arith.constant 0 : i32
    %reduce_sum3A_76 = arith.constant dense<0.000000e+00> : vector<4096xf32>
    %reduce_sum3A_77 = vector.multi_reduction <add>, %mul3A_64, %reduce_sum3A_76 [1] : vector<4096x128xf32> to vector<4096xf32>
    %broadcast_in_dim3A_78 = vector.shape_cast %reduce_sum3A_77 : vector<4096xf32> to vector<4096x1xf32>
    %div3A_79 = arith.constant 1.280000e+02 : f32
    %div3A_80 = vector.broadcast %div3A_79 : f32 to vector<4096x1xf32>
    %div3A_81 = arith.divf %broadcast_in_dim3A_78, %div3A_80 : vector<4096x1xf32>
    %sub3A_82 = vector.broadcast %div3A_81 : vector<4096x1xf32> to vector<4096x128xf32>
    %sub3A_83 = arith.subf %mul3A_64, %sub3A_82 : vector<4096x128xf32>
    %square3A = arith.mulf %sub3A_83, %sub3A_83 : vector<4096x128xf32>
    %convert_element_type3A_84 = arith.sitofp %jit3A : i32 to f32
    %sub3A_85 = arith.constant 1.280000e+02 : f32
    %sub3A_86 = arith.subf %sub3A_85, %convert_element_type3A_84 : f32
    %reduce_sum3A_87 = arith.constant dense<0.000000e+00> : vector<4096xf32>
    %reduce_sum3A_88 = vector.multi_reduction <add>, %square3A, %reduce_sum3A_87 [1] : vector<4096x128xf32> to vector<4096xf32>
    %broadcast_in_dim3A_89 = vector.shape_cast %reduce_sum3A_88 : vector<4096xf32> to vector<4096x1xf32>
    %div3A_90 = vector.broadcast %sub3A_86 : f32 to vector<4096x1xf32>
    %div3A_91 = arith.divf %broadcast_in_dim3A_89, %div3A_90 : vector<4096x1xf32>
    %gt3A = arith.constant 0.000000e+00 : f32
    %gt3A_92 = arith.cmpf ogt, %sub3A_86, %gt3A : f32
    %jit3A_93 = arith.constant 0x7FC00000 : f32
    %broadcast_in_dim3A_94 = vector.broadcast %jit3A_93 : f32 to vector<4096x1xf32>
    %select_n3A = arith.select %gt3A_92, %div3A_91, %broadcast_in_dim3A_94 : vector<4096x1xf32>
    %sub3A_95 = vector.broadcast %div3A_75 : vector<4096x1xf32> to vector<4096x128xf32>
    %sub3A_96 = arith.subf %mul3A_64, %sub3A_95 : vector<4096x128xf32>
    %mul3A_97 = vector.broadcast %get3A_67 : vector<1x128xf32> to vector<4096x128xf32>
    %mul3A_98 = arith.mulf %mul3A_97, %sub3A_96 : vector<4096x128xf32>
    %add3A_99 = arith.constant 9.99999974E-6 : f32
    %add3A_100 = vector.broadcast %add3A_99 : f32 to vector<4096x1xf32>
    %add3A_101 = arith.addf %select_n3A, %add3A_100 : vector<4096x1xf32>
    %sqrt3A = math.sqrt %add3A_101 : vector<4096x1xf32>
    %div3A_102 = vector.broadcast %sqrt3A : vector<4096x1xf32> to vector<4096x128xf32>
    %div3A_103 = arith.divf %mul3A_98, %div3A_102 : vector<4096x128xf32>
    %add3A_104 = vector.broadcast %get3A_70 : vector<1x128xf32> to vector<4096x128xf32>
    %add3A_105 = arith.addf %div3A_103, %add3A_104 : vector<4096x128xf32>
    %swap3A = arith.constant 0 : index
    %swap3A_106 = arith.constant 0 : index
    %swap3A_107 = vector.load %arg13[%swap3A, %swap3A_106] : memref<4096x128xf32, #tpu.memory_space<vmem>>, vector<4096x128xf32>
    tpu.vector_store %arg13[%swap3A, %swap3A_106], %add3A_105 {strides = array<i32>} : memref<4096x128xf32, #tpu.memory_space<vmem>>, vector<4096x128xf32>,
    return
  }
  func.func @transform_0(%arg0: i32) -> (i32, i32) {
    %c0_i32 = arith.constant 0 : i32
    %c0_i32_0 = arith.constant 0 : i32
    return %arg0, %c0_i32 : i32, i32
  }
  func.func @transform_1(%arg0: i32) -> (i32, i32) {
    %c0_i32 = arith.constant 0 : i32
    %c0_i32_0 = arith.constant 0 : i32
    return %arg0, %c0_i32 : i32, i32
  }
  func.func @transform_2(%arg0: i32) -> (i32, i32) {
    %c0_i32 = arith.constant 0 : i32
    %c0_i32_0 = arith.constant 0 : i32
    return %arg0, %c0_i32 : i32, i32
  }
  func.func @transform_3(%arg0: i32) -> (i32, i32) {
    %c0_i32 = arith.constant 0 : i32
    %c0_i32_0 = arith.constant 0 : i32
    %c0_i32_1 = arith.constant 0 : i32
    return %c0_i32, %c0_i32_0 : i32, i32
  }
  func.func @transform_4(%arg0: i32) -> (i32, i32) {
    %c0_i32 = arith.constant 0 : i32
    %c0_i32_0 = arith.constant 0 : i32
    %c0_i32_1 = arith.constant 0 : i32
    return %c0_i32, %c0_i32_0 : i32, i32
  }
  func.func @transform_5(%arg0: i32) -> (i32, i32) {
    %c0_i32 = arith.constant 0 : i32
    %c0_i32_0 = arith.constant 0 : i32
    %c0_i32_1 = arith.constant 0 : i32
    return %c0_i32, %c0_i32_0 : i32, i32
  }
  func.func @transform_6(%arg0: i32) -> (i32, i32) {
    %c0_i32 = arith.constant 0 : i32
    %c0_i32_0 = arith.constant 0 : i32
    %c0_i32_1 = arith.constant 0 : i32
    return %c0_i32, %c0_i32_0 : i32, i32
  }
  func.func @transform_7(%arg0: i32) -> (i32, i32) {
    %c0_i32 = arith.constant 0 : i32
    %c0_i32_0 = arith.constant 0 : i32
    %c0_i32_1 = arith.constant 0 : i32
    return %c0_i32, %c0_i32_0 : i32, i32
  }
  func.func @transform_8(%arg0: i32) -> (i32, i32) {
    %c0_i32 = arith.constant 0 : i32
    %c0_i32_0 = arith.constant 0 : i32
    %c0_i32_1 = arith.constant 0 : i32
    return %c0_i32, %c0_i32_0 : i32, i32
  }
  func.func @transform_9(%arg0: i32) -> (i32, i32) {
    %c0_i32 = arith.constant 0 : i32
    %c0_i32_0 = arith.constant 0 : i32
    %c0_i32_1 = arith.constant 0 : i32
    return %c0_i32, %c0_i32_0 : i32, i32
  }
  func.func @transform_10(%arg0: i32) -> (i32, i32) {
    %c0_i32 = arith.constant 0 : i32
    %c0_i32_0 = arith.constant 0 : i32
    %c0_i32_1 = arith.constant 0 : i32
    return %c0_i32, %c0_i32_0 : i32, i32
  }
  func.func @transform_11(%arg0: i32) -> (i32, i32) {
    %c0_i32 = arith.constant 0 : i32
    %c0_i32_0 = arith.constant 0 : i32
    %c0_i32_1 = arith.constant 0 : i32
    return %c0_i32, %c0_i32_0 : i32, i32
  }
  func.func @transform_12(%arg0: i32) -> (i32, i32) {
    %c0_i32 = arith.constant 0 : i32
    %c0_i32_0 = arith.constant 0 : i32
    return %arg0, %c0_i32 : i32, i32
  }
}

module attributes {stable_mosaic.version = 14 : i64} {
  func.func @_seg_body(%arg0: i32, %arg1: memref<99xi32, #tpu.memory_space<smem>>, %arg2: memref<819200x128xf32, #tpu.memory_space<any>>, %arg3: memref<819200x128xf32, #tpu.memory_space<any>>, %arg4: memref<6400x128xi32, #tpu.memory_space<any>>, %arg5: memref<128x256xf32, #tpu.memory_space<vmem>>, %arg6: memref<1x256xf32, #tpu.memory_space<vmem>>, %arg7: memref<512x256xf32, #tpu.memory_space<vmem>>, %arg8: memref<256x256xf32, #tpu.memory_space<vmem>>, %arg9: memref<1x256xf32, #tpu.memory_space<vmem>>, %arg10: memref<1x256xf32, #tpu.memory_space<vmem>>, %arg11: memref<1x256xf32, #tpu.memory_space<vmem>>, %arg12: memref<256x256xf32, #tpu.memory_space<vmem>>, %arg13: memref<512x256xf32, #tpu.memory_space<vmem>>, %arg14: memref<512x128xf32, #tpu.memory_space<vmem>>, %arg15: memref<512x128xf32, #tpu.memory_space<vmem>>, %arg16: memref<512x512xf32, #tpu.memory_space<vmem>>, %arg17: memref<4096x128xf32, #tpu.memory_space<vmem>>, %arg18: memref<4096x128xf32, #tpu.memory_space<vmem>>, %arg19: memref<32x128xi32, #tpu.memory_space<vmem>>, %arg20: memref<4096x128xf32, #tpu.memory_space<vmem>>, %arg21: memref<4096x128xf32, #tpu.memory_space<vmem>>, %arg22: memref<32x128xi32, #tpu.memory_space<vmem>>, %arg23: memref<!tpu.dma_semaphore, #tpu.memory_space<semaphore_mem>>, %arg24: memref<!tpu.dma_semaphore, #tpu.memory_space<semaphore_mem>>, %arg25: memref<!tpu.dma_semaphore, #tpu.memory_space<semaphore_mem>>, %arg26: memref<!tpu.dma_semaphore, #tpu.memory_space<semaphore_mem>>, %arg27: memref<!tpu.dma_semaphore, #tpu.memory_space<semaphore_mem>>, %arg28: memref<!tpu.dma_semaphore, #tpu.memory_space<semaphore_mem>>) attributes {dimension_semantics = [#tpu.dimension_semantics<arbitrary>], iteration_bounds = array<i64: 98>, scalar_prefetch = 0 : i64, scratch_operands = 13 : i64, tpu.core_type = #tpu.core_type<tc>, window_params = [{transform_indices = @transform_0, window_bounds = array<i64: 99>}, {}, {}, {}, {pipeline_mode = #tpu.pipeline_mode<synchronous>, transform_indices = @transform_4, window_bounds = array<i64: 128, 256>}, {pipeline_mode = #tpu.pipeline_mode<synchronous>, transform_indices = @transform_5, window_bounds = array<i64: 1, 256>}, {transform_indices = @transform_6, window_bounds = array<i64: 512, 256>}, {pipeline_mode = #tpu.pipeline_mode<synchronous>, transform_indices = @transform_7, window_bounds = array<i64: 256, 256>}, {pipeline_mode = #tpu.pipeline_mode<synchronous>, transform_indices = @transform_8, window_bounds = array<i64: 1, 256>}, {pipeline_mode = #tpu.pipeline_mode<synchronous>, transform_indices = @transform_9, window_bounds = array<i64: 1, 256>}, {pipeline_mode = #tpu.pipeline_mode<synchronous>, transform_indices = @transform_10, window_bounds = array<i64: 1, 256>}, {pipeline_mode = #tpu.pipeline_mode<synchronous>, transform_indices = @transform_11, window_bounds = array<i64: 256, 256>}, {transform_indices = @transform_12, window_bounds = array<i64: 512, 256>}, {transform_indices = @transform_13, window_bounds = array<i64: 512, 128>}, {transform_indices = @transform_14, window_bounds = array<i64: 512, 128>}]} {
    %get3A = arith.index_cast %arg0 : i32 to index
    %get3A_0 = memref.load %arg1[%get3A] : memref<99xi32, #tpu.memory_space<smem>>
    %add3A = arith.constant 1 : i32
    %add3A_1 = arith.addi %arg0, %add3A : i32
    %get3A_2 = arith.index_cast %add3A_1 : i32 to index
    %get3A_3 = memref.load %arg1[%get3A_2] : memref<99xi32, #tpu.memory_space<smem>>
    %jit3A = arith.constant 128 : i32
    %div3A = arith.divsi %get3A_0, %jit3A : i32
    %sign3A = arith.constant 0 : i32
    %sign3A_4 = arith.cmpi sgt, %get3A_0, %sign3A : i32
    %sign3A_5 = arith.extui %sign3A_4 : i1 to i32
    %sign3A_6 = arith.constant 0 : i32
    %sign3A_7 = arith.cmpi slt, %get3A_0, %sign3A_6 : i32
    %sign3A_8 = arith.extui %sign3A_7 : i1 to i32
    %sign3A_9 = arith.subi %sign3A_5, %sign3A_8 : i32
    %sign3A_10 = arith.constant 0 : i32
    %sign3A_11 = arith.cmpi sgt, %jit3A, %sign3A_10 : i32
    %sign3A_12 = arith.extui %sign3A_11 : i1 to i32
    %sign3A_13 = arith.constant 0 : i32
    %sign3A_14 = arith.cmpi slt, %jit3A, %sign3A_13 : i32
    %sign3A_15 = arith.extui %sign3A_14 : i1 to i32
    %sign3A_16 = arith.subi %sign3A_12, %sign3A_15 : i32
    %ne3A = arith.cmpi ne, %sign3A_9, %sign3A_16 : i32
    %rem3A = arith.remsi %get3A_0, %jit3A : i32
    %ne3A_17 = arith.constant 0 : i32
    %ne3A_18 = arith.cmpi ne, %rem3A, %ne3A_17 : i32
    %and3A = arith.andi %ne3A, %ne3A_18 : i1
    %sub3A = arith.constant 1 : i32
    %sub3A_19 = arith.subi %div3A, %sub3A : i32
    %select_n3A = arith.select %and3A, %sub3A_19, %div3A : i32
    %mul3A = arith.constant 128 : i32
    %mul3A_20 = arith.muli %select_n3A, %mul3A : i32
    %sub3A_21 = arith.subi %get3A_3, %mul3A_20 : i32
    %add3A_22 = arith.constant 4096 : i32
    %add3A_23 = arith.addi %sub3A_21, %add3A_22 : i32
    %sub3A_24 = arith.constant 1 : i32
    %sub3A_25 = arith.subi %add3A_23, %sub3A_24 : i32
    %jit3A_26 = arith.constant 4096 : i32
    %div3A_27 = arith.divsi %sub3A_25, %jit3A_26 : i32
    %sign3A_28 = arith.constant 0 : i32
    %sign3A_29 = arith.cmpi sgt, %sub3A_25, %sign3A_28 : i32
    %sign3A_30 = arith.extui %sign3A_29 : i1 to i32
    %sign3A_31 = arith.constant 0 : i32
    %sign3A_32 = arith.cmpi slt, %sub3A_25, %sign3A_31 : i32
    %sign3A_33 = arith.extui %sign3A_32 : i1 to i32
    %sign3A_34 = arith.subi %sign3A_30, %sign3A_33 : i32
    %sign3A_35 = arith.constant 0 : i32
    %sign3A_36 = arith.cmpi sgt, %jit3A_26, %sign3A_35 : i32
    %sign3A_37 = arith.extui %sign3A_36 : i1 to i32
    %sign3A_38 = arith.constant 0 : i32
    %sign3A_39 = arith.cmpi slt, %jit3A_26, %sign3A_38 : i32
    %sign3A_40 = arith.extui %sign3A_39 : i1 to i32
    %sign3A_41 = arith.subi %sign3A_37, %sign3A_40 : i32
    %ne3A_42 = arith.cmpi ne, %sign3A_34, %sign3A_41 : i32
    %rem3A_43 = arith.remsi %sub3A_25, %jit3A_26 : i32
    %ne3A_44 = arith.constant 0 : i32
    %ne3A_45 = arith.cmpi ne, %rem3A_43, %ne3A_44 : i32
    %and3A_46 = arith.andi %ne3A_42, %ne3A_45 : i1
    %sub3A_47 = arith.constant 1 : i32
    %sub3A_48 = arith.subi %div3A_27, %sub3A_47 : i32
    %select_n3A_49 = arith.select %and3A_46, %sub3A_48, %div3A_27 : i32
    %broadcast_in_dim3A = arith.constant 0.000000e+00 : f32
    %broadcast_in_dim3A_50 = vector.broadcast %broadcast_in_dim3A : f32 to vector<512x512xf32>
    %swap3A = arith.constant 0 : index
    %swap3A_51 = arith.constant 0 : index
    %swap3A_52 = vector.load %arg16[%swap3A, %swap3A_51] : memref<512x512xf32, #tpu.memory_space<vmem>>, vector<512x512xf32>
    tpu.vector_store %arg16[%swap3A, %swap3A_51], %broadcast_in_dim3A_50 {strides = array<i32>} : memref<512x512xf32, #tpu.memory_space<vmem>>, vector<512x512xf32>,
    %get3A_53 = arith.constant 0 : index
    %get3A_54 = arith.constant 0 : index
    %get3A_55 = vector.load %arg5[%get3A_53, %get3A_54] : memref<128x256xf32, #tpu.memory_space<vmem>>, vector<128x256xf32>
    %convert_element_type3A = arith.truncf %get3A_55 : vector<128x256xf32> to vector<128x256xbf16>
    %get3A_56 = arith.constant 0 : index
    %get3A_57 = arith.constant 0 : index
    %get3A_58 = vector.load %arg6[%get3A_56, %get3A_57] : memref<1x256xf32, #tpu.memory_space<vmem>>, vector<1x256xf32>
    %gt3A = arith.constant 0 : i32
    %gt3A_59 = arith.cmpi sgt, %select_n3A_49, %gt3A : i32
    %convert_element_type3A_60 = arith.extui %gt3A_59 : i1 to i32
    %cond3A = arith.constant 0 : i32
    %cond3A_61 = arith.cmpi ne, %convert_element_type3A_60, %cond3A : i32
    scf.if %cond3A_61 {
      %add3A_180 = arith.constant 0 : i32
      %add3A_181 = arith.addi %mul3A_20, %add3A_180 : i32
      %jit3A_182 = arith.constant 128 : i32
      %div3A_183 = arith.divsi %add3A_181, %jit3A_182 : i32
      %sign3A_184 = arith.constant 0 : i32
      %sign3A_185 = arith.cmpi sgt, %add3A_181, %sign3A_184 : i32
      %sign3A_186 = arith.extui %sign3A_185 : i1 to i32
      %sign3A_187 = arith.constant 0 : i32
      %sign3A_188 = arith.cmpi slt, %add3A_181, %sign3A_187 : i32
      %sign3A_189 = arith.extui %sign3A_188 : i1 to i32
      %sign3A_190 = arith.subi %sign3A_186, %sign3A_189 : i32
      %sign3A_191 = arith.constant 0 : i32
      %sign3A_192 = arith.cmpi sgt, %jit3A_182, %sign3A_191 : i32
      %sign3A_193 = arith.extui %sign3A_192 : i1 to i32
      %sign3A_194 = arith.constant 0 : i32
      %sign3A_195 = arith.cmpi slt, %jit3A_182, %sign3A_194 : i32
      %sign3A_196 = arith.extui %sign3A_195 : i1 to i32
      %sign3A_197 = arith.subi %sign3A_193, %sign3A_196 : i32
      %ne3A_198 = arith.cmpi ne, %sign3A_190, %sign3A_197 : i32
      %rem3A_199 = arith.remsi %add3A_181, %jit3A_182 : i32
      %ne3A_200 = arith.constant 0 : i32
      %ne3A_201 = arith.cmpi ne, %rem3A_199, %ne3A_200 : i32
      %and3A_202 = arith.andi %ne3A_198, %ne3A_201 : i1
      %sub3A_203 = arith.constant 1 : i32
      %sub3A_204 = arith.subi %div3A_183, %sub3A_203 : i32
      %select_n3A_205 = arith.select %and3A_202, %sub3A_204, %div3A_183 : i32
      %dma_start3A = arith.constant 0 : i32
      %dma_start3A_206 = tpu.memref_slice %arg2[%add3A_181, %dma_start3A] : memref<819200x128xf32, #tpu.memory_space<any>> -> memref<4096x128xf32, #tpu.memory_space<any>>
      tpu.enqueue_dma source(%dma_start3A_206 : memref<4096x128xf32, #tpu.memory_space<any>>) target(%arg17 : memref<4096x128xf32, #tpu.memory_space<vmem>>) target_semaphore(%arg23 : memref<!tpu.dma_semaphore, #tpu.memory_space<semaphore_mem>>)
      %dma_start3A_207 = arith.constant 0 : i32
      %dma_start3A_208 = tpu.memref_slice %arg3[%add3A_181, %dma_start3A_207] : memref<819200x128xf32, #tpu.memory_space<any>> -> memref<4096x128xf32, #tpu.memory_space<any>>
      tpu.enqueue_dma source(%dma_start3A_208 : memref<4096x128xf32, #tpu.memory_space<any>>) target(%arg18 : memref<4096x128xf32, #tpu.memory_space<vmem>>) target_semaphore(%arg24 : memref<!tpu.dma_semaphore, #tpu.memory_space<semaphore_mem>>)
      %dma_start3A_209 = arith.constant 0 : i32
      %dma_start3A_210 = tpu.memref_slice %arg4[%select_n3A_205, %dma_start3A_209] : memref<6400x128xi32, #tpu.memory_space<any>> -> memref<32x128xi32, #tpu.memory_space<any>>
      tpu.enqueue_dma source(%dma_start3A_210 : memref<32x128xi32, #tpu.memory_space<any>>) target(%arg19 : memref<32x128xi32, #tpu.memory_space<vmem>>) target_semaphore(%arg25 : memref<!tpu.dma_semaphore, #tpu.memory_space<semaphore_mem>>)
    } else {
    }
    %while3A = arith.constant 0 : i32
    %while3A_62 = arith.constant 0 : i32
    %while3A_63 = arith.subi %select_n3A_49, %while3A_62 : i32
    %while3A_64 = arith.addi %while3A_62, %while3A_63 : i32
    %while3A_65 = arith.constant 1 : i32
    %while3A_66 = arith.divsi %while3A_63, %while3A_65 : i32
    %while3A_67 = arith.muli %while3A_66, %while3A_65 : i32
    %while3A_68 = arith.addi %while3A_62, %while3A_67 : i32
    %while3A_69 = arith.constant 1 : i32
    scf.for %while3A_180 = %while3A_62 to %while3A_68 step %while3A_69  : i32 {
      %rem3A_181 = arith.constant 2 : i32
      %rem3A_182 = arith.remsi %while3A_180, %rem3A_181 : i32
      %eq3A = arith.constant 0 : i32
      %eq3A_183 = arith.cmpi eq, %rem3A_182, %eq3A : i32
      %convert_element_type3A_184 = arith.extui %eq3A_183 : i1 to i32
      %cond3A_185 = arith.constant 0 : i32
      %cond3A_186 = arith.cmpi ne, %convert_element_type3A_184, %cond3A_185 : i32
      scf.if %cond3A_186 {
        %add3A_194 = arith.constant 1 : i32
        %add3A_195 = arith.addi %while3A_180, %add3A_194 : i32
        %lt3A = arith.cmpi slt, %add3A_195, %select_n3A_49 : i32
        %convert_element_type3A_196 = arith.extui %lt3A : i1 to i32
        %cond3A_197 = arith.constant 0 : i32
        %cond3A_198 = arith.cmpi ne, %convert_element_type3A_196, %cond3A_197 : i32
        scf.if %cond3A_198 {
          %add3A_292 = arith.constant 1 : i32
          %add3A_293 = arith.addi %while3A_180, %add3A_292 : i32
          %mul3A_294 = arith.constant 4096 : i32
          %mul3A_295 = arith.muli %add3A_293, %mul3A_294 : i32
          %add3A_296 = arith.addi %mul3A_20, %mul3A_295 : i32
          %jit3A_297 = arith.constant 128 : i32
          %div3A_298 = arith.divsi %add3A_296, %jit3A_297 : i32
          %sign3A_299 = arith.constant 0 : i32
          %sign3A_300 = arith.cmpi sgt, %add3A_296, %sign3A_299 : i32
          %sign3A_301 = arith.extui %sign3A_300 : i1 to i32
          %sign3A_302 = arith.constant 0 : i32
          %sign3A_303 = arith.cmpi slt, %add3A_296, %sign3A_302 : i32
          %sign3A_304 = arith.extui %sign3A_303 : i1 to i32
          %sign3A_305 = arith.subi %sign3A_301, %sign3A_304 : i32
          %sign3A_306 = arith.constant 0 : i32
          %sign3A_307 = arith.cmpi sgt, %jit3A_297, %sign3A_306 : i32
          %sign3A_308 = arith.extui %sign3A_307 : i1 to i32
          %sign3A_309 = arith.constant 0 : i32
          %sign3A_310 = arith.cmpi slt, %jit3A_297, %sign3A_309 : i32
          %sign3A_311 = arith.extui %sign3A_310 : i1 to i32
          %sign3A_312 = arith.subi %sign3A_308, %sign3A_311 : i32
          %ne3A_313 = arith.cmpi ne, %sign3A_305, %sign3A_312 : i32
          %rem3A_314 = arith.remsi %add3A_296, %jit3A_297 : i32
          %ne3A_315 = arith.constant 0 : i32
          %ne3A_316 = arith.cmpi ne, %rem3A_314, %ne3A_315 : i32
          %and3A_317 = arith.andi %ne3A_313, %ne3A_316 : i1
          %sub3A_318 = arith.constant 1 : i32
          %sub3A_319 = arith.subi %div3A_298, %sub3A_318 : i32
          %select_n3A_320 = arith.select %and3A_317, %sub3A_319, %div3A_298 : i32
          %dma_start3A = arith.constant 0 : i32
          %dma_start3A_321 = tpu.memref_slice %arg2[%add3A_296, %dma_start3A] : memref<819200x128xf32, #tpu.memory_space<any>> -> memref<4096x128xf32, #tpu.memory_space<any>>
          tpu.enqueue_dma source(%dma_start3A_321 : memref<4096x128xf32, #tpu.memory_space<any>>) target(%arg20 : memref<4096x128xf32, #tpu.memory_space<vmem>>) target_semaphore(%arg26 : memref<!tpu.dma_semaphore, #tpu.memory_space<semaphore_mem>>)
          %dma_start3A_322 = arith.constant 0 : i32
          %dma_start3A_323 = tpu.memref_slice %arg3[%add3A_296, %dma_start3A_322] : memref<819200x128xf32, #tpu.memory_space<any>> -> memref<4096x128xf32, #tpu.memory_space<any>>
          tpu.enqueue_dma source(%dma_start3A_323 : memref<4096x128xf32, #tpu.memory_space<any>>) target(%arg21 : memref<4096x128xf32, #tpu.memory_space<vmem>>) target_semaphore(%arg27 : memref<!tpu.dma_semaphore, #tpu.memory_space<semaphore_mem>>)
          %dma_start3A_324 = arith.constant 0 : i32
          %dma_start3A_325 = tpu.memref_slice %arg4[%select_n3A_320, %dma_start3A_324] : memref<6400x128xi32, #tpu.memory_space<any>> -> memref<32x128xi32, #tpu.memory_space<any>>
          tpu.enqueue_dma source(%dma_start3A_325 : memref<32x128xi32, #tpu.memory_space<any>>) target(%arg22 : memref<32x128xi32, #tpu.memory_space<vmem>>) target_semaphore(%arg28 : memref<!tpu.dma_semaphore, #tpu.memory_space<semaphore_mem>>)
        } else {
        }
        %mul3A_199 = arith.constant 4096 : i32
        %mul3A_200 = arith.muli %while3A_180, %mul3A_199 : i32
        %add3A_201 = arith.addi %mul3A_20, %mul3A_200 : i32
        %jit3A_202 = arith.constant 128 : i32
        %div3A_203 = arith.divsi %add3A_201, %jit3A_202 : i32
        %sign3A_204 = arith.constant 0 : i32
        %sign3A_205 = arith.cmpi sgt, %add3A_201, %sign3A_204 : i32
        %sign3A_206 = arith.extui %sign3A_205 : i1 to i32
        %sign3A_207 = arith.constant 0 : i32
        %sign3A_208 = arith.cmpi slt, %add3A_201, %sign3A_207 : i32
        %sign3A_209 = arith.extui %sign3A_208 : i1 to i32
        %sign3A_210 = arith.subi %sign3A_206, %sign3A_209 : i32
        %sign3A_211 = arith.constant 0 : i32
        %sign3A_212 = arith.cmpi sgt, %jit3A_202, %sign3A_211 : i32
        %sign3A_213 = arith.extui %sign3A_212 : i1 to i32
        %sign3A_214 = arith.constant 0 : i32
        %sign3A_215 = arith.cmpi slt, %jit3A_202, %sign3A_214 : i32
        %sign3A_216 = arith.extui %sign3A_215 : i1 to i32
        %sign3A_217 = arith.subi %sign3A_213, %sign3A_216 : i32
        %ne3A_218 = arith.cmpi ne, %sign3A_210, %sign3A_217 : i32
        %rem3A_219 = arith.remsi %add3A_201, %jit3A_202 : i32
        %ne3A_220 = arith.constant 0 : i32
        %ne3A_221 = arith.cmpi ne, %rem3A_219, %ne3A_220 : i32
        %and3A_222 = arith.andi %ne3A_218, %ne3A_221 : i1
        %sub3A_223 = arith.constant 1 : i32
        %sub3A_224 = arith.subi %div3A_203, %sub3A_223 : i32
        %select_n3A_225 = arith.select %and3A_222, %sub3A_224, %div3A_203 : i32
        %dma_wait3A = arith.constant 0 : i32
        %dma_wait3A_226 = tpu.memref_slice %arg2[%add3A_201, %dma_wait3A] : memref<819200x128xf32, #tpu.memory_space<any>> -> memref<4096x128xf32, #tpu.memory_space<any>>
        tpu.wait_dma2 semaphore(%arg23 : memref<!tpu.dma_semaphore, #tpu.memory_space<semaphore_mem>>) src(%dma_wait3A_226 : memref<4096x128xf32, #tpu.memory_space<any>>) dst(%arg17 : memref<4096x128xf32, #tpu.memory_space<vmem>>)
        %dma_wait3A_227 = arith.constant 0 : i32
        %dma_wait3A_228 = tpu.memref_slice %arg3[%add3A_201, %dma_wait3A_227] : memref<819200x128xf32, #tpu.memory_space<any>> -> memref<4096x128xf32, #tpu.memory_space<any>>
        tpu.wait_dma2 semaphore(%arg24 : memref<!tpu.dma_semaphore, #tpu.memory_space<semaphore_mem>>) src(%dma_wait3A_228 : memref<4096x128xf32, #tpu.memory_space<any>>) dst(%arg18 : memref<4096x128xf32, #tpu.memory_space<vmem>>)
        %dma_wait3A_229 = arith.constant 0 : i32
        %dma_wait3A_230 = tpu.memref_slice %arg4[%select_n3A_225, %dma_wait3A_229] : memref<6400x128xi32, #tpu.memory_space<any>> -> memref<32x128xi32, #tpu.memory_space<any>>
        tpu.wait_dma2 semaphore(%arg25 : memref<!tpu.dma_semaphore, #tpu.memory_space<semaphore_mem>>) src(%dma_wait3A_230 : memref<32x128xi32, #tpu.memory_space<any>>) dst(%arg19 : memref<32x128xi32, #tpu.memory_space<vmem>>)
        %mul3A_231 = arith.constant 4096 : i32
        %mul3A_232 = arith.muli %while3A_180, %mul3A_231 : i32
        %add3A_233 = arith.addi %mul3A_20, %mul3A_232 : i32
        %get3A_234 = arith.constant 0 : index
        %get3A_235 = arith.constant 0 : index
        %get3A_236 = vector.load %arg17[%get3A_234, %get3A_235] : memref<4096x128xf32, #tpu.memory_space<vmem>>, vector<4096x128xf32>
        %convert_element_type3A_237 = arith.truncf %get3A_236 : vector<4096x128xf32> to vector<4096x128xbf16>
        %dot_general3A_238 = arith.constant dense<0.000000e+00> : vector<4096x256xf32>
        %dot_general3A_239 = tpu.matmul %convert_element_type3A_237, %convert_element_type3A, %dot_general3A_238 {dimension_numbers = #tpu.dot_dimension_numbers<[1], [0], [0], [1], [0, 0, 1, 1], [], []>, transpose_lhs_hint = false} : vector<4096x128xbf16>, vector<128x256xbf16>, vector<4096x256xf32> -> vector<4096x256xf32>
        %add3A_240 = vector.broadcast %get3A_58 : vector<1x256xf32> to vector<4096x256xf32>
        %add3A_241 = arith.addf %dot_general3A_239, %add3A_240 : vector<4096x256xf32>
        %logistic3A_242 = arith.negf %add3A_241 : vector<4096x256xf32>
        %logistic3A_243 = math.exp %logistic3A_242 : vector<4096x256xf32>
        %logistic3A_244 = arith.constant 1.000000e+00 : f32
        %logistic3A_245 = vector.broadcast %logistic3A_244 : f32 to vector<4096x256xf32>
        %logistic3A_246 = arith.addf %logistic3A_245, %logistic3A_243 : vector<4096x256xf32>
        %logistic3A_247 = arith.divf %logistic3A_245, %logistic3A_246 : vector<4096x256xf32>
        %get3A_248 = arith.constant 0 : index
        %get3A_249 = arith.constant 0 : index
        %get3A_250 = vector.load %arg18[%get3A_248, %get3A_249] : memref<4096x128xf32, #tpu.memory_space<vmem>>, vector<4096x128xf32>
        %bitcast_convert_type3A_251 = tpu.bitcast %get3A_250 : vector<4096x128xf32> -> vector<4096x128xi32>
        %shift_right_logical3A = arith.constant 16 : i32
        %shift_right_logical3A_252 = vector.broadcast %shift_right_logical3A : i32 to vector<4096x128xi32>
        %shift_right_logical3A_253 = arith.shrui %bitcast_convert_type3A_251, %shift_right_logical3A_252 : vector<4096x128xi32>
        %convert_element_type3A_254 = arith.trunci %shift_right_logical3A_253 : vector<4096x128xi32> to vector<4096x128xi16>
        %bitcast_convert_type3A_255 = tpu.bitcast %convert_element_type3A_254 : vector<4096x128xi16> -> vector<4096x128xbf16>
        %convert_element_type3A_256 = arith.trunci %bitcast_convert_type3A_251 : vector<4096x128xi32> to vector<4096x128xi16>
        %bitcast_convert_type3A_257 = tpu.bitcast %convert_element_type3A_256 : vector<4096x128xi16> -> vector<4096x128xbf16>
        %concatenate3A = tpu.concatenate %bitcast_convert_type3A_255, %bitcast_convert_type3A_257 in 1 : vector<4096x128xbf16>, vector<4096x128xbf16> -> vector<4096x256xbf16>
        %convert_element_type3A_258 = arith.extf %concatenate3A : vector<4096x256xbf16> to vector<4096x256xf32>
        %mul3A_259 = arith.mulf %logistic3A_247, %convert_element_type3A_258 : vector<4096x256xf32>
        %iota3A = tpu.iota {dimensions = array<i32: 0>} : vector<4096x1xi32>
        %add3A_260 = vector.broadcast %add3A_233 : i32 to vector<4096x1xi32>
        %add3A_261 = arith.addi %iota3A, %add3A_260 : vector<4096x1xi32>
        %ge3A = vector.broadcast %get3A_0 : i32 to vector<4096x1xi32>
        %ge3A_262 = arith.cmpi sge, %add3A_261, %ge3A : vector<4096x1xi32>
        %lt3A_263 = vector.broadcast %get3A_3 : i32 to vector<4096x1xi32>
        %lt3A_264 = arith.cmpi slt, %add3A_261, %lt3A_263 : vector<4096x1xi32>
        %and3A_265 = arith.andi %ge3A_262, %lt3A_264 : vector<4096x1xi1>
        %concatenate3A_266 = tpu.concatenate %mul3A_259, %logistic3A_247 in 1 : vector<4096x256xf32>, vector<4096x256xf32> -> vector<4096x512xf32>
        %jit3A_267 = arith.constant 0.000000e+00 : f32
        %broadcast_in_dim3A_268 = vector.shape_cast %and3A_265 : vector<4096x1xi1> to vector<4096x1xi1>
        %broadcast_in_dim3A_269 = vector.broadcast %broadcast_in_dim3A_268 : vector<4096x1xi1> to vector<4096x512xi1>
        %broadcast_in_dim3A_270 = vector.broadcast %jit3A_267 : f32 to vector<4096x512xf32>
        %select_n3A_271 = arith.select %broadcast_in_dim3A_269, %concatenate3A_266, %broadcast_in_dim3A_270 : vector<4096x512xi1>, vector<4096x512xf32>
        %get3A_272 = arith.constant 0 : index
        %get3A_273 = arith.constant 0 : index
        %get3A_274 = vector.load %arg19[%get3A_272, %get3A_273] : memref<32x128xi32, #tpu.memory_space<vmem>>, vector<32x128xi32>
        %broadcast_in_dim3A_275 = vector.shape_cast %get3A_274 : vector<32x128xi32> to vector<32x128x1xi32>
        %iota3A_276 = tpu.iota {dimensions = array<i32: 2>} : vector<32x128x512xi32>
        %eq3A_277 = vector.broadcast %broadcast_in_dim3A_275 : vector<32x128x1xi32> to vector<32x128x512xi32>
        %eq3A_278 = arith.cmpi eq, %eq3A_277, %iota3A_276 : vector<32x128x512xi32>
        %convert_element_type3A_279 = arith.extui %eq3A_278 : vector<32x128x512xi1> to vector<32x128x512xi32>
        %convert_element_type3A_280 = arith.sitofp %convert_element_type3A_279 : vector<32x128x512xi32> to vector<32x128x512xf32>
        %convert_element_type3A_281 = arith.truncf %convert_element_type3A_280 : vector<32x128x512xf32> to vector<32x128x512xbf16>
        %reshape3A = vector.shape_cast %convert_element_type3A_281 : vector<32x128x512xbf16> to vector<4096x512xbf16>
        %get3A_282 = arith.constant 0 : index
        %get3A_283 = arith.constant 0 : index
        %get3A_284 = vector.load %arg16[%get3A_282, %get3A_283] : memref<512x512xf32, #tpu.memory_space<vmem>>, vector<512x512xf32>
        %convert_element_type3A_285 = arith.truncf %select_n3A_271 : vector<4096x512xf32> to vector<4096x512xbf16>
        %dot_general3A_286 = arith.constant dense<0.000000e+00> : vector<512x512xf32>
        %dot_general3A_287 = tpu.matmul %reshape3A, %convert_element_type3A_285, %dot_general3A_286 {dimension_numbers = #tpu.dot_dimension_numbers<[0], [0], [1], [1], [0, 1, 1, 1], [], []>, transpose_lhs_hint = false} : vector<4096x512xbf16>, vector<4096x512xbf16>, vector<512x512xf32> -> vector<512x512xf32>
        %add3A_288 = arith.addf %get3A_284, %dot_general3A_287 : vector<512x512xf32>
        %swap3A_289 = arith.constant 0 : index
        %swap3A_290 = arith.constant 0 : index
        %swap3A_291 = vector.load %arg16[%swap3A_289, %swap3A_290] : memref<512x512xf32, #tpu.memory_space<vmem>>, vector<512x512xf32>
        tpu.vector_store %arg16[%swap3A_289, %swap3A_290], %add3A_288 {strides = array<i32>} : memref<512x512xf32, #tpu.memory_space<vmem>>, vector<512x512xf32>,
      } else {
      }
      %rem3A_187 = arith.constant 2 : i32
      %rem3A_188 = arith.remsi %while3A_180, %rem3A_187 : i32
      %eq3A_189 = arith.constant 1 : i32
      %eq3A_190 = arith.cmpi eq, %rem3A_188, %eq3A_189 : i32
      %convert_element_type3A_191 = arith.extui %eq3A_190 : i1 to i32
      %cond3A_192 = arith.constant 0 : i32
      %cond3A_193 = arith.cmpi ne, %convert_element_type3A_191, %cond3A_192 : i32
      scf.if %cond3A_193 {
        %add3A_194 = arith.constant 1 : i32
        %add3A_195 = arith.addi %while3A_180, %add3A_194 : i32
        %lt3A = arith.cmpi slt, %add3A_195, %select_n3A_49 : i32
        %convert_element_type3A_196 = arith.extui %lt3A : i1 to i32
        %cond3A_197 = arith.constant 0 : i32
        %cond3A_198 = arith.cmpi ne, %convert_element_type3A_196, %cond3A_197 : i32
        scf.if %cond3A_198 {
          %add3A_292 = arith.constant 1 : i32
          %add3A_293 = arith.addi %while3A_180, %add3A_292 : i32
          %mul3A_294 = arith.constant 4096 : i32
          %mul3A_295 = arith.muli %add3A_293, %mul3A_294 : i32
          %add3A_296 = arith.addi %mul3A_20, %mul3A_295 : i32
          %jit3A_297 = arith.constant 128 : i32
          %div3A_298 = arith.divsi %add3A_296, %jit3A_297 : i32
          %sign3A_299 = arith.constant 0 : i32
          %sign3A_300 = arith.cmpi sgt, %add3A_296, %sign3A_299 : i32
          %sign3A_301 = arith.extui %sign3A_300 : i1 to i32
          %sign3A_302 = arith.constant 0 : i32
          %sign3A_303 = arith.cmpi slt, %add3A_296, %sign3A_302 : i32
          %sign3A_304 = arith.extui %sign3A_303 : i1 to i32
          %sign3A_305 = arith.subi %sign3A_301, %sign3A_304 : i32
          %sign3A_306 = arith.constant 0 : i32
          %sign3A_307 = arith.cmpi sgt, %jit3A_297, %sign3A_306 : i32
          %sign3A_308 = arith.extui %sign3A_307 : i1 to i32
          %sign3A_309 = arith.constant 0 : i32
          %sign3A_310 = arith.cmpi slt, %jit3A_297, %sign3A_309 : i32
          %sign3A_311 = arith.extui %sign3A_310 : i1 to i32
          %sign3A_312 = arith.subi %sign3A_308, %sign3A_311 : i32
          %ne3A_313 = arith.cmpi ne, %sign3A_305, %sign3A_312 : i32
          %rem3A_314 = arith.remsi %add3A_296, %jit3A_297 : i32
          %ne3A_315 = arith.constant 0 : i32
          %ne3A_316 = arith.cmpi ne, %rem3A_314, %ne3A_315 : i32
          %and3A_317 = arith.andi %ne3A_313, %ne3A_316 : i1
          %sub3A_318 = arith.constant 1 : i32
          %sub3A_319 = arith.subi %div3A_298, %sub3A_318 : i32
          %select_n3A_320 = arith.select %and3A_317, %sub3A_319, %div3A_298 : i32
          %dma_start3A = arith.constant 0 : i32
          %dma_start3A_321 = tpu.memref_slice %arg2[%add3A_296, %dma_start3A] : memref<819200x128xf32, #tpu.memory_space<any>> -> memref<4096x128xf32, #tpu.memory_space<any>>
          tpu.enqueue_dma source(%dma_start3A_321 : memref<4096x128xf32, #tpu.memory_space<any>>) target(%arg17 : memref<4096x128xf32, #tpu.memory_space<vmem>>) target_semaphore(%arg23 : memref<!tpu.dma_semaphore, #tpu.memory_space<semaphore_mem>>)
          %dma_start3A_322 = arith.constant 0 : i32
          %dma_start3A_323 = tpu.memref_slice %arg3[%add3A_296, %dma_start3A_322] : memref<819200x128xf32, #tpu.memory_space<any>> -> memref<4096x128xf32, #tpu.memory_space<any>>
          tpu.enqueue_dma source(%dma_start3A_323 : memref<4096x128xf32, #tpu.memory_space<any>>) target(%arg18 : memref<4096x128xf32, #tpu.memory_space<vmem>>) target_semaphore(%arg24 : memref<!tpu.dma_semaphore, #tpu.memory_space<semaphore_mem>>)
          %dma_start3A_324 = arith.constant 0 : i32
          %dma_start3A_325 = tpu.memref_slice %arg4[%select_n3A_320, %dma_start3A_324] : memref<6400x128xi32, #tpu.memory_space<any>> -> memref<32x128xi32, #tpu.memory_space<any>>
          tpu.enqueue_dma source(%dma_start3A_325 : memref<32x128xi32, #tpu.memory_space<any>>) target(%arg19 : memref<32x128xi32, #tpu.memory_space<vmem>>) target_semaphore(%arg25 : memref<!tpu.dma_semaphore, #tpu.memory_space<semaphore_mem>>)
        } else {
        }
        %mul3A_199 = arith.constant 4096 : i32
        %mul3A_200 = arith.muli %while3A_180, %mul3A_199 : i32
        %add3A_201 = arith.addi %mul3A_20, %mul3A_200 : i32
        %jit3A_202 = arith.constant 128 : i32
        %div3A_203 = arith.divsi %add3A_201, %jit3A_202 : i32
        %sign3A_204 = arith.constant 0 : i32
        %sign3A_205 = arith.cmpi sgt, %add3A_201, %sign3A_204 : i32
        %sign3A_206 = arith.extui %sign3A_205 : i1 to i32
        %sign3A_207 = arith.constant 0 : i32
        %sign3A_208 = arith.cmpi slt, %add3A_201, %sign3A_207 : i32
        %sign3A_209 = arith.extui %sign3A_208 : i1 to i32
        %sign3A_210 = arith.subi %sign3A_206, %sign3A_209 : i32
        %sign3A_211 = arith.constant 0 : i32
        %sign3A_212 = arith.cmpi sgt, %jit3A_202, %sign3A_211 : i32
        %sign3A_213 = arith.extui %sign3A_212 : i1 to i32
        %sign3A_214 = arith.constant 0 : i32
        %sign3A_215 = arith.cmpi slt, %jit3A_202, %sign3A_214 : i32
        %sign3A_216 = arith.extui %sign3A_215 : i1 to i32
        %sign3A_217 = arith.subi %sign3A_213, %sign3A_216 : i32
        %ne3A_218 = arith.cmpi ne, %sign3A_210, %sign3A_217 : i32
        %rem3A_219 = arith.remsi %add3A_201, %jit3A_202 : i32
        %ne3A_220 = arith.constant 0 : i32
        %ne3A_221 = arith.cmpi ne, %rem3A_219, %ne3A_220 : i32
        %and3A_222 = arith.andi %ne3A_218, %ne3A_221 : i1
        %sub3A_223 = arith.constant 1 : i32
        %sub3A_224 = arith.subi %div3A_203, %sub3A_223 : i32
        %select_n3A_225 = arith.select %and3A_222, %sub3A_224, %div3A_203 : i32
        %dma_wait3A = arith.constant 0 : i32
        %dma_wait3A_226 = tpu.memref_slice %arg2[%add3A_201, %dma_wait3A] : memref<819200x128xf32, #tpu.memory_space<any>> -> memref<4096x128xf32, #tpu.memory_space<any>>
        tpu.wait_dma2 semaphore(%arg26 : memref<!tpu.dma_semaphore, #tpu.memory_space<semaphore_mem>>) src(%dma_wait3A_226 : memref<4096x128xf32, #tpu.memory_space<any>>) dst(%arg20 : memref<4096x128xf32, #tpu.memory_space<vmem>>)
        %dma_wait3A_227 = arith.constant 0 : i32
        %dma_wait3A_228 = tpu.memref_slice %arg3[%add3A_201, %dma_wait3A_227] : memref<819200x128xf32, #tpu.memory_space<any>> -> memref<4096x128xf32, #tpu.memory_space<any>>
        tpu.wait_dma2 semaphore(%arg27 : memref<!tpu.dma_semaphore, #tpu.memory_space<semaphore_mem>>) src(%dma_wait3A_228 : memref<4096x128xf32, #tpu.memory_space<any>>) dst(%arg21 : memref<4096x128xf32, #tpu.memory_space<vmem>>)
        %dma_wait3A_229 = arith.constant 0 : i32
        %dma_wait3A_230 = tpu.memref_slice %arg4[%select_n3A_225, %dma_wait3A_229] : memref<6400x128xi32, #tpu.memory_space<any>> -> memref<32x128xi32, #tpu.memory_space<any>>
        tpu.wait_dma2 semaphore(%arg28 : memref<!tpu.dma_semaphore, #tpu.memory_space<semaphore_mem>>) src(%dma_wait3A_230 : memref<32x128xi32, #tpu.memory_space<any>>) dst(%arg22 : memref<32x128xi32, #tpu.memory_space<vmem>>)
        %mul3A_231 = arith.constant 4096 : i32
        %mul3A_232 = arith.muli %while3A_180, %mul3A_231 : i32
        %add3A_233 = arith.addi %mul3A_20, %mul3A_232 : i32
        %get3A_234 = arith.constant 0 : index
        %get3A_235 = arith.constant 0 : index
        %get3A_236 = vector.load %arg20[%get3A_234, %get3A_235] : memref<4096x128xf32, #tpu.memory_space<vmem>>, vector<4096x128xf32>
        %convert_element_type3A_237 = arith.truncf %get3A_236 : vector<4096x128xf32> to vector<4096x128xbf16>
        %dot_general3A_238 = arith.constant dense<0.000000e+00> : vector<4096x256xf32>
        %dot_general3A_239 = tpu.matmul %convert_element_type3A_237, %convert_element_type3A, %dot_general3A_238 {dimension_numbers = #tpu.dot_dimension_numbers<[1], [0], [0], [1], [0, 0, 1, 1], [], []>, transpose_lhs_hint = false} : vector<4096x128xbf16>, vector<128x256xbf16>, vector<4096x256xf32> -> vector<4096x256xf32>
        %add3A_240 = vector.broadcast %get3A_58 : vector<1x256xf32> to vector<4096x256xf32>
        %add3A_241 = arith.addf %dot_general3A_239, %add3A_240 : vector<4096x256xf32>
        %logistic3A_242 = arith.negf %add3A_241 : vector<4096x256xf32>
        %logistic3A_243 = math.exp %logistic3A_242 : vector<4096x256xf32>
        %logistic3A_244 = arith.constant 1.000000e+00 : f32
        %logistic3A_245 = vector.broadcast %logistic3A_244 : f32 to vector<4096x256xf32>
        %logistic3A_246 = arith.addf %logistic3A_245, %logistic3A_243 : vector<4096x256xf32>
        %logistic3A_247 = arith.divf %logistic3A_245, %logistic3A_246 : vector<4096x256xf32>
        %get3A_248 = arith.constant 0 : index
        %get3A_249 = arith.constant 0 : index
        %get3A_250 = vector.load %arg21[%get3A_248, %get3A_249] : memref<4096x128xf32, #tpu.memory_space<vmem>>, vector<4096x128xf32>
        %bitcast_convert_type3A_251 = tpu.bitcast %get3A_250 : vector<4096x128xf32> -> vector<4096x128xi32>
        %shift_right_logical3A = arith.constant 16 : i32
        %shift_right_logical3A_252 = vector.broadcast %shift_right_logical3A : i32 to vector<4096x128xi32>
        %shift_right_logical3A_253 = arith.shrui %bitcast_convert_type3A_251, %shift_right_logical3A_252 : vector<4096x128xi32>
        %convert_element_type3A_254 = arith.trunci %shift_right_logical3A_253 : vector<4096x128xi32> to vector<4096x128xi16>
        %bitcast_convert_type3A_255 = tpu.bitcast %convert_element_type3A_254 : vector<4096x128xi16> -> vector<4096x128xbf16>
        %convert_element_type3A_256 = arith.trunci %bitcast_convert_type3A_251 : vector<4096x128xi32> to vector<4096x128xi16>
        %bitcast_convert_type3A_257 = tpu.bitcast %convert_element_type3A_256 : vector<4096x128xi16> -> vector<4096x128xbf16>
        %concatenate3A = tpu.concatenate %bitcast_convert_type3A_255, %bitcast_convert_type3A_257 in 1 : vector<4096x128xbf16>, vector<4096x128xbf16> -> vector<4096x256xbf16>
        %convert_element_type3A_258 = arith.extf %concatenate3A : vector<4096x256xbf16> to vector<4096x256xf32>
        %mul3A_259 = arith.mulf %logistic3A_247, %convert_element_type3A_258 : vector<4096x256xf32>
        %iota3A = tpu.iota {dimensions = array<i32: 0>} : vector<4096x1xi32>
        %add3A_260 = vector.broadcast %add3A_233 : i32 to vector<4096x1xi32>
        %add3A_261 = arith.addi %iota3A, %add3A_260 : vector<4096x1xi32>
        %ge3A = vector.broadcast %get3A_0 : i32 to vector<4096x1xi32>
        %ge3A_262 = arith.cmpi sge, %add3A_261, %ge3A : vector<4096x1xi32>
        %lt3A_263 = vector.broadcast %get3A_3 : i32 to vector<4096x1xi32>
        %lt3A_264 = arith.cmpi slt, %add3A_261, %lt3A_263 : vector<4096x1xi32>
        %and3A_265 = arith.andi %ge3A_262, %lt3A_264 : vector<4096x1xi1>
        %concatenate3A_266 = tpu.concatenate %mul3A_259, %logistic3A_247 in 1 : vector<4096x256xf32>, vector<4096x256xf32> -> vector<4096x512xf32>
        %jit3A_267 = arith.constant 0.000000e+00 : f32
        %broadcast_in_dim3A_268 = vector.shape_cast %and3A_265 : vector<4096x1xi1> to vector<4096x1xi1>
        %broadcast_in_dim3A_269 = vector.broadcast %broadcast_in_dim3A_268 : vector<4096x1xi1> to vector<4096x512xi1>
        %broadcast_in_dim3A_270 = vector.broadcast %jit3A_267 : f32 to vector<4096x512xf32>
        %select_n3A_271 = arith.select %broadcast_in_dim3A_269, %concatenate3A_266, %broadcast_in_dim3A_270 : vector<4096x512xi1>, vector<4096x512xf32>
        %get3A_272 = arith.constant 0 : index
        %get3A_273 = arith.constant 0 : index
        %get3A_274 = vector.load %arg22[%get3A_272, %get3A_273] : memref<32x128xi32, #tpu.memory_space<vmem>>, vector<32x128xi32>
        %broadcast_in_dim3A_275 = vector.shape_cast %get3A_274 : vector<32x128xi32> to vector<32x128x1xi32>
        %iota3A_276 = tpu.iota {dimensions = array<i32: 2>} : vector<32x128x512xi32>
        %eq3A_277 = vector.broadcast %broadcast_in_dim3A_275 : vector<32x128x1xi32> to vector<32x128x512xi32>
        %eq3A_278 = arith.cmpi eq, %eq3A_277, %iota3A_276 : vector<32x128x512xi32>
        %convert_element_type3A_279 = arith.extui %eq3A_278 : vector<32x128x512xi1> to vector<32x128x512xi32>
        %convert_element_type3A_280 = arith.sitofp %convert_element_type3A_279 : vector<32x128x512xi32> to vector<32x128x512xf32>
        %convert_element_type3A_281 = arith.truncf %convert_element_type3A_280 : vector<32x128x512xf32> to vector<32x128x512xbf16>
        %reshape3A = vector.shape_cast %convert_element_type3A_281 : vector<32x128x512xbf16> to vector<4096x512xbf16>
        %get3A_282 = arith.constant 0 : index
        %get3A_283 = arith.constant 0 : index
        %get3A_284 = vector.load %arg16[%get3A_282, %get3A_283] : memref<512x512xf32, #tpu.memory_space<vmem>>, vector<512x512xf32>
        %convert_element_type3A_285 = arith.truncf %select_n3A_271 : vector<4096x512xf32> to vector<4096x512xbf16>
        %dot_general3A_286 = arith.constant dense<0.000000e+00> : vector<512x512xf32>
        %dot_general3A_287 = tpu.matmul %reshape3A, %convert_element_type3A_285, %dot_general3A_286 {dimension_numbers = #tpu.dot_dimension_numbers<[0], [0], [1], [1], [0, 1, 1, 1], [], []>, transpose_lhs_hint = false} : vector<4096x512xbf16>, vector<4096x512xbf16>, vector<512x512xf32> -> vector<512x512xf32>
        %add3A_288 = arith.addf %get3A_284, %dot_general3A_287 : vector<512x512xf32>
        %swap3A_289 = arith.constant 0 : index
        %swap3A_290 = arith.constant 0 : index
        %swap3A_291 = vector.load %arg16[%swap3A_289, %swap3A_290] : memref<512x512xf32, #tpu.memory_space<vmem>>, vector<512x512xf32>
        tpu.vector_store %arg16[%swap3A_289, %swap3A_290], %add3A_288 {strides = array<i32>} : memref<512x512xf32, #tpu.memory_space<vmem>>, vector<512x512xf32>,
      } else {
      }
    }
    %while3A_70 = arith.constant 1 : i32
    scf.for %while3A_180 = %while3A_68 to %while3A_64 step %while3A_70  : i32 {
      %rem3A_181 = arith.constant 2 : i32
      %rem3A_182 = arith.remsi %while3A_180, %rem3A_181 : i32
      %eq3A = arith.constant 0 : i32
      %eq3A_183 = arith.cmpi eq, %rem3A_182, %eq3A : i32
      %convert_element_type3A_184 = arith.extui %eq3A_183 : i1 to i32
      %cond3A_185 = arith.constant 0 : i32
      %cond3A_186 = arith.cmpi ne, %convert_element_type3A_184, %cond3A_185 : i32
      scf.if %cond3A_186 {
        %add3A_194 = arith.constant 1 : i32
        %add3A_195 = arith.addi %while3A_180, %add3A_194 : i32
        %lt3A = arith.cmpi slt, %add3A_195, %select_n3A_49 : i32
        %convert_element_type3A_196 = arith.extui %lt3A : i1 to i32
        %cond3A_197 = arith.constant 0 : i32
        %cond3A_198 = arith.cmpi ne, %convert_element_type3A_196, %cond3A_197 : i32
        scf.if %cond3A_198 {
          %add3A_292 = arith.constant 1 : i32
          %add3A_293 = arith.addi %while3A_180, %add3A_292 : i32
          %mul3A_294 = arith.constant 4096 : i32
          %mul3A_295 = arith.muli %add3A_293, %mul3A_294 : i32
          %add3A_296 = arith.addi %mul3A_20, %mul3A_295 : i32
          %jit3A_297 = arith.constant 128 : i32
          %div3A_298 = arith.divsi %add3A_296, %jit3A_297 : i32
          %sign3A_299 = arith.constant 0 : i32
          %sign3A_300 = arith.cmpi sgt, %add3A_296, %sign3A_299 : i32
          %sign3A_301 = arith.extui %sign3A_300 : i1 to i32
          %sign3A_302 = arith.constant 0 : i32
          %sign3A_303 = arith.cmpi slt, %add3A_296, %sign3A_302 : i32
          %sign3A_304 = arith.extui %sign3A_303 : i1 to i32
          %sign3A_305 = arith.subi %sign3A_301, %sign3A_304 : i32
          %sign3A_306 = arith.constant 0 : i32
          %sign3A_307 = arith.cmpi sgt, %jit3A_297, %sign3A_306 : i32
          %sign3A_308 = arith.extui %sign3A_307 : i1 to i32
          %sign3A_309 = arith.constant 0 : i32
          %sign3A_310 = arith.cmpi slt, %jit3A_297, %sign3A_309 : i32
          %sign3A_311 = arith.extui %sign3A_310 : i1 to i32
          %sign3A_312 = arith.subi %sign3A_308, %sign3A_311 : i32
          %ne3A_313 = arith.cmpi ne, %sign3A_305, %sign3A_312 : i32
          %rem3A_314 = arith.remsi %add3A_296, %jit3A_297 : i32
          %ne3A_315 = arith.constant 0 : i32
          %ne3A_316 = arith.cmpi ne, %rem3A_314, %ne3A_315 : i32
          %and3A_317 = arith.andi %ne3A_313, %ne3A_316 : i1
          %sub3A_318 = arith.constant 1 : i32
          %sub3A_319 = arith.subi %div3A_298, %sub3A_318 : i32
          %select_n3A_320 = arith.select %and3A_317, %sub3A_319, %div3A_298 : i32
          %dma_start3A = arith.constant 0 : i32
          %dma_start3A_321 = tpu.memref_slice %arg2[%add3A_296, %dma_start3A] : memref<819200x128xf32, #tpu.memory_space<any>> -> memref<4096x128xf32, #tpu.memory_space<any>>
          tpu.enqueue_dma source(%dma_start3A_321 : memref<4096x128xf32, #tpu.memory_space<any>>) target(%arg20 : memref<4096x128xf32, #tpu.memory_space<vmem>>) target_semaphore(%arg26 : memref<!tpu.dma_semaphore, #tpu.memory_space<semaphore_mem>>)
          %dma_start3A_322 = arith.constant 0 : i32
          %dma_start3A_323 = tpu.memref_slice %arg3[%add3A_296, %dma_start3A_322] : memref<819200x128xf32, #tpu.memory_space<any>> -> memref<4096x128xf32, #tpu.memory_space<any>>
          tpu.enqueue_dma source(%dma_start3A_323 : memref<4096x128xf32, #tpu.memory_space<any>>) target(%arg21 : memref<4096x128xf32, #tpu.memory_space<vmem>>) target_semaphore(%arg27 : memref<!tpu.dma_semaphore, #tpu.memory_space<semaphore_mem>>)
          %dma_start3A_324 = arith.constant 0 : i32
          %dma_start3A_325 = tpu.memref_slice %arg4[%select_n3A_320, %dma_start3A_324] : memref<6400x128xi32, #tpu.memory_space<any>> -> memref<32x128xi32, #tpu.memory_space<any>>
          tpu.enqueue_dma source(%dma_start3A_325 : memref<32x128xi32, #tpu.memory_space<any>>) target(%arg22 : memref<32x128xi32, #tpu.memory_space<vmem>>) target_semaphore(%arg28 : memref<!tpu.dma_semaphore, #tpu.memory_space<semaphore_mem>>)
        } else {
        }
        %mul3A_199 = arith.constant 4096 : i32
        %mul3A_200 = arith.muli %while3A_180, %mul3A_199 : i32
        %add3A_201 = arith.addi %mul3A_20, %mul3A_200 : i32
        %jit3A_202 = arith.constant 128 : i32
        %div3A_203 = arith.divsi %add3A_201, %jit3A_202 : i32
        %sign3A_204 = arith.constant 0 : i32
        %sign3A_205 = arith.cmpi sgt, %add3A_201, %sign3A_204 : i32
        %sign3A_206 = arith.extui %sign3A_205 : i1 to i32
        %sign3A_207 = arith.constant 0 : i32
        %sign3A_208 = arith.cmpi slt, %add3A_201, %sign3A_207 : i32
        %sign3A_209 = arith.extui %sign3A_208 : i1 to i32
        %sign3A_210 = arith.subi %sign3A_206, %sign3A_209 : i32
        %sign3A_211 = arith.constant 0 : i32
        %sign3A_212 = arith.cmpi sgt, %jit3A_202, %sign3A_211 : i32
        %sign3A_213 = arith.extui %sign3A_212 : i1 to i32
        %sign3A_214 = arith.constant 0 : i32
        %sign3A_215 = arith.cmpi slt, %jit3A_202, %sign3A_214 : i32
        %sign3A_216 = arith.extui %sign3A_215 : i1 to i32
        %sign3A_217 = arith.subi %sign3A_213, %sign3A_216 : i32
        %ne3A_218 = arith.cmpi ne, %sign3A_210, %sign3A_217 : i32
        %rem3A_219 = arith.remsi %add3A_201, %jit3A_202 : i32
        %ne3A_220 = arith.constant 0 : i32
        %ne3A_221 = arith.cmpi ne, %rem3A_219, %ne3A_220 : i32
        %and3A_222 = arith.andi %ne3A_218, %ne3A_221 : i1
        %sub3A_223 = arith.constant 1 : i32
        %sub3A_224 = arith.subi %div3A_203, %sub3A_223 : i32
        %select_n3A_225 = arith.select %and3A_222, %sub3A_224, %div3A_203 : i32
        %dma_wait3A = arith.constant 0 : i32
        %dma_wait3A_226 = tpu.memref_slice %arg2[%add3A_201, %dma_wait3A] : memref<819200x128xf32, #tpu.memory_space<any>> -> memref<4096x128xf32, #tpu.memory_space<any>>
        tpu.wait_dma2 semaphore(%arg23 : memref<!tpu.dma_semaphore, #tpu.memory_space<semaphore_mem>>) src(%dma_wait3A_226 : memref<4096x128xf32, #tpu.memory_space<any>>) dst(%arg17 : memref<4096x128xf32, #tpu.memory_space<vmem>>)
        %dma_wait3A_227 = arith.constant 0 : i32
        %dma_wait3A_228 = tpu.memref_slice %arg3[%add3A_201, %dma_wait3A_227] : memref<819200x128xf32, #tpu.memory_space<any>> -> memref<4096x128xf32, #tpu.memory_space<any>>
        tpu.wait_dma2 semaphore(%arg24 : memref<!tpu.dma_semaphore, #tpu.memory_space<semaphore_mem>>) src(%dma_wait3A_228 : memref<4096x128xf32, #tpu.memory_space<any>>) dst(%arg18 : memref<4096x128xf32, #tpu.memory_space<vmem>>)
        %dma_wait3A_229 = arith.constant 0 : i32
        %dma_wait3A_230 = tpu.memref_slice %arg4[%select_n3A_225, %dma_wait3A_229] : memref<6400x128xi32, #tpu.memory_space<any>> -> memref<32x128xi32, #tpu.memory_space<any>>
        tpu.wait_dma2 semaphore(%arg25 : memref<!tpu.dma_semaphore, #tpu.memory_space<semaphore_mem>>) src(%dma_wait3A_230 : memref<32x128xi32, #tpu.memory_space<any>>) dst(%arg19 : memref<32x128xi32, #tpu.memory_space<vmem>>)
        %mul3A_231 = arith.constant 4096 : i32
        %mul3A_232 = arith.muli %while3A_180, %mul3A_231 : i32
        %add3A_233 = arith.addi %mul3A_20, %mul3A_232 : i32
        %get3A_234 = arith.constant 0 : index
        %get3A_235 = arith.constant 0 : index
        %get3A_236 = vector.load %arg17[%get3A_234, %get3A_235] : memref<4096x128xf32, #tpu.memory_space<vmem>>, vector<4096x128xf32>
        %convert_element_type3A_237 = arith.truncf %get3A_236 : vector<4096x128xf32> to vector<4096x128xbf16>
        %dot_general3A_238 = arith.constant dense<0.000000e+00> : vector<4096x256xf32>
        %dot_general3A_239 = tpu.matmul %convert_element_type3A_237, %convert_element_type3A, %dot_general3A_238 {dimension_numbers = #tpu.dot_dimension_numbers<[1], [0], [0], [1], [0, 0, 1, 1], [], []>, transpose_lhs_hint = false} : vector<4096x128xbf16>, vector<128x256xbf16>, vector<4096x256xf32> -> vector<4096x256xf32>
        %add3A_240 = vector.broadcast %get3A_58 : vector<1x256xf32> to vector<4096x256xf32>
        %add3A_241 = arith.addf %dot_general3A_239, %add3A_240 : vector<4096x256xf32>
        %logistic3A_242 = arith.negf %add3A_241 : vector<4096x256xf32>
        %logistic3A_243 = math.exp %logistic3A_242 : vector<4096x256xf32>
        %logistic3A_244 = arith.constant 1.000000e+00 : f32
        %logistic3A_245 = vector.broadcast %logistic3A_244 : f32 to vector<4096x256xf32>
        %logistic3A_246 = arith.addf %logistic3A_245, %logistic3A_243 : vector<4096x256xf32>
        %logistic3A_247 = arith.divf %logistic3A_245, %logistic3A_246 : vector<4096x256xf32>
        %get3A_248 = arith.constant 0 : index
        %get3A_249 = arith.constant 0 : index
        %get3A_250 = vector.load %arg18[%get3A_248, %get3A_249] : memref<4096x128xf32, #tpu.memory_space<vmem>>, vector<4096x128xf32>
        %bitcast_convert_type3A_251 = tpu.bitcast %get3A_250 : vector<4096x128xf32> -> vector<4096x128xi32>
        %shift_right_logical3A = arith.constant 16 : i32
        %shift_right_logical3A_252 = vector.broadcast %shift_right_logical3A : i32 to vector<4096x128xi32>
        %shift_right_logical3A_253 = arith.shrui %bitcast_convert_type3A_251, %shift_right_logical3A_252 : vector<4096x128xi32>
        %convert_element_type3A_254 = arith.trunci %shift_right_logical3A_253 : vector<4096x128xi32> to vector<4096x128xi16>
        %bitcast_convert_type3A_255 = tpu.bitcast %convert_element_type3A_254 : vector<4096x128xi16> -> vector<4096x128xbf16>
        %convert_element_type3A_256 = arith.trunci %bitcast_convert_type3A_251 : vector<4096x128xi32> to vector<4096x128xi16>
        %bitcast_convert_type3A_257 = tpu.bitcast %convert_element_type3A_256 : vector<4096x128xi16> -> vector<4096x128xbf16>
        %concatenate3A = tpu.concatenate %bitcast_convert_type3A_255, %bitcast_convert_type3A_257 in 1 : vector<4096x128xbf16>, vector<4096x128xbf16> -> vector<4096x256xbf16>
        %convert_element_type3A_258 = arith.extf %concatenate3A : vector<4096x256xbf16> to vector<4096x256xf32>
        %mul3A_259 = arith.mulf %logistic3A_247, %convert_element_type3A_258 : vector<4096x256xf32>
        %iota3A = tpu.iota {dimensions = array<i32: 0>} : vector<4096x1xi32>
        %add3A_260 = vector.broadcast %add3A_233 : i32 to vector<4096x1xi32>
        %add3A_261 = arith.addi %iota3A, %add3A_260 : vector<4096x1xi32>
        %ge3A = vector.broadcast %get3A_0 : i32 to vector<4096x1xi32>
        %ge3A_262 = arith.cmpi sge, %add3A_261, %ge3A : vector<4096x1xi32>
        %lt3A_263 = vector.broadcast %get3A_3 : i32 to vector<4096x1xi32>
        %lt3A_264 = arith.cmpi slt, %add3A_261, %lt3A_263 : vector<4096x1xi32>
        %and3A_265 = arith.andi %ge3A_262, %lt3A_264 : vector<4096x1xi1>
        %concatenate3A_266 = tpu.concatenate %mul3A_259, %logistic3A_247 in 1 : vector<4096x256xf32>, vector<4096x256xf32> -> vector<4096x512xf32>
        %jit3A_267 = arith.constant 0.000000e+00 : f32
        %broadcast_in_dim3A_268 = vector.shape_cast %and3A_265 : vector<4096x1xi1> to vector<4096x1xi1>
        %broadcast_in_dim3A_269 = vector.broadcast %broadcast_in_dim3A_268 : vector<4096x1xi1> to vector<4096x512xi1>
        %broadcast_in_dim3A_270 = vector.broadcast %jit3A_267 : f32 to vector<4096x512xf32>
        %select_n3A_271 = arith.select %broadcast_in_dim3A_269, %concatenate3A_266, %broadcast_in_dim3A_270 : vector<4096x512xi1>, vector<4096x512xf32>
        %get3A_272 = arith.constant 0 : index
        %get3A_273 = arith.constant 0 : index
        %get3A_274 = vector.load %arg19[%get3A_272, %get3A_273] : memref<32x128xi32, #tpu.memory_space<vmem>>, vector<32x128xi32>
        %broadcast_in_dim3A_275 = vector.shape_cast %get3A_274 : vector<32x128xi32> to vector<32x128x1xi32>
        %iota3A_276 = tpu.iota {dimensions = array<i32: 2>} : vector<32x128x512xi32>
        %eq3A_277 = vector.broadcast %broadcast_in_dim3A_275 : vector<32x128x1xi32> to vector<32x128x512xi32>
        %eq3A_278 = arith.cmpi eq, %eq3A_277, %iota3A_276 : vector<32x128x512xi32>
        %convert_element_type3A_279 = arith.extui %eq3A_278 : vector<32x128x512xi1> to vector<32x128x512xi32>
        %convert_element_type3A_280 = arith.sitofp %convert_element_type3A_279 : vector<32x128x512xi32> to vector<32x128x512xf32>
        %convert_element_type3A_281 = arith.truncf %convert_element_type3A_280 : vector<32x128x512xf32> to vector<32x128x512xbf16>
        %reshape3A = vector.shape_cast %convert_element_type3A_281 : vector<32x128x512xbf16> to vector<4096x512xbf16>
        %get3A_282 = arith.constant 0 : index
        %get3A_283 = arith.constant 0 : index
        %get3A_284 = vector.load %arg16[%get3A_282, %get3A_283] : memref<512x512xf32, #tpu.memory_space<vmem>>, vector<512x512xf32>
        %convert_element_type3A_285 = arith.truncf %select_n3A_271 : vector<4096x512xf32> to vector<4096x512xbf16>
        %dot_general3A_286 = arith.constant dense<0.000000e+00> : vector<512x512xf32>
        %dot_general3A_287 = tpu.matmul %reshape3A, %convert_element_type3A_285, %dot_general3A_286 {dimension_numbers = #tpu.dot_dimension_numbers<[0], [0], [1], [1], [0, 1, 1, 1], [], []>, transpose_lhs_hint = false} : vector<4096x512xbf16>, vector<4096x512xbf16>, vector<512x512xf32> -> vector<512x512xf32>
        %add3A_288 = arith.addf %get3A_284, %dot_general3A_287 : vector<512x512xf32>
        %swap3A_289 = arith.constant 0 : index
        %swap3A_290 = arith.constant 0 : index
        %swap3A_291 = vector.load %arg16[%swap3A_289, %swap3A_290] : memref<512x512xf32, #tpu.memory_space<vmem>>, vector<512x512xf32>
        tpu.vector_store %arg16[%swap3A_289, %swap3A_290], %add3A_288 {strides = array<i32>} : memref<512x512xf32, #tpu.memory_space<vmem>>, vector<512x512xf32>,
      } else {
      }
      %rem3A_187 = arith.constant 2 : i32
      %rem3A_188 = arith.remsi %while3A_180, %rem3A_187 : i32
      %eq3A_189 = arith.constant 1 : i32
      %eq3A_190 = arith.cmpi eq, %rem3A_188, %eq3A_189 : i32
      %convert_element_type3A_191 = arith.extui %eq3A_190 : i1 to i32
      %cond3A_192 = arith.constant 0 : i32
      %cond3A_193 = arith.cmpi ne, %convert_element_type3A_191, %cond3A_192 : i32
      scf.if %cond3A_193 {
        %add3A_194 = arith.constant 1 : i32
        %add3A_195 = arith.addi %while3A_180, %add3A_194 : i32
        %lt3A = arith.cmpi slt, %add3A_195, %select_n3A_49 : i32
        %convert_element_type3A_196 = arith.extui %lt3A : i1 to i32
        %cond3A_197 = arith.constant 0 : i32
        %cond3A_198 = arith.cmpi ne, %convert_element_type3A_196, %cond3A_197 : i32
        scf.if %cond3A_198 {
          %add3A_292 = arith.constant 1 : i32
          %add3A_293 = arith.addi %while3A_180, %add3A_292 : i32
          %mul3A_294 = arith.constant 4096 : i32
          %mul3A_295 = arith.muli %add3A_293, %mul3A_294 : i32
          %add3A_296 = arith.addi %mul3A_20, %mul3A_295 : i32
          %jit3A_297 = arith.constant 128 : i32
          %div3A_298 = arith.divsi %add3A_296, %jit3A_297 : i32
          %sign3A_299 = arith.constant 0 : i32
          %sign3A_300 = arith.cmpi sgt, %add3A_296, %sign3A_299 : i32
          %sign3A_301 = arith.extui %sign3A_300 : i1 to i32
          %sign3A_302 = arith.constant 0 : i32
          %sign3A_303 = arith.cmpi slt, %add3A_296, %sign3A_302 : i32
          %sign3A_304 = arith.extui %sign3A_303 : i1 to i32
          %sign3A_305 = arith.subi %sign3A_301, %sign3A_304 : i32
          %sign3A_306 = arith.constant 0 : i32
          %sign3A_307 = arith.cmpi sgt, %jit3A_297, %sign3A_306 : i32
          %sign3A_308 = arith.extui %sign3A_307 : i1 to i32
          %sign3A_309 = arith.constant 0 : i32
          %sign3A_310 = arith.cmpi slt, %jit3A_297, %sign3A_309 : i32
          %sign3A_311 = arith.extui %sign3A_310 : i1 to i32
          %sign3A_312 = arith.subi %sign3A_308, %sign3A_311 : i32
          %ne3A_313 = arith.cmpi ne, %sign3A_305, %sign3A_312 : i32
          %rem3A_314 = arith.remsi %add3A_296, %jit3A_297 : i32
          %ne3A_315 = arith.constant 0 : i32
          %ne3A_316 = arith.cmpi ne, %rem3A_314, %ne3A_315 : i32
          %and3A_317 = arith.andi %ne3A_313, %ne3A_316 : i1
          %sub3A_318 = arith.constant 1 : i32
          %sub3A_319 = arith.subi %div3A_298, %sub3A_318 : i32
          %select_n3A_320 = arith.select %and3A_317, %sub3A_319, %div3A_298 : i32
          %dma_start3A = arith.constant 0 : i32
          %dma_start3A_321 = tpu.memref_slice %arg2[%add3A_296, %dma_start3A] : memref<819200x128xf32, #tpu.memory_space<any>> -> memref<4096x128xf32, #tpu.memory_space<any>>
          tpu.enqueue_dma source(%dma_start3A_321 : memref<4096x128xf32, #tpu.memory_space<any>>) target(%arg17 : memref<4096x128xf32, #tpu.memory_space<vmem>>) target_semaphore(%arg23 : memref<!tpu.dma_semaphore, #tpu.memory_space<semaphore_mem>>)
          %dma_start3A_322 = arith.constant 0 : i32
          %dma_start3A_323 = tpu.memref_slice %arg3[%add3A_296, %dma_start3A_322] : memref<819200x128xf32, #tpu.memory_space<any>> -> memref<4096x128xf32, #tpu.memory_space<any>>
          tpu.enqueue_dma source(%dma_start3A_323 : memref<4096x128xf32, #tpu.memory_space<any>>) target(%arg18 : memref<4096x128xf32, #tpu.memory_space<vmem>>) target_semaphore(%arg24 : memref<!tpu.dma_semaphore, #tpu.memory_space<semaphore_mem>>)
          %dma_start3A_324 = arith.constant 0 : i32
          %dma_start3A_325 = tpu.memref_slice %arg4[%select_n3A_320, %dma_start3A_324] : memref<6400x128xi32, #tpu.memory_space<any>> -> memref<32x128xi32, #tpu.memory_space<any>>
          tpu.enqueue_dma source(%dma_start3A_325 : memref<32x128xi32, #tpu.memory_space<any>>) target(%arg19 : memref<32x128xi32, #tpu.memory_space<vmem>>) target_semaphore(%arg25 : memref<!tpu.dma_semaphore, #tpu.memory_space<semaphore_mem>>)
        } else {
        }
        %mul3A_199 = arith.constant 4096 : i32
        %mul3A_200 = arith.muli %while3A_180, %mul3A_199 : i32
        %add3A_201 = arith.addi %mul3A_20, %mul3A_200 : i32
        %jit3A_202 = arith.constant 128 : i32
        %div3A_203 = arith.divsi %add3A_201, %jit3A_202 : i32
        %sign3A_204 = arith.constant 0 : i32
        %sign3A_205 = arith.cmpi sgt, %add3A_201, %sign3A_204 : i32
        %sign3A_206 = arith.extui %sign3A_205 : i1 to i32
        %sign3A_207 = arith.constant 0 : i32
        %sign3A_208 = arith.cmpi slt, %add3A_201, %sign3A_207 : i32
        %sign3A_209 = arith.extui %sign3A_208 : i1 to i32
        %sign3A_210 = arith.subi %sign3A_206, %sign3A_209 : i32
        %sign3A_211 = arith.constant 0 : i32
        %sign3A_212 = arith.cmpi sgt, %jit3A_202, %sign3A_211 : i32
        %sign3A_213 = arith.extui %sign3A_212 : i1 to i32
        %sign3A_214 = arith.constant 0 : i32
        %sign3A_215 = arith.cmpi slt, %jit3A_202, %sign3A_214 : i32
        %sign3A_216 = arith.extui %sign3A_215 : i1 to i32
        %sign3A_217 = arith.subi %sign3A_213, %sign3A_216 : i32
        %ne3A_218 = arith.cmpi ne, %sign3A_210, %sign3A_217 : i32
        %rem3A_219 = arith.remsi %add3A_201, %jit3A_202 : i32
        %ne3A_220 = arith.constant 0 : i32
        %ne3A_221 = arith.cmpi ne, %rem3A_219, %ne3A_220 : i32
        %and3A_222 = arith.andi %ne3A_218, %ne3A_221 : i1
        %sub3A_223 = arith.constant 1 : i32
        %sub3A_224 = arith.subi %div3A_203, %sub3A_223 : i32
        %select_n3A_225 = arith.select %and3A_222, %sub3A_224, %div3A_203 : i32
        %dma_wait3A = arith.constant 0 : i32
        %dma_wait3A_226 = tpu.memref_slice %arg2[%add3A_201, %dma_wait3A] : memref<819200x128xf32, #tpu.memory_space<any>> -> memref<4096x128xf32, #tpu.memory_space<any>>
        tpu.wait_dma2 semaphore(%arg26 : memref<!tpu.dma_semaphore, #tpu.memory_space<semaphore_mem>>) src(%dma_wait3A_226 : memref<4096x128xf32, #tpu.memory_space<any>>) dst(%arg20 : memref<4096x128xf32, #tpu.memory_space<vmem>>)
        %dma_wait3A_227 = arith.constant 0 : i32
        %dma_wait3A_228 = tpu.memref_slice %arg3[%add3A_201, %dma_wait3A_227] : memref<819200x128xf32, #tpu.memory_space<any>> -> memref<4096x128xf32, #tpu.memory_space<any>>
        tpu.wait_dma2 semaphore(%arg27 : memref<!tpu.dma_semaphore, #tpu.memory_space<semaphore_mem>>) src(%dma_wait3A_228 : memref<4096x128xf32, #tpu.memory_space<any>>) dst(%arg21 : memref<4096x128xf32, #tpu.memory_space<vmem>>)
        %dma_wait3A_229 = arith.constant 0 : i32
        %dma_wait3A_230 = tpu.memref_slice %arg4[%select_n3A_225, %dma_wait3A_229] : memref<6400x128xi32, #tpu.memory_space<any>> -> memref<32x128xi32, #tpu.memory_space<any>>
        tpu.wait_dma2 semaphore(%arg28 : memref<!tpu.dma_semaphore, #tpu.memory_space<semaphore_mem>>) src(%dma_wait3A_230 : memref<32x128xi32, #tpu.memory_space<any>>) dst(%arg22 : memref<32x128xi32, #tpu.memory_space<vmem>>)
        %mul3A_231 = arith.constant 4096 : i32
        %mul3A_232 = arith.muli %while3A_180, %mul3A_231 : i32
        %add3A_233 = arith.addi %mul3A_20, %mul3A_232 : i32
        %get3A_234 = arith.constant 0 : index
        %get3A_235 = arith.constant 0 : index
        %get3A_236 = vector.load %arg20[%get3A_234, %get3A_235] : memref<4096x128xf32, #tpu.memory_space<vmem>>, vector<4096x128xf32>
        %convert_element_type3A_237 = arith.truncf %get3A_236 : vector<4096x128xf32> to vector<4096x128xbf16>
        %dot_general3A_238 = arith.constant dense<0.000000e+00> : vector<4096x256xf32>
        %dot_general3A_239 = tpu.matmul %convert_element_type3A_237, %convert_element_type3A, %dot_general3A_238 {dimension_numbers = #tpu.dot_dimension_numbers<[1], [0], [0], [1], [0, 0, 1, 1], [], []>, transpose_lhs_hint = false} : vector<4096x128xbf16>, vector<128x256xbf16>, vector<4096x256xf32> -> vector<4096x256xf32>
        %add3A_240 = vector.broadcast %get3A_58 : vector<1x256xf32> to vector<4096x256xf32>
        %add3A_241 = arith.addf %dot_general3A_239, %add3A_240 : vector<4096x256xf32>
        %logistic3A_242 = arith.negf %add3A_241 : vector<4096x256xf32>
        %logistic3A_243 = math.exp %logistic3A_242 : vector<4096x256xf32>
        %logistic3A_244 = arith.constant 1.000000e+00 : f32
        %logistic3A_245 = vector.broadcast %logistic3A_244 : f32 to vector<4096x256xf32>
        %logistic3A_246 = arith.addf %logistic3A_245, %logistic3A_243 : vector<4096x256xf32>
        %logistic3A_247 = arith.divf %logistic3A_245, %logistic3A_246 : vector<4096x256xf32>
        %get3A_248 = arith.constant 0 : index
        %get3A_249 = arith.constant 0 : index
        %get3A_250 = vector.load %arg21[%get3A_248, %get3A_249] : memref<4096x128xf32, #tpu.memory_space<vmem>>, vector<4096x128xf32>
        %bitcast_convert_type3A_251 = tpu.bitcast %get3A_250 : vector<4096x128xf32> -> vector<4096x128xi32>
        %shift_right_logical3A = arith.constant 16 : i32
        %shift_right_logical3A_252 = vector.broadcast %shift_right_logical3A : i32 to vector<4096x128xi32>
        %shift_right_logical3A_253 = arith.shrui %bitcast_convert_type3A_251, %shift_right_logical3A_252 : vector<4096x128xi32>
        %convert_element_type3A_254 = arith.trunci %shift_right_logical3A_253 : vector<4096x128xi32> to vector<4096x128xi16>
        %bitcast_convert_type3A_255 = tpu.bitcast %convert_element_type3A_254 : vector<4096x128xi16> -> vector<4096x128xbf16>
        %convert_element_type3A_256 = arith.trunci %bitcast_convert_type3A_251 : vector<4096x128xi32> to vector<4096x128xi16>
        %bitcast_convert_type3A_257 = tpu.bitcast %convert_element_type3A_256 : vector<4096x128xi16> -> vector<4096x128xbf16>
        %concatenate3A = tpu.concatenate %bitcast_convert_type3A_255, %bitcast_convert_type3A_257 in 1 : vector<4096x128xbf16>, vector<4096x128xbf16> -> vector<4096x256xbf16>
        %convert_element_type3A_258 = arith.extf %concatenate3A : vector<4096x256xbf16> to vector<4096x256xf32>
        %mul3A_259 = arith.mulf %logistic3A_247, %convert_element_type3A_258 : vector<4096x256xf32>
        %iota3A = tpu.iota {dimensions = array<i32: 0>} : vector<4096x1xi32>
        %add3A_260 = vector.broadcast %add3A_233 : i32 to vector<4096x1xi32>
        %add3A_261 = arith.addi %iota3A, %add3A_260 : vector<4096x1xi32>
        %ge3A = vector.broadcast %get3A_0 : i32 to vector<4096x1xi32>
        %ge3A_262 = arith.cmpi sge, %add3A_261, %ge3A : vector<4096x1xi32>
        %lt3A_263 = vector.broadcast %get3A_3 : i32 to vector<4096x1xi32>
        %lt3A_264 = arith.cmpi slt, %add3A_261, %lt3A_263 : vector<4096x1xi32>
        %and3A_265 = arith.andi %ge3A_262, %lt3A_264 : vector<4096x1xi1>
        %concatenate3A_266 = tpu.concatenate %mul3A_259, %logistic3A_247 in 1 : vector<4096x256xf32>, vector<4096x256xf32> -> vector<4096x512xf32>
        %jit3A_267 = arith.constant 0.000000e+00 : f32
        %broadcast_in_dim3A_268 = vector.shape_cast %and3A_265 : vector<4096x1xi1> to vector<4096x1xi1>
        %broadcast_in_dim3A_269 = vector.broadcast %broadcast_in_dim3A_268 : vector<4096x1xi1> to vector<4096x512xi1>
        %broadcast_in_dim3A_270 = vector.broadcast %jit3A_267 : f32 to vector<4096x512xf32>
        %select_n3A_271 = arith.select %broadcast_in_dim3A_269, %concatenate3A_266, %broadcast_in_dim3A_270 : vector<4096x512xi1>, vector<4096x512xf32>
        %get3A_272 = arith.constant 0 : index
        %get3A_273 = arith.constant 0 : index
        %get3A_274 = vector.load %arg22[%get3A_272, %get3A_273] : memref<32x128xi32, #tpu.memory_space<vmem>>, vector<32x128xi32>
        %broadcast_in_dim3A_275 = vector.shape_cast %get3A_274 : vector<32x128xi32> to vector<32x128x1xi32>
        %iota3A_276 = tpu.iota {dimensions = array<i32: 2>} : vector<32x128x512xi32>
        %eq3A_277 = vector.broadcast %broadcast_in_dim3A_275 : vector<32x128x1xi32> to vector<32x128x512xi32>
        %eq3A_278 = arith.cmpi eq, %eq3A_277, %iota3A_276 : vector<32x128x512xi32>
        %convert_element_type3A_279 = arith.extui %eq3A_278 : vector<32x128x512xi1> to vector<32x128x512xi32>
        %convert_element_type3A_280 = arith.sitofp %convert_element_type3A_279 : vector<32x128x512xi32> to vector<32x128x512xf32>
        %convert_element_type3A_281 = arith.truncf %convert_element_type3A_280 : vector<32x128x512xf32> to vector<32x128x512xbf16>
        %reshape3A = vector.shape_cast %convert_element_type3A_281 : vector<32x128x512xbf16> to vector<4096x512xbf16>
        %get3A_282 = arith.constant 0 : index
        %get3A_283 = arith.constant 0 : index
        %get3A_284 = vector.load %arg16[%get3A_282, %get3A_283] : memref<512x512xf32, #tpu.memory_space<vmem>>, vector<512x512xf32>
        %convert_element_type3A_285 = arith.truncf %select_n3A_271 : vector<4096x512xf32> to vector<4096x512xbf16>
        %dot_general3A_286 = arith.constant dense<0.000000e+00> : vector<512x512xf32>
        %dot_general3A_287 = tpu.matmul %reshape3A, %convert_element_type3A_285, %dot_general3A_286 {dimension_numbers = #tpu.dot_dimension_numbers<[0], [0], [1], [1], [0, 1, 1, 1], [], []>, transpose_lhs_hint = false} : vector<4096x512xbf16>, vector<4096x512xbf16>, vector<512x512xf32> -> vector<512x512xf32>
        %add3A_288 = arith.addf %get3A_284, %dot_general3A_287 : vector<512x512xf32>
        %swap3A_289 = arith.constant 0 : index
        %swap3A_290 = arith.constant 0 : index
        %swap3A_291 = vector.load %arg16[%swap3A_289, %swap3A_290] : memref<512x512xf32, #tpu.memory_space<vmem>>, vector<512x512xf32>
        tpu.vector_store %arg16[%swap3A_289, %swap3A_290], %add3A_288 {strides = array<i32>} : memref<512x512xf32, #tpu.memory_space<vmem>>, vector<512x512xf32>,
      } else {
      }
    }
    %get3A_71 = arith.constant 0 : index
    %get3A_72 = arith.constant 0 : index
    %get3A_73 = vector.load %arg7[%get3A_71, %get3A_72] : memref<512x256xf32, #tpu.memory_space<vmem>>, vector<512x256xf32>
    %get3A_74 = arith.constant 0 : index
    %get3A_75 = arith.constant 0 : index
    %get3A_76 = vector.load %arg16[%get3A_74, %get3A_75] : memref<512x512xf32, #tpu.memory_space<vmem>>, vector<512x512xf32>
    %slice3A = vector.extract_strided_slice %get3A_76 {offsets = [0, 0], sizes = [512, 256], strides = [1, 1]} : vector<512x512xf32> to vector<512x256xf32>
    %slice3A_77 = vector.extract_strided_slice %get3A_76 {offsets = [0, 256], sizes = [512, 256], strides = [1, 1]} : vector<512x512xf32> to vector<512x256xf32>
    %get3A_78 = arith.constant 0 : index
    %get3A_79 = arith.constant 0 : index
    %get3A_80 = vector.load %arg8[%get3A_78, %get3A_79] : memref<256x256xf32, #tpu.memory_space<vmem>>, vector<256x256xf32>
    %dot_general3A = arith.constant dense<0.000000e+00> : vector<512x256xf32>
    %dot_general3A_81 = tpu.matmul %get3A_73, %get3A_80, %dot_general3A {dimension_numbers = #tpu.dot_dimension_numbers<[1], [0], [0], [1], [0, 0, 1, 1], [], []>, transpose_lhs_hint = false} : vector<512x256xf32>, vector<256x256xf32>, vector<512x256xf32> -> vector<512x256xf32>
    %get3A_82 = arith.constant 0 : index
    %get3A_83 = arith.constant 0 : index
    %get3A_84 = vector.load %arg9[%get3A_82, %get3A_83] : memref<1x256xf32, #tpu.memory_space<vmem>>, vector<1x256xf32>
    %add3A_85 = vector.broadcast %get3A_84 : vector<1x256xf32> to vector<512x256xf32>
    %add3A_86 = arith.addf %dot_general3A_81, %add3A_85 : vector<512x256xf32>
    %add3A_87 = arith.constant 9.99999997E-7 : f32
    %add3A_88 = vector.broadcast %add3A_87 : f32 to vector<512x256xf32>
    %add3A_89 = arith.addf %slice3A_77, %add3A_88 : vector<512x256xf32>
    %div3A_90 = arith.divf %slice3A, %add3A_89 : vector<512x256xf32>
    %add3A_91 = arith.addf %add3A_86, %div3A_90 : vector<512x256xf32>
    %logistic3A = arith.negf %add3A_91 : vector<512x256xf32>
    %logistic3A_92 = math.exp %logistic3A : vector<512x256xf32>
    %logistic3A_93 = arith.constant 1.000000e+00 : f32
    %logistic3A_94 = vector.broadcast %logistic3A_93 : f32 to vector<512x256xf32>
    %logistic3A_95 = arith.addf %logistic3A_94, %logistic3A_92 : vector<512x256xf32>
    %logistic3A_96 = arith.divf %logistic3A_94, %logistic3A_95 : vector<512x256xf32>
    %mul3A_97 = arith.mulf %add3A_91, %logistic3A_96 : vector<512x256xf32>
    %add3A_98 = arith.addf %mul3A_97, %get3A_73 : vector<512x256xf32>
    %get3A_99 = arith.constant 0 : index
    %get3A_100 = arith.constant 0 : index
    %get3A_101 = vector.load %arg10[%get3A_99, %get3A_100] : memref<1x256xf32, #tpu.memory_space<vmem>>, vector<1x256xf32>
    %get3A_102 = arith.constant 0 : index
    %get3A_103 = arith.constant 0 : index
    %get3A_104 = vector.load %arg11[%get3A_102, %get3A_103] : memref<1x256xf32, #tpu.memory_space<vmem>>, vector<1x256xf32>
    %reduce_sum3A = arith.constant dense<0.000000e+00> : vector<512xf32>
    %reduce_sum3A_105 = vector.multi_reduction <add>, %add3A_98, %reduce_sum3A [1] : vector<512x256xf32> to vector<512xf32>
    %broadcast_in_dim3A_106 = vector.shape_cast %reduce_sum3A_105 : vector<512xf32> to vector<512x1xf32>
    %div3A_107 = arith.constant 2.560000e+02 : f32
    %div3A_108 = vector.broadcast %div3A_107 : f32 to vector<512x1xf32>
    %div3A_109 = arith.divf %broadcast_in_dim3A_106, %div3A_108 : vector<512x1xf32>
    %jit3A_110 = arith.constant 0 : i32
    %reduce_sum3A_111 = arith.constant dense<0.000000e+00> : vector<512xf32>
    %reduce_sum3A_112 = vector.multi_reduction <add>, %add3A_98, %reduce_sum3A_111 [1] : vector<512x256xf32> to vector<512xf32>
    %broadcast_in_dim3A_113 = vector.shape_cast %reduce_sum3A_112 : vector<512xf32> to vector<512x1xf32>
    %div3A_114 = arith.constant 2.560000e+02 : f32
    %div3A_115 = vector.broadcast %div3A_114 : f32 to vector<512x1xf32>
    %div3A_116 = arith.divf %broadcast_in_dim3A_113, %div3A_115 : vector<512x1xf32>
    %sub3A_117 = vector.broadcast %div3A_116 : vector<512x1xf32> to vector<512x256xf32>
    %sub3A_118 = arith.subf %add3A_98, %sub3A_117 : vector<512x256xf32>
    %square3A = arith.mulf %sub3A_118, %sub3A_118 : vector<512x256xf32>
    %convert_element_type3A_119 = arith.sitofp %jit3A_110 : i32 to f32
    %sub3A_120 = arith.constant 2.560000e+02 : f32
    %sub3A_121 = arith.subf %sub3A_120, %convert_element_type3A_119 : f32
    %reduce_sum3A_122 = arith.constant dense<0.000000e+00> : vector<512xf32>
    %reduce_sum3A_123 = vector.multi_reduction <add>, %square3A, %reduce_sum3A_122 [1] : vector<512x256xf32> to vector<512xf32>
    %broadcast_in_dim3A_124 = vector.shape_cast %reduce_sum3A_123 : vector<512xf32> to vector<512x1xf32>
    %div3A_125 = vector.broadcast %sub3A_121 : f32 to vector<512x1xf32>
    %div3A_126 = arith.divf %broadcast_in_dim3A_124, %div3A_125 : vector<512x1xf32>
    %gt3A_127 = arith.constant 0.000000e+00 : f32
    %gt3A_128 = arith.cmpf ogt, %sub3A_121, %gt3A_127 : f32
    %jit3A_129 = arith.constant 0x7FC00000 : f32
    %broadcast_in_dim3A_130 = vector.broadcast %jit3A_129 : f32 to vector<512x1xf32>
    %select_n3A_131 = arith.select %gt3A_128, %div3A_126, %broadcast_in_dim3A_130 : vector<512x1xf32>
    %sub3A_132 = vector.broadcast %div3A_109 : vector<512x1xf32> to vector<512x256xf32>
    %sub3A_133 = arith.subf %add3A_98, %sub3A_132 : vector<512x256xf32>
    %mul3A_134 = vector.broadcast %get3A_101 : vector<1x256xf32> to vector<512x256xf32>
    %mul3A_135 = arith.mulf %mul3A_134, %sub3A_133 : vector<512x256xf32>
    %add3A_136 = arith.constant 9.99999974E-6 : f32
    %add3A_137 = vector.broadcast %add3A_136 : f32 to vector<512x1xf32>
    %add3A_138 = arith.addf %select_n3A_131, %add3A_137 : vector<512x1xf32>
    %sqrt3A = math.sqrt %add3A_138 : vector<512x1xf32>
    %div3A_139 = vector.broadcast %sqrt3A : vector<512x1xf32> to vector<512x256xf32>
    %div3A_140 = arith.divf %mul3A_135, %div3A_139 : vector<512x256xf32>
    %add3A_141 = vector.broadcast %get3A_104 : vector<1x256xf32> to vector<512x256xf32>
    %add3A_142 = arith.addf %div3A_140, %add3A_141 : vector<512x256xf32>
    %swap3A_143 = arith.constant 0 : index
    %swap3A_144 = arith.constant 0 : index
    %swap3A_145 = vector.load %arg13[%swap3A_143, %swap3A_144] : memref<512x256xf32, #tpu.memory_space<vmem>>, vector<512x256xf32>
    tpu.vector_store %arg13[%swap3A_143, %swap3A_144], %add3A_142 {strides = array<i32>} : memref<512x256xf32, #tpu.memory_space<vmem>>, vector<512x256xf32>,
    %get3A_146 = arith.constant 0 : index
    %get3A_147 = arith.constant 0 : index
    %get3A_148 = vector.load %arg12[%get3A_146, %get3A_147] : memref<256x256xf32, #tpu.memory_space<vmem>>, vector<256x256xf32>
    %dot_general3A_149 = arith.constant dense<0.000000e+00> : vector<512x256xf32>
    %dot_general3A_150 = tpu.matmul %add3A_142, %get3A_148, %dot_general3A_149 {dimension_numbers = #tpu.dot_dimension_numbers<[1], [0], [0], [1], [0, 0, 1, 1], [], []>, transpose_lhs_hint = false} : vector<512x256xf32>, vector<256x256xf32>, vector<512x256xf32> -> vector<512x256xf32>
    %slice3A_151 = vector.extract_strided_slice %dot_general3A_150 {offsets = [0, 0], sizes = [512, 128], strides = [1, 1]} : vector<512x256xf32> to vector<512x128xf32>
    %convert_element_type3A_152 = arith.truncf %slice3A_151 : vector<512x128xf32> to vector<512x128xbf16>
    %slice3A_153 = vector.extract_strided_slice %dot_general3A_150 {offsets = [0, 128], sizes = [512, 128], strides = [1, 1]} : vector<512x256xf32> to vector<512x128xf32>
    %convert_element_type3A_154 = arith.truncf %slice3A_153 : vector<512x128xf32> to vector<512x128xbf16>
    %bitcast_convert_type3A = tpu.bitcast %convert_element_type3A_152 : vector<512x128xbf16> -> vector<512x128xi16>
    %convert_element_type3A_155 = arith.extui %bitcast_convert_type3A : vector<512x128xi16> to vector<512x128xi32>
    %bitcast_convert_type3A_156 = tpu.bitcast %convert_element_type3A_154 : vector<512x128xbf16> -> vector<512x128xi16>
    %convert_element_type3A_157 = arith.extui %bitcast_convert_type3A_156 : vector<512x128xi16> to vector<512x128xi32>
    %shift_left3A = arith.constant 16 : i32
    %shift_left3A_158 = vector.broadcast %shift_left3A : i32 to vector<512x128xi32>
    %shift_left3A_159 = arith.shli %convert_element_type3A_155, %shift_left3A_158 : vector<512x128xi32>
    %or3A = arith.ori %shift_left3A_159, %convert_element_type3A_157 : vector<512x128xi32>
    %bitcast_convert_type3A_160 = tpu.bitcast %or3A : vector<512x128xi32> -> vector<512x128xf32>
    %swap3A_161 = arith.constant 0 : index
    %swap3A_162 = arith.constant 0 : index
    %swap3A_163 = vector.load %arg14[%swap3A_161, %swap3A_162] : memref<512x128xf32, #tpu.memory_space<vmem>>, vector<512x128xf32>
    tpu.vector_store %arg14[%swap3A_161, %swap3A_162], %bitcast_convert_type3A_160 {strides = array<i32>} : memref<512x128xf32, #tpu.memory_space<vmem>>, vector<512x128xf32>,
    %slice3A_164 = vector.extract_strided_slice %add3A_142 {offsets = [0, 0], sizes = [512, 128], strides = [1, 1]} : vector<512x256xf32> to vector<512x128xf32>
    %convert_element_type3A_165 = arith.truncf %slice3A_164 : vector<512x128xf32> to vector<512x128xbf16>
    %slice3A_166 = vector.extract_strided_slice %add3A_142 {offsets = [0, 128], sizes = [512, 128], strides = [1, 1]} : vector<512x256xf32> to vector<512x128xf32>
    %convert_element_type3A_167 = arith.truncf %slice3A_166 : vector<512x128xf32> to vector<512x128xbf16>
    %bitcast_convert_type3A_168 = tpu.bitcast %convert_element_type3A_165 : vector<512x128xbf16> -> vector<512x128xi16>
    %convert_element_type3A_169 = arith.extui %bitcast_convert_type3A_168 : vector<512x128xi16> to vector<512x128xi32>
    %bitcast_convert_type3A_170 = tpu.bitcast %convert_element_type3A_167 : vector<512x128xbf16> -> vector<512x128xi16>
    %convert_element_type3A_171 = arith.extui %bitcast_convert_type3A_170 : vector<512x128xi16> to vector<512x128xi32>
    %shift_left3A_172 = arith.constant 16 : i32
    %shift_left3A_173 = vector.broadcast %shift_left3A_172 : i32 to vector<512x128xi32>
    %shift_left3A_174 = arith.shli %convert_element_type3A_169, %shift_left3A_173 : vector<512x128xi32>
    %or3A_175 = arith.ori %shift_left3A_174, %convert_element_type3A_171 : vector<512x128xi32>
    %bitcast_convert_type3A_176 = tpu.bitcast %or3A_175 : vector<512x128xi32> -> vector<512x128xf32>
    %swap3A_177 = arith.constant 0 : index
    %swap3A_178 = arith.constant 0 : index
    %swap3A_179 = vector.load %arg15[%swap3A_177, %swap3A_178] : memref<512x128xf32, #tpu.memory_space<vmem>>, vector<512x128xf32>
    tpu.vector_store %arg15[%swap3A_177, %swap3A_178], %bitcast_convert_type3A_176 {strides = array<i32>} : memref<512x128xf32, #tpu.memory_space<vmem>>, vector<512x128xf32>,
    return
  }
  func.func @transform_0(%arg0: i32) -> i32 {
    %c0_i32 = arith.constant 0 : i32
    %c0_i32_0 = arith.constant 0 : i32
    return %c0_i32 : i32
  }
  func.func @transform_4(%arg0: i32) -> (i32, i32) {
    %c0_i32 = arith.constant 0 : i32
    %c0_i32_0 = arith.constant 0 : i32
    %c0_i32_1 = arith.constant 0 : i32
    return %c0_i32, %c0_i32_0 : i32, i32
  }
  func.func @transform_5(%arg0: i32) -> (i32, i32) {
    %c0_i32 = arith.constant 0 : i32
    %c0_i32_0 = arith.constant 0 : i32
    %c0_i32_1 = arith.constant 0 : i32
    return %c0_i32, %c0_i32_0 : i32, i32
  }
  func.func @transform_6(%arg0: i32) -> (i32, i32) {
    %c0_i32 = arith.constant 0 : i32
    %c0_i32_0 = arith.constant 0 : i32
    return %arg0, %c0_i32 : i32, i32
  }
  func.func @transform_7(%arg0: i32) -> (i32, i32) {
    %c0_i32 = arith.constant 0 : i32
    %c0_i32_0 = arith.constant 0 : i32
    %c0_i32_1 = arith.constant 0 : i32
    return %c0_i32, %c0_i32_0 : i32, i32
  }
  func.func @transform_8(%arg0: i32) -> (i32, i32) {
    %c0_i32 = arith.constant 0 : i32
    %c0_i32_0 = arith.constant 0 : i32
    %c0_i32_1 = arith.constant 0 : i32
    return %c0_i32, %c0_i32_0 : i32, i32
  }
  func.func @transform_9(%arg0: i32) -> (i32, i32) {
    %c0_i32 = arith.constant 0 : i32
    %c0_i32_0 = arith.constant 0 : i32
    %c0_i32_1 = arith.constant 0 : i32
    return %c0_i32, %c0_i32_0 : i32, i32
  }
  func.func @transform_10(%arg0: i32) -> (i32, i32) {
    %c0_i32 = arith.constant 0 : i32
    %c0_i32_0 = arith.constant 0 : i32
    %c0_i32_1 = arith.constant 0 : i32
    return %c0_i32, %c0_i32_0 : i32, i32
  }
  func.func @transform_11(%arg0: i32) -> (i32, i32) {
    %c0_i32 = arith.constant 0 : i32
    %c0_i32_0 = arith.constant 0 : i32
    %c0_i32_1 = arith.constant 0 : i32
    return %c0_i32, %c0_i32_0 : i32, i32
  }
  func.func @transform_12(%arg0: i32) -> (i32, i32) {
    %c0_i32 = arith.constant 0 : i32
    %c0_i32_0 = arith.constant 0 : i32
    return %arg0, %c0_i32 : i32, i32
  }
  func.func @transform_13(%arg0: i32) -> (i32, i32) {
    %c0_i32 = arith.constant 0 : i32
    %c0_i32_0 = arith.constant 0 : i32
    return %arg0, %c0_i32 : i32, i32
  }
  func.func @transform_14(%arg0: i32) -> (i32, i32) {
    %c0_i32 = arith.constant 0 : i32
    %c0_i32_0 = arith.constant 0 : i32
    return %arg0, %c0_i32 : i32, i32
  }
}

module attributes {stable_mosaic.version = 14 : i64} {
  func.func @_seg_body(%arg0: i32, %arg1: memref<99xi32, #tpu.memory_space<smem>>, %arg2: memref<819200x128xf32, #tpu.memory_space<any>>, %arg3: memref<819200x128xf32, #tpu.memory_space<any>>, %arg4: memref<6400x128xi32, #tpu.memory_space<any>>, %arg5: memref<128x256xf32, #tpu.memory_space<vmem>>, %arg6: memref<1x256xf32, #tpu.memory_space<vmem>>, %arg7: memref<512x256xf32, #tpu.memory_space<vmem>>, %arg8: memref<256x256xf32, #tpu.memory_space<vmem>>, %arg9: memref<1x256xf32, #tpu.memory_space<vmem>>, %arg10: memref<1x256xf32, #tpu.memory_space<vmem>>, %arg11: memref<1x256xf32, #tpu.memory_space<vmem>>, %arg12: memref<256x256xf32, #tpu.memory_space<vmem>>, %arg13: memref<512x256xf32, #tpu.memory_space<vmem>>, %arg14: memref<512x128xf32, #tpu.memory_space<vmem>>, %arg15: memref<512x128xf32, #tpu.memory_space<vmem>>, %arg16: memref<512x512xf32, #tpu.memory_space<vmem>>, %arg17: memref<4096x128xf32, #tpu.memory_space<vmem>>, %arg18: memref<4096x128xf32, #tpu.memory_space<vmem>>, %arg19: memref<32x128xi32, #tpu.memory_space<vmem>>, %arg20: memref<4096x128xf32, #tpu.memory_space<vmem>>, %arg21: memref<4096x128xf32, #tpu.memory_space<vmem>>, %arg22: memref<32x128xi32, #tpu.memory_space<vmem>>, %arg23: memref<!tpu.dma_semaphore, #tpu.memory_space<semaphore_mem>>, %arg24: memref<!tpu.dma_semaphore, #tpu.memory_space<semaphore_mem>>, %arg25: memref<!tpu.dma_semaphore, #tpu.memory_space<semaphore_mem>>, %arg26: memref<!tpu.dma_semaphore, #tpu.memory_space<semaphore_mem>>, %arg27: memref<!tpu.dma_semaphore, #tpu.memory_space<semaphore_mem>>, %arg28: memref<!tpu.dma_semaphore, #tpu.memory_space<semaphore_mem>>) attributes {dimension_semantics = [#tpu.dimension_semantics<arbitrary>], iteration_bounds = array<i64: 98>, scalar_prefetch = 0 : i64, scratch_operands = 13 : i64, tpu.core_type = #tpu.core_type<tc>, window_params = [{transform_indices = @transform_0, window_bounds = array<i64: 99>}, {}, {}, {}, {pipeline_mode = #tpu.pipeline_mode<synchronous>, transform_indices = @transform_4, window_bounds = array<i64: 128, 256>}, {pipeline_mode = #tpu.pipeline_mode<synchronous>, transform_indices = @transform_5, window_bounds = array<i64: 1, 256>}, {transform_indices = @transform_6, window_bounds = array<i64: 512, 256>}, {pipeline_mode = #tpu.pipeline_mode<synchronous>, transform_indices = @transform_7, window_bounds = array<i64: 256, 256>}, {pipeline_mode = #tpu.pipeline_mode<synchronous>, transform_indices = @transform_8, window_bounds = array<i64: 1, 256>}, {pipeline_mode = #tpu.pipeline_mode<synchronous>, transform_indices = @transform_9, window_bounds = array<i64: 1, 256>}, {pipeline_mode = #tpu.pipeline_mode<synchronous>, transform_indices = @transform_10, window_bounds = array<i64: 1, 256>}, {pipeline_mode = #tpu.pipeline_mode<synchronous>, transform_indices = @transform_11, window_bounds = array<i64: 256, 256>}, {transform_indices = @transform_12, window_bounds = array<i64: 512, 256>}, {transform_indices = @transform_13, window_bounds = array<i64: 512, 128>}, {transform_indices = @transform_14, window_bounds = array<i64: 512, 128>}]} {
    %get3A = arith.index_cast %arg0 : i32 to index
    %get3A_0 = memref.load %arg1[%get3A] : memref<99xi32, #tpu.memory_space<smem>>
    %add3A = arith.constant 1 : i32
    %add3A_1 = arith.addi %arg0, %add3A : i32
    %get3A_2 = arith.index_cast %add3A_1 : i32 to index
    %get3A_3 = memref.load %arg1[%get3A_2] : memref<99xi32, #tpu.memory_space<smem>>
    %jit3A = arith.constant 128 : i32
    %div3A = arith.divsi %get3A_0, %jit3A : i32
    %sign3A = arith.constant 0 : i32
    %sign3A_4 = arith.cmpi sgt, %get3A_0, %sign3A : i32
    %sign3A_5 = arith.extui %sign3A_4 : i1 to i32
    %sign3A_6 = arith.constant 0 : i32
    %sign3A_7 = arith.cmpi slt, %get3A_0, %sign3A_6 : i32
    %sign3A_8 = arith.extui %sign3A_7 : i1 to i32
    %sign3A_9 = arith.subi %sign3A_5, %sign3A_8 : i32
    %sign3A_10 = arith.constant 0 : i32
    %sign3A_11 = arith.cmpi sgt, %jit3A, %sign3A_10 : i32
    %sign3A_12 = arith.extui %sign3A_11 : i1 to i32
    %sign3A_13 = arith.constant 0 : i32
    %sign3A_14 = arith.cmpi slt, %jit3A, %sign3A_13 : i32
    %sign3A_15 = arith.extui %sign3A_14 : i1 to i32
    %sign3A_16 = arith.subi %sign3A_12, %sign3A_15 : i32
    %ne3A = arith.cmpi ne, %sign3A_9, %sign3A_16 : i32
    %rem3A = arith.remsi %get3A_0, %jit3A : i32
    %ne3A_17 = arith.constant 0 : i32
    %ne3A_18 = arith.cmpi ne, %rem3A, %ne3A_17 : i32
    %and3A = arith.andi %ne3A, %ne3A_18 : i1
    %sub3A = arith.constant 1 : i32
    %sub3A_19 = arith.subi %div3A, %sub3A : i32
    %select_n3A = arith.select %and3A, %sub3A_19, %div3A : i32
    %mul3A = arith.constant 128 : i32
    %mul3A_20 = arith.muli %select_n3A, %mul3A : i32
    %sub3A_21 = arith.subi %get3A_3, %mul3A_20 : i32
    %add3A_22 = arith.constant 4096 : i32
    %add3A_23 = arith.addi %sub3A_21, %add3A_22 : i32
    %sub3A_24 = arith.constant 1 : i32
    %sub3A_25 = arith.subi %add3A_23, %sub3A_24 : i32
    %jit3A_26 = arith.constant 4096 : i32
    %div3A_27 = arith.divsi %sub3A_25, %jit3A_26 : i32
    %sign3A_28 = arith.constant 0 : i32
    %sign3A_29 = arith.cmpi sgt, %sub3A_25, %sign3A_28 : i32
    %sign3A_30 = arith.extui %sign3A_29 : i1 to i32
    %sign3A_31 = arith.constant 0 : i32
    %sign3A_32 = arith.cmpi slt, %sub3A_25, %sign3A_31 : i32
    %sign3A_33 = arith.extui %sign3A_32 : i1 to i32
    %sign3A_34 = arith.subi %sign3A_30, %sign3A_33 : i32
    %sign3A_35 = arith.constant 0 : i32
    %sign3A_36 = arith.cmpi sgt, %jit3A_26, %sign3A_35 : i32
    %sign3A_37 = arith.extui %sign3A_36 : i1 to i32
    %sign3A_38 = arith.constant 0 : i32
    %sign3A_39 = arith.cmpi slt, %jit3A_26, %sign3A_38 : i32
    %sign3A_40 = arith.extui %sign3A_39 : i1 to i32
    %sign3A_41 = arith.subi %sign3A_37, %sign3A_40 : i32
    %ne3A_42 = arith.cmpi ne, %sign3A_34, %sign3A_41 : i32
    %rem3A_43 = arith.remsi %sub3A_25, %jit3A_26 : i32
    %ne3A_44 = arith.constant 0 : i32
    %ne3A_45 = arith.cmpi ne, %rem3A_43, %ne3A_44 : i32
    %and3A_46 = arith.andi %ne3A_42, %ne3A_45 : i1
    %sub3A_47 = arith.constant 1 : i32
    %sub3A_48 = arith.subi %div3A_27, %sub3A_47 : i32
    %select_n3A_49 = arith.select %and3A_46, %sub3A_48, %div3A_27 : i32
    %broadcast_in_dim3A = arith.constant 0.000000e+00 : f32
    %broadcast_in_dim3A_50 = vector.broadcast %broadcast_in_dim3A : f32 to vector<512x512xf32>
    %swap3A = arith.constant 0 : index
    %swap3A_51 = arith.constant 0 : index
    %swap3A_52 = vector.load %arg16[%swap3A, %swap3A_51] : memref<512x512xf32, #tpu.memory_space<vmem>>, vector<512x512xf32>
    tpu.vector_store %arg16[%swap3A, %swap3A_51], %broadcast_in_dim3A_50 {strides = array<i32>} : memref<512x512xf32, #tpu.memory_space<vmem>>, vector<512x512xf32>,
    %get3A_53 = arith.constant 0 : index
    %get3A_54 = arith.constant 0 : index
    %get3A_55 = vector.load %arg5[%get3A_53, %get3A_54] : memref<128x256xf32, #tpu.memory_space<vmem>>, vector<128x256xf32>
    %convert_element_type3A = arith.truncf %get3A_55 : vector<128x256xf32> to vector<128x256xbf16>
    %get3A_56 = arith.constant 0 : index
    %get3A_57 = arith.constant 0 : index
    %get3A_58 = vector.load %arg6[%get3A_56, %get3A_57] : memref<1x256xf32, #tpu.memory_space<vmem>>, vector<1x256xf32>
    %gt3A = arith.constant 0 : i32
    %gt3A_59 = arith.cmpi sgt, %select_n3A_49, %gt3A : i32
    %convert_element_type3A_60 = arith.extui %gt3A_59 : i1 to i32
    %cond3A = arith.constant 0 : i32
    %cond3A_61 = arith.cmpi ne, %convert_element_type3A_60, %cond3A : i32
    scf.if %cond3A_61 {
      %add3A_180 = arith.constant 0 : i32
      %add3A_181 = arith.addi %mul3A_20, %add3A_180 : i32
      %jit3A_182 = arith.constant 128 : i32
      %div3A_183 = arith.divsi %add3A_181, %jit3A_182 : i32
      %sign3A_184 = arith.constant 0 : i32
      %sign3A_185 = arith.cmpi sgt, %add3A_181, %sign3A_184 : i32
      %sign3A_186 = arith.extui %sign3A_185 : i1 to i32
      %sign3A_187 = arith.constant 0 : i32
      %sign3A_188 = arith.cmpi slt, %add3A_181, %sign3A_187 : i32
      %sign3A_189 = arith.extui %sign3A_188 : i1 to i32
      %sign3A_190 = arith.subi %sign3A_186, %sign3A_189 : i32
      %sign3A_191 = arith.constant 0 : i32
      %sign3A_192 = arith.cmpi sgt, %jit3A_182, %sign3A_191 : i32
      %sign3A_193 = arith.extui %sign3A_192 : i1 to i32
      %sign3A_194 = arith.constant 0 : i32
      %sign3A_195 = arith.cmpi slt, %jit3A_182, %sign3A_194 : i32
      %sign3A_196 = arith.extui %sign3A_195 : i1 to i32
      %sign3A_197 = arith.subi %sign3A_193, %sign3A_196 : i32
      %ne3A_198 = arith.cmpi ne, %sign3A_190, %sign3A_197 : i32
      %rem3A_199 = arith.remsi %add3A_181, %jit3A_182 : i32
      %ne3A_200 = arith.constant 0 : i32
      %ne3A_201 = arith.cmpi ne, %rem3A_199, %ne3A_200 : i32
      %and3A_202 = arith.andi %ne3A_198, %ne3A_201 : i1
      %sub3A_203 = arith.constant 1 : i32
      %sub3A_204 = arith.subi %div3A_183, %sub3A_203 : i32
      %select_n3A_205 = arith.select %and3A_202, %sub3A_204, %div3A_183 : i32
      %dma_start3A = arith.constant 0 : i32
      %dma_start3A_206 = tpu.memref_slice %arg2[%add3A_181, %dma_start3A] : memref<819200x128xf32, #tpu.memory_space<any>> -> memref<4096x128xf32, #tpu.memory_space<any>>
      tpu.enqueue_dma source(%dma_start3A_206 : memref<4096x128xf32, #tpu.memory_space<any>>) target(%arg17 : memref<4096x128xf32, #tpu.memory_space<vmem>>) target_semaphore(%arg23 : memref<!tpu.dma_semaphore, #tpu.memory_space<semaphore_mem>>)
      %dma_start3A_207 = arith.constant 0 : i32
      %dma_start3A_208 = tpu.memref_slice %arg3[%add3A_181, %dma_start3A_207] : memref<819200x128xf32, #tpu.memory_space<any>> -> memref<4096x128xf32, #tpu.memory_space<any>>
      tpu.enqueue_dma source(%dma_start3A_208 : memref<4096x128xf32, #tpu.memory_space<any>>) target(%arg18 : memref<4096x128xf32, #tpu.memory_space<vmem>>) target_semaphore(%arg24 : memref<!tpu.dma_semaphore, #tpu.memory_space<semaphore_mem>>)
      %dma_start3A_209 = arith.constant 0 : i32
      %dma_start3A_210 = tpu.memref_slice %arg4[%select_n3A_205, %dma_start3A_209] : memref<6400x128xi32, #tpu.memory_space<any>> -> memref<32x128xi32, #tpu.memory_space<any>>
      tpu.enqueue_dma source(%dma_start3A_210 : memref<32x128xi32, #tpu.memory_space<any>>) target(%arg19 : memref<32x128xi32, #tpu.memory_space<vmem>>) target_semaphore(%arg25 : memref<!tpu.dma_semaphore, #tpu.memory_space<semaphore_mem>>)
    } else {
    }
    %while3A = arith.constant 0 : i32
    %while3A_62 = arith.constant 0 : i32
    %while3A_63 = arith.subi %select_n3A_49, %while3A_62 : i32
    %while3A_64 = arith.addi %while3A_62, %while3A_63 : i32
    %while3A_65 = arith.constant 1 : i32
    %while3A_66 = arith.divsi %while3A_63, %while3A_65 : i32
    %while3A_67 = arith.muli %while3A_66, %while3A_65 : i32
    %while3A_68 = arith.addi %while3A_62, %while3A_67 : i32
    %while3A_69 = arith.constant 1 : i32
    scf.for %while3A_180 = %while3A_62 to %while3A_68 step %while3A_69  : i32 {
      %rem3A_181 = arith.constant 2 : i32
      %rem3A_182 = arith.remsi %while3A_180, %rem3A_181 : i32
      %eq3A = arith.constant 0 : i32
      %eq3A_183 = arith.cmpi eq, %rem3A_182, %eq3A : i32
      %convert_element_type3A_184 = arith.extui %eq3A_183 : i1 to i32
      %cond3A_185 = arith.constant 0 : i32
      %cond3A_186 = arith.cmpi ne, %convert_element_type3A_184, %cond3A_185 : i32
      scf.if %cond3A_186 {
        %add3A_194 = arith.constant 1 : i32
        %add3A_195 = arith.addi %while3A_180, %add3A_194 : i32
        %lt3A = arith.cmpi slt, %add3A_195, %select_n3A_49 : i32
        %convert_element_type3A_196 = arith.extui %lt3A : i1 to i32
        %cond3A_197 = arith.constant 0 : i32
        %cond3A_198 = arith.cmpi ne, %convert_element_type3A_196, %cond3A_197 : i32
        scf.if %cond3A_198 {
          %add3A_292 = arith.constant 1 : i32
          %add3A_293 = arith.addi %while3A_180, %add3A_292 : i32
          %mul3A_294 = arith.constant 4096 : i32
          %mul3A_295 = arith.muli %add3A_293, %mul3A_294 : i32
          %add3A_296 = arith.addi %mul3A_20, %mul3A_295 : i32
          %jit3A_297 = arith.constant 128 : i32
          %div3A_298 = arith.divsi %add3A_296, %jit3A_297 : i32
          %sign3A_299 = arith.constant 0 : i32
          %sign3A_300 = arith.cmpi sgt, %add3A_296, %sign3A_299 : i32
          %sign3A_301 = arith.extui %sign3A_300 : i1 to i32
          %sign3A_302 = arith.constant 0 : i32
          %sign3A_303 = arith.cmpi slt, %add3A_296, %sign3A_302 : i32
          %sign3A_304 = arith.extui %sign3A_303 : i1 to i32
          %sign3A_305 = arith.subi %sign3A_301, %sign3A_304 : i32
          %sign3A_306 = arith.constant 0 : i32
          %sign3A_307 = arith.cmpi sgt, %jit3A_297, %sign3A_306 : i32
          %sign3A_308 = arith.extui %sign3A_307 : i1 to i32
          %sign3A_309 = arith.constant 0 : i32
          %sign3A_310 = arith.cmpi slt, %jit3A_297, %sign3A_309 : i32
          %sign3A_311 = arith.extui %sign3A_310 : i1 to i32
          %sign3A_312 = arith.subi %sign3A_308, %sign3A_311 : i32
          %ne3A_313 = arith.cmpi ne, %sign3A_305, %sign3A_312 : i32
          %rem3A_314 = arith.remsi %add3A_296, %jit3A_297 : i32
          %ne3A_315 = arith.constant 0 : i32
          %ne3A_316 = arith.cmpi ne, %rem3A_314, %ne3A_315 : i32
          %and3A_317 = arith.andi %ne3A_313, %ne3A_316 : i1
          %sub3A_318 = arith.constant 1 : i32
          %sub3A_319 = arith.subi %div3A_298, %sub3A_318 : i32
          %select_n3A_320 = arith.select %and3A_317, %sub3A_319, %div3A_298 : i32
          %dma_start3A = arith.constant 0 : i32
          %dma_start3A_321 = tpu.memref_slice %arg2[%add3A_296, %dma_start3A] : memref<819200x128xf32, #tpu.memory_space<any>> -> memref<4096x128xf32, #tpu.memory_space<any>>
          tpu.enqueue_dma source(%dma_start3A_321 : memref<4096x128xf32, #tpu.memory_space<any>>) target(%arg20 : memref<4096x128xf32, #tpu.memory_space<vmem>>) target_semaphore(%arg26 : memref<!tpu.dma_semaphore, #tpu.memory_space<semaphore_mem>>)
          %dma_start3A_322 = arith.constant 0 : i32
          %dma_start3A_323 = tpu.memref_slice %arg3[%add3A_296, %dma_start3A_322] : memref<819200x128xf32, #tpu.memory_space<any>> -> memref<4096x128xf32, #tpu.memory_space<any>>
          tpu.enqueue_dma source(%dma_start3A_323 : memref<4096x128xf32, #tpu.memory_space<any>>) target(%arg21 : memref<4096x128xf32, #tpu.memory_space<vmem>>) target_semaphore(%arg27 : memref<!tpu.dma_semaphore, #tpu.memory_space<semaphore_mem>>)
          %dma_start3A_324 = arith.constant 0 : i32
          %dma_start3A_325 = tpu.memref_slice %arg4[%select_n3A_320, %dma_start3A_324] : memref<6400x128xi32, #tpu.memory_space<any>> -> memref<32x128xi32, #tpu.memory_space<any>>
          tpu.enqueue_dma source(%dma_start3A_325 : memref<32x128xi32, #tpu.memory_space<any>>) target(%arg22 : memref<32x128xi32, #tpu.memory_space<vmem>>) target_semaphore(%arg28 : memref<!tpu.dma_semaphore, #tpu.memory_space<semaphore_mem>>)
        } else {
        }
        %mul3A_199 = arith.constant 4096 : i32
        %mul3A_200 = arith.muli %while3A_180, %mul3A_199 : i32
        %add3A_201 = arith.addi %mul3A_20, %mul3A_200 : i32
        %jit3A_202 = arith.constant 128 : i32
        %div3A_203 = arith.divsi %add3A_201, %jit3A_202 : i32
        %sign3A_204 = arith.constant 0 : i32
        %sign3A_205 = arith.cmpi sgt, %add3A_201, %sign3A_204 : i32
        %sign3A_206 = arith.extui %sign3A_205 : i1 to i32
        %sign3A_207 = arith.constant 0 : i32
        %sign3A_208 = arith.cmpi slt, %add3A_201, %sign3A_207 : i32
        %sign3A_209 = arith.extui %sign3A_208 : i1 to i32
        %sign3A_210 = arith.subi %sign3A_206, %sign3A_209 : i32
        %sign3A_211 = arith.constant 0 : i32
        %sign3A_212 = arith.cmpi sgt, %jit3A_202, %sign3A_211 : i32
        %sign3A_213 = arith.extui %sign3A_212 : i1 to i32
        %sign3A_214 = arith.constant 0 : i32
        %sign3A_215 = arith.cmpi slt, %jit3A_202, %sign3A_214 : i32
        %sign3A_216 = arith.extui %sign3A_215 : i1 to i32
        %sign3A_217 = arith.subi %sign3A_213, %sign3A_216 : i32
        %ne3A_218 = arith.cmpi ne, %sign3A_210, %sign3A_217 : i32
        %rem3A_219 = arith.remsi %add3A_201, %jit3A_202 : i32
        %ne3A_220 = arith.constant 0 : i32
        %ne3A_221 = arith.cmpi ne, %rem3A_219, %ne3A_220 : i32
        %and3A_222 = arith.andi %ne3A_218, %ne3A_221 : i1
        %sub3A_223 = arith.constant 1 : i32
        %sub3A_224 = arith.subi %div3A_203, %sub3A_223 : i32
        %select_n3A_225 = arith.select %and3A_222, %sub3A_224, %div3A_203 : i32
        %dma_wait3A = arith.constant 0 : i32
        %dma_wait3A_226 = tpu.memref_slice %arg2[%add3A_201, %dma_wait3A] : memref<819200x128xf32, #tpu.memory_space<any>> -> memref<4096x128xf32, #tpu.memory_space<any>>
        tpu.wait_dma2 semaphore(%arg23 : memref<!tpu.dma_semaphore, #tpu.memory_space<semaphore_mem>>) src(%dma_wait3A_226 : memref<4096x128xf32, #tpu.memory_space<any>>) dst(%arg17 : memref<4096x128xf32, #tpu.memory_space<vmem>>)
        %dma_wait3A_227 = arith.constant 0 : i32
        %dma_wait3A_228 = tpu.memref_slice %arg3[%add3A_201, %dma_wait3A_227] : memref<819200x128xf32, #tpu.memory_space<any>> -> memref<4096x128xf32, #tpu.memory_space<any>>
        tpu.wait_dma2 semaphore(%arg24 : memref<!tpu.dma_semaphore, #tpu.memory_space<semaphore_mem>>) src(%dma_wait3A_228 : memref<4096x128xf32, #tpu.memory_space<any>>) dst(%arg18 : memref<4096x128xf32, #tpu.memory_space<vmem>>)
        %dma_wait3A_229 = arith.constant 0 : i32
        %dma_wait3A_230 = tpu.memref_slice %arg4[%select_n3A_225, %dma_wait3A_229] : memref<6400x128xi32, #tpu.memory_space<any>> -> memref<32x128xi32, #tpu.memory_space<any>>
        tpu.wait_dma2 semaphore(%arg25 : memref<!tpu.dma_semaphore, #tpu.memory_space<semaphore_mem>>) src(%dma_wait3A_230 : memref<32x128xi32, #tpu.memory_space<any>>) dst(%arg19 : memref<32x128xi32, #tpu.memory_space<vmem>>)
        %mul3A_231 = arith.constant 4096 : i32
        %mul3A_232 = arith.muli %while3A_180, %mul3A_231 : i32
        %add3A_233 = arith.addi %mul3A_20, %mul3A_232 : i32
        %get3A_234 = arith.constant 0 : index
        %get3A_235 = arith.constant 0 : index
        %get3A_236 = vector.load %arg17[%get3A_234, %get3A_235] : memref<4096x128xf32, #tpu.memory_space<vmem>>, vector<4096x128xf32>
        %convert_element_type3A_237 = arith.truncf %get3A_236 : vector<4096x128xf32> to vector<4096x128xbf16>
        %dot_general3A_238 = arith.constant dense<0.000000e+00> : vector<4096x256xf32>
        %dot_general3A_239 = tpu.matmul %convert_element_type3A_237, %convert_element_type3A, %dot_general3A_238 {dimension_numbers = #tpu.dot_dimension_numbers<[1], [0], [0], [1], [0, 0, 1, 1], [], []>, transpose_lhs_hint = false} : vector<4096x128xbf16>, vector<128x256xbf16>, vector<4096x256xf32> -> vector<4096x256xf32>
        %add3A_240 = vector.broadcast %get3A_58 : vector<1x256xf32> to vector<4096x256xf32>
        %add3A_241 = arith.addf %dot_general3A_239, %add3A_240 : vector<4096x256xf32>
        %logistic3A_242 = arith.negf %add3A_241 : vector<4096x256xf32>
        %logistic3A_243 = math.exp %logistic3A_242 : vector<4096x256xf32>
        %logistic3A_244 = arith.constant 1.000000e+00 : f32
        %logistic3A_245 = vector.broadcast %logistic3A_244 : f32 to vector<4096x256xf32>
        %logistic3A_246 = arith.addf %logistic3A_245, %logistic3A_243 : vector<4096x256xf32>
        %logistic3A_247 = arith.divf %logistic3A_245, %logistic3A_246 : vector<4096x256xf32>
        %get3A_248 = arith.constant 0 : index
        %get3A_249 = arith.constant 0 : index
        %get3A_250 = vector.load %arg18[%get3A_248, %get3A_249] : memref<4096x128xf32, #tpu.memory_space<vmem>>, vector<4096x128xf32>
        %bitcast_convert_type3A_251 = tpu.bitcast %get3A_250 : vector<4096x128xf32> -> vector<4096x128xi32>
        %shift_right_logical3A = arith.constant 16 : i32
        %shift_right_logical3A_252 = vector.broadcast %shift_right_logical3A : i32 to vector<4096x128xi32>
        %shift_right_logical3A_253 = arith.shrui %bitcast_convert_type3A_251, %shift_right_logical3A_252 : vector<4096x128xi32>
        %convert_element_type3A_254 = arith.trunci %shift_right_logical3A_253 : vector<4096x128xi32> to vector<4096x128xi16>
        %bitcast_convert_type3A_255 = tpu.bitcast %convert_element_type3A_254 : vector<4096x128xi16> -> vector<4096x128xbf16>
        %convert_element_type3A_256 = arith.trunci %bitcast_convert_type3A_251 : vector<4096x128xi32> to vector<4096x128xi16>
        %bitcast_convert_type3A_257 = tpu.bitcast %convert_element_type3A_256 : vector<4096x128xi16> -> vector<4096x128xbf16>
        %concatenate3A = tpu.concatenate %bitcast_convert_type3A_255, %bitcast_convert_type3A_257 in 1 : vector<4096x128xbf16>, vector<4096x128xbf16> -> vector<4096x256xbf16>
        %convert_element_type3A_258 = arith.extf %concatenate3A : vector<4096x256xbf16> to vector<4096x256xf32>
        %mul3A_259 = arith.mulf %logistic3A_247, %convert_element_type3A_258 : vector<4096x256xf32>
        %iota3A = tpu.iota {dimensions = array<i32: 0>} : vector<4096x1xi32>
        %add3A_260 = vector.broadcast %add3A_233 : i32 to vector<4096x1xi32>
        %add3A_261 = arith.addi %iota3A, %add3A_260 : vector<4096x1xi32>
        %ge3A = vector.broadcast %get3A_0 : i32 to vector<4096x1xi32>
        %ge3A_262 = arith.cmpi sge, %add3A_261, %ge3A : vector<4096x1xi32>
        %lt3A_263 = vector.broadcast %get3A_3 : i32 to vector<4096x1xi32>
        %lt3A_264 = arith.cmpi slt, %add3A_261, %lt3A_263 : vector<4096x1xi32>
        %and3A_265 = arith.andi %ge3A_262, %lt3A_264 : vector<4096x1xi1>
        %concatenate3A_266 = tpu.concatenate %mul3A_259, %logistic3A_247 in 1 : vector<4096x256xf32>, vector<4096x256xf32> -> vector<4096x512xf32>
        %jit3A_267 = arith.constant 0.000000e+00 : f32
        %broadcast_in_dim3A_268 = vector.shape_cast %and3A_265 : vector<4096x1xi1> to vector<4096x1xi1>
        %broadcast_in_dim3A_269 = vector.broadcast %broadcast_in_dim3A_268 : vector<4096x1xi1> to vector<4096x512xi1>
        %broadcast_in_dim3A_270 = vector.broadcast %jit3A_267 : f32 to vector<4096x512xf32>
        %select_n3A_271 = arith.select %broadcast_in_dim3A_269, %concatenate3A_266, %broadcast_in_dim3A_270 : vector<4096x512xi1>, vector<4096x512xf32>
        %get3A_272 = arith.constant 0 : index
        %get3A_273 = arith.constant 0 : index
        %get3A_274 = vector.load %arg19[%get3A_272, %get3A_273] : memref<32x128xi32, #tpu.memory_space<vmem>>, vector<32x128xi32>
        %broadcast_in_dim3A_275 = vector.shape_cast %get3A_274 : vector<32x128xi32> to vector<32x128x1xi32>
        %iota3A_276 = tpu.iota {dimensions = array<i32: 2>} : vector<32x128x512xi32>
        %eq3A_277 = vector.broadcast %broadcast_in_dim3A_275 : vector<32x128x1xi32> to vector<32x128x512xi32>
        %eq3A_278 = arith.cmpi eq, %eq3A_277, %iota3A_276 : vector<32x128x512xi32>
        %convert_element_type3A_279 = arith.extui %eq3A_278 : vector<32x128x512xi1> to vector<32x128x512xi32>
        %convert_element_type3A_280 = arith.sitofp %convert_element_type3A_279 : vector<32x128x512xi32> to vector<32x128x512xf32>
        %convert_element_type3A_281 = arith.truncf %convert_element_type3A_280 : vector<32x128x512xf32> to vector<32x128x512xbf16>
        %reshape3A = vector.shape_cast %convert_element_type3A_281 : vector<32x128x512xbf16> to vector<4096x512xbf16>
        %get3A_282 = arith.constant 0 : index
        %get3A_283 = arith.constant 0 : index
        %get3A_284 = vector.load %arg16[%get3A_282, %get3A_283] : memref<512x512xf32, #tpu.memory_space<vmem>>, vector<512x512xf32>
        %convert_element_type3A_285 = arith.truncf %select_n3A_271 : vector<4096x512xf32> to vector<4096x512xbf16>
        %dot_general3A_286 = arith.constant dense<0.000000e+00> : vector<512x512xf32>
        %dot_general3A_287 = tpu.matmul %reshape3A, %convert_element_type3A_285, %dot_general3A_286 {dimension_numbers = #tpu.dot_dimension_numbers<[0], [0], [1], [1], [0, 1, 1, 1], [], []>, transpose_lhs_hint = false} : vector<4096x512xbf16>, vector<4096x512xbf16>, vector<512x512xf32> -> vector<512x512xf32>
        %add3A_288 = arith.addf %get3A_284, %dot_general3A_287 : vector<512x512xf32>
        %swap3A_289 = arith.constant 0 : index
        %swap3A_290 = arith.constant 0 : index
        %swap3A_291 = vector.load %arg16[%swap3A_289, %swap3A_290] : memref<512x512xf32, #tpu.memory_space<vmem>>, vector<512x512xf32>
        tpu.vector_store %arg16[%swap3A_289, %swap3A_290], %add3A_288 {strides = array<i32>} : memref<512x512xf32, #tpu.memory_space<vmem>>, vector<512x512xf32>,
      } else {
      }
      %rem3A_187 = arith.constant 2 : i32
      %rem3A_188 = arith.remsi %while3A_180, %rem3A_187 : i32
      %eq3A_189 = arith.constant 1 : i32
      %eq3A_190 = arith.cmpi eq, %rem3A_188, %eq3A_189 : i32
      %convert_element_type3A_191 = arith.extui %eq3A_190 : i1 to i32
      %cond3A_192 = arith.constant 0 : i32
      %cond3A_193 = arith.cmpi ne, %convert_element_type3A_191, %cond3A_192 : i32
      scf.if %cond3A_193 {
        %add3A_194 = arith.constant 1 : i32
        %add3A_195 = arith.addi %while3A_180, %add3A_194 : i32
        %lt3A = arith.cmpi slt, %add3A_195, %select_n3A_49 : i32
        %convert_element_type3A_196 = arith.extui %lt3A : i1 to i32
        %cond3A_197 = arith.constant 0 : i32
        %cond3A_198 = arith.cmpi ne, %convert_element_type3A_196, %cond3A_197 : i32
        scf.if %cond3A_198 {
          %add3A_292 = arith.constant 1 : i32
          %add3A_293 = arith.addi %while3A_180, %add3A_292 : i32
          %mul3A_294 = arith.constant 4096 : i32
          %mul3A_295 = arith.muli %add3A_293, %mul3A_294 : i32
          %add3A_296 = arith.addi %mul3A_20, %mul3A_295 : i32
          %jit3A_297 = arith.constant 128 : i32
          %div3A_298 = arith.divsi %add3A_296, %jit3A_297 : i32
          %sign3A_299 = arith.constant 0 : i32
          %sign3A_300 = arith.cmpi sgt, %add3A_296, %sign3A_299 : i32
          %sign3A_301 = arith.extui %sign3A_300 : i1 to i32
          %sign3A_302 = arith.constant 0 : i32
          %sign3A_303 = arith.cmpi slt, %add3A_296, %sign3A_302 : i32
          %sign3A_304 = arith.extui %sign3A_303 : i1 to i32
          %sign3A_305 = arith.subi %sign3A_301, %sign3A_304 : i32
          %sign3A_306 = arith.constant 0 : i32
          %sign3A_307 = arith.cmpi sgt, %jit3A_297, %sign3A_306 : i32
          %sign3A_308 = arith.extui %sign3A_307 : i1 to i32
          %sign3A_309 = arith.constant 0 : i32
          %sign3A_310 = arith.cmpi slt, %jit3A_297, %sign3A_309 : i32
          %sign3A_311 = arith.extui %sign3A_310 : i1 to i32
          %sign3A_312 = arith.subi %sign3A_308, %sign3A_311 : i32
          %ne3A_313 = arith.cmpi ne, %sign3A_305, %sign3A_312 : i32
          %rem3A_314 = arith.remsi %add3A_296, %jit3A_297 : i32
          %ne3A_315 = arith.constant 0 : i32
          %ne3A_316 = arith.cmpi ne, %rem3A_314, %ne3A_315 : i32
          %and3A_317 = arith.andi %ne3A_313, %ne3A_316 : i1
          %sub3A_318 = arith.constant 1 : i32
          %sub3A_319 = arith.subi %div3A_298, %sub3A_318 : i32
          %select_n3A_320 = arith.select %and3A_317, %sub3A_319, %div3A_298 : i32
          %dma_start3A = arith.constant 0 : i32
          %dma_start3A_321 = tpu.memref_slice %arg2[%add3A_296, %dma_start3A] : memref<819200x128xf32, #tpu.memory_space<any>> -> memref<4096x128xf32, #tpu.memory_space<any>>
          tpu.enqueue_dma source(%dma_start3A_321 : memref<4096x128xf32, #tpu.memory_space<any>>) target(%arg17 : memref<4096x128xf32, #tpu.memory_space<vmem>>) target_semaphore(%arg23 : memref<!tpu.dma_semaphore, #tpu.memory_space<semaphore_mem>>)
          %dma_start3A_322 = arith.constant 0 : i32
          %dma_start3A_323 = tpu.memref_slice %arg3[%add3A_296, %dma_start3A_322] : memref<819200x128xf32, #tpu.memory_space<any>> -> memref<4096x128xf32, #tpu.memory_space<any>>
          tpu.enqueue_dma source(%dma_start3A_323 : memref<4096x128xf32, #tpu.memory_space<any>>) target(%arg18 : memref<4096x128xf32, #tpu.memory_space<vmem>>) target_semaphore(%arg24 : memref<!tpu.dma_semaphore, #tpu.memory_space<semaphore_mem>>)
          %dma_start3A_324 = arith.constant 0 : i32
          %dma_start3A_325 = tpu.memref_slice %arg4[%select_n3A_320, %dma_start3A_324] : memref<6400x128xi32, #tpu.memory_space<any>> -> memref<32x128xi32, #tpu.memory_space<any>>
          tpu.enqueue_dma source(%dma_start3A_325 : memref<32x128xi32, #tpu.memory_space<any>>) target(%arg19 : memref<32x128xi32, #tpu.memory_space<vmem>>) target_semaphore(%arg25 : memref<!tpu.dma_semaphore, #tpu.memory_space<semaphore_mem>>)
        } else {
        }
        %mul3A_199 = arith.constant 4096 : i32
        %mul3A_200 = arith.muli %while3A_180, %mul3A_199 : i32
        %add3A_201 = arith.addi %mul3A_20, %mul3A_200 : i32
        %jit3A_202 = arith.constant 128 : i32
        %div3A_203 = arith.divsi %add3A_201, %jit3A_202 : i32
        %sign3A_204 = arith.constant 0 : i32
        %sign3A_205 = arith.cmpi sgt, %add3A_201, %sign3A_204 : i32
        %sign3A_206 = arith.extui %sign3A_205 : i1 to i32
        %sign3A_207 = arith.constant 0 : i32
        %sign3A_208 = arith.cmpi slt, %add3A_201, %sign3A_207 : i32
        %sign3A_209 = arith.extui %sign3A_208 : i1 to i32
        %sign3A_210 = arith.subi %sign3A_206, %sign3A_209 : i32
        %sign3A_211 = arith.constant 0 : i32
        %sign3A_212 = arith.cmpi sgt, %jit3A_202, %sign3A_211 : i32
        %sign3A_213 = arith.extui %sign3A_212 : i1 to i32
        %sign3A_214 = arith.constant 0 : i32
        %sign3A_215 = arith.cmpi slt, %jit3A_202, %sign3A_214 : i32
        %sign3A_216 = arith.extui %sign3A_215 : i1 to i32
        %sign3A_217 = arith.subi %sign3A_213, %sign3A_216 : i32
        %ne3A_218 = arith.cmpi ne, %sign3A_210, %sign3A_217 : i32
        %rem3A_219 = arith.remsi %add3A_201, %jit3A_202 : i32
        %ne3A_220 = arith.constant 0 : i32
        %ne3A_221 = arith.cmpi ne, %rem3A_219, %ne3A_220 : i32
        %and3A_222 = arith.andi %ne3A_218, %ne3A_221 : i1
        %sub3A_223 = arith.constant 1 : i32
        %sub3A_224 = arith.subi %div3A_203, %sub3A_223 : i32
        %select_n3A_225 = arith.select %and3A_222, %sub3A_224, %div3A_203 : i32
        %dma_wait3A = arith.constant 0 : i32
        %dma_wait3A_226 = tpu.memref_slice %arg2[%add3A_201, %dma_wait3A] : memref<819200x128xf32, #tpu.memory_space<any>> -> memref<4096x128xf32, #tpu.memory_space<any>>
        tpu.wait_dma2 semaphore(%arg26 : memref<!tpu.dma_semaphore, #tpu.memory_space<semaphore_mem>>) src(%dma_wait3A_226 : memref<4096x128xf32, #tpu.memory_space<any>>) dst(%arg20 : memref<4096x128xf32, #tpu.memory_space<vmem>>)
        %dma_wait3A_227 = arith.constant 0 : i32
        %dma_wait3A_228 = tpu.memref_slice %arg3[%add3A_201, %dma_wait3A_227] : memref<819200x128xf32, #tpu.memory_space<any>> -> memref<4096x128xf32, #tpu.memory_space<any>>
        tpu.wait_dma2 semaphore(%arg27 : memref<!tpu.dma_semaphore, #tpu.memory_space<semaphore_mem>>) src(%dma_wait3A_228 : memref<4096x128xf32, #tpu.memory_space<any>>) dst(%arg21 : memref<4096x128xf32, #tpu.memory_space<vmem>>)
        %dma_wait3A_229 = arith.constant 0 : i32
        %dma_wait3A_230 = tpu.memref_slice %arg4[%select_n3A_225, %dma_wait3A_229] : memref<6400x128xi32, #tpu.memory_space<any>> -> memref<32x128xi32, #tpu.memory_space<any>>
        tpu.wait_dma2 semaphore(%arg28 : memref<!tpu.dma_semaphore, #tpu.memory_space<semaphore_mem>>) src(%dma_wait3A_230 : memref<32x128xi32, #tpu.memory_space<any>>) dst(%arg22 : memref<32x128xi32, #tpu.memory_space<vmem>>)
        %mul3A_231 = arith.constant 4096 : i32
        %mul3A_232 = arith.muli %while3A_180, %mul3A_231 : i32
        %add3A_233 = arith.addi %mul3A_20, %mul3A_232 : i32
        %get3A_234 = arith.constant 0 : index
        %get3A_235 = arith.constant 0 : index
        %get3A_236 = vector.load %arg20[%get3A_234, %get3A_235] : memref<4096x128xf32, #tpu.memory_space<vmem>>, vector<4096x128xf32>
        %convert_element_type3A_237 = arith.truncf %get3A_236 : vector<4096x128xf32> to vector<4096x128xbf16>
        %dot_general3A_238 = arith.constant dense<0.000000e+00> : vector<4096x256xf32>
        %dot_general3A_239 = tpu.matmul %convert_element_type3A_237, %convert_element_type3A, %dot_general3A_238 {dimension_numbers = #tpu.dot_dimension_numbers<[1], [0], [0], [1], [0, 0, 1, 1], [], []>, transpose_lhs_hint = false} : vector<4096x128xbf16>, vector<128x256xbf16>, vector<4096x256xf32> -> vector<4096x256xf32>
        %add3A_240 = vector.broadcast %get3A_58 : vector<1x256xf32> to vector<4096x256xf32>
        %add3A_241 = arith.addf %dot_general3A_239, %add3A_240 : vector<4096x256xf32>
        %logistic3A_242 = arith.negf %add3A_241 : vector<4096x256xf32>
        %logistic3A_243 = math.exp %logistic3A_242 : vector<4096x256xf32>
        %logistic3A_244 = arith.constant 1.000000e+00 : f32
        %logistic3A_245 = vector.broadcast %logistic3A_244 : f32 to vector<4096x256xf32>
        %logistic3A_246 = arith.addf %logistic3A_245, %logistic3A_243 : vector<4096x256xf32>
        %logistic3A_247 = arith.divf %logistic3A_245, %logistic3A_246 : vector<4096x256xf32>
        %get3A_248 = arith.constant 0 : index
        %get3A_249 = arith.constant 0 : index
        %get3A_250 = vector.load %arg21[%get3A_248, %get3A_249] : memref<4096x128xf32, #tpu.memory_space<vmem>>, vector<4096x128xf32>
        %bitcast_convert_type3A_251 = tpu.bitcast %get3A_250 : vector<4096x128xf32> -> vector<4096x128xi32>
        %shift_right_logical3A = arith.constant 16 : i32
        %shift_right_logical3A_252 = vector.broadcast %shift_right_logical3A : i32 to vector<4096x128xi32>
        %shift_right_logical3A_253 = arith.shrui %bitcast_convert_type3A_251, %shift_right_logical3A_252 : vector<4096x128xi32>
        %convert_element_type3A_254 = arith.trunci %shift_right_logical3A_253 : vector<4096x128xi32> to vector<4096x128xi16>
        %bitcast_convert_type3A_255 = tpu.bitcast %convert_element_type3A_254 : vector<4096x128xi16> -> vector<4096x128xbf16>
        %convert_element_type3A_256 = arith.trunci %bitcast_convert_type3A_251 : vector<4096x128xi32> to vector<4096x128xi16>
        %bitcast_convert_type3A_257 = tpu.bitcast %convert_element_type3A_256 : vector<4096x128xi16> -> vector<4096x128xbf16>
        %concatenate3A = tpu.concatenate %bitcast_convert_type3A_255, %bitcast_convert_type3A_257 in 1 : vector<4096x128xbf16>, vector<4096x128xbf16> -> vector<4096x256xbf16>
        %convert_element_type3A_258 = arith.extf %concatenate3A : vector<4096x256xbf16> to vector<4096x256xf32>
        %mul3A_259 = arith.mulf %logistic3A_247, %convert_element_type3A_258 : vector<4096x256xf32>
        %iota3A = tpu.iota {dimensions = array<i32: 0>} : vector<4096x1xi32>
        %add3A_260 = vector.broadcast %add3A_233 : i32 to vector<4096x1xi32>
        %add3A_261 = arith.addi %iota3A, %add3A_260 : vector<4096x1xi32>
        %ge3A = vector.broadcast %get3A_0 : i32 to vector<4096x1xi32>
        %ge3A_262 = arith.cmpi sge, %add3A_261, %ge3A : vector<4096x1xi32>
        %lt3A_263 = vector.broadcast %get3A_3 : i32 to vector<4096x1xi32>
        %lt3A_264 = arith.cmpi slt, %add3A_261, %lt3A_263 : vector<4096x1xi32>
        %and3A_265 = arith.andi %ge3A_262, %lt3A_264 : vector<4096x1xi1>
        %concatenate3A_266 = tpu.concatenate %mul3A_259, %logistic3A_247 in 1 : vector<4096x256xf32>, vector<4096x256xf32> -> vector<4096x512xf32>
        %jit3A_267 = arith.constant 0.000000e+00 : f32
        %broadcast_in_dim3A_268 = vector.shape_cast %and3A_265 : vector<4096x1xi1> to vector<4096x1xi1>
        %broadcast_in_dim3A_269 = vector.broadcast %broadcast_in_dim3A_268 : vector<4096x1xi1> to vector<4096x512xi1>
        %broadcast_in_dim3A_270 = vector.broadcast %jit3A_267 : f32 to vector<4096x512xf32>
        %select_n3A_271 = arith.select %broadcast_in_dim3A_269, %concatenate3A_266, %broadcast_in_dim3A_270 : vector<4096x512xi1>, vector<4096x512xf32>
        %get3A_272 = arith.constant 0 : index
        %get3A_273 = arith.constant 0 : index
        %get3A_274 = vector.load %arg22[%get3A_272, %get3A_273] : memref<32x128xi32, #tpu.memory_space<vmem>>, vector<32x128xi32>
        %broadcast_in_dim3A_275 = vector.shape_cast %get3A_274 : vector<32x128xi32> to vector<32x128x1xi32>
        %iota3A_276 = tpu.iota {dimensions = array<i32: 2>} : vector<32x128x512xi32>
        %eq3A_277 = vector.broadcast %broadcast_in_dim3A_275 : vector<32x128x1xi32> to vector<32x128x512xi32>
        %eq3A_278 = arith.cmpi eq, %eq3A_277, %iota3A_276 : vector<32x128x512xi32>
        %convert_element_type3A_279 = arith.extui %eq3A_278 : vector<32x128x512xi1> to vector<32x128x512xi32>
        %convert_element_type3A_280 = arith.sitofp %convert_element_type3A_279 : vector<32x128x512xi32> to vector<32x128x512xf32>
        %convert_element_type3A_281 = arith.truncf %convert_element_type3A_280 : vector<32x128x512xf32> to vector<32x128x512xbf16>
        %reshape3A = vector.shape_cast %convert_element_type3A_281 : vector<32x128x512xbf16> to vector<4096x512xbf16>
        %get3A_282 = arith.constant 0 : index
        %get3A_283 = arith.constant 0 : index
        %get3A_284 = vector.load %arg16[%get3A_282, %get3A_283] : memref<512x512xf32, #tpu.memory_space<vmem>>, vector<512x512xf32>
        %convert_element_type3A_285 = arith.truncf %select_n3A_271 : vector<4096x512xf32> to vector<4096x512xbf16>
        %dot_general3A_286 = arith.constant dense<0.000000e+00> : vector<512x512xf32>
        %dot_general3A_287 = tpu.matmul %reshape3A, %convert_element_type3A_285, %dot_general3A_286 {dimension_numbers = #tpu.dot_dimension_numbers<[0], [0], [1], [1], [0, 1, 1, 1], [], []>, transpose_lhs_hint = false} : vector<4096x512xbf16>, vector<4096x512xbf16>, vector<512x512xf32> -> vector<512x512xf32>
        %add3A_288 = arith.addf %get3A_284, %dot_general3A_287 : vector<512x512xf32>
        %swap3A_289 = arith.constant 0 : index
        %swap3A_290 = arith.constant 0 : index
        %swap3A_291 = vector.load %arg16[%swap3A_289, %swap3A_290] : memref<512x512xf32, #tpu.memory_space<vmem>>, vector<512x512xf32>
        tpu.vector_store %arg16[%swap3A_289, %swap3A_290], %add3A_288 {strides = array<i32>} : memref<512x512xf32, #tpu.memory_space<vmem>>, vector<512x512xf32>,
      } else {
      }
    }
    %while3A_70 = arith.constant 1 : i32
    scf.for %while3A_180 = %while3A_68 to %while3A_64 step %while3A_70  : i32 {
      %rem3A_181 = arith.constant 2 : i32
      %rem3A_182 = arith.remsi %while3A_180, %rem3A_181 : i32
      %eq3A = arith.constant 0 : i32
      %eq3A_183 = arith.cmpi eq, %rem3A_182, %eq3A : i32
      %convert_element_type3A_184 = arith.extui %eq3A_183 : i1 to i32
      %cond3A_185 = arith.constant 0 : i32
      %cond3A_186 = arith.cmpi ne, %convert_element_type3A_184, %cond3A_185 : i32
      scf.if %cond3A_186 {
        %add3A_194 = arith.constant 1 : i32
        %add3A_195 = arith.addi %while3A_180, %add3A_194 : i32
        %lt3A = arith.cmpi slt, %add3A_195, %select_n3A_49 : i32
        %convert_element_type3A_196 = arith.extui %lt3A : i1 to i32
        %cond3A_197 = arith.constant 0 : i32
        %cond3A_198 = arith.cmpi ne, %convert_element_type3A_196, %cond3A_197 : i32
        scf.if %cond3A_198 {
          %add3A_292 = arith.constant 1 : i32
          %add3A_293 = arith.addi %while3A_180, %add3A_292 : i32
          %mul3A_294 = arith.constant 4096 : i32
          %mul3A_295 = arith.muli %add3A_293, %mul3A_294 : i32
          %add3A_296 = arith.addi %mul3A_20, %mul3A_295 : i32
          %jit3A_297 = arith.constant 128 : i32
          %div3A_298 = arith.divsi %add3A_296, %jit3A_297 : i32
          %sign3A_299 = arith.constant 0 : i32
          %sign3A_300 = arith.cmpi sgt, %add3A_296, %sign3A_299 : i32
          %sign3A_301 = arith.extui %sign3A_300 : i1 to i32
          %sign3A_302 = arith.constant 0 : i32
          %sign3A_303 = arith.cmpi slt, %add3A_296, %sign3A_302 : i32
          %sign3A_304 = arith.extui %sign3A_303 : i1 to i32
          %sign3A_305 = arith.subi %sign3A_301, %sign3A_304 : i32
          %sign3A_306 = arith.constant 0 : i32
          %sign3A_307 = arith.cmpi sgt, %jit3A_297, %sign3A_306 : i32
          %sign3A_308 = arith.extui %sign3A_307 : i1 to i32
          %sign3A_309 = arith.constant 0 : i32
          %sign3A_310 = arith.cmpi slt, %jit3A_297, %sign3A_309 : i32
          %sign3A_311 = arith.extui %sign3A_310 : i1 to i32
          %sign3A_312 = arith.subi %sign3A_308, %sign3A_311 : i32
          %ne3A_313 = arith.cmpi ne, %sign3A_305, %sign3A_312 : i32
          %rem3A_314 = arith.remsi %add3A_296, %jit3A_297 : i32
          %ne3A_315 = arith.constant 0 : i32
          %ne3A_316 = arith.cmpi ne, %rem3A_314, %ne3A_315 : i32
          %and3A_317 = arith.andi %ne3A_313, %ne3A_316 : i1
          %sub3A_318 = arith.constant 1 : i32
          %sub3A_319 = arith.subi %div3A_298, %sub3A_318 : i32
          %select_n3A_320 = arith.select %and3A_317, %sub3A_319, %div3A_298 : i32
          %dma_start3A = arith.constant 0 : i32
          %dma_start3A_321 = tpu.memref_slice %arg2[%add3A_296, %dma_start3A] : memref<819200x128xf32, #tpu.memory_space<any>> -> memref<4096x128xf32, #tpu.memory_space<any>>
          tpu.enqueue_dma source(%dma_start3A_321 : memref<4096x128xf32, #tpu.memory_space<any>>) target(%arg20 : memref<4096x128xf32, #tpu.memory_space<vmem>>) target_semaphore(%arg26 : memref<!tpu.dma_semaphore, #tpu.memory_space<semaphore_mem>>)
          %dma_start3A_322 = arith.constant 0 : i32
          %dma_start3A_323 = tpu.memref_slice %arg3[%add3A_296, %dma_start3A_322] : memref<819200x128xf32, #tpu.memory_space<any>> -> memref<4096x128xf32, #tpu.memory_space<any>>
          tpu.enqueue_dma source(%dma_start3A_323 : memref<4096x128xf32, #tpu.memory_space<any>>) target(%arg21 : memref<4096x128xf32, #tpu.memory_space<vmem>>) target_semaphore(%arg27 : memref<!tpu.dma_semaphore, #tpu.memory_space<semaphore_mem>>)
          %dma_start3A_324 = arith.constant 0 : i32
          %dma_start3A_325 = tpu.memref_slice %arg4[%select_n3A_320, %dma_start3A_324] : memref<6400x128xi32, #tpu.memory_space<any>> -> memref<32x128xi32, #tpu.memory_space<any>>
          tpu.enqueue_dma source(%dma_start3A_325 : memref<32x128xi32, #tpu.memory_space<any>>) target(%arg22 : memref<32x128xi32, #tpu.memory_space<vmem>>) target_semaphore(%arg28 : memref<!tpu.dma_semaphore, #tpu.memory_space<semaphore_mem>>)
        } else {
        }
        %mul3A_199 = arith.constant 4096 : i32
        %mul3A_200 = arith.muli %while3A_180, %mul3A_199 : i32
        %add3A_201 = arith.addi %mul3A_20, %mul3A_200 : i32
        %jit3A_202 = arith.constant 128 : i32
        %div3A_203 = arith.divsi %add3A_201, %jit3A_202 : i32
        %sign3A_204 = arith.constant 0 : i32
        %sign3A_205 = arith.cmpi sgt, %add3A_201, %sign3A_204 : i32
        %sign3A_206 = arith.extui %sign3A_205 : i1 to i32
        %sign3A_207 = arith.constant 0 : i32
        %sign3A_208 = arith.cmpi slt, %add3A_201, %sign3A_207 : i32
        %sign3A_209 = arith.extui %sign3A_208 : i1 to i32
        %sign3A_210 = arith.subi %sign3A_206, %sign3A_209 : i32
        %sign3A_211 = arith.constant 0 : i32
        %sign3A_212 = arith.cmpi sgt, %jit3A_202, %sign3A_211 : i32
        %sign3A_213 = arith.extui %sign3A_212 : i1 to i32
        %sign3A_214 = arith.constant 0 : i32
        %sign3A_215 = arith.cmpi slt, %jit3A_202, %sign3A_214 : i32
        %sign3A_216 = arith.extui %sign3A_215 : i1 to i32
        %sign3A_217 = arith.subi %sign3A_213, %sign3A_216 : i32
        %ne3A_218 = arith.cmpi ne, %sign3A_210, %sign3A_217 : i32
        %rem3A_219 = arith.remsi %add3A_201, %jit3A_202 : i32
        %ne3A_220 = arith.constant 0 : i32
        %ne3A_221 = arith.cmpi ne, %rem3A_219, %ne3A_220 : i32
        %and3A_222 = arith.andi %ne3A_218, %ne3A_221 : i1
        %sub3A_223 = arith.constant 1 : i32
        %sub3A_224 = arith.subi %div3A_203, %sub3A_223 : i32
        %select_n3A_225 = arith.select %and3A_222, %sub3A_224, %div3A_203 : i32
        %dma_wait3A = arith.constant 0 : i32
        %dma_wait3A_226 = tpu.memref_slice %arg2[%add3A_201, %dma_wait3A] : memref<819200x128xf32, #tpu.memory_space<any>> -> memref<4096x128xf32, #tpu.memory_space<any>>
        tpu.wait_dma2 semaphore(%arg23 : memref<!tpu.dma_semaphore, #tpu.memory_space<semaphore_mem>>) src(%dma_wait3A_226 : memref<4096x128xf32, #tpu.memory_space<any>>) dst(%arg17 : memref<4096x128xf32, #tpu.memory_space<vmem>>)
        %dma_wait3A_227 = arith.constant 0 : i32
        %dma_wait3A_228 = tpu.memref_slice %arg3[%add3A_201, %dma_wait3A_227] : memref<819200x128xf32, #tpu.memory_space<any>> -> memref<4096x128xf32, #tpu.memory_space<any>>
        tpu.wait_dma2 semaphore(%arg24 : memref<!tpu.dma_semaphore, #tpu.memory_space<semaphore_mem>>) src(%dma_wait3A_228 : memref<4096x128xf32, #tpu.memory_space<any>>) dst(%arg18 : memref<4096x128xf32, #tpu.memory_space<vmem>>)
        %dma_wait3A_229 = arith.constant 0 : i32
        %dma_wait3A_230 = tpu.memref_slice %arg4[%select_n3A_225, %dma_wait3A_229] : memref<6400x128xi32, #tpu.memory_space<any>> -> memref<32x128xi32, #tpu.memory_space<any>>
        tpu.wait_dma2 semaphore(%arg25 : memref<!tpu.dma_semaphore, #tpu.memory_space<semaphore_mem>>) src(%dma_wait3A_230 : memref<32x128xi32, #tpu.memory_space<any>>) dst(%arg19 : memref<32x128xi32, #tpu.memory_space<vmem>>)
        %mul3A_231 = arith.constant 4096 : i32
        %mul3A_232 = arith.muli %while3A_180, %mul3A_231 : i32
        %add3A_233 = arith.addi %mul3A_20, %mul3A_232 : i32
        %get3A_234 = arith.constant 0 : index
        %get3A_235 = arith.constant 0 : index
        %get3A_236 = vector.load %arg17[%get3A_234, %get3A_235] : memref<4096x128xf32, #tpu.memory_space<vmem>>, vector<4096x128xf32>
        %convert_element_type3A_237 = arith.truncf %get3A_236 : vector<4096x128xf32> to vector<4096x128xbf16>
        %dot_general3A_238 = arith.constant dense<0.000000e+00> : vector<4096x256xf32>
        %dot_general3A_239 = tpu.matmul %convert_element_type3A_237, %convert_element_type3A, %dot_general3A_238 {dimension_numbers = #tpu.dot_dimension_numbers<[1], [0], [0], [1], [0, 0, 1, 1], [], []>, transpose_lhs_hint = false} : vector<4096x128xbf16>, vector<128x256xbf16>, vector<4096x256xf32> -> vector<4096x256xf32>
        %add3A_240 = vector.broadcast %get3A_58 : vector<1x256xf32> to vector<4096x256xf32>
        %add3A_241 = arith.addf %dot_general3A_239, %add3A_240 : vector<4096x256xf32>
        %logistic3A_242 = arith.negf %add3A_241 : vector<4096x256xf32>
        %logistic3A_243 = math.exp %logistic3A_242 : vector<4096x256xf32>
        %logistic3A_244 = arith.constant 1.000000e+00 : f32
        %logistic3A_245 = vector.broadcast %logistic3A_244 : f32 to vector<4096x256xf32>
        %logistic3A_246 = arith.addf %logistic3A_245, %logistic3A_243 : vector<4096x256xf32>
        %logistic3A_247 = arith.divf %logistic3A_245, %logistic3A_246 : vector<4096x256xf32>
        %get3A_248 = arith.constant 0 : index
        %get3A_249 = arith.constant 0 : index
        %get3A_250 = vector.load %arg18[%get3A_248, %get3A_249] : memref<4096x128xf32, #tpu.memory_space<vmem>>, vector<4096x128xf32>
        %bitcast_convert_type3A_251 = tpu.bitcast %get3A_250 : vector<4096x128xf32> -> vector<4096x128xi32>
        %shift_right_logical3A = arith.constant 16 : i32
        %shift_right_logical3A_252 = vector.broadcast %shift_right_logical3A : i32 to vector<4096x128xi32>
        %shift_right_logical3A_253 = arith.shrui %bitcast_convert_type3A_251, %shift_right_logical3A_252 : vector<4096x128xi32>
        %convert_element_type3A_254 = arith.trunci %shift_right_logical3A_253 : vector<4096x128xi32> to vector<4096x128xi16>
        %bitcast_convert_type3A_255 = tpu.bitcast %convert_element_type3A_254 : vector<4096x128xi16> -> vector<4096x128xbf16>
        %convert_element_type3A_256 = arith.trunci %bitcast_convert_type3A_251 : vector<4096x128xi32> to vector<4096x128xi16>
        %bitcast_convert_type3A_257 = tpu.bitcast %convert_element_type3A_256 : vector<4096x128xi16> -> vector<4096x128xbf16>
        %concatenate3A = tpu.concatenate %bitcast_convert_type3A_255, %bitcast_convert_type3A_257 in 1 : vector<4096x128xbf16>, vector<4096x128xbf16> -> vector<4096x256xbf16>
        %convert_element_type3A_258 = arith.extf %concatenate3A : vector<4096x256xbf16> to vector<4096x256xf32>
        %mul3A_259 = arith.mulf %logistic3A_247, %convert_element_type3A_258 : vector<4096x256xf32>
        %iota3A = tpu.iota {dimensions = array<i32: 0>} : vector<4096x1xi32>
        %add3A_260 = vector.broadcast %add3A_233 : i32 to vector<4096x1xi32>
        %add3A_261 = arith.addi %iota3A, %add3A_260 : vector<4096x1xi32>
        %ge3A = vector.broadcast %get3A_0 : i32 to vector<4096x1xi32>
        %ge3A_262 = arith.cmpi sge, %add3A_261, %ge3A : vector<4096x1xi32>
        %lt3A_263 = vector.broadcast %get3A_3 : i32 to vector<4096x1xi32>
        %lt3A_264 = arith.cmpi slt, %add3A_261, %lt3A_263 : vector<4096x1xi32>
        %and3A_265 = arith.andi %ge3A_262, %lt3A_264 : vector<4096x1xi1>
        %concatenate3A_266 = tpu.concatenate %mul3A_259, %logistic3A_247 in 1 : vector<4096x256xf32>, vector<4096x256xf32> -> vector<4096x512xf32>
        %jit3A_267 = arith.constant 0.000000e+00 : f32
        %broadcast_in_dim3A_268 = vector.shape_cast %and3A_265 : vector<4096x1xi1> to vector<4096x1xi1>
        %broadcast_in_dim3A_269 = vector.broadcast %broadcast_in_dim3A_268 : vector<4096x1xi1> to vector<4096x512xi1>
        %broadcast_in_dim3A_270 = vector.broadcast %jit3A_267 : f32 to vector<4096x512xf32>
        %select_n3A_271 = arith.select %broadcast_in_dim3A_269, %concatenate3A_266, %broadcast_in_dim3A_270 : vector<4096x512xi1>, vector<4096x512xf32>
        %get3A_272 = arith.constant 0 : index
        %get3A_273 = arith.constant 0 : index
        %get3A_274 = vector.load %arg19[%get3A_272, %get3A_273] : memref<32x128xi32, #tpu.memory_space<vmem>>, vector<32x128xi32>
        %broadcast_in_dim3A_275 = vector.shape_cast %get3A_274 : vector<32x128xi32> to vector<32x128x1xi32>
        %iota3A_276 = tpu.iota {dimensions = array<i32: 2>} : vector<32x128x512xi32>
        %eq3A_277 = vector.broadcast %broadcast_in_dim3A_275 : vector<32x128x1xi32> to vector<32x128x512xi32>
        %eq3A_278 = arith.cmpi eq, %eq3A_277, %iota3A_276 : vector<32x128x512xi32>
        %convert_element_type3A_279 = arith.extui %eq3A_278 : vector<32x128x512xi1> to vector<32x128x512xi32>
        %convert_element_type3A_280 = arith.sitofp %convert_element_type3A_279 : vector<32x128x512xi32> to vector<32x128x512xf32>
        %convert_element_type3A_281 = arith.truncf %convert_element_type3A_280 : vector<32x128x512xf32> to vector<32x128x512xbf16>
        %reshape3A = vector.shape_cast %convert_element_type3A_281 : vector<32x128x512xbf16> to vector<4096x512xbf16>
        %get3A_282 = arith.constant 0 : index
        %get3A_283 = arith.constant 0 : index
        %get3A_284 = vector.load %arg16[%get3A_282, %get3A_283] : memref<512x512xf32, #tpu.memory_space<vmem>>, vector<512x512xf32>
        %convert_element_type3A_285 = arith.truncf %select_n3A_271 : vector<4096x512xf32> to vector<4096x512xbf16>
        %dot_general3A_286 = arith.constant dense<0.000000e+00> : vector<512x512xf32>
        %dot_general3A_287 = tpu.matmul %reshape3A, %convert_element_type3A_285, %dot_general3A_286 {dimension_numbers = #tpu.dot_dimension_numbers<[0], [0], [1], [1], [0, 1, 1, 1], [], []>, transpose_lhs_hint = false} : vector<4096x512xbf16>, vector<4096x512xbf16>, vector<512x512xf32> -> vector<512x512xf32>
        %add3A_288 = arith.addf %get3A_284, %dot_general3A_287 : vector<512x512xf32>
        %swap3A_289 = arith.constant 0 : index
        %swap3A_290 = arith.constant 0 : index
        %swap3A_291 = vector.load %arg16[%swap3A_289, %swap3A_290] : memref<512x512xf32, #tpu.memory_space<vmem>>, vector<512x512xf32>
        tpu.vector_store %arg16[%swap3A_289, %swap3A_290], %add3A_288 {strides = array<i32>} : memref<512x512xf32, #tpu.memory_space<vmem>>, vector<512x512xf32>,
      } else {
      }
      %rem3A_187 = arith.constant 2 : i32
      %rem3A_188 = arith.remsi %while3A_180, %rem3A_187 : i32
      %eq3A_189 = arith.constant 1 : i32
      %eq3A_190 = arith.cmpi eq, %rem3A_188, %eq3A_189 : i32
      %convert_element_type3A_191 = arith.extui %eq3A_190 : i1 to i32
      %cond3A_192 = arith.constant 0 : i32
      %cond3A_193 = arith.cmpi ne, %convert_element_type3A_191, %cond3A_192 : i32
      scf.if %cond3A_193 {
        %add3A_194 = arith.constant 1 : i32
        %add3A_195 = arith.addi %while3A_180, %add3A_194 : i32
        %lt3A = arith.cmpi slt, %add3A_195, %select_n3A_49 : i32
        %convert_element_type3A_196 = arith.extui %lt3A : i1 to i32
        %cond3A_197 = arith.constant 0 : i32
        %cond3A_198 = arith.cmpi ne, %convert_element_type3A_196, %cond3A_197 : i32
        scf.if %cond3A_198 {
          %add3A_292 = arith.constant 1 : i32
          %add3A_293 = arith.addi %while3A_180, %add3A_292 : i32
          %mul3A_294 = arith.constant 4096 : i32
          %mul3A_295 = arith.muli %add3A_293, %mul3A_294 : i32
          %add3A_296 = arith.addi %mul3A_20, %mul3A_295 : i32
          %jit3A_297 = arith.constant 128 : i32
          %div3A_298 = arith.divsi %add3A_296, %jit3A_297 : i32
          %sign3A_299 = arith.constant 0 : i32
          %sign3A_300 = arith.cmpi sgt, %add3A_296, %sign3A_299 : i32
          %sign3A_301 = arith.extui %sign3A_300 : i1 to i32
          %sign3A_302 = arith.constant 0 : i32
          %sign3A_303 = arith.cmpi slt, %add3A_296, %sign3A_302 : i32
          %sign3A_304 = arith.extui %sign3A_303 : i1 to i32
          %sign3A_305 = arith.subi %sign3A_301, %sign3A_304 : i32
          %sign3A_306 = arith.constant 0 : i32
          %sign3A_307 = arith.cmpi sgt, %jit3A_297, %sign3A_306 : i32
          %sign3A_308 = arith.extui %sign3A_307 : i1 to i32
          %sign3A_309 = arith.constant 0 : i32
          %sign3A_310 = arith.cmpi slt, %jit3A_297, %sign3A_309 : i32
          %sign3A_311 = arith.extui %sign3A_310 : i1 to i32
          %sign3A_312 = arith.subi %sign3A_308, %sign3A_311 : i32
          %ne3A_313 = arith.cmpi ne, %sign3A_305, %sign3A_312 : i32
          %rem3A_314 = arith.remsi %add3A_296, %jit3A_297 : i32
          %ne3A_315 = arith.constant 0 : i32
          %ne3A_316 = arith.cmpi ne, %rem3A_314, %ne3A_315 : i32
          %and3A_317 = arith.andi %ne3A_313, %ne3A_316 : i1
          %sub3A_318 = arith.constant 1 : i32
          %sub3A_319 = arith.subi %div3A_298, %sub3A_318 : i32
          %select_n3A_320 = arith.select %and3A_317, %sub3A_319, %div3A_298 : i32
          %dma_start3A = arith.constant 0 : i32
          %dma_start3A_321 = tpu.memref_slice %arg2[%add3A_296, %dma_start3A] : memref<819200x128xf32, #tpu.memory_space<any>> -> memref<4096x128xf32, #tpu.memory_space<any>>
          tpu.enqueue_dma source(%dma_start3A_321 : memref<4096x128xf32, #tpu.memory_space<any>>) target(%arg17 : memref<4096x128xf32, #tpu.memory_space<vmem>>) target_semaphore(%arg23 : memref<!tpu.dma_semaphore, #tpu.memory_space<semaphore_mem>>)
          %dma_start3A_322 = arith.constant 0 : i32
          %dma_start3A_323 = tpu.memref_slice %arg3[%add3A_296, %dma_start3A_322] : memref<819200x128xf32, #tpu.memory_space<any>> -> memref<4096x128xf32, #tpu.memory_space<any>>
          tpu.enqueue_dma source(%dma_start3A_323 : memref<4096x128xf32, #tpu.memory_space<any>>) target(%arg18 : memref<4096x128xf32, #tpu.memory_space<vmem>>) target_semaphore(%arg24 : memref<!tpu.dma_semaphore, #tpu.memory_space<semaphore_mem>>)
          %dma_start3A_324 = arith.constant 0 : i32
          %dma_start3A_325 = tpu.memref_slice %arg4[%select_n3A_320, %dma_start3A_324] : memref<6400x128xi32, #tpu.memory_space<any>> -> memref<32x128xi32, #tpu.memory_space<any>>
          tpu.enqueue_dma source(%dma_start3A_325 : memref<32x128xi32, #tpu.memory_space<any>>) target(%arg19 : memref<32x128xi32, #tpu.memory_space<vmem>>) target_semaphore(%arg25 : memref<!tpu.dma_semaphore, #tpu.memory_space<semaphore_mem>>)
        } else {
        }
        %mul3A_199 = arith.constant 4096 : i32
        %mul3A_200 = arith.muli %while3A_180, %mul3A_199 : i32
        %add3A_201 = arith.addi %mul3A_20, %mul3A_200 : i32
        %jit3A_202 = arith.constant 128 : i32
        %div3A_203 = arith.divsi %add3A_201, %jit3A_202 : i32
        %sign3A_204 = arith.constant 0 : i32
        %sign3A_205 = arith.cmpi sgt, %add3A_201, %sign3A_204 : i32
        %sign3A_206 = arith.extui %sign3A_205 : i1 to i32
        %sign3A_207 = arith.constant 0 : i32
        %sign3A_208 = arith.cmpi slt, %add3A_201, %sign3A_207 : i32
        %sign3A_209 = arith.extui %sign3A_208 : i1 to i32
        %sign3A_210 = arith.subi %sign3A_206, %sign3A_209 : i32
        %sign3A_211 = arith.constant 0 : i32
        %sign3A_212 = arith.cmpi sgt, %jit3A_202, %sign3A_211 : i32
        %sign3A_213 = arith.extui %sign3A_212 : i1 to i32
        %sign3A_214 = arith.constant 0 : i32
        %sign3A_215 = arith.cmpi slt, %jit3A_202, %sign3A_214 : i32
        %sign3A_216 = arith.extui %sign3A_215 : i1 to i32
        %sign3A_217 = arith.subi %sign3A_213, %sign3A_216 : i32
        %ne3A_218 = arith.cmpi ne, %sign3A_210, %sign3A_217 : i32
        %rem3A_219 = arith.remsi %add3A_201, %jit3A_202 : i32
        %ne3A_220 = arith.constant 0 : i32
        %ne3A_221 = arith.cmpi ne, %rem3A_219, %ne3A_220 : i32
        %and3A_222 = arith.andi %ne3A_218, %ne3A_221 : i1
        %sub3A_223 = arith.constant 1 : i32
        %sub3A_224 = arith.subi %div3A_203, %sub3A_223 : i32
        %select_n3A_225 = arith.select %and3A_222, %sub3A_224, %div3A_203 : i32
        %dma_wait3A = arith.constant 0 : i32
        %dma_wait3A_226 = tpu.memref_slice %arg2[%add3A_201, %dma_wait3A] : memref<819200x128xf32, #tpu.memory_space<any>> -> memref<4096x128xf32, #tpu.memory_space<any>>
        tpu.wait_dma2 semaphore(%arg26 : memref<!tpu.dma_semaphore, #tpu.memory_space<semaphore_mem>>) src(%dma_wait3A_226 : memref<4096x128xf32, #tpu.memory_space<any>>) dst(%arg20 : memref<4096x128xf32, #tpu.memory_space<vmem>>)
        %dma_wait3A_227 = arith.constant 0 : i32
        %dma_wait3A_228 = tpu.memref_slice %arg3[%add3A_201, %dma_wait3A_227] : memref<819200x128xf32, #tpu.memory_space<any>> -> memref<4096x128xf32, #tpu.memory_space<any>>
        tpu.wait_dma2 semaphore(%arg27 : memref<!tpu.dma_semaphore, #tpu.memory_space<semaphore_mem>>) src(%dma_wait3A_228 : memref<4096x128xf32, #tpu.memory_space<any>>) dst(%arg21 : memref<4096x128xf32, #tpu.memory_space<vmem>>)
        %dma_wait3A_229 = arith.constant 0 : i32
        %dma_wait3A_230 = tpu.memref_slice %arg4[%select_n3A_225, %dma_wait3A_229] : memref<6400x128xi32, #tpu.memory_space<any>> -> memref<32x128xi32, #tpu.memory_space<any>>
        tpu.wait_dma2 semaphore(%arg28 : memref<!tpu.dma_semaphore, #tpu.memory_space<semaphore_mem>>) src(%dma_wait3A_230 : memref<32x128xi32, #tpu.memory_space<any>>) dst(%arg22 : memref<32x128xi32, #tpu.memory_space<vmem>>)
        %mul3A_231 = arith.constant 4096 : i32
        %mul3A_232 = arith.muli %while3A_180, %mul3A_231 : i32
        %add3A_233 = arith.addi %mul3A_20, %mul3A_232 : i32
        %get3A_234 = arith.constant 0 : index
        %get3A_235 = arith.constant 0 : index
        %get3A_236 = vector.load %arg20[%get3A_234, %get3A_235] : memref<4096x128xf32, #tpu.memory_space<vmem>>, vector<4096x128xf32>
        %convert_element_type3A_237 = arith.truncf %get3A_236 : vector<4096x128xf32> to vector<4096x128xbf16>
        %dot_general3A_238 = arith.constant dense<0.000000e+00> : vector<4096x256xf32>
        %dot_general3A_239 = tpu.matmul %convert_element_type3A_237, %convert_element_type3A, %dot_general3A_238 {dimension_numbers = #tpu.dot_dimension_numbers<[1], [0], [0], [1], [0, 0, 1, 1], [], []>, transpose_lhs_hint = false} : vector<4096x128xbf16>, vector<128x256xbf16>, vector<4096x256xf32> -> vector<4096x256xf32>
        %add3A_240 = vector.broadcast %get3A_58 : vector<1x256xf32> to vector<4096x256xf32>
        %add3A_241 = arith.addf %dot_general3A_239, %add3A_240 : vector<4096x256xf32>
        %logistic3A_242 = arith.negf %add3A_241 : vector<4096x256xf32>
        %logistic3A_243 = math.exp %logistic3A_242 : vector<4096x256xf32>
        %logistic3A_244 = arith.constant 1.000000e+00 : f32
        %logistic3A_245 = vector.broadcast %logistic3A_244 : f32 to vector<4096x256xf32>
        %logistic3A_246 = arith.addf %logistic3A_245, %logistic3A_243 : vector<4096x256xf32>
        %logistic3A_247 = arith.divf %logistic3A_245, %logistic3A_246 : vector<4096x256xf32>
        %get3A_248 = arith.constant 0 : index
        %get3A_249 = arith.constant 0 : index
        %get3A_250 = vector.load %arg21[%get3A_248, %get3A_249] : memref<4096x128xf32, #tpu.memory_space<vmem>>, vector<4096x128xf32>
        %bitcast_convert_type3A_251 = tpu.bitcast %get3A_250 : vector<4096x128xf32> -> vector<4096x128xi32>
        %shift_right_logical3A = arith.constant 16 : i32
        %shift_right_logical3A_252 = vector.broadcast %shift_right_logical3A : i32 to vector<4096x128xi32>
        %shift_right_logical3A_253 = arith.shrui %bitcast_convert_type3A_251, %shift_right_logical3A_252 : vector<4096x128xi32>
        %convert_element_type3A_254 = arith.trunci %shift_right_logical3A_253 : vector<4096x128xi32> to vector<4096x128xi16>
        %bitcast_convert_type3A_255 = tpu.bitcast %convert_element_type3A_254 : vector<4096x128xi16> -> vector<4096x128xbf16>
        %convert_element_type3A_256 = arith.trunci %bitcast_convert_type3A_251 : vector<4096x128xi32> to vector<4096x128xi16>
        %bitcast_convert_type3A_257 = tpu.bitcast %convert_element_type3A_256 : vector<4096x128xi16> -> vector<4096x128xbf16>
        %concatenate3A = tpu.concatenate %bitcast_convert_type3A_255, %bitcast_convert_type3A_257 in 1 : vector<4096x128xbf16>, vector<4096x128xbf16> -> vector<4096x256xbf16>
        %convert_element_type3A_258 = arith.extf %concatenate3A : vector<4096x256xbf16> to vector<4096x256xf32>
        %mul3A_259 = arith.mulf %logistic3A_247, %convert_element_type3A_258 : vector<4096x256xf32>
        %iota3A = tpu.iota {dimensions = array<i32: 0>} : vector<4096x1xi32>
        %add3A_260 = vector.broadcast %add3A_233 : i32 to vector<4096x1xi32>
        %add3A_261 = arith.addi %iota3A, %add3A_260 : vector<4096x1xi32>
        %ge3A = vector.broadcast %get3A_0 : i32 to vector<4096x1xi32>
        %ge3A_262 = arith.cmpi sge, %add3A_261, %ge3A : vector<4096x1xi32>
        %lt3A_263 = vector.broadcast %get3A_3 : i32 to vector<4096x1xi32>
        %lt3A_264 = arith.cmpi slt, %add3A_261, %lt3A_263 : vector<4096x1xi32>
        %and3A_265 = arith.andi %ge3A_262, %lt3A_264 : vector<4096x1xi1>
        %concatenate3A_266 = tpu.concatenate %mul3A_259, %logistic3A_247 in 1 : vector<4096x256xf32>, vector<4096x256xf32> -> vector<4096x512xf32>
        %jit3A_267 = arith.constant 0.000000e+00 : f32
        %broadcast_in_dim3A_268 = vector.shape_cast %and3A_265 : vector<4096x1xi1> to vector<4096x1xi1>
        %broadcast_in_dim3A_269 = vector.broadcast %broadcast_in_dim3A_268 : vector<4096x1xi1> to vector<4096x512xi1>
        %broadcast_in_dim3A_270 = vector.broadcast %jit3A_267 : f32 to vector<4096x512xf32>
        %select_n3A_271 = arith.select %broadcast_in_dim3A_269, %concatenate3A_266, %broadcast_in_dim3A_270 : vector<4096x512xi1>, vector<4096x512xf32>
        %get3A_272 = arith.constant 0 : index
        %get3A_273 = arith.constant 0 : index
        %get3A_274 = vector.load %arg22[%get3A_272, %get3A_273] : memref<32x128xi32, #tpu.memory_space<vmem>>, vector<32x128xi32>
        %broadcast_in_dim3A_275 = vector.shape_cast %get3A_274 : vector<32x128xi32> to vector<32x128x1xi32>
        %iota3A_276 = tpu.iota {dimensions = array<i32: 2>} : vector<32x128x512xi32>
        %eq3A_277 = vector.broadcast %broadcast_in_dim3A_275 : vector<32x128x1xi32> to vector<32x128x512xi32>
        %eq3A_278 = arith.cmpi eq, %eq3A_277, %iota3A_276 : vector<32x128x512xi32>
        %convert_element_type3A_279 = arith.extui %eq3A_278 : vector<32x128x512xi1> to vector<32x128x512xi32>
        %convert_element_type3A_280 = arith.sitofp %convert_element_type3A_279 : vector<32x128x512xi32> to vector<32x128x512xf32>
        %convert_element_type3A_281 = arith.truncf %convert_element_type3A_280 : vector<32x128x512xf32> to vector<32x128x512xbf16>
        %reshape3A = vector.shape_cast %convert_element_type3A_281 : vector<32x128x512xbf16> to vector<4096x512xbf16>
        %get3A_282 = arith.constant 0 : index
        %get3A_283 = arith.constant 0 : index
        %get3A_284 = vector.load %arg16[%get3A_282, %get3A_283] : memref<512x512xf32, #tpu.memory_space<vmem>>, vector<512x512xf32>
        %convert_element_type3A_285 = arith.truncf %select_n3A_271 : vector<4096x512xf32> to vector<4096x512xbf16>
        %dot_general3A_286 = arith.constant dense<0.000000e+00> : vector<512x512xf32>
        %dot_general3A_287 = tpu.matmul %reshape3A, %convert_element_type3A_285, %dot_general3A_286 {dimension_numbers = #tpu.dot_dimension_numbers<[0], [0], [1], [1], [0, 1, 1, 1], [], []>, transpose_lhs_hint = false} : vector<4096x512xbf16>, vector<4096x512xbf16>, vector<512x512xf32> -> vector<512x512xf32>
        %add3A_288 = arith.addf %get3A_284, %dot_general3A_287 : vector<512x512xf32>
        %swap3A_289 = arith.constant 0 : index
        %swap3A_290 = arith.constant 0 : index
        %swap3A_291 = vector.load %arg16[%swap3A_289, %swap3A_290] : memref<512x512xf32, #tpu.memory_space<vmem>>, vector<512x512xf32>
        tpu.vector_store %arg16[%swap3A_289, %swap3A_290], %add3A_288 {strides = array<i32>} : memref<512x512xf32, #tpu.memory_space<vmem>>, vector<512x512xf32>,
      } else {
      }
    }
    %get3A_71 = arith.constant 0 : index
    %get3A_72 = arith.constant 0 : index
    %get3A_73 = vector.load %arg7[%get3A_71, %get3A_72] : memref<512x256xf32, #tpu.memory_space<vmem>>, vector<512x256xf32>
    %get3A_74 = arith.constant 0 : index
    %get3A_75 = arith.constant 0 : index
    %get3A_76 = vector.load %arg16[%get3A_74, %get3A_75] : memref<512x512xf32, #tpu.memory_space<vmem>>, vector<512x512xf32>
    %slice3A = vector.extract_strided_slice %get3A_76 {offsets = [0, 0], sizes = [512, 256], strides = [1, 1]} : vector<512x512xf32> to vector<512x256xf32>
    %slice3A_77 = vector.extract_strided_slice %get3A_76 {offsets = [0, 256], sizes = [512, 256], strides = [1, 1]} : vector<512x512xf32> to vector<512x256xf32>
    %get3A_78 = arith.constant 0 : index
    %get3A_79 = arith.constant 0 : index
    %get3A_80 = vector.load %arg8[%get3A_78, %get3A_79] : memref<256x256xf32, #tpu.memory_space<vmem>>, vector<256x256xf32>
    %dot_general3A = arith.constant dense<0.000000e+00> : vector<512x256xf32>
    %dot_general3A_81 = tpu.matmul %get3A_73, %get3A_80, %dot_general3A {dimension_numbers = #tpu.dot_dimension_numbers<[1], [0], [0], [1], [0, 0, 1, 1], [], []>, transpose_lhs_hint = false} : vector<512x256xf32>, vector<256x256xf32>, vector<512x256xf32> -> vector<512x256xf32>
    %get3A_82 = arith.constant 0 : index
    %get3A_83 = arith.constant 0 : index
    %get3A_84 = vector.load %arg9[%get3A_82, %get3A_83] : memref<1x256xf32, #tpu.memory_space<vmem>>, vector<1x256xf32>
    %add3A_85 = vector.broadcast %get3A_84 : vector<1x256xf32> to vector<512x256xf32>
    %add3A_86 = arith.addf %dot_general3A_81, %add3A_85 : vector<512x256xf32>
    %add3A_87 = arith.constant 9.99999997E-7 : f32
    %add3A_88 = vector.broadcast %add3A_87 : f32 to vector<512x256xf32>
    %add3A_89 = arith.addf %slice3A_77, %add3A_88 : vector<512x256xf32>
    %div3A_90 = arith.divf %slice3A, %add3A_89 : vector<512x256xf32>
    %add3A_91 = arith.addf %add3A_86, %div3A_90 : vector<512x256xf32>
    %logistic3A = arith.negf %add3A_91 : vector<512x256xf32>
    %logistic3A_92 = math.exp %logistic3A : vector<512x256xf32>
    %logistic3A_93 = arith.constant 1.000000e+00 : f32
    %logistic3A_94 = vector.broadcast %logistic3A_93 : f32 to vector<512x256xf32>
    %logistic3A_95 = arith.addf %logistic3A_94, %logistic3A_92 : vector<512x256xf32>
    %logistic3A_96 = arith.divf %logistic3A_94, %logistic3A_95 : vector<512x256xf32>
    %mul3A_97 = arith.mulf %add3A_91, %logistic3A_96 : vector<512x256xf32>
    %add3A_98 = arith.addf %mul3A_97, %get3A_73 : vector<512x256xf32>
    %get3A_99 = arith.constant 0 : index
    %get3A_100 = arith.constant 0 : index
    %get3A_101 = vector.load %arg10[%get3A_99, %get3A_100] : memref<1x256xf32, #tpu.memory_space<vmem>>, vector<1x256xf32>
    %get3A_102 = arith.constant 0 : index
    %get3A_103 = arith.constant 0 : index
    %get3A_104 = vector.load %arg11[%get3A_102, %get3A_103] : memref<1x256xf32, #tpu.memory_space<vmem>>, vector<1x256xf32>
    %reduce_sum3A = arith.constant dense<0.000000e+00> : vector<512xf32>
    %reduce_sum3A_105 = vector.multi_reduction <add>, %add3A_98, %reduce_sum3A [1] : vector<512x256xf32> to vector<512xf32>
    %broadcast_in_dim3A_106 = vector.shape_cast %reduce_sum3A_105 : vector<512xf32> to vector<512x1xf32>
    %div3A_107 = arith.constant 2.560000e+02 : f32
    %div3A_108 = vector.broadcast %div3A_107 : f32 to vector<512x1xf32>
    %div3A_109 = arith.divf %broadcast_in_dim3A_106, %div3A_108 : vector<512x1xf32>
    %jit3A_110 = arith.constant 0 : i32
    %reduce_sum3A_111 = arith.constant dense<0.000000e+00> : vector<512xf32>
    %reduce_sum3A_112 = vector.multi_reduction <add>, %add3A_98, %reduce_sum3A_111 [1] : vector<512x256xf32> to vector<512xf32>
    %broadcast_in_dim3A_113 = vector.shape_cast %reduce_sum3A_112 : vector<512xf32> to vector<512x1xf32>
    %div3A_114 = arith.constant 2.560000e+02 : f32
    %div3A_115 = vector.broadcast %div3A_114 : f32 to vector<512x1xf32>
    %div3A_116 = arith.divf %broadcast_in_dim3A_113, %div3A_115 : vector<512x1xf32>
    %sub3A_117 = vector.broadcast %div3A_116 : vector<512x1xf32> to vector<512x256xf32>
    %sub3A_118 = arith.subf %add3A_98, %sub3A_117 : vector<512x256xf32>
    %square3A = arith.mulf %sub3A_118, %sub3A_118 : vector<512x256xf32>
    %convert_element_type3A_119 = arith.sitofp %jit3A_110 : i32 to f32
    %sub3A_120 = arith.constant 2.560000e+02 : f32
    %sub3A_121 = arith.subf %sub3A_120, %convert_element_type3A_119 : f32
    %reduce_sum3A_122 = arith.constant dense<0.000000e+00> : vector<512xf32>
    %reduce_sum3A_123 = vector.multi_reduction <add>, %square3A, %reduce_sum3A_122 [1] : vector<512x256xf32> to vector<512xf32>
    %broadcast_in_dim3A_124 = vector.shape_cast %reduce_sum3A_123 : vector<512xf32> to vector<512x1xf32>
    %div3A_125 = vector.broadcast %sub3A_121 : f32 to vector<512x1xf32>
    %div3A_126 = arith.divf %broadcast_in_dim3A_124, %div3A_125 : vector<512x1xf32>
    %gt3A_127 = arith.constant 0.000000e+00 : f32
    %gt3A_128 = arith.cmpf ogt, %sub3A_121, %gt3A_127 : f32
    %jit3A_129 = arith.constant 0x7FC00000 : f32
    %broadcast_in_dim3A_130 = vector.broadcast %jit3A_129 : f32 to vector<512x1xf32>
    %select_n3A_131 = arith.select %gt3A_128, %div3A_126, %broadcast_in_dim3A_130 : vector<512x1xf32>
    %sub3A_132 = vector.broadcast %div3A_109 : vector<512x1xf32> to vector<512x256xf32>
    %sub3A_133 = arith.subf %add3A_98, %sub3A_132 : vector<512x256xf32>
    %mul3A_134 = vector.broadcast %get3A_101 : vector<1x256xf32> to vector<512x256xf32>
    %mul3A_135 = arith.mulf %mul3A_134, %sub3A_133 : vector<512x256xf32>
    %add3A_136 = arith.constant 9.99999974E-6 : f32
    %add3A_137 = vector.broadcast %add3A_136 : f32 to vector<512x1xf32>
    %add3A_138 = arith.addf %select_n3A_131, %add3A_137 : vector<512x1xf32>
    %sqrt3A = math.sqrt %add3A_138 : vector<512x1xf32>
    %div3A_139 = vector.broadcast %sqrt3A : vector<512x1xf32> to vector<512x256xf32>
    %div3A_140 = arith.divf %mul3A_135, %div3A_139 : vector<512x256xf32>
    %add3A_141 = vector.broadcast %get3A_104 : vector<1x256xf32> to vector<512x256xf32>
    %add3A_142 = arith.addf %div3A_140, %add3A_141 : vector<512x256xf32>
    %swap3A_143 = arith.constant 0 : index
    %swap3A_144 = arith.constant 0 : index
    %swap3A_145 = vector.load %arg13[%swap3A_143, %swap3A_144] : memref<512x256xf32, #tpu.memory_space<vmem>>, vector<512x256xf32>
    tpu.vector_store %arg13[%swap3A_143, %swap3A_144], %add3A_142 {strides = array<i32>} : memref<512x256xf32, #tpu.memory_space<vmem>>, vector<512x256xf32>,
    %get3A_146 = arith.constant 0 : index
    %get3A_147 = arith.constant 0 : index
    %get3A_148 = vector.load %arg12[%get3A_146, %get3A_147] : memref<256x256xf32, #tpu.memory_space<vmem>>, vector<256x256xf32>
    %dot_general3A_149 = arith.constant dense<0.000000e+00> : vector<512x256xf32>
    %dot_general3A_150 = tpu.matmul %add3A_142, %get3A_148, %dot_general3A_149 {dimension_numbers = #tpu.dot_dimension_numbers<[1], [0], [0], [1], [0, 0, 1, 1], [], []>, transpose_lhs_hint = false} : vector<512x256xf32>, vector<256x256xf32>, vector<512x256xf32> -> vector<512x256xf32>
    %slice3A_151 = vector.extract_strided_slice %dot_general3A_150 {offsets = [0, 0], sizes = [512, 128], strides = [1, 1]} : vector<512x256xf32> to vector<512x128xf32>
    %convert_element_type3A_152 = arith.truncf %slice3A_151 : vector<512x128xf32> to vector<512x128xbf16>
    %slice3A_153 = vector.extract_strided_slice %dot_general3A_150 {offsets = [0, 128], sizes = [512, 128], strides = [1, 1]} : vector<512x256xf32> to vector<512x128xf32>
    %convert_element_type3A_154 = arith.truncf %slice3A_153 : vector<512x128xf32> to vector<512x128xbf16>
    %bitcast_convert_type3A = tpu.bitcast %convert_element_type3A_152 : vector<512x128xbf16> -> vector<512x128xi16>
    %convert_element_type3A_155 = arith.extui %bitcast_convert_type3A : vector<512x128xi16> to vector<512x128xi32>
    %bitcast_convert_type3A_156 = tpu.bitcast %convert_element_type3A_154 : vector<512x128xbf16> -> vector<512x128xi16>
    %convert_element_type3A_157 = arith.extui %bitcast_convert_type3A_156 : vector<512x128xi16> to vector<512x128xi32>
    %shift_left3A = arith.constant 16 : i32
    %shift_left3A_158 = vector.broadcast %shift_left3A : i32 to vector<512x128xi32>
    %shift_left3A_159 = arith.shli %convert_element_type3A_155, %shift_left3A_158 : vector<512x128xi32>
    %or3A = arith.ori %shift_left3A_159, %convert_element_type3A_157 : vector<512x128xi32>
    %bitcast_convert_type3A_160 = tpu.bitcast %or3A : vector<512x128xi32> -> vector<512x128xf32>
    %swap3A_161 = arith.constant 0 : index
    %swap3A_162 = arith.constant 0 : index
    %swap3A_163 = vector.load %arg14[%swap3A_161, %swap3A_162] : memref<512x128xf32, #tpu.memory_space<vmem>>, vector<512x128xf32>
    tpu.vector_store %arg14[%swap3A_161, %swap3A_162], %bitcast_convert_type3A_160 {strides = array<i32>} : memref<512x128xf32, #tpu.memory_space<vmem>>, vector<512x128xf32>,
    %slice3A_164 = vector.extract_strided_slice %add3A_142 {offsets = [0, 0], sizes = [512, 128], strides = [1, 1]} : vector<512x256xf32> to vector<512x128xf32>
    %convert_element_type3A_165 = arith.truncf %slice3A_164 : vector<512x128xf32> to vector<512x128xbf16>
    %slice3A_166 = vector.extract_strided_slice %add3A_142 {offsets = [0, 128], sizes = [512, 128], strides = [1, 1]} : vector<512x256xf32> to vector<512x128xf32>
    %convert_element_type3A_167 = arith.truncf %slice3A_166 : vector<512x128xf32> to vector<512x128xbf16>
    %bitcast_convert_type3A_168 = tpu.bitcast %convert_element_type3A_165 : vector<512x128xbf16> -> vector<512x128xi16>
    %convert_element_type3A_169 = arith.extui %bitcast_convert_type3A_168 : vector<512x128xi16> to vector<512x128xi32>
    %bitcast_convert_type3A_170 = tpu.bitcast %convert_element_type3A_167 : vector<512x128xbf16> -> vector<512x128xi16>
    %convert_element_type3A_171 = arith.extui %bitcast_convert_type3A_170 : vector<512x128xi16> to vector<512x128xi32>
    %shift_left3A_172 = arith.constant 16 : i32
    %shift_left3A_173 = vector.broadcast %shift_left3A_172 : i32 to vector<512x128xi32>
    %shift_left3A_174 = arith.shli %convert_element_type3A_169, %shift_left3A_173 : vector<512x128xi32>
    %or3A_175 = arith.ori %shift_left3A_174, %convert_element_type3A_171 : vector<512x128xi32>
    %bitcast_convert_type3A_176 = tpu.bitcast %or3A_175 : vector<512x128xi32> -> vector<512x128xf32>
    %swap3A_177 = arith.constant 0 : index
    %swap3A_178 = arith.constant 0 : index
    %swap3A_179 = vector.load %arg15[%swap3A_177, %swap3A_178] : memref<512x128xf32, #tpu.memory_space<vmem>>, vector<512x128xf32>
    tpu.vector_store %arg15[%swap3A_177, %swap3A_178], %bitcast_convert_type3A_176 {strides = array<i32>} : memref<512x128xf32, #tpu.memory_space<vmem>>, vector<512x128xf32>,
    return
  }
  func.func @transform_0(%arg0: i32) -> i32 {
    %c0_i32 = arith.constant 0 : i32
    %c0_i32_0 = arith.constant 0 : i32
    return %c0_i32 : i32
  }
  func.func @transform_4(%arg0: i32) -> (i32, i32) {
    %c0_i32 = arith.constant 0 : i32
    %c0_i32_0 = arith.constant 0 : i32
    %c0_i32_1 = arith.constant 0 : i32
    return %c0_i32, %c0_i32_0 : i32, i32
  }
  func.func @transform_5(%arg0: i32) -> (i32, i32) {
    %c0_i32 = arith.constant 0 : i32
    %c0_i32_0 = arith.constant 0 : i32
    %c0_i32_1 = arith.constant 0 : i32
    return %c0_i32, %c0_i32_0 : i32, i32
  }
  func.func @transform_6(%arg0: i32) -> (i32, i32) {
    %c0_i32 = arith.constant 0 : i32
    %c0_i32_0 = arith.constant 0 : i32
    return %arg0, %c0_i32 : i32, i32
  }
  func.func @transform_7(%arg0: i32) -> (i32, i32) {
    %c0_i32 = arith.constant 0 : i32
    %c0_i32_0 = arith.constant 0 : i32
    %c0_i32_1 = arith.constant 0 : i32
    return %c0_i32, %c0_i32_0 : i32, i32
  }
  func.func @transform_8(%arg0: i32) -> (i32, i32) {
    %c0_i32 = arith.constant 0 : i32
    %c0_i32_0 = arith.constant 0 : i32
    %c0_i32_1 = arith.constant 0 : i32
    return %c0_i32, %c0_i32_0 : i32, i32
  }
  func.func @transform_9(%arg0: i32) -> (i32, i32) {
    %c0_i32 = arith.constant 0 : i32
    %c0_i32_0 = arith.constant 0 : i32
    %c0_i32_1 = arith.constant 0 : i32
    return %c0_i32, %c0_i32_0 : i32, i32
  }
  func.func @transform_10(%arg0: i32) -> (i32, i32) {
    %c0_i32 = arith.constant 0 : i32
    %c0_i32_0 = arith.constant 0 : i32
    %c0_i32_1 = arith.constant 0 : i32
    return %c0_i32, %c0_i32_0 : i32, i32
  }
  func.func @transform_11(%arg0: i32) -> (i32, i32) {
    %c0_i32 = arith.constant 0 : i32
    %c0_i32_0 = arith.constant 0 : i32
    %c0_i32_1 = arith.constant 0 : i32
    return %c0_i32, %c0_i32_0 : i32, i32
  }
  func.func @transform_12(%arg0: i32) -> (i32, i32) {
    %c0_i32 = arith.constant 0 : i32
    %c0_i32_0 = arith.constant 0 : i32
    return %arg0, %c0_i32 : i32, i32
  }
  func.func @transform_13(%arg0: i32) -> (i32, i32) {
    %c0_i32 = arith.constant 0 : i32
    %c0_i32_0 = arith.constant 0 : i32
    return %arg0, %c0_i32 : i32, i32
  }
  func.func @transform_14(%arg0: i32) -> (i32, i32) {
    %c0_i32 = arith.constant 0 : i32
    %c0_i32_0 = arith.constant 0 : i32
    return %arg0, %c0_i32 : i32, i32
  }
}

module attributes {stable_mosaic.version = 14 : i64} {
  func.func @_head_body(%arg0: i32, %arg1: memref<4096x128xf32, #tpu.memory_space<vmem>>, %arg2: memref<4096x128xf32, #tpu.memory_space<vmem>>, %arg3: memref<4096x128xf32, #tpu.memory_space<vmem>>, %arg4: memref<128x256xf32, #tpu.memory_space<vmem>>, %arg5: memref<256x256xf32, #tpu.memory_space<vmem>>, %arg6: memref<256x256xf32, #tpu.memory_space<vmem>>, %arg7: memref<1x256xf32, #tpu.memory_space<vmem>>, %arg8: memref<256x128xf32, #tpu.memory_space<vmem>>, %arg9: memref<1x128xf32, #tpu.memory_space<vmem>>, %arg10: memref<128x64xf32, #tpu.memory_space<vmem>>, %arg11: memref<1x64xf32, #tpu.memory_space<vmem>>, %arg12: memref<64x16xf32, #tpu.memory_space<vmem>>, %arg13: memref<1x16xf32, #tpu.memory_space<vmem>>, %arg14: memref<32x128xf32, #tpu.memory_space<vmem>>) attributes {dimension_semantics = [#tpu.dimension_semantics<arbitrary>], iteration_bounds = array<i64: 200>, scalar_prefetch = 0 : i64, scratch_operands = 0 : i64, tpu.core_type = #tpu.core_type<tc>, window_params = [{transform_indices = @transform_0, window_bounds = array<i64: 4096, 128>}, {transform_indices = @transform_1, window_bounds = array<i64: 4096, 128>}, {transform_indices = @transform_2, window_bounds = array<i64: 4096, 128>}, {pipeline_mode = #tpu.pipeline_mode<synchronous>, transform_indices = @transform_3, window_bounds = array<i64: 128, 256>}, {pipeline_mode = #tpu.pipeline_mode<synchronous>, transform_indices = @transform_4, window_bounds = array<i64: 256, 256>}, {pipeline_mode = #tpu.pipeline_mode<synchronous>, transform_indices = @transform_5, window_bounds = array<i64: 256, 256>}, {pipeline_mode = #tpu.pipeline_mode<synchronous>, transform_indices = @transform_6, window_bounds = array<i64: 1, 256>}, {pipeline_mode = #tpu.pipeline_mode<synchronous>, transform_indices = @transform_7, window_bounds = array<i64: 256, 128>}, {pipeline_mode = #tpu.pipeline_mode<synchronous>, transform_indices = @transform_8, window_bounds = array<i64: 1, 128>}, {pipeline_mode = #tpu.pipeline_mode<synchronous>, transform_indices = @transform_9, window_bounds = array<i64: 128, 64>}, {pipeline_mode = #tpu.pipeline_mode<synchronous>, transform_indices = @transform_10, window_bounds = array<i64: 1, 64>}, {pipeline_mode = #tpu.pipeline_mode<synchronous>, transform_indices = @transform_11, window_bounds = array<i64: 64, 16>}, {pipeline_mode = #tpu.pipeline_mode<synchronous>, transform_indices = @transform_12, window_bounds = array<i64: 1, 16>}, {transform_indices = @transform_13, window_bounds = array<i64: 32, 128>}]} {
    %get3A = arith.constant 0 : index
    %get3A_0 = arith.constant 0 : index
    %get3A_1 = vector.load %arg2[%get3A, %get3A_0] : memref<4096x128xf32, #tpu.memory_space<vmem>>, vector<4096x128xf32>
    %bitcast_convert_type3A = tpu.bitcast %get3A_1 : vector<4096x128xf32> -> vector<4096x128xi32>
    %shift_right_logical3A = arith.constant 16 : i32
    %shift_right_logical3A_2 = vector.broadcast %shift_right_logical3A : i32 to vector<4096x128xi32>
    %shift_right_logical3A_3 = arith.shrui %bitcast_convert_type3A, %shift_right_logical3A_2 : vector<4096x128xi32>
    %convert_element_type3A = arith.trunci %shift_right_logical3A_3 : vector<4096x128xi32> to vector<4096x128xi16>
    %bitcast_convert_type3A_4 = tpu.bitcast %convert_element_type3A : vector<4096x128xi16> -> vector<4096x128xbf16>
    %convert_element_type3A_5 = arith.trunci %bitcast_convert_type3A : vector<4096x128xi32> to vector<4096x128xi16>
    %bitcast_convert_type3A_6 = tpu.bitcast %convert_element_type3A_5 : vector<4096x128xi16> -> vector<4096x128xbf16>
    %concatenate3A = tpu.concatenate %bitcast_convert_type3A_4, %bitcast_convert_type3A_6 in 1 : vector<4096x128xbf16>, vector<4096x128xbf16> -> vector<4096x256xbf16>
    %get3A_7 = arith.constant 0 : index
    %get3A_8 = arith.constant 0 : index
    %get3A_9 = vector.load %arg3[%get3A_7, %get3A_8] : memref<4096x128xf32, #tpu.memory_space<vmem>>, vector<4096x128xf32>
    %bitcast_convert_type3A_10 = tpu.bitcast %get3A_9 : vector<4096x128xf32> -> vector<4096x128xi32>
    %shift_right_logical3A_11 = arith.constant 16 : i32
    %shift_right_logical3A_12 = vector.broadcast %shift_right_logical3A_11 : i32 to vector<4096x128xi32>
    %shift_right_logical3A_13 = arith.shrui %bitcast_convert_type3A_10, %shift_right_logical3A_12 : vector<4096x128xi32>
    %convert_element_type3A_14 = arith.trunci %shift_right_logical3A_13 : vector<4096x128xi32> to vector<4096x128xi16>
    %bitcast_convert_type3A_15 = tpu.bitcast %convert_element_type3A_14 : vector<4096x128xi16> -> vector<4096x128xbf16>
    %convert_element_type3A_16 = arith.trunci %bitcast_convert_type3A_10 : vector<4096x128xi32> to vector<4096x128xi16>
    %bitcast_convert_type3A_17 = tpu.bitcast %convert_element_type3A_16 : vector<4096x128xi16> -> vector<4096x128xbf16>
    %concatenate3A_18 = tpu.concatenate %bitcast_convert_type3A_15, %bitcast_convert_type3A_17 in 1 : vector<4096x128xbf16>, vector<4096x128xbf16> -> vector<4096x256xbf16>
    %get3A_19 = arith.constant 0 : index
    %get3A_20 = arith.constant 0 : index
    %get3A_21 = vector.load %arg1[%get3A_19, %get3A_20] : memref<4096x128xf32, #tpu.memory_space<vmem>>, vector<4096x128xf32>
    %convert_element_type3A_22 = arith.truncf %get3A_21 : vector<4096x128xf32> to vector<4096x128xbf16>
    %get3A_23 = arith.constant 0 : index
    %get3A_24 = arith.constant 0 : index
    %get3A_25 = vector.load %arg4[%get3A_23, %get3A_24] : memref<128x256xf32, #tpu.memory_space<vmem>>, vector<128x256xf32>
    %convert_element_type3A_26 = arith.truncf %get3A_25 : vector<128x256xf32> to vector<128x256xbf16>
    %dot_general3A = arith.constant dense<0.000000e+00> : vector<4096x256xf32>
    %dot_general3A_27 = tpu.matmul %convert_element_type3A_22, %convert_element_type3A_26, %dot_general3A {dimension_numbers = #tpu.dot_dimension_numbers<[1], [0], [0], [1], [0, 0, 1, 1], [], []>, transpose_lhs_hint = false} : vector<4096x128xbf16>, vector<128x256xbf16>, vector<4096x256xf32> -> vector<4096x256xf32>
    %get3A_28 = arith.constant 0 : index
    %get3A_29 = arith.constant 0 : index
    %get3A_30 = vector.load %arg5[%get3A_28, %get3A_29] : memref<256x256xf32, #tpu.memory_space<vmem>>, vector<256x256xf32>
    %convert_element_type3A_31 = arith.truncf %get3A_30 : vector<256x256xf32> to vector<256x256xbf16>
    %dot_general3A_32 = arith.constant dense<0.000000e+00> : vector<4096x256xf32>
    %dot_general3A_33 = tpu.matmul %concatenate3A, %convert_element_type3A_31, %dot_general3A_32 {dimension_numbers = #tpu.dot_dimension_numbers<[1], [0], [0], [1], [0, 0, 1, 1], [], []>, transpose_lhs_hint = false} : vector<4096x256xbf16>, vector<256x256xbf16>, vector<4096x256xf32> -> vector<4096x256xf32>
    %add3A = arith.addf %dot_general3A_27, %dot_general3A_33 : vector<4096x256xf32>
    %get3A_34 = arith.constant 0 : index
    %get3A_35 = arith.constant 0 : index
    %get3A_36 = vector.load %arg6[%get3A_34, %get3A_35] : memref<256x256xf32, #tpu.memory_space<vmem>>, vector<256x256xf32>
    %convert_element_type3A_37 = arith.truncf %get3A_36 : vector<256x256xf32> to vector<256x256xbf16>
    %dot_general3A_38 = arith.constant dense<0.000000e+00> : vector<4096x256xf32>
    %dot_general3A_39 = tpu.matmul %concatenate3A_18, %convert_element_type3A_37, %dot_general3A_38 {dimension_numbers = #tpu.dot_dimension_numbers<[1], [0], [0], [1], [0, 0, 1, 1], [], []>, transpose_lhs_hint = false} : vector<4096x256xbf16>, vector<256x256xbf16>, vector<4096x256xf32> -> vector<4096x256xf32>
    %add3A_40 = arith.addf %add3A, %dot_general3A_39 : vector<4096x256xf32>
    %get3A_41 = arith.constant 0 : index
    %get3A_42 = arith.constant 0 : index
    %get3A_43 = vector.load %arg7[%get3A_41, %get3A_42] : memref<1x256xf32, #tpu.memory_space<vmem>>, vector<1x256xf32>
    %add3A_44 = vector.broadcast %get3A_43 : vector<1x256xf32> to vector<4096x256xf32>
    %add3A_45 = arith.addf %add3A_40, %add3A_44 : vector<4096x256xf32>
    %logistic3A = arith.negf %add3A_45 : vector<4096x256xf32>
    %logistic3A_46 = math.exp %logistic3A : vector<4096x256xf32>
    %logistic3A_47 = arith.constant 1.000000e+00 : f32
    %logistic3A_48 = vector.broadcast %logistic3A_47 : f32 to vector<4096x256xf32>
    %logistic3A_49 = arith.addf %logistic3A_48, %logistic3A_46 : vector<4096x256xf32>
    %logistic3A_50 = arith.divf %logistic3A_48, %logistic3A_49 : vector<4096x256xf32>
    %mul3A = arith.mulf %add3A_45, %logistic3A_50 : vector<4096x256xf32>
    %convert_element_type3A_51 = arith.truncf %mul3A : vector<4096x256xf32> to vector<4096x256xbf16>
    %get3A_52 = arith.constant 0 : index
    %get3A_53 = arith.constant 0 : index
    %get3A_54 = vector.load %arg8[%get3A_52, %get3A_53] : memref<256x128xf32, #tpu.memory_space<vmem>>, vector<256x128xf32>
    %convert_element_type3A_55 = arith.truncf %get3A_54 : vector<256x128xf32> to vector<256x128xbf16>
    %dot_general3A_56 = arith.constant dense<0.000000e+00> : vector<4096x128xf32>
    %dot_general3A_57 = tpu.matmul %convert_element_type3A_51, %convert_element_type3A_55, %dot_general3A_56 {dimension_numbers = #tpu.dot_dimension_numbers<[1], [0], [0], [1], [0, 0, 1, 1], [], []>, transpose_lhs_hint = false} : vector<4096x256xbf16>, vector<256x128xbf16>, vector<4096x128xf32> -> vector<4096x128xf32>
    %get3A_58 = arith.constant 0 : index
    %get3A_59 = arith.constant 0 : index
    %get3A_60 = vector.load %arg9[%get3A_58, %get3A_59] : memref<1x128xf32, #tpu.memory_space<vmem>>, vector<1x128xf32>
    %add3A_61 = vector.broadcast %get3A_60 : vector<1x128xf32> to vector<4096x128xf32>
    %add3A_62 = arith.addf %dot_general3A_57, %add3A_61 : vector<4096x128xf32>
    %logistic3A_63 = arith.negf %add3A_62 : vector<4096x128xf32>
    %logistic3A_64 = math.exp %logistic3A_63 : vector<4096x128xf32>
    %logistic3A_65 = arith.constant 1.000000e+00 : f32
    %logistic3A_66 = vector.broadcast %logistic3A_65 : f32 to vector<4096x128xf32>
    %logistic3A_67 = arith.addf %logistic3A_66, %logistic3A_64 : vector<4096x128xf32>
    %logistic3A_68 = arith.divf %logistic3A_66, %logistic3A_67 : vector<4096x128xf32>
    %mul3A_69 = arith.mulf %add3A_62, %logistic3A_68 : vector<4096x128xf32>
    %convert_element_type3A_70 = arith.truncf %mul3A_69 : vector<4096x128xf32> to vector<4096x128xbf16>
    %get3A_71 = arith.constant 0 : index
    %get3A_72 = arith.constant 0 : index
    %get3A_73 = vector.load %arg10[%get3A_71, %get3A_72] : memref<128x64xf32, #tpu.memory_space<vmem>>, vector<128x64xf32>
    %convert_element_type3A_74 = arith.truncf %get3A_73 : vector<128x64xf32> to vector<128x64xbf16>
    %dot_general3A_75 = arith.constant dense<0.000000e+00> : vector<4096x64xf32>
    %dot_general3A_76 = tpu.matmul %convert_element_type3A_70, %convert_element_type3A_74, %dot_general3A_75 {dimension_numbers = #tpu.dot_dimension_numbers<[1], [0], [0], [1], [0, 0, 1, 1], [], []>, transpose_lhs_hint = false} : vector<4096x128xbf16>, vector<128x64xbf16>, vector<4096x64xf32> -> vector<4096x64xf32>
    %get3A_77 = arith.constant 0 : index
    %get3A_78 = arith.constant 0 : index
    %get3A_79 = vector.load %arg11[%get3A_77, %get3A_78] : memref<1x64xf32, #tpu.memory_space<vmem>>, vector<1x64xf32>
    %add3A_80 = vector.broadcast %get3A_79 : vector<1x64xf32> to vector<4096x64xf32>
    %add3A_81 = arith.addf %dot_general3A_76, %add3A_80 : vector<4096x64xf32>
    %logistic3A_82 = arith.negf %add3A_81 : vector<4096x64xf32>
    %logistic3A_83 = math.exp %logistic3A_82 : vector<4096x64xf32>
    %logistic3A_84 = arith.constant 1.000000e+00 : f32
    %logistic3A_85 = vector.broadcast %logistic3A_84 : f32 to vector<4096x64xf32>
    %logistic3A_86 = arith.addf %logistic3A_85, %logistic3A_83 : vector<4096x64xf32>
    %logistic3A_87 = arith.divf %logistic3A_85, %logistic3A_86 : vector<4096x64xf32>
    %mul3A_88 = arith.mulf %add3A_81, %logistic3A_87 : vector<4096x64xf32>
    %get3A_89 = arith.constant 0 : index
    %get3A_90 = arith.constant 0 : index
    %get3A_91 = vector.load %arg12[%get3A_89, %get3A_90] : memref<64x16xf32, #tpu.memory_space<vmem>>, vector<64x16xf32>
    %dot_general3A_92 = arith.constant dense<0.000000e+00> : vector<4096x16xf32>
    %dot_general3A_93 = tpu.matmul %mul3A_88, %get3A_91, %dot_general3A_92 {dimension_numbers = #tpu.dot_dimension_numbers<[1], [0], [0], [1], [0, 0, 1, 1], [], []>, transpose_lhs_hint = false} : vector<4096x64xf32>, vector<64x16xf32>, vector<4096x16xf32> -> vector<4096x16xf32>
    %get3A_94 = arith.constant 0 : index
    %get3A_95 = arith.constant 0 : index
    %get3A_96 = vector.load %arg13[%get3A_94, %get3A_95] : memref<1x16xf32, #tpu.memory_space<vmem>>, vector<1x16xf32>
    %add3A_97 = vector.broadcast %get3A_96 : vector<1x16xf32> to vector<4096x16xf32>
    %add3A_98 = arith.addf %dot_general3A_93, %add3A_97 : vector<4096x16xf32>
    %slice3A = vector.extract_strided_slice %add3A_98 {offsets = [0, 0], sizes = [4096, 1], strides = [1, 1]} : vector<4096x16xf32> to vector<4096x1xf32>
    %reshape3A = vector.shape_cast %slice3A : vector<4096x1xf32> to vector<32x128xf32>
    %swap3A = arith.constant 0 : index
    %swap3A_99 = arith.constant 0 : index
    %swap3A_100 = vector.load %arg14[%swap3A, %swap3A_99] : memref<32x128xf32, #tpu.memory_space<vmem>>, vector<32x128xf32>
    tpu.vector_store %arg14[%swap3A, %swap3A_99], %reshape3A {strides = array<i32>} : memref<32x128xf32, #tpu.memory_space<vmem>>, vector<32x128xf32>,
    return
  }
  func.func @transform_0(%arg0: i32) -> (i32, i32) {
    %c0_i32 = arith.constant 0 : i32
    %c0_i32_0 = arith.constant 0 : i32
    return %arg0, %c0_i32 : i32, i32
  }
  func.func @transform_1(%arg0: i32) -> (i32, i32) {
    %c0_i32 = arith.constant 0 : i32
    %c0_i32_0 = arith.constant 0 : i32
    return %arg0, %c0_i32 : i32, i32
  }
  func.func @transform_2(%arg0: i32) -> (i32, i32) {
    %c0_i32 = arith.constant 0 : i32
    %c0_i32_0 = arith.constant 0 : i32
    return %arg0, %c0_i32 : i32, i32
  }
  func.func @transform_3(%arg0: i32) -> (i32, i32) {
    %c0_i32 = arith.constant 0 : i32
    %c0_i32_0 = arith.constant 0 : i32
    %c0_i32_1 = arith.constant 0 : i32
    return %c0_i32, %c0_i32_0 : i32, i32
  }
  func.func @transform_4(%arg0: i32) -> (i32, i32) {
    %c0_i32 = arith.constant 0 : i32
    %c0_i32_0 = arith.constant 0 : i32
    %c0_i32_1 = arith.constant 0 : i32
    return %c0_i32, %c0_i32_0 : i32, i32
  }
  func.func @transform_5(%arg0: i32) -> (i32, i32) {
    %c0_i32 = arith.constant 0 : i32
    %c0_i32_0 = arith.constant 0 : i32
    %c0_i32_1 = arith.constant 0 : i32
    return %c0_i32, %c0_i32_0 : i32, i32
  }
  func.func @transform_6(%arg0: i32) -> (i32, i32) {
    %c0_i32 = arith.constant 0 : i32
    %c0_i32_0 = arith.constant 0 : i32
    %c0_i32_1 = arith.constant 0 : i32
    return %c0_i32, %c0_i32_0 : i32, i32
  }
  func.func @transform_7(%arg0: i32) -> (i32, i32) {
    %c0_i32 = arith.constant 0 : i32
    %c0_i32_0 = arith.constant 0 : i32
    %c0_i32_1 = arith.constant 0 : i32
    return %c0_i32, %c0_i32_0 : i32, i32
  }
  func.func @transform_8(%arg0: i32) -> (i32, i32) {
    %c0_i32 = arith.constant 0 : i32
    %c0_i32_0 = arith.constant 0 : i32
    %c0_i32_1 = arith.constant 0 : i32
    return %c0_i32, %c0_i32_0 : i32, i32
  }
  func.func @transform_9(%arg0: i32) -> (i32, i32) {
    %c0_i32 = arith.constant 0 : i32
    %c0_i32_0 = arith.constant 0 : i32
    %c0_i32_1 = arith.constant 0 : i32
    return %c0_i32, %c0_i32_0 : i32, i32
  }
  func.func @transform_10(%arg0: i32) -> (i32, i32) {
    %c0_i32 = arith.constant 0 : i32
    %c0_i32_0 = arith.constant 0 : i32
    %c0_i32_1 = arith.constant 0 : i32
    return %c0_i32, %c0_i32_0 : i32, i32
  }
  func.func @transform_11(%arg0: i32) -> (i32, i32) {
    %c0_i32 = arith.constant 0 : i32
    %c0_i32_0 = arith.constant 0 : i32
    %c0_i32_1 = arith.constant 0 : i32
    return %c0_i32, %c0_i32_0 : i32, i32
  }
  func.func @transform_12(%arg0: i32) -> (i32, i32) {
    %c0_i32 = arith.constant 0 : i32
    %c0_i32_0 = arith.constant 0 : i32
    %c0_i32_1 = arith.constant 0 : i32
    return %c0_i32, %c0_i32_0 : i32, i32
  }
  func.func @transform_13(%arg0: i32) -> (i32, i32) {
    %c0_i32 = arith.constant 0 : i32
    %c0_i32_0 = arith.constant 0 : i32
    return %arg0, %c0_i32 : i32, i32
  }
}

</mosaic_0001>

<sc_bundles>
// kernel: kernel.15.cloned.1.call-start
scs
__scs_entry_jumppad:
0x0: {  	(pc) =	sbr.rel $0x88, $3  }
0x1: {  	(tag) =	ssettag $0x0;
	lr =	simm.s32 $0x1  }
0x2: {  	[smem:$0x3F85] =	sst lr;
	_ =	strace $0xD0000000  }
0x3: {  	_ = 	snop  }
0x4: {  	_ = 	snop  }
0x5: {  	_ = 	snop  }
0x6: {  	_ = 	snop  }
0x7: {  	_ = 	snop  }
__scs_overlays_trampoline_lowered:
0x8: {  	[smem:$0x3F94] =	sst s0  }
0x9: {  	[smem:$0x3F95] =	sst s1  }
0xa: {  	[smem:$0x3F96] =	sst s2  }
0xb: {  	[smem:$0x3F97] =	sst s3  }
0xc: {  	[smem:$0x3F98] =	sst s4  }
0xd: {  	[smem:$0x3F99] =	sst s5  }
0xe: {  	[smem:$0x3F9A] =	sst s6  }
0xf: {  	[smem:$0x3F9B] =	sst s7  }
0x10: {  	[smem:$0x3F9C] =	sst s8  }
0x11: {  	[smem:$0x3F9D] =	sst s9;
	s0 =	simm.s32 @!p0 $0x0  }
0x12: {  	s1 =	sld [smem:$0x3F83];
	s0 =	simm.s32 @p0 $0x1  }
0x13: {  	[smem:$0x3F9E] =	sst s0;
	s0 =	simm.s32 @!p1 $0x0  }
0x14: {  	s2 =	sld [smem:$0x3F82];
	s0 =	simm.s32 @p1 $0x1  }
0x15: {  	[smem:$0x3F9F] =	sst s0;
	s0 =	simm.s32 @!p2 $0x0  }
0x16: {  	s3 =	sld [smem:$0x3FDB];
	s0 =	simm.s32 @p2 $0x1  }
0x17: {  	s4 =	simm.s32 $0x1BF5;
	[smem:$0x3FA1] =	sst s0  }
0x18: {  	s0 =	sld [smem:$0x3F84];
	_ =	swait.ge [sflag:s4], $0x0  }
0x19: {  	s7 =	sld [smem:$0x3F85]  }
0x1a: {  	s8 =	sadd.s32 $0xFFFFE003, lr  }
0x1b: {  	s9 =	sadd.s32 $0xFFFFFEF7, lr;
	s5 =	simm.s32 $0xFFFFFFFF;
	p2 =	slt.u32 s8, $0xFFFFF086  }
0x1c: {  	p1 =	slt.u32 s9, $0xF7A;
	s5 =	simm.s32 @!p2 $0x0  }
0x1d: {  	s5 =	simm.s32 @p1 $0x1;
	p0 =	seq.s32 s7, s2  }
0x1e: {  	s7 =	smul.u32 @!p0 $0xF7A, s2;
	p2 =	seq.s32 @!p0 s5, $0x0  }
0x1f: {  	s9 =	smul.u32 $0xF7A, s1;
	s8 =	simm.s32 @!p0 $0x1BF5;
	p2 =	por !p2, p0  }
0x20: {  	[sflag:s8] =	ssyncset.s32 @!p0 $0xFFFFF086;
	s6 =	sadd.s32 @!p0 s3, s7;
	s7 =	simm.s32 @!p0 $0x108  }
0x21: {  	s3 =	sadd.s32 s3, s9;
	s6 =	sadd.s32 @!p0 $0x88, s6;
	s7 =	simm.s32 @p2 $0x1082  }
0x22: {  	[simem:s7], [sflag:s8] =	dma.local @!p0 [hbm:s6], $0xF7A  }
0x23: {  	s9 =	sor.u32 $0xD0000000, s2;
	s6 =	simm.s32 $0x108;
	_ =	swait.ge @!p0 [sflag:s8], $0x0  }
0x24: {  	s3 =	sadd.s32 $0x88, s3;
	s6 =	simm.s32 @!p1 $0x1082;
	[sflag:s4] =	ssyncset.s32 $0xFFFFF086  }
0x25: {  	[simem:s6], [sflag:s4] =	dma.local [hbm:s3], $0xF7A  }
0x26: {  	[smem:$0x3F85] =	sst s1;
	(tag) =	ssettag s2;
	_ =	strace s9  }
0x27: {  	s1 =	sld [smem:$0x3F95]  }
0x28: {  	s2 =	sld [smem:$0x3F96]  }
0x29: {  	s4 =	sld [smem:$0x3F98]  }
0x2a: {  	p0 =	seq.s32 s5, $0x0;
	s5 =	sld [smem:$0x3F99]  }
0x2b: {  	s6 =	sld [smem:$0x3F9A]  }
0x2c: {  	s7 =	sld [smem:$0x3F9B]  }
0x2d: {  	s3 =	simm.s32 $0x108;
	s8 =	sld [smem:$0x3F9C]  }
0x2e: {  	s3 =	simm.s32 @!p0 $0x1082;
	s9 =	sld [smem:$0x3F9D]  }
0x2f: {  	lr =	sadd.s32 s0, s3;
	s0 =	sld [smem:$0x3F94]  }
0x30: {  	s3 =	sld [smem:$0x3F97]  }
0x31: {  	[smem:$0x3FA0] =	sst s10  }
0x32: {  	s10 =	sld [smem:$0x3F9E];
	_ =	sdelay $0x3  }
0x33: {  	p0 =	seq.s32 s10, $0x1;
	s10 =	sld [smem:$0x3FA0];
	_ =	sdelay $0x3  }
0x34: {  	[smem:$0x3FA0] =	sst s10  }
0x35: {  	s10 =	sld [smem:$0x3F9F];
	_ =	sdelay $0x3  }
0x36: {  	p1 =	seq.s32 s10, $0x1;
	s10 =	sld [smem:$0x3FA0];
	_ =	sdelay $0x3  }
0x37: {  	[smem:$0x3FA0] =	sst s10  }
0x38: {  	s10 =	sld [smem:$0x3FA1]  }
0x39: {  	_ = 	snop;
	(pc) =	sbr.ind lr, $3  }
0x3a: {  	_ = 	snop  }
0x3b: {  	_ = 	snop  }
0x3c: {  	p2 =	seq.s32 s10, $0x1;
	s10 =	sld [smem:$0x3FA0]  }
0x3d: {  	_ =	shalt  }
0x3e: {  	_ =	shalt  }
0x3f: {  	_ =	shalt  }
0x40: {  	_ =	shalt  }
0x41: {  	_ =	shalt  }
0x42: {  	_ =	shalt  }
0x43: {  	_ =	shalt  }
0x44: {  	_ =	shalt  }
0x45: {  	_ =	shalt  }
0x46: {  	_ =	shalt  }
0x47: {  	_ =	shalt  }
0x48: {  	_ =	shalt  }
0x49: {  	_ =	shalt  }
0x4a: {  	_ =	shalt  }
0x4b: {  	_ =	shalt  }
0x4c: {  	_ =	shalt  }
0x4d: {  	_ =	shalt  }
0x4e: {  	_ =	shalt  }
0x4f: {  	_ =	shalt  }
0x50: {  	_ =	shalt  }
0x51: {  	_ =	shalt  }
0x52: {  	_ =	shalt  }
0x53: {  	_ =	shalt  }
0x54: {  	_ =	shalt  }
0x55: {  	_ =	shalt  }
0x56: {  	_ =	shalt  }
0x57: {  	_ =	shalt  }
0x58: {  	_ =	shalt  }
0x59: {  	_ =	shalt  }
0x5a: {  	_ =	shalt  }
0x5b: {  	_ =	shalt  }
0x5c: {  	_ =	shalt  }
0x5d: {  	_ =	shalt  }
0x5e: {  	_ =	shalt  }
0x5f: {  	_ =	shalt  }
0x60: {  	_ =	shalt  }
0x61: {  	_ =	shalt  }
0x62: {  	_ =	shalt  }
0x63: {  	_ =	shalt  }
0x64: {  	_ =	shalt  }
0x65: {  	_ =	shalt  }
0x66: {  	_ =	shalt  }
0x67: {  	_ =	shalt  }
0x68: {  	_ =	shalt  }
0x69: {  	_ =	shalt  }
0x6a: {  	_ =	shalt  }
0x6b: {  	_ =	shalt  }
0x6c: {  	_ =	shalt  }
0x6d: {  	_ =	shalt  }
0x6e: {  	_ =	shalt  }
0x6f: {  	_ =	shalt  }
0x70: {  	_ =	shalt  }
0x71: {  	_ =	shalt  }
0x72: {  	_ =	shalt  }
0x73: {  	_ =	shalt  }
0x74: {  	_ =	shalt  }
0x75: {  	_ =	shalt  }
0x76: {  	_ =	shalt  }
0x77: {  	_ =	shalt  }
0x78: {  	_ =	shalt  }
0x79: {  	_ =	shalt  }
0x7a: {  	_ =	shalt  }
0x7b: {  	_ =	shalt  }
0x7c: {  	_ =	shalt  }
0x7d: {  	_ =	shalt  }
0x7e: {  	_ =	shalt  }
0x7f: {  	_ =	shalt  }
0x80: {  	_ =	shalt  }
0x81: {  	_ =	shalt  }
0x82: {  	_ =	shalt  }
0x83: {  	_ =	shalt  }
0x84: {  	_ =	shalt  }
0x85: {  	_ =	shalt  }
0x86: {  	_ =	shalt  }
0x87: {  	_ =	shalt  }
.Lfunc_end0:
.L_simem_size_0:
called_computation_lowered:
.L_overlay_start_0:
0x88: {  	s2 =	sld [smem:$0x3FD9]  }
0x89: {  	s3 =	sld [smem:$0x3FFE];
	_ =	sdelay $0x1  }
0x8a: {  	s1 =	srdreg.scid  }
0x8b: {  	s0 =	sand.u32 $0x1, s1  }
0x8c: {  	s16 =	sshll.u32 s0, $0xA;
	s2 =	sadd.s32 s3, s2  }
0x8d: {  	s2 =	sadd.s32 s2, s16  }
0x8e: {  	[smem:$0x3FAC] =	sst s2  }
0x8f: {  	_ = 	snop  }
0x90: {  	(tm) =	ssettm $0x1  }
0x91: {  	s17 =	sld [smem:$0x3FFB];
	_ =	sdelay $0x3  }
0x92: {  	_ =	strace s17  }
0x93: {  	s2 =	sld [smem:$0x3FFC];
	_ =	sdelay $0x3  }
0x94: {  	_ =	strace s2  }
0x95: {  	s2 =	sld [smem:$0x3FFD];
	_ =	sdelay $0x3  }
0x96: {  	_ =	strace s2  }
0x97: {  	_ =	strace $0x8FFFFFFF  }
0x98: {  	s18 =	sld [smem:$0x3FDB];
	_ =	sdelay $0x1  }
0x99: {  	s19 =	simm.s32 $_scs_section_size  }
0x9a: {  	s4 =	simm.s32 $_size__tile_overlayer_lowered;
	s5 =	simm.s32 $_tile_overlayer_lowered  }
0x9b: {  	s22 =	simm.s32 $0x1BFF;
	s21 =	sshll.u32 s5, $0x1;
	s2 =	sadd.s32 s19, s18  }
0x9c: {  	s6 =	simm.s32 $0x0;
	s20 =	sshll.u32 s4, $0x1;
	s4 =	sadd.s32 s21, s2  }
0x9d: {  	[timem:s6], [sflag:s22] =	dma.local [hbm:s4], s20  }
0x9e: {  	_ =	swait.ge [sflag:s22], s20  }
0x9f: {  	s3 =	ssub.s32 $0x0, s20;
	[sflag:s22] =	ssyncset.done $0x0  }
0xa0: {  	[sflag:s22] =	ssyncadd.s32 s3;
	_ =	sdelay $0x1  }
0xa1: {  	s23 =	simm.s32 $0x1B8B  }
0xa2: {  	_ =	swait.ge [sflag:s23], $0x1  }
0xa3: {  	[sflag:s23] =	ssyncset.done $0x0  }
0xa4: {  	s25 =	simm.s32 $0x1B8E;
	s24 =	sld [smem:$0x3FFE];
	[sflag:s23] =	ssyncadd.s32 $0xFFFFFFFF  }
0xa5: {  	s26 =	simm.s32 $execute0_lowered;
	[smem:$0x3FD2] =	sst s25  }
0xa6: {  	s4 =	sshll.u32 s26, $0x1;
	_ =	strace $0x80000046;
	[dreg:$0x1] =	wrdreg $0xFFFFFFFF  }
0xa7: {  	s28 =	simm.s32 $_size_execute0_lowered;
	s2 =	sadd.s32 s2, s4;
	[dreg:$0x0] =	wrdreg $0x0  }
0xa8: {  	s4 =	sshll.u32 s28, $0x1;
	[dreg:$0x2] =	wrdreg s2  }
0xa9: {  	[dreg:$0x3] =	wrdreg s4  }
0xaa: {  	[dreg:$0x4] =	wrdreg $0xC0  }
0xab: {  	_ =	task [dreg:s6], $0x5FFFF  }
0xac: {  	[dreg:$0x1] =	wrdreg $0xFFFFFFFF  }
0xad: {  	[dreg:$0x0] =	wrdreg $0x60  }
0xae: {  	[dreg:$0x2] =	wrdreg s24  }
0xaf: {  	[dreg:$0x3] =	wrdreg $0x9  }
0xb0: {  	_ =	task.clear_ibuf [dreg:s6], $0x4FFFF;
	_ =	strace $0x90000046  }
0xb1: {  	s29 =	simm.s32 $0x9;
	_ =	strace $0x80000048  }
0xb2: {  	_ =	swait.ge [sflag:s29], $0x1  }
0xb3: {  	[sflag:s29] =	ssyncadd.s32 $0xFFFFFFFF  }
0xb4: {  	_ =	strace $0x90000048  }
0xb5: {  	_ =	sfence  }
0xb6: {  	s30 =	sld [smem:$0x0];
	_ =	sdelay $0x2  }
0xb7: {  	s31 =	sshll.u32 s1, $0xD;
	s1 =	sshrl.u32 s1, $0x2  }
0xb8: {  	s3 =	sand.u32 $0x4000, s31;
	s1 =	sadd.s32 s1, s30  }
0xb9: {  	s0 =	sor.u32 s3, s0;
	s1 =	sshll.u32 s1, $0x11  }
0xba: {  	s0 =	sor.u32 s1, s0  }
0xbb: {  	s0 =	sadd.s32 $0x8F2B, s0  }
0xbc: {  	[sflag:s0] =	ssyncadd.remote.s32 $0x1  }
0xbd: {  	_ =	sfence.sel $0xFFFF  }
0xbe: {  	[dreg:$0x0] =	wrdreg $0xFFFFFFFF;
	(pc) =	sbr.abs _section_cstart, $3  }
0xbf: {  	[dreg:$0x1] =	wrdreg $0xFFFFFFFF  }
0xc0: {  	_ =	task.clear_ibuf [dreg:s6], $0x2FFFF;
	_ =	strace $0x9FFFFFFF  }
0xc1: {  	(tm) =	ssettm $0x7FFFFFFF  }
tec
execute0_lowered:
.L_overlay_start_1:
0x0: {  	(tag) =	ssettag $0x1  }
0x1: {  	s1 =	srdreg.scid  }
0x2: {  	s0 =	stileid.u32;
	s4 =	rddreg [dreg:$0x0]  }
0x3: {  	s2 =	simm.s32 $0x0;
	s14 =	simm.s32 $0xC800;
	s15 =	simm.s32 $0x10800  }
0x4: {  	s16 =	simm.s32 $0x1;
	s17 =	simm.s32 $0x2;
	s18 =	simm.s32 $0x3  }
0x5: {  	s19 =	simm.s32 $0x4;
	s5 =	sand.u32 $0x1, s1;
	s1 =	rddreg [dreg:$0x1]  }
0x6: {  	s20 =	simm.s32 $0x0;
	s3 =	sshll.u32 s0, $0x1;
	[smem:$0x7FF] =	sst s2  }
0x7: {  	s9 =	smul.u32 $0x640000, s0;
	s10 =	sadd.s32 $0xFF600, s4;
	s13 =	sadd.s32 $0xD7F600, s4  }
0x8: {  	s6 =	sor.u32 s5, s3;
	s8 =	ssub.s32 $0x2, s5;
	s12 =	smul.u32 $0x320000, s5  }
0x9: {  	_ =	strace $0x80000047;
	s7 =	smul.u32 $0xC80, s6;
	s11 =	sshrl.u32 s8, $0x1  }
0xa: {  	s3 =	sadd.s32 $0x3C000, s4;
	s28 =	smul.u32 $0x320000, s6;
	s8 =	ssub.s32 s8, s11  }
0xb: {  	s29 =	sadd.s32 s12, s9;
	s11 =	simm.s32 $0x5;
	s12 =	simm.s32 $0x6400  }
0xc: {  	s7 =	sadd.s32 s7, s4;
	s6 =	smax.u32 s8, $0x1;
	s30 =	sshrl.u32 s28, $0x3  }
0xd: {  	s9 =	sor.u32 $0x4000, s29;
	s4 =	sadd.s32 $0xA000, s7;
	s5 =	sadd.s32 $0x23000, s7  }
0xe: {  	s7 =	sadd.s32 s10, s30;
	s8 =	sadd.s32 s13, s30;
	s31 =	sshrl.u32 s9, $0x3  }
0xf: {  	s9 =	sadd.s32 s31, s13;
	s10 =	sadd.s32 s31, s10;
	s13 =	simm.s32 $0x80  }
.LBB2_1:
0x10: {  	[tilespmem:s2], [sflag:$0x5] =	stream.linear.gather [hbm4b:s4+s2], $0x6400, $0x38;
	[tilespmem:$0x14800] =	vst v63  }
0x11: {  	_ =	swait.ge [sflag:s11], $0x6400  }
0x12: {  	[sflag:s11] =	ssyncset.done $0x0  }
0x13: {  	[sflag:s11] =	ssyncadd.s32 $0xFFFF9C00  }
0x14: {  	[tilespmem:s12], [sflag:$0x5] =	stream.linear.gather [hbm4b:s5+s2], $0x6400, $0x38;
	[tilespmem:$0x14800] =	vst v63  }
0x15: {  	_ =	swait.ge [sflag:s11], $0x6400  }
0x16: {  	[sflag:s11] =	ssyncset.done $0x0  }
0x17: {  	[sflag:s11] =	ssyncadd.s32 $0xFFFF9C00  }
0x18: {  	[tilespmem:s14], [sflag:$0x1] =	stream.indirect.gather [hbm4b:s3+s13], $0x80, s2, s13, $0xb8;
	[tilespmem:$0x14800] =	vst v63  }
0x19: {  	_ = 	snop  }
0x1a: {  	[tilespmem:s15], [sflag:$0x2] =	stream.indirect.gather [hbm4b:s3+s13], $0x80, s12, s13, $0xb8;
	[tilespmem:$0x14800] =	vst v63  }
0x1b: {  	_ =	swait.ge [sflag:s16], $0x4000  }
0x1c: {  	[sflag:s16] =	ssyncset.done $0x0  }
0x1d: {  	[sflag:s16] =	ssyncadd.s32 $0xFFFFC000  }
0x1e: {  	[hbm4b:s7+s2] =	stream.linear.scatter [tilespmem:s14], [sflag:$0x3], $0x4000, $0x38;
	[tilespmem:$0x14800] =	vst v63  }
0x1f: {  	_ =	swait.ge [sflag:s17], $0x4000  }
0x20: {  	[sflag:s17] =	ssyncset.done $0x0  }
0x21: {  	[sflag:s17] =	ssyncadd.s32 $0xFFFFC000  }
0x22: {  	[hbm4b:s8+s2] =	stream.linear.scatter [tilespmem:s15], [sflag:$0x4], $0x4000, $0x38;
	[tilespmem:$0x14800] =	vst v63  }
0x23: {  	_ =	swait.ge [sflag:s18], $0x4000  }
0x24: {  	[sflag:s18] =	ssyncset.done $0x0  }
0x25: {  	[sflag:s18] =	ssyncadd.s32 $0xFFFFC000  }
0x26: {  	_ =	swait.ge [sflag:s19], $0x4000  }
0x27: {  	[sflag:s19] =	ssyncset.done $0x0  }
0x28: {  	s21 =	simm.s32 $0x80;
	[sflag:s19] =	ssyncadd.s32 $0xFFFFC000  }
0x29: {  	[tilespmem:s14], [sflag:$0x1] =	stream.indirect.gather [hbm4b:s3+s13], $0x80, s21, s13, $0xb8;
	[tilespmem:$0x14800] =	vst v63  }
0x2a: {  	s31 =	simm.s32 $0x6480  }
0x2b: {  	[tilespmem:s15], [sflag:$0x2] =	stream.indirect.gather [hbm4b:s3+s13], $0x80, s31, s13, $0xb8;
	[tilespmem:$0x14800] =	vst v63  }
0x2c: {  	_ =	swait.ge [sflag:s16], $0x4000  }
0x2d: {  	[sflag:s16] =	ssyncset.done $0x0  }
0x2e: {  	[sflag:s16] =	ssyncadd.s32 $0xFFFFC000  }
0x2f: {  	[hbm4b:s10+s2] =	stream.linear.scatter [tilespmem:s14], [sflag:$0x3], $0x4000, $0x38;
	[tilespmem:$0x14800] =	vst v63  }
0x30: {  	_ =	swait.ge [sflag:s17], $0x4000  }
0x31: {  	s22 =	sadd.s32 $0x800, s9;
	s23 =	sadd.s32 $0x800, s10;
	[sflag:s17] =	ssyncset.done $0x0  }
0x32: {  	s24 =	smov.u32 s9;
	s21 =	simm.s32 $0x400;
	[sflag:s17] =	ssyncadd.s32 $0xFFFFC000  }
.LBB2_2:
0x33: {  	[hbm4b:s24+s2] =	stream.linear.scatter [tilespmem:s15], [sflag:$0x4], $0x4000, $0x38;
	[tilespmem:$0x14800] =	vst v63  }
0x34: {  	s25 =	smov.u32 s21;
	s24 =	smov.u32 s22  }
0x35: {  	p0 =	sne.s32 s21, $0x18E00;
	s21 =	sadd.s32 $0x200, s21;
	_ =	swait.ge [sflag:s18], $0x4000  }
0x36: {  	[sflag:s18] =	ssyncset.done $0x0  }
0x37: {  	[sflag:s18] =	ssyncadd.s32 $0xFFFFC000  }
0x38: {  	_ =	swait.ge [sflag:s19], $0x4000  }
0x39: {  	[sflag:s19] =	ssyncset.done $0x0  }
0x3a: {  	s25 =	sshra.s32 s25, $0x2;
	[sflag:s19] =	ssyncadd.s32 $0xFFFFC000  }
0x3b: {  	[tilespmem:s14], [sflag:$0x1] =	stream.indirect.gather [hbm4b:s3+s13], $0x80, s25, s13, $0xb8;
	[tilespmem:$0x14800] =	vst v63  }
0x3c: {  	s25 =	sadd.s32 $0x6400, s25  }
0x3d: {  	[tilespmem:s15], [sflag:$0x2] =	stream.indirect.gather [hbm4b:s3+s13], $0x80, s25, s13, $0xb8;
	[tilespmem:$0x14800] =	vst v63  }
0x3e: {  	_ =	swait.ge [sflag:s16], $0x4000  }
0x3f: {  	[sflag:s16] =	ssyncset.done $0x0  }
.Ltmp0:
0x40: {  	[sflag:s16] =	ssyncadd.s32 $0xFFFFC000;
	(pc) =	sbr.rel @p0 .LBB2_2-.Ltmp0, $4  }
0x41: {  	[hbm4b:s23+s2] =	stream.linear.scatter [tilespmem:s14], [sflag:$0x3], $0x4000, $0x38;
	[tilespmem:$0x14800] =	vst v63  }
0x42: {  	_ =	swait.ge [sflag:s17], $0x4000  }
0x43: {  	[sflag:s17] =	ssyncset.done $0x0  }
0x44: {  	s22 =	sadd.s32 $0x800, s22;
	s23 =	sadd.s32 $0x800, s23;
	[sflag:s17] =	ssyncadd.s32 $0xFFFFC000  }
0x45: {  	[hbm4b:s24+s2] =	stream.linear.scatter [tilespmem:s15], [sflag:$0x4], $0x4000, $0x38;
	[tilespmem:$0x14800] =	vst v63  }
0x46: {  	s20 =	sadd.s32 $0x1, s20  }
0x47: {  	_ =	swait.ge [sflag:s18], $0x4000;
	p0 =	sne.s32 s20, s6  }
.Ltmp1:
0x48: {  	[sflag:s18] =	ssyncset.done $0x0;
	(pc) =	sbr.rel @p0 .LBB2_1-.Ltmp1, $4  }
0x49: {  	[sflag:s18] =	ssyncadd.s32 $0xFFFFC000  }
0x4a: {  	_ =	swait.ge [sflag:s19], $0x4000  }
0x4b: {  	[sflag:s19] =	ssyncset.done $0x0  }
0x4c: {  	[sflag:s19] =	ssyncadd.s32 $0xFFFFC000  }
0x4d: {  	_ =	sfence.sel $0x180000  }
0x4e: {  	[bflag:$0x0] =	sbarrier.arrive $0xFFFF  }
0x4f: {  	p0 =	sne.s32 s0, $0x0;
	_ =	strace $0x90000047  }
0x50: {  	s0 =	sadd.s32 @!p0 $0x100000, s1;
	[bflag:$0x2] =	sbarrier.arrive $0xFFFF  }
0x51: {  	[sflag:s0] =	ssyncadd.tile.s32 @!p0 $0x1;
	_ =	shalt  }
.Lfunc_end2:
_tile_overlayer_lowered:
.L_overlay_start_2:
0x52: {  	(tag) =	ssettag $0x2  }
0x53: {  	s0 =	rddreg [dreg:$0x0];
	s2 =	stileid.u32  }
0x54: {  	s1 =	rddreg [dreg:$0x1];
	p0 =	sne.s32 s2, $0x0  }
0x55: {  	s3 =	rddreg [dreg:$0x2];
	[bflag:$0x3] =	sbarrier.arrive $0xFFFF;
	s2 =	simm.s32 @!p0 $0x1C05  }
0x56: {  	[timem:s3], [sflag:s2] =	dma.local @!p0 [hbm:s0], s1  }
0x57: {  	s0 =	simm.s32 @!p0 $0x5  }
0x58: {  	_ =	swait.ge @!p0 [sflag:s0], s1  }
0x59: {  	s1 =	ssub.s32 @!p0 $0x0, s1;
	[sflag:s0] =	ssyncset.done @!p0 $0x0  }
0x5a: {  	[sflag:s0] =	ssyncadd.s32 @!p0 s1  }
0x5b: {  	[bflag:$0x3] =	sbarrier.arrive $0xFFFF  }
0x5c: {  	_ =	shalt  }

// kernel: kernel.18.cloned.1.call-start
scs
__scs_entry_jumppad:
0x0: {  	(pc) =	sbr.rel $0x88, $3  }
0x1: {  	(tag) =	ssettag $0x0;
	lr =	simm.s32 $0x1  }
0x2: {  	[smem:$0x3F85] =	sst lr;
	_ =	strace $0xD0000000  }
0x3: {  	_ = 	snop  }
0x4: {  	_ = 	snop  }
0x5: {  	_ = 	snop  }
0x6: {  	_ = 	snop  }
0x7: {  	_ = 	snop  }
__scs_overlays_trampoline_lowered:
0x8: {  	[smem:$0x3F94] =	sst s0  }
0x9: {  	[smem:$0x3F95] =	sst s1  }
0xa: {  	[smem:$0x3F96] =	sst s2  }
0xb: {  	[smem:$0x3F97] =	sst s3  }
0xc: {  	[smem:$0x3F98] =	sst s4  }
0xd: {  	[smem:$0x3F99] =	sst s5  }
0xe: {  	[smem:$0x3F9A] =	sst s6  }
0xf: {  	[smem:$0x3F9B] =	sst s7  }
0x10: {  	[smem:$0x3F9C] =	sst s8  }
0x11: {  	[smem:$0x3F9D] =	sst s9;
	s0 =	simm.s32 @!p0 $0x0  }
0x12: {  	s1 =	sld [smem:$0x3F83];
	s0 =	simm.s32 @p0 $0x1  }
0x13: {  	[smem:$0x3F9E] =	sst s0;
	s0 =	simm.s32 @!p1 $0x0  }
0x14: {  	s2 =	sld [smem:$0x3F82];
	s0 =	simm.s32 @p1 $0x1  }
0x15: {  	[smem:$0x3F9F] =	sst s0;
	s0 =	simm.s32 @!p2 $0x0  }
0x16: {  	s3 =	sld [smem:$0x3FDB];
	s0 =	simm.s32 @p2 $0x1  }
0x17: {  	s4 =	simm.s32 $0x1BF5;
	[smem:$0x3FA1] =	sst s0  }
0x18: {  	s0 =	sld [smem:$0x3F84];
	_ =	swait.ge [sflag:s4], $0x0  }
0x19: {  	s7 =	sld [smem:$0x3F85]  }
0x1a: {  	s8 =	sadd.s32 $0xFFFFE003, lr  }
0x1b: {  	s9 =	sadd.s32 $0xFFFFFEF7, lr;
	s5 =	simm.s32 $0xFFFFFFFF;
	p2 =	slt.u32 s8, $0xFFFFF086  }
0x1c: {  	p1 =	slt.u32 s9, $0xF7A;
	s5 =	simm.s32 @!p2 $0x0  }
0x1d: {  	s5 =	simm.s32 @p1 $0x1;
	p0 =	seq.s32 s7, s2  }
0x1e: {  	s7 =	smul.u32 @!p0 $0xF7A, s2;
	p2 =	seq.s32 @!p0 s5, $0x0  }
0x1f: {  	s9 =	smul.u32 $0xF7A, s1;
	s8 =	simm.s32 @!p0 $0x1BF5;
	p2 =	por !p2, p0  }
0x20: {  	[sflag:s8] =	ssyncset.s32 @!p0 $0xFFFFF086;
	s6 =	sadd.s32 @!p0 s3, s7;
	s7 =	simm.s32 @!p0 $0x108  }
0x21: {  	s3 =	sadd.s32 s3, s9;
	s6 =	sadd.s32 @!p0 $0x88, s6;
	s7 =	simm.s32 @p2 $0x1082  }
0x22: {  	[simem:s7], [sflag:s8] =	dma.local @!p0 [hbm:s6], $0xF7A  }
0x23: {  	s9 =	sor.u32 $0xD0000000, s2;
	s6 =	simm.s32 $0x108;
	_ =	swait.ge @!p0 [sflag:s8], $0x0  }
0x24: {  	s3 =	sadd.s32 $0x88, s3;
	s6 =	simm.s32 @!p1 $0x1082;
	[sflag:s4] =	ssyncset.s32 $0xFFFFF086  }
0x25: {  	[simem:s6], [sflag:s4] =	dma.local [hbm:s3], $0xF7A  }
0x26: {  	[smem:$0x3F85] =	sst s1;
	(tag) =	ssettag s2;
	_ =	strace s9  }
0x27: {  	s1 =	sld [smem:$0x3F95]  }
0x28: {  	s2 =	sld [smem:$0x3F96]  }
0x29: {  	s4 =	sld [smem:$0x3F98]  }
0x2a: {  	p0 =	seq.s32 s5, $0x0;
	s5 =	sld [smem:$0x3F99]  }
0x2b: {  	s6 =	sld [smem:$0x3F9A]  }
0x2c: {  	s7 =	sld [smem:$0x3F9B]  }
0x2d: {  	s3 =	simm.s32 $0x108;
	s8 =	sld [smem:$0x3F9C]  }
0x2e: {  	s3 =	simm.s32 @!p0 $0x1082;
	s9 =	sld [smem:$0x3F9D]  }
0x2f: {  	lr =	sadd.s32 s0, s3;
	s0 =	sld [smem:$0x3F94]  }
0x30: {  	s3 =	sld [smem:$0x3F97]  }
0x31: {  	[smem:$0x3FA0] =	sst s10  }
0x32: {  	s10 =	sld [smem:$0x3F9E];
	_ =	sdelay $0x3  }
0x33: {  	p0 =	seq.s32 s10, $0x1;
	s10 =	sld [smem:$0x3FA0];
	_ =	sdelay $0x3  }
0x34: {  	[smem:$0x3FA0] =	sst s10  }
0x35: {  	s10 =	sld [smem:$0x3F9F];
	_ =	sdelay $0x3  }
0x36: {  	p1 =	seq.s32 s10, $0x1;
	s10 =	sld [smem:$0x3FA0];
	_ =	sdelay $0x3  }
0x37: {  	[smem:$0x3FA0] =	sst s10  }
0x38: {  	s10 =	sld [smem:$0x3FA1]  }
0x39: {  	_ = 	snop;
	(pc) =	sbr.ind lr, $3  }
0x3a: {  	_ = 	snop  }
0x3b: {  	_ = 	snop  }
0x3c: {  	p2 =	seq.s32 s10, $0x1;
	s10 =	sld [smem:$0x3FA0]  }
0x3d: {  	_ =	shalt  }
0x3e: {  	_ =	shalt  }
0x3f: {  	_ =	shalt  }
0x40: {  	_ =	shalt  }
0x41: {  	_ =	shalt  }
0x42: {  	_ =	shalt  }
0x43: {  	_ =	shalt  }
0x44: {  	_ =	shalt  }
0x45: {  	_ =	shalt  }
0x46: {  	_ =	shalt  }
0x47: {  	_ =	shalt  }
0x48: {  	_ =	shalt  }
0x49: {  	_ =	shalt  }
0x4a: {  	_ =	shalt  }
0x4b: {  	_ =	shalt  }
0x4c: {  	_ =	shalt  }
0x4d: {  	_ =	shalt  }
0x4e: {  	_ =	shalt  }
0x4f: {  	_ =	shalt  }
0x50: {  	_ =	shalt  }
0x51: {  	_ =	shalt  }
0x52: {  	_ =	shalt  }
0x53: {  	_ =	shalt  }
0x54: {  	_ =	shalt  }
0x55: {  	_ =	shalt  }
0x56: {  	_ =	shalt  }
0x57: {  	_ =	shalt  }
0x58: {  	_ =	shalt  }
0x59: {  	_ =	shalt  }
0x5a: {  	_ =	shalt  }
0x5b: {  	_ =	shalt  }
0x5c: {  	_ =	shalt  }
0x5d: {  	_ =	shalt  }
0x5e: {  	_ =	shalt  }
0x5f: {  	_ =	shalt  }
0x60: {  	_ =	shalt  }
0x61: {  	_ =	shalt  }
0x62: {  	_ =	shalt  }
0x63: {  	_ =	shalt  }
0x64: {  	_ =	shalt  }
0x65: {  	_ =	shalt  }
0x66: {  	_ =	shalt  }
0x67: {  	_ =	shalt  }
0x68: {  	_ =	shalt  }
0x69: {  	_ =	shalt  }
0x6a: {  	_ =	shalt  }
0x6b: {  	_ =	shalt  }
0x6c: {  	_ =	shalt  }
0x6d: {  	_ =	shalt  }
0x6e: {  	_ =	shalt  }
0x6f: {  	_ =	shalt  }
0x70: {  	_ =	shalt  }
0x71: {  	_ =	shalt  }
0x72: {  	_ =	shalt  }
0x73: {  	_ =	shalt  }
0x74: {  	_ =	shalt  }
0x75: {  	_ =	shalt  }
0x76: {  	_ =	shalt  }
0x77: {  	_ =	shalt  }
0x78: {  	_ =	shalt  }
0x79: {  	_ =	shalt  }
0x7a: {  	_ =	shalt  }
0x7b: {  	_ =	shalt  }
0x7c: {  	_ =	shalt  }
0x7d: {  	_ =	shalt  }
0x7e: {  	_ =	shalt  }
0x7f: {  	_ =	shalt  }
0x80: {  	_ =	shalt  }
0x81: {  	_ =	shalt  }
0x82: {  	_ =	shalt  }
0x83: {  	_ =	shalt  }
0x84: {  	_ =	shalt  }
0x85: {  	_ =	shalt  }
0x86: {  	_ =	shalt  }
0x87: {  	_ =	shalt  }
.Lfunc_end0:
.L_simem_size_0:
called_computation.1_lowered:
.L_overlay_start_0:
0x88: {  	s2 =	sld [smem:$0x3FD9]  }
0x89: {  	s3 =	sld [smem:$0x3FFE];
	_ =	sdelay $0x1  }
0x8a: {  	s1 =	srdreg.scid  }
0x8b: {  	s0 =	sand.u32 $0x1, s1  }
0x8c: {  	s16 =	sshll.u32 s0, $0xA;
	s2 =	sadd.s32 s3, s2  }
0x8d: {  	s2 =	sadd.s32 s2, s16  }
0x8e: {  	[smem:$0x3FAC] =	sst s2  }
0x8f: {  	_ = 	snop  }
0x90: {  	(tm) =	ssettm $0x1  }
0x91: {  	s17 =	sld [smem:$0x3FFB];
	_ =	sdelay $0x3  }
0x92: {  	_ =	strace s17  }
0x93: {  	s2 =	sld [smem:$0x3FFC];
	_ =	sdelay $0x3  }
0x94: {  	_ =	strace s2  }
0x95: {  	s2 =	sld [smem:$0x3FFD];
	_ =	sdelay $0x3  }
0x96: {  	_ =	strace s2  }
0x97: {  	_ =	strace $0x8FFFFFFF  }
0x98: {  	s18 =	sld [smem:$0x3FDB];
	_ =	sdelay $0x1  }
0x99: {  	s19 =	simm.s32 $_scs_section_size  }
0x9a: {  	s4 =	simm.s32 $_size__tile_overlayer_lowered;
	s5 =	simm.s32 $_tile_overlayer_lowered  }
0x9b: {  	s22 =	simm.s32 $0x1BFF;
	s21 =	sshll.u32 s5, $0x1;
	s2 =	sadd.s32 s19, s18  }
0x9c: {  	s6 =	simm.s32 $0x0;
	s20 =	sshll.u32 s4, $0x1;
	s4 =	sadd.s32 s21, s2  }
0x9d: {  	[timem:s6], [sflag:s22] =	dma.local [hbm:s4], s20  }
0x9e: {  	_ =	swait.ge [sflag:s22], s20  }
0x9f: {  	s3 =	ssub.s32 $0x0, s20;
	[sflag:s22] =	ssyncset.done $0x0  }
0xa0: {  	[sflag:s22] =	ssyncadd.s32 s3;
	_ =	sdelay $0x1  }
0xa1: {  	s23 =	simm.s32 $0x1B8B  }
0xa2: {  	_ =	swait.ge [sflag:s23], $0x1  }
0xa3: {  	[sflag:s23] =	ssyncset.done $0x0  }
0xa4: {  	s25 =	simm.s32 $0x1B8E;
	s24 =	sld [smem:$0x3FFE];
	[sflag:s23] =	ssyncadd.s32 $0xFFFFFFFF  }
0xa5: {  	s26 =	simm.s32 $execute0_lowered;
	[smem:$0x3FD2] =	sst s25  }
0xa6: {  	s4 =	sshll.u32 s26, $0x1;
	_ =	strace $0x80000049;
	[dreg:$0x1] =	wrdreg $0xFFFFFFFF  }
0xa7: {  	s28 =	simm.s32 $_size_execute0_lowered;
	s2 =	sadd.s32 s2, s4;
	[dreg:$0x0] =	wrdreg $0x0  }
0xa8: {  	s4 =	sshll.u32 s28, $0x1;
	[dreg:$0x2] =	wrdreg s2  }
0xa9: {  	[dreg:$0x3] =	wrdreg s4  }
0xaa: {  	[dreg:$0x4] =	wrdreg $0xC0  }
0xab: {  	_ =	task [dreg:s6], $0x5FFFF  }
0xac: {  	[dreg:$0x1] =	wrdreg $0xFFFFFFFF  }
0xad: {  	[dreg:$0x0] =	wrdreg $0x60  }
0xae: {  	[dreg:$0x2] =	wrdreg s24  }
0xaf: {  	[dreg:$0x3] =	wrdreg $0x9  }
0xb0: {  	_ =	task.clear_ibuf [dreg:s6], $0x4FFFF;
	_ =	strace $0x90000049  }
0xb1: {  	s29 =	simm.s32 $0x9;
	_ =	strace $0x8000004B  }
0xb2: {  	_ =	swait.ge [sflag:s29], $0x1  }
0xb3: {  	[sflag:s29] =	ssyncadd.s32 $0xFFFFFFFF  }
0xb4: {  	_ =	strace $0x9000004B  }
0xb5: {  	_ =	sfence  }
0xb6: {  	s30 =	sld [smem:$0x0];
	_ =	sdelay $0x2  }
0xb7: {  	s31 =	sshll.u32 s1, $0xD;
	s1 =	sshrl.u32 s1, $0x2  }
0xb8: {  	s3 =	sand.u32 $0x4000, s31;
	s1 =	sadd.s32 s1, s30  }
0xb9: {  	s0 =	sor.u32 s3, s0;
	s1 =	sshll.u32 s1, $0x11  }
0xba: {  	s0 =	sor.u32 s1, s0  }
0xbb: {  	s0 =	sadd.s32 $0x8F2B, s0  }
0xbc: {  	[sflag:s0] =	ssyncadd.remote.s32 $0x1  }
0xbd: {  	_ =	sfence.sel $0xFFFF  }
0xbe: {  	[dreg:$0x0] =	wrdreg $0xFFFFFFFF;
	(pc) =	sbr.abs _section_cstart, $3  }
0xbf: {  	[dreg:$0x1] =	wrdreg $0xFFFFFFFF  }
0xc0: {  	_ =	task.clear_ibuf [dreg:s6], $0x2FFFF;
	_ =	strace $0x9FFFFFFF  }
0xc1: {  	(tm) =	ssettm $0x7FFFFFFF  }
tec
execute0_lowered:
.L_overlay_start_1:
0x0: {  	(tag) =	ssettag $0x1  }
0x1: {  	s5 =	rddreg [dreg:$0x0]  }
0x2: {  	s0 =	rddreg [dreg:$0x1]  }
0x3: {  	s3 =	srdreg.scid;
	s1 =	stileid.u32  }
0x4: {  	s2 =	simm.s32 $0x0;
	s15 =	simm.s32 $0xC800;
	s16 =	simm.s32 $0x10800  }
0x5: {  	s17 =	simm.s32 $0x1;
	s18 =	simm.s32 $0x2;
	s19 =	simm.s32 $0x3  }
0x6: {  	s20 =	simm.s32 $0x4;
	s21 =	simm.s32 $0x0;
	s6 =	sand.u32 $0x1, s3  }
0x7: {  	s26 =	sshll.u32 s1, $0x1;
	[smem:$0x7FF] =	sst s2;
	s3 =	sadd.s32 $0x1CA1E00, s5  }
0x8: {  	s4 =	sadd.s32 $0x1A57E00, s5;
	s10 =	smul.u32 $0x640000, s1;
	s11 =	sadd.s32 $0xCBC000, s5  }
0x9: {  	s7 =	sor.u32 s6, s26;
	s9 =	ssub.s32 $0x2, s6;
	s13 =	smul.u32 $0x320000, s6  }
0xa: {  	s14 =	sadd.s32 $0x3C000, s5;
	s8 =	smul.u32 $0xC80, s7;
	s12 =	sshrl.u32 s9, $0x1  }
0xb: {  	_ =	strace $0x8000004A;
	s28 =	smul.u32 $0x320000, s7;
	s9 =	ssub.s32 s9, s12  }
0xc: {  	s29 =	sadd.s32 s13, s10;
	s12 =	simm.s32 $0x5;
	s13 =	simm.s32 $0x6400  }
0xd: {  	s8 =	sadd.s32 s8, s5;
	s7 =	smax.u32 s9, $0x1;
	s10 =	sor.u32 $0x4000, s29  }
0xe: {  	s30 =	sshrl.u32 s28, $0x3;
	s5 =	sadd.s32 $0x1A30E00, s8;
	s6 =	sadd.s32 $0x1A17E00, s8  }
0xf: {  	s8 =	sadd.s32 s11, s30;
	s9 =	sadd.s32 s14, s30;
	s31 =	sshrl.u32 s10, $0x3  }
0x10: {  	s10 =	sadd.s32 s31, s14;
	s11 =	sadd.s32 s31, s11;
	s14 =	simm.s32 $0x80  }
.LBB2_1:
0x11: {  	[tilespmem:s2], [sflag:$0x5] =	stream.linear.gather [hbm4b:s5+s2], $0x6400, $0x38;
	[tilespmem:$0x14800] =	vst v63  }
0x12: {  	_ =	swait.ge [sflag:s12], $0x6400  }
0x13: {  	[sflag:s12] =	ssyncset.done $0x0  }
0x14: {  	[sflag:s12] =	ssyncadd.s32 $0xFFFF9C00  }
0x15: {  	[tilespmem:s13], [sflag:$0x5] =	stream.linear.gather [hbm4b:s6+s2], $0x6400, $0x38;
	[tilespmem:$0x14800] =	vst v63  }
0x16: {  	_ =	swait.ge [sflag:s12], $0x6400  }
0x17: {  	[sflag:s12] =	ssyncset.done $0x0  }
0x18: {  	[sflag:s12] =	ssyncadd.s32 $0xFFFF9C00  }
0x19: {  	[tilespmem:s15], [sflag:$0x1] =	stream.indirect.gather [hbm4b:s3+s14], $0x80, s2, s14, $0xb8;
	[tilespmem:$0x14800] =	vst v63  }
0x1a: {  	_ = 	snop  }
0x1b: {  	[tilespmem:s16], [sflag:$0x2] =	stream.indirect.gather [hbm4b:s4+s14], $0x80, s13, s14, $0xb8;
	[tilespmem:$0x14800] =	vst v63  }
0x1c: {  	_ =	swait.ge [sflag:s17], $0x4000  }
0x1d: {  	[sflag:s17] =	ssyncset.done $0x0  }
0x1e: {  	[sflag:s17] =	ssyncadd.s32 $0xFFFFC000  }
0x1f: {  	[hbm4b:s8+s2] =	stream.linear.scatter [tilespmem:s15], [sflag:$0x3], $0x4000, $0x38;
	[tilespmem:$0x14800] =	vst v63  }
0x20: {  	_ =	swait.ge [sflag:s18], $0x4000  }
0x21: {  	[sflag:s18] =	ssyncset.done $0x0  }
0x22: {  	[sflag:s18] =	ssyncadd.s32 $0xFFFFC000  }
0x23: {  	[hbm4b:s9+s2] =	stream.linear.scatter [tilespmem:s16], [sflag:$0x4], $0x4000, $0x38;
	[tilespmem:$0x14800] =	vst v63  }
0x24: {  	_ =	swait.ge [sflag:s19], $0x4000  }
0x25: {  	[sflag:s19] =	ssyncset.done $0x0  }
0x26: {  	[sflag:s19] =	ssyncadd.s32 $0xFFFFC000  }
0x27: {  	_ =	swait.ge [sflag:s20], $0x4000  }
0x28: {  	[sflag:s20] =	ssyncset.done $0x0  }
0x29: {  	s22 =	simm.s32 $0x80;
	[sflag:s20] =	ssyncadd.s32 $0xFFFFC000  }
0x2a: {  	[tilespmem:s15], [sflag:$0x1] =	stream.indirect.gather [hbm4b:s3+s14], $0x80, s22, s14, $0xb8;
	[tilespmem:$0x14800] =	vst v63  }
0x2b: {  	s31 =	simm.s32 $0x6480  }
0x2c: {  	[tilespmem:s16], [sflag:$0x2] =	stream.indirect.gather [hbm4b:s4+s14], $0x80, s31, s14, $0xb8;
	[tilespmem:$0x14800] =	vst v63  }
0x2d: {  	_ =	swait.ge [sflag:s17], $0x4000  }
0x2e: {  	[sflag:s17] =	ssyncset.done $0x0  }
0x2f: {  	[sflag:s17] =	ssyncadd.s32 $0xFFFFC000  }
0x30: {  	[hbm4b:s11+s2] =	stream.linear.scatter [tilespmem:s15], [sflag:$0x3], $0x4000, $0x38;
	[tilespmem:$0x14800] =	vst v63  }
0x31: {  	_ =	swait.ge [sflag:s18], $0x4000  }
0x32: {  	s23 =	sadd.s32 $0x800, s10;
	s24 =	sadd.s32 $0x800, s11;
	[sflag:s18] =	ssyncset.done $0x0  }
0x33: {  	s25 =	smov.u32 s10;
	s22 =	simm.s32 $0x400;
	[sflag:s18] =	ssyncadd.s32 $0xFFFFC000  }
.LBB2_2:
0x34: {  	[hbm4b:s25+s2] =	stream.linear.scatter [tilespmem:s16], [sflag:$0x4], $0x4000, $0x38;
	[tilespmem:$0x14800] =	vst v63  }
0x35: {  	s26 =	smov.u32 s22;
	s25 =	smov.u32 s23  }
0x36: {  	p0 =	sne.s32 s22, $0x18E00;
	s22 =	sadd.s32 $0x200, s22;
	_ =	swait.ge [sflag:s19], $0x4000  }
0x37: {  	[sflag:s19] =	ssyncset.done $0x0  }
0x38: {  	[sflag:s19] =	ssyncadd.s32 $0xFFFFC000  }
0x39: {  	_ =	swait.ge [sflag:s20], $0x4000  }
0x3a: {  	[sflag:s20] =	ssyncset.done $0x0  }
0x3b: {  	s26 =	sshra.s32 s26, $0x2;
	[sflag:s20] =	ssyncadd.s32 $0xFFFFC000  }
0x3c: {  	[tilespmem:s15], [sflag:$0x1] =	stream.indirect.gather [hbm4b:s3+s14], $0x80, s26, s14, $0xb8;
	[tilespmem:$0x14800] =	vst v63  }
0x3d: {  	s26 =	sadd.s32 $0x6400, s26  }
0x3e: {  	[tilespmem:s16], [sflag:$0x2] =	stream.indirect.gather [hbm4b:s4+s14], $0x80, s26, s14, $0xb8;
	[tilespmem:$0x14800] =	vst v63  }
0x3f: {  	_ =	swait.ge [sflag:s17], $0x4000  }
0x40: {  	[sflag:s17] =	ssyncset.done $0x0  }
.Ltmp0:
0x41: {  	[sflag:s17] =	ssyncadd.s32 $0xFFFFC000;
	(pc) =	sbr.rel @p0 .LBB2_2-.Ltmp0, $4  }
0x42: {  	[hbm4b:s24+s2] =	stream.linear.scatter [tilespmem:s15], [sflag:$0x3], $0x4000, $0x38;
	[tilespmem:$0x14800] =	vst v63  }
0x43: {  	_ =	swait.ge [sflag:s18], $0x4000  }
0x44: {  	[sflag:s18] =	ssyncset.done $0x0  }
0x45: {  	s23 =	sadd.s32 $0x800, s23;
	s24 =	sadd.s32 $0x800, s24;
	[sflag:s18] =	ssyncadd.s32 $0xFFFFC000  }
0x46: {  	[hbm4b:s25+s2] =	stream.linear.scatter [tilespmem:s16], [sflag:$0x4], $0x4000, $0x38;
	[tilespmem:$0x14800] =	vst v63  }
0x47: {  	s21 =	sadd.s32 $0x1, s21  }
0x48: {  	_ =	swait.ge [sflag:s19], $0x4000;
	p0 =	sne.s32 s21, s7  }
.Ltmp1:
0x49: {  	[sflag:s19] =	ssyncset.done $0x0;
	(pc) =	sbr.rel @p0 .LBB2_1-.Ltmp1, $4  }
0x4a: {  	[sflag:s19] =	ssyncadd.s32 $0xFFFFC000  }
0x4b: {  	_ =	swait.ge [sflag:s20], $0x4000  }
0x4c: {  	[sflag:s20] =	ssyncset.done $0x0  }
0x4d: {  	[sflag:s20] =	ssyncadd.s32 $0xFFFFC000  }
0x4e: {  	_ =	sfence.sel $0x180000  }
0x4f: {  	[bflag:$0x0] =	sbarrier.arrive $0xFFFF  }
0x50: {  	p0 =	sne.s32 s1, $0x0;
	_ =	strace $0x9000004A  }
0x51: {  	s0 =	sadd.s32 @!p0 $0x100000, s0;
	[bflag:$0x2] =	sbarrier.arrive $0xFFFF  }
0x52: {  	[sflag:s0] =	ssyncadd.tile.s32 @!p0 $0x1;
	_ =	shalt  }
.Lfunc_end2:
_tile_overlayer_lowered:
.L_overlay_start_2:
0x53: {  	(tag) =	ssettag $0x2  }
0x54: {  	s0 =	rddreg [dreg:$0x0];
	s2 =	stileid.u32  }
0x55: {  	s1 =	rddreg [dreg:$0x1];
	p0 =	sne.s32 s2, $0x0  }
0x56: {  	s3 =	rddreg [dreg:$0x2];
	[bflag:$0x3] =	sbarrier.arrive $0xFFFF;
	s2 =	simm.s32 @!p0 $0x1C05  }
0x57: {  	[timem:s3], [sflag:s2] =	dma.local @!p0 [hbm:s0], s1  }
0x58: {  	s0 =	simm.s32 @!p0 $0x5  }
0x59: {  	_ =	swait.ge @!p0 [sflag:s0], s1  }
0x5a: {  	s1 =	ssub.s32 @!p0 $0x0, s1;
	[sflag:s0] =	ssyncset.done @!p0 $0x0  }
0x5b: {  	[sflag:s0] =	ssyncadd.s32 @!p0 s1  }
0x5c: {  	[bflag:$0x3] =	sbarrier.arrive $0xFFFF  }
0x5d: {  	_ =	shalt  }

// kernel: kernel.21.cloned.1.call-start
scs
__scs_entry_jumppad:
0x0: {  	(pc) =	sbr.rel $0x88, $3  }
0x1: {  	(tag) =	ssettag $0x0;
	lr =	simm.s32 $0x1  }
0x2: {  	[smem:$0x3F85] =	sst lr;
	_ =	strace $0xD0000000  }
0x3: {  	_ = 	snop  }
0x4: {  	_ = 	snop  }
0x5: {  	_ = 	snop  }
0x6: {  	_ = 	snop  }
0x7: {  	_ = 	snop  }
__scs_overlays_trampoline_lowered:
0x8: {  	[smem:$0x3F94] =	sst s0  }
0x9: {  	[smem:$0x3F95] =	sst s1  }
0xa: {  	[smem:$0x3F96] =	sst s2  }
0xb: {  	[smem:$0x3F97] =	sst s3  }
0xc: {  	[smem:$0x3F98] =	sst s4  }
0xd: {  	[smem:$0x3F99] =	sst s5  }
0xe: {  	[smem:$0x3F9A] =	sst s6  }
0xf: {  	[smem:$0x3F9B] =	sst s7  }
0x10: {  	[smem:$0x3F9C] =	sst s8  }
0x11: {  	[smem:$0x3F9D] =	sst s9;
	s0 =	simm.s32 @!p0 $0x0  }
0x12: {  	s1 =	sld [smem:$0x3F83];
	s0 =	simm.s32 @p0 $0x1  }
0x13: {  	[smem:$0x3F9E] =	sst s0;
	s0 =	simm.s32 @!p1 $0x0  }
0x14: {  	s2 =	sld [smem:$0x3F82];
	s0 =	simm.s32 @p1 $0x1  }
0x15: {  	[smem:$0x3F9F] =	sst s0;
	s0 =	simm.s32 @!p2 $0x0  }
0x16: {  	s3 =	sld [smem:$0x3FDB];
	s0 =	simm.s32 @p2 $0x1  }
0x17: {  	s4 =	simm.s32 $0x1BF5;
	[smem:$0x3FA1] =	sst s0  }
0x18: {  	s0 =	sld [smem:$0x3F84];
	_ =	swait.ge [sflag:s4], $0x0  }
0x19: {  	s7 =	sld [smem:$0x3F85]  }
0x1a: {  	s8 =	sadd.s32 $0xFFFFE003, lr  }
0x1b: {  	s9 =	sadd.s32 $0xFFFFFEF7, lr;
	s5 =	simm.s32 $0xFFFFFFFF;
	p2 =	slt.u32 s8, $0xFFFFF086  }
0x1c: {  	p1 =	slt.u32 s9, $0xF7A;
	s5 =	simm.s32 @!p2 $0x0  }
0x1d: {  	s5 =	simm.s32 @p1 $0x1;
	p0 =	seq.s32 s7, s2  }
0x1e: {  	s7 =	smul.u32 @!p0 $0xF7A, s2;
	p2 =	seq.s32 @!p0 s5, $0x0  }
0x1f: {  	s9 =	smul.u32 $0xF7A, s1;
	s8 =	simm.s32 @!p0 $0x1BF5;
	p2 =	por !p2, p0  }
0x20: {  	[sflag:s8] =	ssyncset.s32 @!p0 $0xFFFFF086;
	s6 =	sadd.s32 @!p0 s3, s7;
	s7 =	simm.s32 @!p0 $0x108  }
0x21: {  	s3 =	sadd.s32 s3, s9;
	s6 =	sadd.s32 @!p0 $0x88, s6;
	s7 =	simm.s32 @p2 $0x1082  }
0x22: {  	[simem:s7], [sflag:s8] =	dma.local @!p0 [hbm:s6], $0xF7A  }
0x23: {  	s9 =	sor.u32 $0xD0000000, s2;
	s6 =	simm.s32 $0x108;
	_ =	swait.ge @!p0 [sflag:s8], $0x0  }
0x24: {  	s3 =	sadd.s32 $0x88, s3;
	s6 =	simm.s32 @!p1 $0x1082;
	[sflag:s4] =	ssyncset.s32 $0xFFFFF086  }
0x25: {  	[simem:s6], [sflag:s4] =	dma.local [hbm:s3], $0xF7A  }
0x26: {  	[smem:$0x3F85] =	sst s1;
	(tag) =	ssettag s2;
	_ =	strace s9  }
0x27: {  	s1 =	sld [smem:$0x3F95]  }
0x28: {  	s2 =	sld [smem:$0x3F96]  }
0x29: {  	s4 =	sld [smem:$0x3F98]  }
0x2a: {  	p0 =	seq.s32 s5, $0x0;
	s5 =	sld [smem:$0x3F99]  }
0x2b: {  	s6 =	sld [smem:$0x3F9A]  }
0x2c: {  	s7 =	sld [smem:$0x3F9B]  }
0x2d: {  	s3 =	simm.s32 $0x108;
	s8 =	sld [smem:$0x3F9C]  }
0x2e: {  	s3 =	simm.s32 @!p0 $0x1082;
	s9 =	sld [smem:$0x3F9D]  }
0x2f: {  	lr =	sadd.s32 s0, s3;
	s0 =	sld [smem:$0x3F94]  }
0x30: {  	s3 =	sld [smem:$0x3F97]  }
0x31: {  	[smem:$0x3FA0] =	sst s10  }
0x32: {  	s10 =	sld [smem:$0x3F9E];
	_ =	sdelay $0x3  }
0x33: {  	p0 =	seq.s32 s10, $0x1;
	s10 =	sld [smem:$0x3FA0];
	_ =	sdelay $0x3  }
0x34: {  	[smem:$0x3FA0] =	sst s10  }
0x35: {  	s10 =	sld [smem:$0x3F9F];
	_ =	sdelay $0x3  }
0x36: {  	p1 =	seq.s32 s10, $0x1;
	s10 =	sld [smem:$0x3FA0];
	_ =	sdelay $0x3  }
0x37: {  	[smem:$0x3FA0] =	sst s10  }
0x38: {  	s10 =	sld [smem:$0x3FA1]  }
0x39: {  	_ = 	snop;
	(pc) =	sbr.ind lr, $3  }
0x3a: {  	_ = 	snop  }
0x3b: {  	_ = 	snop  }
0x3c: {  	p2 =	seq.s32 s10, $0x1;
	s10 =	sld [smem:$0x3FA0]  }
0x3d: {  	_ =	shalt  }
0x3e: {  	_ =	shalt  }
0x3f: {  	_ =	shalt  }
0x40: {  	_ =	shalt  }
0x41: {  	_ =	shalt  }
0x42: {  	_ =	shalt  }
0x43: {  	_ =	shalt  }
0x44: {  	_ =	shalt  }
0x45: {  	_ =	shalt  }
0x46: {  	_ =	shalt  }
0x47: {  	_ =	shalt  }
0x48: {  	_ =	shalt  }
0x49: {  	_ =	shalt  }
0x4a: {  	_ =	shalt  }
0x4b: {  	_ =	shalt  }
0x4c: {  	_ =	shalt  }
0x4d: {  	_ =	shalt  }
0x4e: {  	_ =	shalt  }
0x4f: {  	_ =	shalt  }
0x50: {  	_ =	shalt  }
0x51: {  	_ =	shalt  }
0x52: {  	_ =	shalt  }
0x53: {  	_ =	shalt  }
0x54: {  	_ =	shalt  }
0x55: {  	_ =	shalt  }
0x56: {  	_ =	shalt  }
0x57: {  	_ =	shalt  }
0x58: {  	_ =	shalt  }
0x59: {  	_ =	shalt  }
0x5a: {  	_ =	shalt  }
0x5b: {  	_ =	shalt  }
0x5c: {  	_ =	shalt  }
0x5d: {  	_ =	shalt  }
0x5e: {  	_ =	shalt  }
0x5f: {  	_ =	shalt  }
0x60: {  	_ =	shalt  }
0x61: {  	_ =	shalt  }
0x62: {  	_ =	shalt  }
0x63: {  	_ =	shalt  }
0x64: {  	_ =	shalt  }
0x65: {  	_ =	shalt  }
0x66: {  	_ =	shalt  }
0x67: {  	_ =	shalt  }
0x68: {  	_ =	shalt  }
0x69: {  	_ =	shalt  }
0x6a: {  	_ =	shalt  }
0x6b: {  	_ =	shalt  }
0x6c: {  	_ =	shalt  }
0x6d: {  	_ =	shalt  }
0x6e: {  	_ =	shalt  }
0x6f: {  	_ =	shalt  }
0x70: {  	_ =	shalt  }
0x71: {  	_ =	shalt  }
0x72: {  	_ =	shalt  }
0x73: {  	_ =	shalt  }
0x74: {  	_ =	shalt  }
0x75: {  	_ =	shalt  }
0x76: {  	_ =	shalt  }
0x77: {  	_ =	shalt  }
0x78: {  	_ =	shalt  }
0x79: {  	_ =	shalt  }
0x7a: {  	_ =	shalt  }
0x7b: {  	_ =	shalt  }
0x7c: {  	_ =	shalt  }
0x7d: {  	_ =	shalt  }
0x7e: {  	_ =	shalt  }
0x7f: {  	_ =	shalt  }
0x80: {  	_ =	shalt  }
0x81: {  	_ =	shalt  }
0x82: {  	_ =	shalt  }
0x83: {  	_ =	shalt  }
0x84: {  	_ =	shalt  }
0x85: {  	_ =	shalt  }
0x86: {  	_ =	shalt  }
0x87: {  	_ =	shalt  }
.Lfunc_end0:
.L_simem_size_0:
called_computation.2_lowered:
.L_overlay_start_0:
0x88: {  	s2 =	sld [smem:$0x3FD9]  }
0x89: {  	s3 =	sld [smem:$0x3FFE];
	_ =	sdelay $0x1  }
0x8a: {  	s1 =	srdreg.scid  }
0x8b: {  	s0 =	sand.u32 $0x1, s1  }
0x8c: {  	s16 =	sshll.u32 s0, $0xA;
	s2 =	sadd.s32 s3, s2  }
0x8d: {  	s2 =	sadd.s32 s2, s16  }
0x8e: {  	[smem:$0x3FAC] =	sst s2  }
0x8f: {  	_ = 	snop  }
0x90: {  	(tm) =	ssettm $0x1  }
0x91: {  	s17 =	sld [smem:$0x3FFB];
	_ =	sdelay $0x3  }
0x92: {  	_ =	strace s17  }
0x93: {  	s2 =	sld [smem:$0x3FFC];
	_ =	sdelay $0x3  }
0x94: {  	_ =	strace s2  }
0x95: {  	s2 =	sld [smem:$0x3FFD];
	_ =	sdelay $0x3  }
0x96: {  	_ =	strace s2  }
0x97: {  	_ =	strace $0x8FFFFFFF  }
0x98: {  	s18 =	sld [smem:$0x3FDB];
	_ =	sdelay $0x1  }
0x99: {  	s19 =	simm.s32 $_scs_section_size  }
0x9a: {  	s4 =	simm.s32 $_size__tile_overlayer_lowered;
	s5 =	simm.s32 $_tile_overlayer_lowered  }
0x9b: {  	s22 =	simm.s32 $0x1BFF;
	s21 =	sshll.u32 s5, $0x1;
	s2 =	sadd.s32 s19, s18  }
0x9c: {  	s6 =	simm.s32 $0x0;
	s20 =	sshll.u32 s4, $0x1;
	s4 =	sadd.s32 s21, s2  }
0x9d: {  	[timem:s6], [sflag:s22] =	dma.local [hbm:s4], s20  }
0x9e: {  	_ =	swait.ge [sflag:s22], s20  }
0x9f: {  	s3 =	ssub.s32 $0x0, s20;
	[sflag:s22] =	ssyncset.done $0x0  }
0xa0: {  	[sflag:s22] =	ssyncadd.s32 s3;
	_ =	sdelay $0x1  }
0xa1: {  	s23 =	simm.s32 $0x1B8B  }
0xa2: {  	_ =	swait.ge [sflag:s23], $0x1  }
0xa3: {  	[sflag:s23] =	ssyncset.done $0x0  }
0xa4: {  	s25 =	simm.s32 $0x1B8E;
	s24 =	sld [smem:$0x3FFE];
	[sflag:s23] =	ssyncadd.s32 $0xFFFFFFFF  }
0xa5: {  	s26 =	simm.s32 $execute0_lowered;
	[smem:$0x3FD2] =	sst s25  }
0xa6: {  	s4 =	sshll.u32 s26, $0x1;
	_ =	strace $0x8000004C;
	[dreg:$0x1] =	wrdreg $0xFFFFFFFF  }
0xa7: {  	s28 =	simm.s32 $_size_execute0_lowered;
	s2 =	sadd.s32 s2, s4;
	[dreg:$0x0] =	wrdreg $0x0  }
0xa8: {  	s4 =	sshll.u32 s28, $0x1;
	[dreg:$0x2] =	wrdreg s2  }
0xa9: {  	[dreg:$0x3] =	wrdreg s4  }
0xaa: {  	[dreg:$0x4] =	wrdreg $0xC0  }
0xab: {  	_ =	task [dreg:s6], $0x5FFFF  }
0xac: {  	[dreg:$0x1] =	wrdreg $0xFFFFFFFF  }
0xad: {  	[dreg:$0x0] =	wrdreg $0x60  }
0xae: {  	[dreg:$0x2] =	wrdreg s24  }
0xaf: {  	[dreg:$0x3] =	wrdreg $0x9  }
0xb0: {  	_ =	task.clear_ibuf [dreg:s6], $0x4FFFF;
	_ =	strace $0x9000004C  }
0xb1: {  	s29 =	simm.s32 $0x9;
	_ =	strace $0x8000004E  }
0xb2: {  	_ =	swait.ge [sflag:s29], $0x1  }
0xb3: {  	[sflag:s29] =	ssyncadd.s32 $0xFFFFFFFF  }
0xb4: {  	_ =	strace $0x9000004E  }
0xb5: {  	_ =	sfence  }
0xb6: {  	s30 =	sld [smem:$0x0];
	_ =	sdelay $0x2  }
0xb7: {  	s31 =	sshll.u32 s1, $0xD;
	s1 =	sshrl.u32 s1, $0x2  }
0xb8: {  	s3 =	sand.u32 $0x4000, s31;
	s1 =	sadd.s32 s1, s30  }
0xb9: {  	s0 =	sor.u32 s3, s0;
	s1 =	sshll.u32 s1, $0x11  }
0xba: {  	s0 =	sor.u32 s1, s0  }
0xbb: {  	s0 =	sadd.s32 $0x8F2B, s0  }
0xbc: {  	[sflag:s0] =	ssyncadd.remote.s32 $0x1  }
0xbd: {  	_ =	sfence.sel $0xFFFF  }
0xbe: {  	[dreg:$0x0] =	wrdreg $0xFFFFFFFF;
	(pc) =	sbr.abs _section_cstart, $3  }
0xbf: {  	[dreg:$0x1] =	wrdreg $0xFFFFFFFF  }
0xc0: {  	_ =	task.clear_ibuf [dreg:s6], $0x2FFFF;
	_ =	strace $0x9FFFFFFF  }
0xc1: {  	(tm) =	ssettm $0x7FFFFFFF  }
tec
execute0_lowered:
.L_overlay_start_1:
0x0: {  	(tag) =	ssettag $0x1  }
0x1: {  	s1 =	srdreg.scid  }
0x2: {  	s0 =	stileid.u32;
	s4 =	rddreg [dreg:$0x0]  }
0x3: {  	s2 =	simm.s32 $0x0;
	s30 =	simm.s32 $0x80;
	s31 =	simm.s32 $0x6400  }
0x4: {  	s11 =	simm.s32 $0xA400;
	s12 =	simm.s32 $0xE400;
	s13 =	simm.s32 $0x4  }
0x5: {  	s14 =	simm.s32 $0x5;
	s15 =	simm.s32 $0x6;
	s16 =	simm.s32 $0x7  }
0x6: {  	s17 =	simm.s32 $0x8;
	s5 =	sand.u32 $0x1, s1;
	s1 =	rddreg [dreg:$0x1]  }
0x7: {  	s18 =	simm.s32 $0x0;
	s3 =	sshll.u32 s0, $0x1;
	[smem:$0x7FF] =	sst s2  }
0x8: {  	s7 =	smul.u32 $0xC8000, s0;
	_ =	strace $0x8000004D;
	[dreg:$0x2] =	wrdreg s30  }
0x9: {  	s3 =	sor.u32 s5, s3;
	s8 =	ssub.s32 $0x2, s5;
	[dreg:$0x3] =	wrdreg s31  }
0xa: {  	s10 =	smul.u32 $0x64000, s5;
	[dreg:$0x4] =	wrdreg s11;
	s11 =	simm.s32 $0x3  }
0xb: {  	s6 =	smul.u32 $0x6400, s3;
	s9 =	sshrl.u32 s8, $0x1;
	s7 =	sadd.s32 s7, s4  }
0xc: {  	s3 =	sadd.s32 $0x29E5E00, s4;
	s28 =	ssub.s32 s8, s9;
	s29 =	sadd.s32 s10, s7  }
0xd: {  	s7 =	simm.s32 $0x9;
	s8 =	simm.s32 $0x12400;
	s6 =	sshrl.u32 s6, $0x3  }
0xe: {  	s9 =	simm.s32 $0x1;
	s10 =	simm.s32 $0x2;
	s6 =	sadd.s32 s6, s4  }
0xf: {  	s5 =	smax.u32 s28, $0x1;
	s4 =	sadd.s32 $0x1A17E00, s6;
	s6 =	sadd.s32 $0x3D000, s29  }
.LBB2_1:
0x10: {  	[tilespmem:s2], [sflag:$0x9] =	stream.linear.gather [hbm4b:s4+s2], $0x6400, $0x38;
	[tilespmem:$0x16400] =	vst v63  }
0x11: {  	p0 =	por $0x1, $0x1  }
0x12: {  	_ =	swait.ge [sflag:s7], $0x6400;
	p0 =	por p0, p0  }
0x13: {  	[sflag:s7] =	ssyncset.done $0x0;
	s19 =	simm.s32 @p0 $0x0  }
0x14: {  	s20 =	simm.s32 @p0 $0x80;
	s21 =	simm.s32 @p0 $0x6400;
	[sflag:s7] =	ssyncadd.s32 $0xFFFF9C00  }
0x15: {  	[tilespmem:s21], [sflag:$0x1] =	stream.indirect.gather @p0 [hbm4b:s3+s20], $0x80, s19, s20, $0xb8;
	[tilespmem:$0x16400] =	vst v63  }
0x16: {  	s19 =	simm.s32 @p0 $0x80;
	s21 =	simm.s32 @p0 $0xA400  }
0x17: {  	[tilespmem:s21], [sflag:$0x2] =	stream.indirect.gather @p0 [hbm4b:s3+s20], $0x80, s19, s20, $0xb8;
	[tilespmem:$0x16400] =	vst v63  }
0x18: {  	s22 =	simm.s32 @p0 $0xE400;
	s19 =	simm.s32 @!p0 $0x5;
	s21 =	simm.s32 @p0 $0x100  }
0x19: {  	[tilespmem:s22], [sflag:$0x3] =	stream.indirect.gather @p0 [hbm4b:s3+s20], $0x80, s21, s20, $0xb8;
	[tilespmem:$0x16400] =	vst v63  }
0x1a: {  	_ =	swait.ge @!p0 [sflag:s19], $0x4000  }
0x1b: {  	s20 =	simm.s32 @!p0 $0x6400;
	s21 =	simm.s32 @!p0 $0x6;
	[sflag:s19] =	ssyncset.done @!p0 $0x0  }
0x1c: {  	s22 =	simm.s32 @!p0 $0x80;
	[sflag:s19] =	ssyncadd.s32 @!p0 $0xFFFFC000;
	s19 =	simm.s32 @!p0 $0x0  }
0x1d: {  	[tilespmem:s20], [sflag:$0x1] =	stream.indirect.gather @!p0 [hbm4b:s3+s22], $0x80, s19, s22, $0xb8;
	[tilespmem:$0x16400] =	vst v63  }
0x1e: {  	_ =	swait.ge @!p0 [sflag:s21], $0x4000  }
0x1f: {  	s19 =	simm.s32 @!p0 $0x80;
	[sflag:s21] =	ssyncset.done @!p0 $0x0  }
0x20: {  	s20 =	simm.s32 @!p0 $0xA400;
	[sflag:s21] =	ssyncadd.s32 @!p0 $0xFFFFC000;
	s21 =	simm.s32 @!p0 $0x7  }
0x21: {  	[tilespmem:s20], [sflag:$0x2] =	stream.indirect.gather @!p0 [hbm4b:s3+s22], $0x80, s19, s22, $0xb8;
	[tilespmem:$0x16400] =	vst v63  }
0x22: {  	_ =	swait.ge @!p0 [sflag:s21], $0x4000  }
0x23: {  	s19 =	simm.s32 @!p0 $0x100;
	[sflag:s21] =	ssyncset.done @!p0 $0x0  }
0x24: {  	s20 =	simm.s32 @!p0 $0xE400;
	[sflag:s21] =	ssyncadd.s32 @!p0 $0xFFFFC000;
	s21 =	simm.s32 @!p0 $0x8  }
0x25: {  	[tilespmem:s20], [sflag:$0x3] =	stream.indirect.gather @!p0 [hbm4b:s3+s22], $0x80, s19, s22, $0xb8;
	[tilespmem:$0x16400] =	vst v63  }
0x26: {  	_ =	swait.ge @!p0 [sflag:s21], $0x4000  }
0x27: {  	[sflag:s21] =	ssyncset.done @!p0 $0x0  }
0x28: {  	s26 =	simm.s32 $0x180;
	s25 =	rddreg [dreg:$0x2];
	[sflag:s21] =	ssyncadd.s32 @!p0 $0xFFFFC000  }
0x29: {  	[tilespmem:s8], [sflag:$0x4] =	stream.indirect.gather [hbm4b:s3+s25], $0x80, s26, s25, $0xb8;
	[tilespmem:$0x16400] =	vst v63  }
0x2a: {  	_ =	swait.ge [sflag:s9], $0x4000  }
0x2b: {  	[sflag:s9] =	ssyncset.done $0x0  }
0x2c: {  	s29 =	sadd.s32 $0xFFFFF000, s6;
	s28 =	rddreg [dreg:$0x3];
	[sflag:s9] =	ssyncadd.s32 $0xFFFFC000  }
0x2d: {  	[hbm4b:s29+s2] =	stream.linear.scatter [tilespmem:s28], [sflag:$0x5], $0x4000, $0x38;
	[tilespmem:$0x16400] =	vst v63  }
0x2e: {  	_ =	swait.ge [sflag:s10], $0x4000  }
0x2f: {  	[sflag:s10] =	ssyncset.done $0x0  }
0x30: {  	s31 =	sadd.s32 $0xFFFFF800, s6;
	s30 =	rddreg [dreg:$0x4];
	[sflag:s10] =	ssyncadd.s32 $0xFFFFC000  }
0x31: {  	[hbm4b:s31+s2] =	stream.linear.scatter [tilespmem:s30], [sflag:$0x6], $0x4000, $0x38;
	[tilespmem:$0x16400] =	vst v63  }
0x32: {  	_ =	swait.ge [sflag:s11], $0x4000  }
0x33: {  	[sflag:s11] =	ssyncset.done $0x0  }
0x34: {  	p6 =	por $0x0, $0x0;
	[sflag:s11] =	ssyncadd.s32 $0xFFFFC000  }
0x35: {  	[hbm4b:s6+s2] =	stream.linear.scatter [tilespmem:s12], [sflag:$0x7], $0x4000, $0x38;
	[tilespmem:$0x16400] =	vst v63  }
0x36: {  	s20 =	simm.s32 $0x800;
	s19 =	sadd.s32 $0x2000, s6;
	_ =	swait.ge [sflag:s13], $0x4000  }
0x37: {  	s22 =	sadd.s32 $0x800, s6;
	p0 =	por p6, p6;
	[sflag:s13] =	ssyncset.done $0x0  }
0x38: {  	s21 =	simm.s32 $0x1000;
	s23 =	simm.s32 @!p0 $0x5;
	[sflag:s13] =	ssyncadd.s32 $0xFFFFC000  }
.LBB2_2:
0x39: {  	[hbm4b:s22+s2] =	stream.linear.scatter [tilespmem:s8], [sflag:$0x8], $0x4000, $0x38;
	[tilespmem:$0x16400] =	vst v63  }
0x3a: {  	s25 =	sshra.s32 @p0 s20, $0x2;
	s26 =	simm.s32 @p0 $0x80;
	s28 =	simm.s32 @p0 $0x6400  }
0x3b: {  	[tilespmem:s28], [sflag:$0x1] =	stream.indirect.gather @p0 [hbm4b:s3+s26], $0x80, s25, s26, $0xb8;
	[tilespmem:$0x16400] =	vst v63  }
0x3c: {  	s29 =	simm.s32 @p0 $0xA400;
	s28 =	sadd.s32 @p0 $0x80, s25  }
0x3d: {  	[tilespmem:s29], [sflag:$0x2] =	stream.indirect.gather @p0 [hbm4b:s3+s26], $0x80, s28, s26, $0xb8;
	[tilespmem:$0x16400] =	vst v63  }
0x3e: {  	s25 =	sadd.s32 @p0 $0x100, s25;
	s28 =	simm.s32 @p0 $0xE400  }
0x3f: {  	[tilespmem:s28], [sflag:$0x3] =	stream.indirect.gather @p0 [hbm4b:s3+s26], $0x80, s25, s26, $0xb8;
	[tilespmem:$0x16400] =	vst v63  }
0x40: {  	_ =	swait.ge @!p0 [sflag:s23], $0x4000  }
0x41: {  	s25 =	simm.s32 @!p0 $0x6400;
	s26 =	simm.s32 @!p0 $0x6;
	[sflag:s23] =	ssyncset.done @!p0 $0x0  }
0x42: {  	s28 =	simm.s32 @!p0 $0x80;
	[sflag:s23] =	ssyncadd.s32 @!p0 $0xFFFFC000;
	s23 =	sshra.s32 @!p0 s20, $0x2  }
0x43: {  	[tilespmem:s25], [sflag:$0x1] =	stream.indirect.gather @!p0 [hbm4b:s3+s28], $0x80, s23, s28, $0xb8;
	[tilespmem:$0x16400] =	vst v63  }
0x44: {  	_ =	swait.ge @!p0 [sflag:s26], $0x4000  }
0x45: {  	s29 =	simm.s32 @!p0 $0x7;
	[sflag:s26] =	ssyncset.done @!p0 $0x0  }
0x46: {  	s25 =	sadd.s32 @!p0 $0x80, s23;
	[sflag:s26] =	ssyncadd.s32 @!p0 $0xFFFFC000;
	s26 =	simm.s32 @!p0 $0xA400  }
0x47: {  	[tilespmem:s26], [sflag:$0x2] =	stream.indirect.gather @!p0 [hbm4b:s3+s28], $0x80, s25, s28, $0xb8;
	[tilespmem:$0x16400] =	vst v63  }
0x48: {  	_ =	swait.ge @!p0 [sflag:s29], $0x4000  }
0x49: {  	s23 =	sadd.s32 @!p0 $0x100, s23;
	[sflag:s29] =	ssyncset.done @!p0 $0x0  }
0x4a: {  	s25 =	simm.s32 @!p0 $0xE400;
	s26 =	simm.s32 @!p0 $0x8;
	[sflag:s29] =	ssyncadd.s32 @!p0 $0xFFFFC000  }
0x4b: {  	[tilespmem:s25], [sflag:$0x3] =	stream.indirect.gather @!p0 [hbm4b:s3+s28], $0x80, s23, s28, $0xb8;
	[tilespmem:$0x16400] =	vst v63  }
0x4c: {  	_ =	swait.ge @!p0 [sflag:s26], $0x4000  }
0x4d: {  	s31 =	sshra.s32 s20, $0x2;
	[sflag:s26] =	ssyncset.done @!p0 $0x0  }
0x4e: {  	s30 =	rddreg [dreg:$0x2];
	[sflag:s26] =	ssyncadd.s32 @!p0 $0xFFFFC000;
	s26 =	sadd.s32 $0x180, s31  }
0x4f: {  	[tilespmem:s8], [sflag:$0x4] =	stream.indirect.gather [hbm4b:s3+s30], $0x80, s26, s30, $0xb8;
	[tilespmem:$0x16400] =	vst v63  }
0x50: {  	_ =	swait.ge [sflag:s9], $0x4000  }
0x51: {  	[sflag:s9] =	ssyncset.done $0x0  }
0x52: {  	s29 =	sadd.s32 $0xFFFFF000, s19;
	s28 =	rddreg [dreg:$0x3];
	[sflag:s9] =	ssyncadd.s32 $0xFFFFC000  }
0x53: {  	[hbm4b:s29+s2] =	stream.linear.scatter [tilespmem:s28], [sflag:$0x5], $0x4000, $0x38;
	[tilespmem:$0x16400] =	vst v63  }
0x54: {  	_ =	swait.ge [sflag:s10], $0x4000  }
0x55: {  	s24 =	smov.u32 s21;
	[sflag:s10] =	ssyncset.done $0x0  }
0x56: {  	s31 =	sadd.s32 $0xFFFFF800, s19;
	s30 =	rddreg [dreg:$0x4];
	[sflag:s10] =	ssyncadd.s32 $0xFFFFC000  }
0x57: {  	[hbm4b:s31+s2] =	stream.linear.scatter [tilespmem:s30], [sflag:$0x6], $0x4000, $0x38;
	[tilespmem:$0x16400] =	vst v63  }
0x58: {  	p2 =	seq.s32 s21, $0x0;
	s21 =	sadd.s32 $0x800, s21;
	_ =	swait.ge [sflag:s11], $0x4000  }
0x59: {  	p1 =	sne.s32 s21, $0x19000;
	[sflag:s11] =	ssyncset.done $0x0  }
.Ltmp0:
0x5a: {  	s22 =	smov.u32 s19;
	[sflag:s11] =	ssyncadd.s32 $0xFFFFC000;
	(pc) =	sbr.rel @p1 .LBB2_2-.Ltmp0, $4  }
0x5b: {  	[hbm4b:s19+s2] =	stream.linear.scatter [tilespmem:s12], [sflag:$0x7], $0x4000, $0x38;
	[tilespmem:$0x16400] =	vst v63  }
0x5c: {  	s22 =	sadd.s32 $0x800, s22;
	_ =	swait.ge [sflag:s13], $0x4000  }
0x5d: {  	s20 =	smov.u32 s24;
	p0 =	por p2, p2;
	[sflag:s13] =	ssyncset.done $0x0  }
0x5e: {  	s23 =	simm.s32 @!p0 $0x5;
	s19 =	sadd.s32 $0x2000, s19;
	[sflag:s13] =	ssyncadd.s32 $0xFFFFC000  }
0x5f: {  	[hbm4b:s22+s2] =	stream.linear.scatter [tilespmem:s8], [sflag:$0x8], $0x4000, $0x38;
	[tilespmem:$0x16400] =	vst v63  }
0x60: {  	s21 =	sshra.s32 @p0 s20, $0x2;
	s22 =	simm.s32 @p0 $0x80;
	s24 =	simm.s32 @p0 $0x6400  }
0x61: {  	[tilespmem:s24], [sflag:$0x1] =	stream.indirect.gather @p0 [hbm4b:s3+s22], $0x80, s21, s22, $0xb8;
	[tilespmem:$0x16400] =	vst v63  }
0x62: {  	s25 =	simm.s32 @p0 $0xA400;
	s24 =	sadd.s32 @p0 $0x80, s21  }
0x63: {  	[tilespmem:s25], [sflag:$0x2] =	stream.indirect.gather @p0 [hbm4b:s3+s22], $0x80, s24, s22, $0xb8;
	[tilespmem:$0x16400] =	vst v63  }
0x64: {  	s21 =	sadd.s32 @p0 $0x100, s21;
	s24 =	simm.s32 @p0 $0xE400  }
0x65: {  	[tilespmem:s24], [sflag:$0x3] =	stream.indirect.gather @p0 [hbm4b:s3+s22], $0x80, s21, s22, $0xb8;
	[tilespmem:$0x16400] =	vst v63  }
0x66: {  	_ =	swait.ge @!p0 [sflag:s23], $0x4000  }
0x67: {  	s21 =	simm.s32 @!p0 $0x6400;
	s22 =	simm.s32 @!p0 $0x6;
	[sflag:s23] =	ssyncset.done @!p0 $0x0  }
0x68: {  	s24 =	simm.s32 @!p0 $0x80;
	[sflag:s23] =	ssyncadd.s32 @!p0 $0xFFFFC000;
	s23 =	sshra.s32 @!p0 s20, $0x2  }
0x69: {  	[tilespmem:s21], [sflag:$0x1] =	stream.indirect.gather @!p0 [hbm4b:s3+s24], $0x80, s23, s24, $0xb8;
	[tilespmem:$0x16400] =	vst v63  }
0x6a: {  	_ =	swait.ge @!p0 [sflag:s22], $0x4000  }
0x6b: {  	s25 =	simm.s32 @!p0 $0x7;
	[sflag:s22] =	ssyncset.done @!p0 $0x0  }
0x6c: {  	s21 =	sadd.s32 @!p0 $0x80, s23;
	[sflag:s22] =	ssyncadd.s32 @!p0 $0xFFFFC000;
	s22 =	simm.s32 @!p0 $0xA400  }
0x6d: {  	[tilespmem:s22], [sflag:$0x2] =	stream.indirect.gather @!p0 [hbm4b:s3+s24], $0x80, s21, s24, $0xb8;
	[tilespmem:$0x16400] =	vst v63  }
0x6e: {  	_ =	swait.ge @!p0 [sflag:s25], $0x4000  }
0x6f: {  	s21 =	sadd.s32 @!p0 $0x100, s23;
	[sflag:s25] =	ssyncset.done @!p0 $0x0  }
0x70: {  	s22 =	simm.s32 @!p0 $0xE400;
	s23 =	simm.s32 @!p0 $0x8;
	[sflag:s25] =	ssyncadd.s32 @!p0 $0xFFFFC000  }
0x71: {  	[tilespmem:s22], [sflag:$0x3] =	stream.indirect.gather @!p0 [hbm4b:s3+s24], $0x80, s21, s24, $0xb8;
	[tilespmem:$0x16400] =	vst v63  }
0x72: {  	_ =	swait.ge @!p0 [sflag:s23], $0x4000  }
0x73: {  	s25 =	sshra.s32 s20, $0x2;
	[sflag:s23] =	ssyncset.done @!p0 $0x0  }
0x74: {  	s20 =	sadd.s32 $0x180, s25;
	s24 =	rddreg [dreg:$0x2];
	[sflag:s23] =	ssyncadd.s32 @!p0 $0xFFFFC000  }
0x75: {  	[tilespmem:s8], [sflag:$0x4] =	stream.indirect.gather [hbm4b:s3+s24], $0x80, s20, s24, $0xb8;
	[tilespmem:$0x16400] =	vst v63  }
0x76: {  	_ =	swait.ge [sflag:s9], $0x4000  }
0x77: {  	[sflag:s9] =	ssyncset.done $0x0  }
0x78: {  	s28 =	sadd.s32 $0xFFFFF000, s19;
	s26 =	rddreg [dreg:$0x3];
	[sflag:s9] =	ssyncadd.s32 $0xFFFFC000  }
0x79: {  	[hbm4b:s28+s2] =	stream.linear.scatter [tilespmem:s26], [sflag:$0x5], $0x4000, $0x38;
	[tilespmem:$0x16400] =	vst v63  }
0x7a: {  	_ =	swait.ge [sflag:s10], $0x4000  }
0x7b: {  	[sflag:s10] =	ssyncset.done $0x0  }
0x7c: {  	s30 =	sadd.s32 $0xFFFFF800, s19;
	s29 =	rddreg [dreg:$0x4];
	[sflag:s10] =	ssyncadd.s32 $0xFFFFC000  }
0x7d: {  	[hbm4b:s30+s2] =	stream.linear.scatter [tilespmem:s29], [sflag:$0x6], $0x4000, $0x38;
	[tilespmem:$0x16400] =	vst v63  }
0x7e: {  	_ =	swait.ge [sflag:s11], $0x4000  }
0x7f: {  	[sflag:s11] =	ssyncset.done $0x0  }
0x80: {  	[sflag:s11] =	ssyncadd.s32 $0xFFFFC000  }
0x81: {  	[hbm4b:s19+s2] =	stream.linear.scatter [tilespmem:s12], [sflag:$0x7], $0x4000, $0x38;
	[tilespmem:$0x16400] =	vst v63  }
0x82: {  	_ =	swait.ge [sflag:s13], $0x4000  }
0x83: {  	[sflag:s13] =	ssyncset.done $0x0  }
0x84: {  	s31 =	sadd.s32 $0x800, s19;
	[sflag:s13] =	ssyncadd.s32 $0xFFFFC000  }
0x85: {  	[hbm4b:s31+s2] =	stream.linear.scatter [tilespmem:s8], [sflag:$0x8], $0x4000, $0x38;
	[tilespmem:$0x16400] =	vst v63  }
0x86: {  	_ =	swait.ge [sflag:s14], $0x4000  }
0x87: {  	[sflag:s14] =	ssyncset.done $0x0  }
0x88: {  	[sflag:s14] =	ssyncadd.s32 $0xFFFFC000  }
0x89: {  	_ =	swait.ge [sflag:s15], $0x4000  }
0x8a: {  	[sflag:s15] =	ssyncset.done $0x0  }
0x8b: {  	s18 =	sadd.s32 $0x1, s18;
	[sflag:s15] =	ssyncadd.s32 $0xFFFFC000  }
0x8c: {  	p0 =	sne.s32 s18, s5;
	_ =	swait.ge [sflag:s16], $0x4000  }
.Ltmp1:
0x8d: {  	[sflag:s16] =	ssyncset.done $0x0;
	(pc) =	sbr.rel @p0 .LBB2_1-.Ltmp1, $4  }
0x8e: {  	[sflag:s16] =	ssyncadd.s32 $0xFFFFC000  }
0x8f: {  	_ =	swait.ge [sflag:s17], $0x4000  }
0x90: {  	[sflag:s17] =	ssyncset.done $0x0  }
0x91: {  	[sflag:s17] =	ssyncadd.s32 $0xFFFFC000  }
0x92: {  	_ =	sfence.sel $0x180000  }
0x93: {  	[bflag:$0x0] =	sbarrier.arrive $0xFFFF  }
0x94: {  	p0 =	sne.s32 s0, $0x0;
	_ =	strace $0x9000004D  }
0x95: {  	s0 =	sadd.s32 @!p0 $0x100000, s1;
	[bflag:$0x2] =	sbarrier.arrive $0xFFFF  }
0x96: {  	[sflag:s0] =	ssyncadd.tile.s32 @!p0 $0x1;
	_ =	shalt  }
.Lfunc_end2:
_tile_overlayer_lowered:
.L_overlay_start_2:
0x97: {  	(tag) =	ssettag $0x2  }
0x98: {  	s0 =	rddreg [dreg:$0x0];
	s2 =	stileid.u32  }
0x99: {  	s1 =	rddreg [dreg:$0x1];
	p0 =	sne.s32 s2, $0x0  }
0x9a: {  	s3 =	rddreg [dreg:$0x2];
	[bflag:$0x3] =	sbarrier.arrive $0xFFFF;
	s2 =	simm.s32 @!p0 $0x1C09  }
0x9b: {  	[timem:s3], [sflag:s2] =	dma.local @!p0 [hbm:s0], s1  }
0x9c: {  	s0 =	simm.s32 @!p0 $0x9  }
0x9d: {  	_ =	swait.ge @!p0 [sflag:s0], s1  }
0x9e: {  	s1 =	ssub.s32 @!p0 $0x0, s1;
	[sflag:s0] =	ssyncset.done @!p0 $0x0  }
0x9f: {  	[sflag:s0] =	ssyncadd.s32 @!p0 s1  }
0xa0: {  	[bflag:$0x3] =	sbarrier.arrive $0xFFFF  }
0xa1: {  	_ =	shalt  }

// kernel: kernel.24.cloned.1.call-start
scs
__scs_entry_jumppad:
0x0: {  	(pc) =	sbr.rel $0x88, $3  }
0x1: {  	(tag) =	ssettag $0x0;
	lr =	simm.s32 $0x1  }
0x2: {  	[smem:$0x3F85] =	sst lr;
	_ =	strace $0xD0000000  }
0x3: {  	_ = 	snop  }
0x4: {  	_ = 	snop  }
0x5: {  	_ = 	snop  }
0x6: {  	_ = 	snop  }
0x7: {  	_ = 	snop  }
__scs_overlays_trampoline_lowered:
0x8: {  	[smem:$0x3F94] =	sst s0  }
0x9: {  	[smem:$0x3F95] =	sst s1  }
0xa: {  	[smem:$0x3F96] =	sst s2  }
0xb: {  	[smem:$0x3F97] =	sst s3  }
0xc: {  	[smem:$0x3F98] =	sst s4  }
0xd: {  	[smem:$0x3F99] =	sst s5  }
0xe: {  	[smem:$0x3F9A] =	sst s6  }
0xf: {  	[smem:$0x3F9B] =	sst s7  }
0x10: {  	[smem:$0x3F9C] =	sst s8  }
0x11: {  	[smem:$0x3F9D] =	sst s9;
	s0 =	simm.s32 @!p0 $0x0  }
0x12: {  	s1 =	sld [smem:$0x3F83];
	s0 =	simm.s32 @p0 $0x1  }
0x13: {  	[smem:$0x3F9E] =	sst s0;
	s0 =	simm.s32 @!p1 $0x0  }
0x14: {  	s2 =	sld [smem:$0x3F82];
	s0 =	simm.s32 @p1 $0x1  }
0x15: {  	[smem:$0x3F9F] =	sst s0;
	s0 =	simm.s32 @!p2 $0x0  }
0x16: {  	s3 =	sld [smem:$0x3FDB];
	s0 =	simm.s32 @p2 $0x1  }
0x17: {  	s4 =	simm.s32 $0x1BF5;
	[smem:$0x3FA1] =	sst s0  }
0x18: {  	s0 =	sld [smem:$0x3F84];
	_ =	swait.ge [sflag:s4], $0x0  }
0x19: {  	s7 =	sld [smem:$0x3F85]  }
0x1a: {  	s8 =	sadd.s32 $0xFFFFE003, lr  }
0x1b: {  	s9 =	sadd.s32 $0xFFFFFEF7, lr;
	s5 =	simm.s32 $0xFFFFFFFF;
	p2 =	slt.u32 s8, $0xFFFFF086  }
0x1c: {  	p1 =	slt.u32 s9, $0xF7A;
	s5 =	simm.s32 @!p2 $0x0  }
0x1d: {  	s5 =	simm.s32 @p1 $0x1;
	p0 =	seq.s32 s7, s2  }
0x1e: {  	s7 =	smul.u32 @!p0 $0xF7A, s2;
	p2 =	seq.s32 @!p0 s5, $0x0  }
0x1f: {  	s9 =	smul.u32 $0xF7A, s1;
	s8 =	simm.s32 @!p0 $0x1BF5;
	p2 =	por !p2, p0  }
0x20: {  	[sflag:s8] =	ssyncset.s32 @!p0 $0xFFFFF086;
	s6 =	sadd.s32 @!p0 s3, s7;
	s7 =	simm.s32 @!p0 $0x108  }
0x21: {  	s3 =	sadd.s32 s3, s9;
	s6 =	sadd.s32 @!p0 $0x88, s6;
	s7 =	simm.s32 @p2 $0x1082  }
0x22: {  	[simem:s7], [sflag:s8] =	dma.local @!p0 [hbm:s6], $0xF7A  }
0x23: {  	s9 =	sor.u32 $0xD0000000, s2;
	s6 =	simm.s32 $0x108;
	_ =	swait.ge @!p0 [sflag:s8], $0x0  }
0x24: {  	s3 =	sadd.s32 $0x88, s3;
	s6 =	simm.s32 @!p1 $0x1082;
	[sflag:s4] =	ssyncset.s32 $0xFFFFF086  }
0x25: {  	[simem:s6], [sflag:s4] =	dma.local [hbm:s3], $0xF7A  }
0x26: {  	[smem:$0x3F85] =	sst s1;
	(tag) =	ssettag s2;
	_ =	strace s9  }
0x27: {  	s1 =	sld [smem:$0x3F95]  }
0x28: {  	s2 =	sld [smem:$0x3F96]  }
0x29: {  	s4 =	sld [smem:$0x3F98]  }
0x2a: {  	p0 =	seq.s32 s5, $0x0;
	s5 =	sld [smem:$0x3F99]  }
0x2b: {  	s6 =	sld [smem:$0x3F9A]  }
0x2c: {  	s7 =	sld [smem:$0x3F9B]  }
0x2d: {  	s3 =	simm.s32 $0x108;
	s8 =	sld [smem:$0x3F9C]  }
0x2e: {  	s3 =	simm.s32 @!p0 $0x1082;
	s9 =	sld [smem:$0x3F9D]  }
0x2f: {  	lr =	sadd.s32 s0, s3;
	s0 =	sld [smem:$0x3F94]  }
0x30: {  	s3 =	sld [smem:$0x3F97]  }
0x31: {  	[smem:$0x3FA0] =	sst s10  }
0x32: {  	s10 =	sld [smem:$0x3F9E];
	_ =	sdelay $0x3  }
0x33: {  	p0 =	seq.s32 s10, $0x1;
	s10 =	sld [smem:$0x3FA0];
	_ =	sdelay $0x3  }
0x34: {  	[smem:$0x3FA0] =	sst s10  }
0x35: {  	s10 =	sld [smem:$0x3F9F];
	_ =	sdelay $0x3  }
0x36: {  	p1 =	seq.s32 s10, $0x1;
	s10 =	sld [smem:$0x3FA0];
	_ =	sdelay $0x3  }
0x37: {  	[smem:$0x3FA0] =	sst s10  }
0x38: {  	s10 =	sld [smem:$0x3FA1]  }
0x39: {  	_ = 	snop;
	(pc) =	sbr.ind lr, $3  }
0x3a: {  	_ = 	snop  }
0x3b: {  	_ = 	snop  }
0x3c: {  	p2 =	seq.s32 s10, $0x1;
	s10 =	sld [smem:$0x3FA0]  }
0x3d: {  	_ =	shalt  }
0x3e: {  	_ =	shalt  }
0x3f: {  	_ =	shalt  }
0x40: {  	_ =	shalt  }
0x41: {  	_ =	shalt  }
0x42: {  	_ =	shalt  }
0x43: {  	_ =	shalt  }
0x44: {  	_ =	shalt  }
0x45: {  	_ =	shalt  }
0x46: {  	_ =	shalt  }
0x47: {  	_ =	shalt  }
0x48: {  	_ =	shalt  }
0x49: {  	_ =	shalt  }
0x4a: {  	_ =	shalt  }
0x4b: {  	_ =	shalt  }
0x4c: {  	_ =	shalt  }
0x4d: {  	_ =	shalt  }
0x4e: {  	_ =	shalt  }
0x4f: {  	_ =	shalt  }
0x50: {  	_ =	shalt  }
0x51: {  	_ =	shalt  }
0x52: {  	_ =	shalt  }
0x53: {  	_ =	shalt  }
0x54: {  	_ =	shalt  }
0x55: {  	_ =	shalt  }
0x56: {  	_ =	shalt  }
0x57: {  	_ =	shalt  }
0x58: {  	_ =	shalt  }
0x59: {  	_ =	shalt  }
0x5a: {  	_ =	shalt  }
0x5b: {  	_ =	shalt  }
0x5c: {  	_ =	shalt  }
0x5d: {  	_ =	shalt  }
0x5e: {  	_ =	shalt  }
0x5f: {  	_ =	shalt  }
0x60: {  	_ =	shalt  }
0x61: {  	_ =	shalt  }
0x62: {  	_ =	shalt  }
0x63: {  	_ =	shalt  }
0x64: {  	_ =	shalt  }
0x65: {  	_ =	shalt  }
0x66: {  	_ =	shalt  }
0x67: {  	_ =	shalt  }
0x68: {  	_ =	shalt  }
0x69: {  	_ =	shalt  }
0x6a: {  	_ =	shalt  }
0x6b: {  	_ =	shalt  }
0x6c: {  	_ =	shalt  }
0x6d: {  	_ =	shalt  }
0x6e: {  	_ =	shalt  }
0x6f: {  	_ =	shalt  }
0x70: {  	_ =	shalt  }
0x71: {  	_ =	shalt  }
0x72: {  	_ =	shalt  }
0x73: {  	_ =	shalt  }
0x74: {  	_ =	shalt  }
0x75: {  	_ =	shalt  }
0x76: {  	_ =	shalt  }
0x77: {  	_ =	shalt  }
0x78: {  	_ =	shalt  }
0x79: {  	_ =	shalt  }
0x7a: {  	_ =	shalt  }
0x7b: {  	_ =	shalt  }
0x7c: {  	_ =	shalt  }
0x7d: {  	_ =	shalt  }
0x7e: {  	_ =	shalt  }
0x7f: {  	_ =	shalt  }
0x80: {  	_ =	shalt  }
0x81: {  	_ =	shalt  }
0x82: {  	_ =	shalt  }
0x83: {  	_ =	shalt  }
0x84: {  	_ =	shalt  }
0x85: {  	_ =	shalt  }
0x86: {  	_ =	shalt  }
0x87: {  	_ =	shalt  }
.Lfunc_end0:
.L_simem_size_0:
called_computation.3_lowered:
.L_overlay_start_0:
0x88: {  	s2 =	sld [smem:$0x3FD9]  }
0x89: {  	s3 =	sld [smem:$0x3FFE];
	_ =	sdelay $0x1  }
0x8a: {  	s1 =	srdreg.scid  }
0x8b: {  	s0 =	sand.u32 $0x1, s1  }
0x8c: {  	s16 =	sshll.u32 s0, $0xA;
	s2 =	sadd.s32 s3, s2  }
0x8d: {  	s2 =	sadd.s32 s2, s16  }
0x8e: {  	[smem:$0x3FAC] =	sst s2  }
0x8f: {  	_ = 	snop  }
0x90: {  	(tm) =	ssettm $0x1  }
0x91: {  	s17 =	sld [smem:$0x3FFB];
	_ =	sdelay $0x3  }
0x92: {  	_ =	strace s17  }
0x93: {  	s2 =	sld [smem:$0x3FFC];
	_ =	sdelay $0x3  }
0x94: {  	_ =	strace s2  }
0x95: {  	s2 =	sld [smem:$0x3FFD];
	_ =	sdelay $0x3  }
0x96: {  	_ =	strace s2  }
0x97: {  	_ =	strace $0x8FFFFFFF  }
0x98: {  	s18 =	sld [smem:$0x3FDB];
	_ =	sdelay $0x1  }
0x99: {  	s19 =	simm.s32 $_scs_section_size  }
0x9a: {  	s4 =	simm.s32 $_size__tile_overlayer_lowered;
	s5 =	simm.s32 $_tile_overlayer_lowered  }
0x9b: {  	s22 =	simm.s32 $0x1BFF;
	s21 =	sshll.u32 s5, $0x1;
	s2 =	sadd.s32 s19, s18  }
0x9c: {  	s6 =	simm.s32 $0x0;
	s20 =	sshll.u32 s4, $0x1;
	s4 =	sadd.s32 s21, s2  }
0x9d: {  	[timem:s6], [sflag:s22] =	dma.local [hbm:s4], s20  }
0x9e: {  	_ =	swait.ge [sflag:s22], s20  }
0x9f: {  	s3 =	ssub.s32 $0x0, s20;
	[sflag:s22] =	ssyncset.done $0x0  }
0xa0: {  	[sflag:s22] =	ssyncadd.s32 s3;
	_ =	sdelay $0x1  }
0xa1: {  	s23 =	simm.s32 $0x1B8B  }
0xa2: {  	_ =	swait.ge [sflag:s23], $0x1  }
0xa3: {  	[sflag:s23] =	ssyncset.done $0x0  }
0xa4: {  	s25 =	simm.s32 $0x1B8E;
	s24 =	sld [smem:$0x3FFE];
	[sflag:s23] =	ssyncadd.s32 $0xFFFFFFFF  }
0xa5: {  	s26 =	simm.s32 $execute0_lowered;
	[smem:$0x3FD2] =	sst s25  }
0xa6: {  	s4 =	sshll.u32 s26, $0x1;
	_ =	strace $0x8000004F;
	[dreg:$0x1] =	wrdreg $0xFFFFFFFF  }
0xa7: {  	s28 =	simm.s32 $_size_execute0_lowered;
	s2 =	sadd.s32 s2, s4;
	[dreg:$0x0] =	wrdreg $0x0  }
0xa8: {  	s4 =	sshll.u32 s28, $0x1;
	[dreg:$0x2] =	wrdreg s2  }
0xa9: {  	[dreg:$0x3] =	wrdreg s4  }
0xaa: {  	[dreg:$0x4] =	wrdreg $0xC0  }
0xab: {  	_ =	task [dreg:s6], $0x5FFFF  }
0xac: {  	[dreg:$0x1] =	wrdreg $0xFFFFFFFF  }
0xad: {  	[dreg:$0x0] =	wrdreg $0x60  }
0xae: {  	[dreg:$0x2] =	wrdreg s24  }
0xaf: {  	[dreg:$0x3] =	wrdreg $0x9  }
0xb0: {  	_ =	task.clear_ibuf [dreg:s6], $0x4FFFF;
	_ =	strace $0x9000004F  }
0xb1: {  	s29 =	simm.s32 $0x9;
	_ =	strace $0x80000051  }
0xb2: {  	_ =	swait.ge [sflag:s29], $0x1  }
0xb3: {  	[sflag:s29] =	ssyncadd.s32 $0xFFFFFFFF  }
0xb4: {  	_ =	strace $0x90000051  }
0xb5: {  	_ =	sfence  }
0xb6: {  	s30 =	sld [smem:$0x0];
	_ =	sdelay $0x2  }
0xb7: {  	s31 =	sshll.u32 s1, $0xD;
	s1 =	sshrl.u32 s1, $0x2  }
0xb8: {  	s3 =	sand.u32 $0x4000, s31;
	s1 =	sadd.s32 s1, s30  }
0xb9: {  	s0 =	sor.u32 s3, s0;
	s1 =	sshll.u32 s1, $0x11  }
0xba: {  	s0 =	sor.u32 s1, s0  }
0xbb: {  	s0 =	sadd.s32 $0x8F2B, s0  }
0xbc: {  	[sflag:s0] =	ssyncadd.remote.s32 $0x1  }
0xbd: {  	_ =	sfence.sel $0xFFFF  }
0xbe: {  	[dreg:$0x0] =	wrdreg $0xFFFFFFFF;
	(pc) =	sbr.abs _section_cstart, $3  }
0xbf: {  	[dreg:$0x1] =	wrdreg $0xFFFFFFFF  }
0xc0: {  	_ =	task.clear_ibuf [dreg:s6], $0x2FFFF;
	_ =	strace $0x9FFFFFFF  }
0xc1: {  	(tm) =	ssettm $0x7FFFFFFF  }
tec
execute0_lowered:
.L_overlay_start_1:
0x0: {  	(tag) =	ssettag $0x1  }
0x1: {  	s1 =	srdreg.scid  }
0x2: {  	s0 =	stileid.u32;
	s4 =	rddreg [dreg:$0x0]  }
0x3: {  	s2 =	simm.s32 $0x0;
	s30 =	simm.s32 $0x80;
	s31 =	simm.s32 $0x6400  }
0x4: {  	s11 =	simm.s32 $0xA400;
	s12 =	simm.s32 $0xE400;
	s13 =	simm.s32 $0x4  }
0x5: {  	s14 =	simm.s32 $0x5;
	s15 =	simm.s32 $0x6;
	s16 =	simm.s32 $0x7  }
0x6: {  	s17 =	simm.s32 $0x8;
	s5 =	sand.u32 $0x1, s1;
	s1 =	rddreg [dreg:$0x1]  }
0x7: {  	s18 =	simm.s32 $0x0;
	s3 =	sshll.u32 s0, $0x1;
	[smem:$0x7FF] =	sst s2  }
0x8: {  	s7 =	smul.u32 $0xC8000, s0;
	_ =	strace $0x80000050;
	[dreg:$0x2] =	wrdreg s30  }
0x9: {  	s3 =	sor.u32 s5, s3;
	s8 =	ssub.s32 $0x2, s5;
	[dreg:$0x3] =	wrdreg s31  }
0xa: {  	s10 =	smul.u32 $0x64000, s5;
	[dreg:$0x4] =	wrdreg s11;
	s11 =	simm.s32 $0x3  }
0xb: {  	s6 =	smul.u32 $0x6400, s3;
	s9 =	sshrl.u32 s8, $0x1;
	s7 =	sadd.s32 s7, s4  }
0xc: {  	s3 =	sadd.s32 $0x29E5E00, s4;
	s28 =	ssub.s32 s8, s9;
	s29 =	sadd.s32 s10, s7  }
0xd: {  	s7 =	simm.s32 $0x9;
	s8 =	simm.s32 $0x12400;
	s6 =	sshrl.u32 s6, $0x3  }
0xe: {  	s9 =	simm.s32 $0x1;
	s10 =	simm.s32 $0x2;
	s6 =	sadd.s32 s6, s4  }
0xf: {  	s5 =	smax.u32 s28, $0x1;
	s4 =	sadd.s32 $0x1A17E00, s6;
	s6 =	sadd.s32 $0x3D000, s29  }
.LBB2_1:
0x10: {  	[tilespmem:s2], [sflag:$0x9] =	stream.linear.gather [hbm4b:s4+s2], $0x6400, $0x38;
	[tilespmem:$0x16400] =	vst v63  }
0x11: {  	p0 =	por $0x1, $0x1  }
0x12: {  	_ =	swait.ge [sflag:s7], $0x6400;
	p0 =	por p0, p0  }
0x13: {  	[sflag:s7] =	ssyncset.done $0x0;
	s19 =	simm.s32 @p0 $0x0  }
0x14: {  	s20 =	simm.s32 @p0 $0x80;
	s21 =	simm.s32 @p0 $0x6400;
	[sflag:s7] =	ssyncadd.s32 $0xFFFF9C00  }
0x15: {  	[tilespmem:s21], [sflag:$0x1] =	stream.indirect.gather @p0 [hbm4b:s3+s20], $0x80, s19, s20, $0xb8;
	[tilespmem:$0x16400] =	vst v63  }
0x16: {  	s19 =	simm.s32 @p0 $0x80;
	s21 =	simm.s32 @p0 $0xA400  }
0x17: {  	[tilespmem:s21], [sflag:$0x2] =	stream.indirect.gather @p0 [hbm4b:s3+s20], $0x80, s19, s20, $0xb8;
	[tilespmem:$0x16400] =	vst v63  }
0x18: {  	s22 =	simm.s32 @p0 $0xE400;
	s19 =	simm.s32 @!p0 $0x5;
	s21 =	simm.s32 @p0 $0x100  }
0x19: {  	[tilespmem:s22], [sflag:$0x3] =	stream.indirect.gather @p0 [hbm4b:s3+s20], $0x80, s21, s20, $0xb8;
	[tilespmem:$0x16400] =	vst v63  }
0x1a: {  	_ =	swait.ge @!p0 [sflag:s19], $0x4000  }
0x1b: {  	s20 =	simm.s32 @!p0 $0x6400;
	s21 =	simm.s32 @!p0 $0x6;
	[sflag:s19] =	ssyncset.done @!p0 $0x0  }
0x1c: {  	s22 =	simm.s32 @!p0 $0x80;
	[sflag:s19] =	ssyncadd.s32 @!p0 $0xFFFFC000;
	s19 =	simm.s32 @!p0 $0x0  }
0x1d: {  	[tilespmem:s20], [sflag:$0x1] =	stream.indirect.gather @!p0 [hbm4b:s3+s22], $0x80, s19, s22, $0xb8;
	[tilespmem:$0x16400] =	vst v63  }
0x1e: {  	_ =	swait.ge @!p0 [sflag:s21], $0x4000  }
0x1f: {  	s19 =	simm.s32 @!p0 $0x80;
	[sflag:s21] =	ssyncset.done @!p0 $0x0  }
0x20: {  	s20 =	simm.s32 @!p0 $0xA400;
	[sflag:s21] =	ssyncadd.s32 @!p0 $0xFFFFC000;
	s21 =	simm.s32 @!p0 $0x7  }
0x21: {  	[tilespmem:s20], [sflag:$0x2] =	stream.indirect.gather @!p0 [hbm4b:s3+s22], $0x80, s19, s22, $0xb8;
	[tilespmem:$0x16400] =	vst v63  }
0x22: {  	_ =	swait.ge @!p0 [sflag:s21], $0x4000  }
0x23: {  	s19 =	simm.s32 @!p0 $0x100;
	[sflag:s21] =	ssyncset.done @!p0 $0x0  }
0x24: {  	s20 =	simm.s32 @!p0 $0xE400;
	[sflag:s21] =	ssyncadd.s32 @!p0 $0xFFFFC000;
	s21 =	simm.s32 @!p0 $0x8  }
0x25: {  	[tilespmem:s20], [sflag:$0x3] =	stream.indirect.gather @!p0 [hbm4b:s3+s22], $0x80, s19, s22, $0xb8;
	[tilespmem:$0x16400] =	vst v63  }
0x26: {  	_ =	swait.ge @!p0 [sflag:s21], $0x4000  }
0x27: {  	[sflag:s21] =	ssyncset.done @!p0 $0x0  }
0x28: {  	s26 =	simm.s32 $0x180;
	s25 =	rddreg [dreg:$0x2];
	[sflag:s21] =	ssyncadd.s32 @!p0 $0xFFFFC000  }
0x29: {  	[tilespmem:s8], [sflag:$0x4] =	stream.indirect.gather [hbm4b:s3+s25], $0x80, s26, s25, $0xb8;
	[tilespmem:$0x16400] =	vst v63  }
0x2a: {  	_ =	swait.ge [sflag:s9], $0x4000  }
0x2b: {  	[sflag:s9] =	ssyncset.done $0x0  }
0x2c: {  	s29 =	sadd.s32 $0xFFFFF000, s6;
	s28 =	rddreg [dreg:$0x3];
	[sflag:s9] =	ssyncadd.s32 $0xFFFFC000  }
0x2d: {  	[hbm4b:s29+s2] =	stream.linear.scatter [tilespmem:s28], [sflag:$0x5], $0x4000, $0x38;
	[tilespmem:$0x16400] =	vst v63  }
0x2e: {  	_ =	swait.ge [sflag:s10], $0x4000  }
0x2f: {  	[sflag:s10] =	ssyncset.done $0x0  }
0x30: {  	s31 =	sadd.s32 $0xFFFFF800, s6;
	s30 =	rddreg [dreg:$0x4];
	[sflag:s10] =	ssyncadd.s32 $0xFFFFC000  }
0x31: {  	[hbm4b:s31+s2] =	stream.linear.scatter [tilespmem:s30], [sflag:$0x6], $0x4000, $0x38;
	[tilespmem:$0x16400] =	vst v63  }
0x32: {  	_ =	swait.ge [sflag:s11], $0x4000  }
0x33: {  	[sflag:s11] =	ssyncset.done $0x0  }
0x34: {  	p6 =	por $0x0, $0x0;
	[sflag:s11] =	ssyncadd.s32 $0xFFFFC000  }
0x35: {  	[hbm4b:s6+s2] =	stream.linear.scatter [tilespmem:s12], [sflag:$0x7], $0x4000, $0x38;
	[tilespmem:$0x16400] =	vst v63  }
0x36: {  	s20 =	simm.s32 $0x800;
	s19 =	sadd.s32 $0x2000, s6;
	_ =	swait.ge [sflag:s13], $0x4000  }
0x37: {  	s22 =	sadd.s32 $0x800, s6;
	p0 =	por p6, p6;
	[sflag:s13] =	ssyncset.done $0x0  }
0x38: {  	s21 =	simm.s32 $0x1000;
	s23 =	simm.s32 @!p0 $0x5;
	[sflag:s13] =	ssyncadd.s32 $0xFFFFC000  }
.LBB2_2:
0x39: {  	[hbm4b:s22+s2] =	stream.linear.scatter [tilespmem:s8], [sflag:$0x8], $0x4000, $0x38;
	[tilespmem:$0x16400] =	vst v63  }
0x3a: {  	s25 =	sshra.s32 @p0 s20, $0x2;
	s26 =	simm.s32 @p0 $0x80;
	s28 =	simm.s32 @p0 $0x6400  }
0x3b: {  	[tilespmem:s28], [sflag:$0x1] =	stream.indirect.gather @p0 [hbm4b:s3+s26], $0x80, s25, s26, $0xb8;
	[tilespmem:$0x16400] =	vst v63  }
0x3c: {  	s29 =	simm.s32 @p0 $0xA400;
	s28 =	sadd.s32 @p0 $0x80, s25  }
0x3d: {  	[tilespmem:s29], [sflag:$0x2] =	stream.indirect.gather @p0 [hbm4b:s3+s26], $0x80, s28, s26, $0xb8;
	[tilespmem:$0x16400] =	vst v63  }
0x3e: {  	s25 =	sadd.s32 @p0 $0x100, s25;
	s28 =	simm.s32 @p0 $0xE400  }
0x3f: {  	[tilespmem:s28], [sflag:$0x3] =	stream.indirect.gather @p0 [hbm4b:s3+s26], $0x80, s25, s26, $0xb8;
	[tilespmem:$0x16400] =	vst v63  }
0x40: {  	_ =	swait.ge @!p0 [sflag:s23], $0x4000  }
0x41: {  	s25 =	simm.s32 @!p0 $0x6400;
	s26 =	simm.s32 @!p0 $0x6;
	[sflag:s23] =	ssyncset.done @!p0 $0x0  }
0x42: {  	s28 =	simm.s32 @!p0 $0x80;
	[sflag:s23] =	ssyncadd.s32 @!p0 $0xFFFFC000;
	s23 =	sshra.s32 @!p0 s20, $0x2  }
0x43: {  	[tilespmem:s25], [sflag:$0x1] =	stream.indirect.gather @!p0 [hbm4b:s3+s28], $0x80, s23, s28, $0xb8;
	[tilespmem:$0x16400] =	vst v63  }
0x44: {  	_ =	swait.ge @!p0 [sflag:s26], $0x4000  }
0x45: {  	s29 =	simm.s32 @!p0 $0x7;
	[sflag:s26] =	ssyncset.done @!p0 $0x0  }
0x46: {  	s25 =	sadd.s32 @!p0 $0x80, s23;
	[sflag:s26] =	ssyncadd.s32 @!p0 $0xFFFFC000;
	s26 =	simm.s32 @!p0 $0xA400  }
0x47: {  	[tilespmem:s26], [sflag:$0x2] =	stream.indirect.gather @!p0 [hbm4b:s3+s28], $0x80, s25, s28, $0xb8;
	[tilespmem:$0x16400] =	vst v63  }
0x48: {  	_ =	swait.ge @!p0 [sflag:s29], $0x4000  }
0x49: {  	s23 =	sadd.s32 @!p0 $0x100, s23;
	[sflag:s29] =	ssyncset.done @!p0 $0x0  }
0x4a: {  	s25 =	simm.s32 @!p0 $0xE400;
	s26 =	simm.s32 @!p0 $0x8;
	[sflag:s29] =	ssyncadd.s32 @!p0 $0xFFFFC000  }
0x4b: {  	[tilespmem:s25], [sflag:$0x3] =	stream.indirect.gather @!p0 [hbm4b:s3+s28], $0x80, s23, s28, $0xb8;
	[tilespmem:$0x16400] =	vst v63  }
0x4c: {  	_ =	swait.ge @!p0 [sflag:s26], $0x4000  }
0x4d: {  	s31 =	sshra.s32 s20, $0x2;
	[sflag:s26] =	ssyncset.done @!p0 $0x0  }
0x4e: {  	s30 =	rddreg [dreg:$0x2];
	[sflag:s26] =	ssyncadd.s32 @!p0 $0xFFFFC000;
	s26 =	sadd.s32 $0x180, s31  }
0x4f: {  	[tilespmem:s8], [sflag:$0x4] =	stream.indirect.gather [hbm4b:s3+s30], $0x80, s26, s30, $0xb8;
	[tilespmem:$0x16400] =	vst v63  }
0x50: {  	_ =	swait.ge [sflag:s9], $0x4000  }
0x51: {  	[sflag:s9] =	ssyncset.done $0x0  }
0x52: {  	s29 =	sadd.s32 $0xFFFFF000, s19;
	s28 =	rddreg [dreg:$0x3];
	[sflag:s9] =	ssyncadd.s32 $0xFFFFC000  }
0x53: {  	[hbm4b:s29+s2] =	stream.linear.scatter [tilespmem:s28], [sflag:$0x5], $0x4000, $0x38;
	[tilespmem:$0x16400] =	vst v63  }
0x54: {  	_ =	swait.ge [sflag:s10], $0x4000  }
0x55: {  	s24 =	smov.u32 s21;
	[sflag:s10] =	ssyncset.done $0x0  }
0x56: {  	s31 =	sadd.s32 $0xFFFFF800, s19;
	s30 =	rddreg [dreg:$0x4];
	[sflag:s10] =	ssyncadd.s32 $0xFFFFC000  }
0x57: {  	[hbm4b:s31+s2] =	stream.linear.scatter [tilespmem:s30], [sflag:$0x6], $0x4000, $0x38;
	[tilespmem:$0x16400] =	vst v63  }
0x58: {  	p2 =	seq.s32 s21, $0x0;
	s21 =	sadd.s32 $0x800, s21;
	_ =	swait.ge [sflag:s11], $0x4000  }
0x59: {  	p1 =	sne.s32 s21, $0x19000;
	[sflag:s11] =	ssyncset.done $0x0  }
.Ltmp0:
0x5a: {  	s22 =	smov.u32 s19;
	[sflag:s11] =	ssyncadd.s32 $0xFFFFC000;
	(pc) =	sbr.rel @p1 .LBB2_2-.Ltmp0, $4  }
0x5b: {  	[hbm4b:s19+s2] =	stream.linear.scatter [tilespmem:s12], [sflag:$0x7], $0x4000, $0x38;
	[tilespmem:$0x16400] =	vst v63  }
0x5c: {  	s22 =	sadd.s32 $0x800, s22;
	_ =	swait.ge [sflag:s13], $0x4000  }
0x5d: {  	s20 =	smov.u32 s24;
	p0 =	por p2, p2;
	[sflag:s13] =	ssyncset.done $0x0  }
0x5e: {  	s23 =	simm.s32 @!p0 $0x5;
	s19 =	sadd.s32 $0x2000, s19;
	[sflag:s13] =	ssyncadd.s32 $0xFFFFC000  }
0x5f: {  	[hbm4b:s22+s2] =	stream.linear.scatter [tilespmem:s8], [sflag:$0x8], $0x4000, $0x38;
	[tilespmem:$0x16400] =	vst v63  }
0x60: {  	s21 =	sshra.s32 @p0 s20, $0x2;
	s22 =	simm.s32 @p0 $0x80;
	s24 =	simm.s32 @p0 $0x6400  }
0x61: {  	[tilespmem:s24], [sflag:$0x1] =	stream.indirect.gather @p0 [hbm4b:s3+s22], $0x80, s21, s22, $0xb8;
	[tilespmem:$0x16400] =	vst v63  }
0x62: {  	s25 =	simm.s32 @p0 $0xA400;
	s24 =	sadd.s32 @p0 $0x80, s21  }
0x63: {  	[tilespmem:s25], [sflag:$0x2] =	stream.indirect.gather @p0 [hbm4b:s3+s22], $0x80, s24, s22, $0xb8;
	[tilespmem:$0x16400] =	vst v63  }
0x64: {  	s21 =	sadd.s32 @p0 $0x100, s21;
	s24 =	simm.s32 @p0 $0xE400  }
0x65: {  	[tilespmem:s24], [sflag:$0x3] =	stream.indirect.gather @p0 [hbm4b:s3+s22], $0x80, s21, s22, $0xb8;
	[tilespmem:$0x16400] =	vst v63  }
0x66: {  	_ =	swait.ge @!p0 [sflag:s23], $0x4000  }
0x67: {  	s21 =	simm.s32 @!p0 $0x6400;
	s22 =	simm.s32 @!p0 $0x6;
	[sflag:s23] =	ssyncset.done @!p0 $0x0  }
0x68: {  	s24 =	simm.s32 @!p0 $0x80;
	[sflag:s23] =	ssyncadd.s32 @!p0 $0xFFFFC000;
	s23 =	sshra.s32 @!p0 s20, $0x2  }
0x69: {  	[tilespmem:s21], [sflag:$0x1] =	stream.indirect.gather @!p0 [hbm4b:s3+s24], $0x80, s23, s24, $0xb8;
	[tilespmem:$0x16400] =	vst v63  }
0x6a: {  	_ =	swait.ge @!p0 [sflag:s22], $0x4000  }
0x6b: {  	s25 =	simm.s32 @!p0 $0x7;
	[sflag:s22] =	ssyncset.done @!p0 $0x0  }
0x6c: {  	s21 =	sadd.s32 @!p0 $0x80, s23;
	[sflag:s22] =	ssyncadd.s32 @!p0 $0xFFFFC000;
	s22 =	simm.s32 @!p0 $0xA400  }
0x6d: {  	[tilespmem:s22], [sflag:$0x2] =	stream.indirect.gather @!p0 [hbm4b:s3+s24], $0x80, s21, s24, $0xb8;
	[tilespmem:$0x16400] =	vst v63  }
0x6e: {  	_ =	swait.ge @!p0 [sflag:s25], $0x4000  }
0x6f: {  	s21 =	sadd.s32 @!p0 $0x100, s23;
	[sflag:s25] =	ssyncset.done @!p0 $0x0  }
0x70: {  	s22 =	simm.s32 @!p0 $0xE400;
	s23 =	simm.s32 @!p0 $0x8;
	[sflag:s25] =	ssyncadd.s32 @!p0 $0xFFFFC000  }
0x71: {  	[tilespmem:s22], [sflag:$0x3] =	stream.indirect.gather @!p0 [hbm4b:s3+s24], $0x80, s21, s24, $0xb8;
	[tilespmem:$0x16400] =	vst v63  }
0x72: {  	_ =	swait.ge @!p0 [sflag:s23], $0x4000  }
0x73: {  	s25 =	sshra.s32 s20, $0x2;
	[sflag:s23] =	ssyncset.done @!p0 $0x0  }
0x74: {  	s20 =	sadd.s32 $0x180, s25;
	s24 =	rddreg [dreg:$0x2];
	[sflag:s23] =	ssyncadd.s32 @!p0 $0xFFFFC000  }
0x75: {  	[tilespmem:s8], [sflag:$0x4] =	stream.indirect.gather [hbm4b:s3+s24], $0x80, s20, s24, $0xb8;
	[tilespmem:$0x16400] =	vst v63  }
0x76: {  	_ =	swait.ge [sflag:s9], $0x4000  }
0x77: {  	[sflag:s9] =	ssyncset.done $0x0  }
0x78: {  	s28 =	sadd.s32 $0xFFFFF000, s19;
	s26 =	rddreg [dreg:$0x3];
	[sflag:s9] =	ssyncadd.s32 $0xFFFFC000  }
0x79: {  	[hbm4b:s28+s2] =	stream.linear.scatter [tilespmem:s26], [sflag:$0x5], $0x4000, $0x38;
	[tilespmem:$0x16400] =	vst v63  }
0x7a: {  	_ =	swait.ge [sflag:s10], $0x4000  }
0x7b: {  	[sflag:s10] =	ssyncset.done $0x0  }
0x7c: {  	s30 =	sadd.s32 $0xFFFFF800, s19;
	s29 =	rddreg [dreg:$0x4];
	[sflag:s10] =	ssyncadd.s32 $0xFFFFC000  }
0x7d: {  	[hbm4b:s30+s2] =	stream.linear.scatter [tilespmem:s29], [sflag:$0x6], $0x4000, $0x38;
	[tilespmem:$0x16400] =	vst v63  }
0x7e: {  	_ =	swait.ge [sflag:s11], $0x4000  }
0x7f: {  	[sflag:s11] =	ssyncset.done $0x0  }
0x80: {  	[sflag:s11] =	ssyncadd.s32 $0xFFFFC000  }
0x81: {  	[hbm4b:s19+s2] =	stream.linear.scatter [tilespmem:s12], [sflag:$0x7], $0x4000, $0x38;
	[tilespmem:$0x16400] =	vst v63  }
0x82: {  	_ =	swait.ge [sflag:s13], $0x4000  }
0x83: {  	[sflag:s13] =	ssyncset.done $0x0  }
0x84: {  	s31 =	sadd.s32 $0x800, s19;
	[sflag:s13] =	ssyncadd.s32 $0xFFFFC000  }
0x85: {  	[hbm4b:s31+s2] =	stream.linear.scatter [tilespmem:s8], [sflag:$0x8], $0x4000, $0x38;
	[tilespmem:$0x16400] =	vst v63  }
0x86: {  	_ =	swait.ge [sflag:s14], $0x4000  }
0x87: {  	[sflag:s14] =	ssyncset.done $0x0  }
0x88: {  	[sflag:s14] =	ssyncadd.s32 $0xFFFFC000  }
0x89: {  	_ =	swait.ge [sflag:s15], $0x4000  }
0x8a: {  	[sflag:s15] =	ssyncset.done $0x0  }
0x8b: {  	s18 =	sadd.s32 $0x1, s18;
	[sflag:s15] =	ssyncadd.s32 $0xFFFFC000  }
0x8c: {  	p0 =	sne.s32 s18, s5;
	_ =	swait.ge [sflag:s16], $0x4000  }
.Ltmp1:
0x8d: {  	[sflag:s16] =	ssyncset.done $0x0;
	(pc) =	sbr.rel @p0 .LBB2_1-.Ltmp1, $4  }
0x8e: {  	[sflag:s16] =	ssyncadd.s32 $0xFFFFC000  }
0x8f: {  	_ =	swait.ge [sflag:s17], $0x4000  }
0x90: {  	[sflag:s17] =	ssyncset.done $0x0  }
0x91: {  	[sflag:s17] =	ssyncadd.s32 $0xFFFFC000  }
0x92: {  	_ =	sfence.sel $0x180000  }
0x93: {  	[bflag:$0x0] =	sbarrier.arrive $0xFFFF  }
0x94: {  	p0 =	sne.s32 s0, $0x0;
	_ =	strace $0x90000050  }
0x95: {  	s0 =	sadd.s32 @!p0 $0x100000, s1;
	[bflag:$0x2] =	sbarrier.arrive $0xFFFF  }
0x96: {  	[sflag:s0] =	ssyncadd.tile.s32 @!p0 $0x1;
	_ =	shalt  }
.Lfunc_end2:
_tile_overlayer_lowered:
.L_overlay_start_2:
0x97: {  	(tag) =	ssettag $0x2  }
0x98: {  	s0 =	rddreg [dreg:$0x0];
	s2 =	stileid.u32  }
0x99: {  	s1 =	rddreg [dreg:$0x1];
	p0 =	sne.s32 s2, $0x0  }
0x9a: {  	s3 =	rddreg [dreg:$0x2];
	[bflag:$0x3] =	sbarrier.arrive $0xFFFF;
	s2 =	simm.s32 @!p0 $0x1C09  }
0x9b: {  	[timem:s3], [sflag:s2] =	dma.local @!p0 [hbm:s0], s1  }
0x9c: {  	s0 =	simm.s32 @!p0 $0x9  }
0x9d: {  	_ =	swait.ge @!p0 [sflag:s0], s1  }
0x9e: {  	s1 =	ssub.s32 @!p0 $0x0, s1;
	[sflag:s0] =	ssyncset.done @!p0 $0x0  }
0x9f: {  	[sflag:s0] =	ssyncadd.s32 @!p0 s1  }
0xa0: {  	[bflag:$0x3] =	sbarrier.arrive $0xFFFF  }
0xa1: {  	_ =	shalt  }

// kernel: kernel.27.cloned.1.call-start
scs
__scs_entry_jumppad:
0x0: {  	(pc) =	sbr.rel $0x88, $3  }
0x1: {  	(tag) =	ssettag $0x0;
	lr =	simm.s32 $0x1  }
0x2: {  	[smem:$0x3F85] =	sst lr;
	_ =	strace $0xD0000000  }
0x3: {  	_ = 	snop  }
0x4: {  	_ = 	snop  }
0x5: {  	_ = 	snop  }
0x6: {  	_ = 	snop  }
0x7: {  	_ = 	snop  }
__scs_overlays_trampoline_lowered:
0x8: {  	[smem:$0x3F94] =	sst s0  }
0x9: {  	[smem:$0x3F95] =	sst s1  }
0xa: {  	[smem:$0x3F96] =	sst s2  }
0xb: {  	[smem:$0x3F97] =	sst s3  }
0xc: {  	[smem:$0x3F98] =	sst s4  }
0xd: {  	[smem:$0x3F99] =	sst s5  }
0xe: {  	[smem:$0x3F9A] =	sst s6  }
0xf: {  	[smem:$0x3F9B] =	sst s7  }
0x10: {  	[smem:$0x3F9C] =	sst s8  }
0x11: {  	[smem:$0x3F9D] =	sst s9;
	s0 =	simm.s32 @!p0 $0x0  }
0x12: {  	s1 =	sld [smem:$0x3F83];
	s0 =	simm.s32 @p0 $0x1  }
0x13: {  	[smem:$0x3F9E] =	sst s0;
	s0 =	simm.s32 @!p1 $0x0  }
0x14: {  	s2 =	sld [smem:$0x3F82];
	s0 =	simm.s32 @p1 $0x1  }
0x15: {  	[smem:$0x3F9F] =	sst s0;
	s0 =	simm.s32 @!p2 $0x0  }
0x16: {  	s3 =	sld [smem:$0x3FDB];
	s0 =	simm.s32 @p2 $0x1  }
0x17: {  	s4 =	simm.s32 $0x1BF5;
	[smem:$0x3FA1] =	sst s0  }
0x18: {  	s0 =	sld [smem:$0x3F84];
	_ =	swait.ge [sflag:s4], $0x0  }
0x19: {  	s7 =	sld [smem:$0x3F85]  }
0x1a: {  	s8 =	sadd.s32 $0xFFFFE003, lr  }
0x1b: {  	s9 =	sadd.s32 $0xFFFFFEF7, lr;
	s5 =	simm.s32 $0xFFFFFFFF;
	p2 =	slt.u32 s8, $0xFFFFF086  }
0x1c: {  	p1 =	slt.u32 s9, $0xF7A;
	s5 =	simm.s32 @!p2 $0x0  }
0x1d: {  	s5 =	simm.s32 @p1 $0x1;
	p0 =	seq.s32 s7, s2  }
0x1e: {  	s7 =	smul.u32 @!p0 $0xF7A, s2;
	p2 =	seq.s32 @!p0 s5, $0x0  }
0x1f: {  	s9 =	smul.u32 $0xF7A, s1;
	s8 =	simm.s32 @!p0 $0x1BF5;
	p2 =	por !p2, p0  }
0x20: {  	[sflag:s8] =	ssyncset.s32 @!p0 $0xFFFFF086;
	s6 =	sadd.s32 @!p0 s3, s7;
	s7 =	simm.s32 @!p0 $0x108  }
0x21: {  	s3 =	sadd.s32 s3, s9;
	s6 =	sadd.s32 @!p0 $0x88, s6;
	s7 =	simm.s32 @p2 $0x1082  }
0x22: {  	[simem:s7], [sflag:s8] =	dma.local @!p0 [hbm:s6], $0xF7A  }
0x23: {  	s9 =	sor.u32 $0xD0000000, s2;
	s6 =	simm.s32 $0x108;
	_ =	swait.ge @!p0 [sflag:s8], $0x0  }
0x24: {  	s3 =	sadd.s32 $0x88, s3;
	s6 =	simm.s32 @!p1 $0x1082;
	[sflag:s4] =	ssyncset.s32 $0xFFFFF086  }
0x25: {  	[simem:s6], [sflag:s4] =	dma.local [hbm:s3], $0xF7A  }
0x26: {  	[smem:$0x3F85] =	sst s1;
	(tag) =	ssettag s2;
	_ =	strace s9  }
0x27: {  	s1 =	sld [smem:$0x3F95]  }
0x28: {  	s2 =	sld [smem:$0x3F96]  }
0x29: {  	s4 =	sld [smem:$0x3F98]  }
0x2a: {  	p0 =	seq.s32 s5, $0x0;
	s5 =	sld [smem:$0x3F99]  }
0x2b: {  	s6 =	sld [smem:$0x3F9A]  }
0x2c: {  	s7 =	sld [smem:$0x3F9B]  }
0x2d: {  	s3 =	simm.s32 $0x108;
	s8 =	sld [smem:$0x3F9C]  }
0x2e: {  	s3 =	simm.s32 @!p0 $0x1082;
	s9 =	sld [smem:$0x3F9D]  }
0x2f: {  	lr =	sadd.s32 s0, s3;
	s0 =	sld [smem:$0x3F94]  }
0x30: {  	s3 =	sld [smem:$0x3F97]  }
0x31: {  	[smem:$0x3FA0] =	sst s10  }
0x32: {  	s10 =	sld [smem:$0x3F9E];
	_ =	sdelay $0x3  }
0x33: {  	p0 =	seq.s32 s10, $0x1;
	s10 =	sld [smem:$0x3FA0];
	_ =	sdelay $0x3  }
0x34: {  	[smem:$0x3FA0] =	sst s10  }
0x35: {  	s10 =	sld [smem:$0x3F9F];
	_ =	sdelay $0x3  }
0x36: {  	p1 =	seq.s32 s10, $0x1;
	s10 =	sld [smem:$0x3FA0];
	_ =	sdelay $0x3  }
0x37: {  	[smem:$0x3FA0] =	sst s10  }
0x38: {  	s10 =	sld [smem:$0x3FA1]  }
0x39: {  	_ = 	snop;
	(pc) =	sbr.ind lr, $3  }
0x3a: {  	_ = 	snop  }
0x3b: {  	_ = 	snop  }
0x3c: {  	p2 =	seq.s32 s10, $0x1;
	s10 =	sld [smem:$0x3FA0]  }
0x3d: {  	_ =	shalt  }
0x3e: {  	_ =	shalt  }
0x3f: {  	_ =	shalt  }
0x40: {  	_ =	shalt  }
0x41: {  	_ =	shalt  }
0x42: {  	_ =	shalt  }
0x43: {  	_ =	shalt  }
0x44: {  	_ =	shalt  }
0x45: {  	_ =	shalt  }
0x46: {  	_ =	shalt  }
0x47: {  	_ =	shalt  }
0x48: {  	_ =	shalt  }
0x49: {  	_ =	shalt  }
0x4a: {  	_ =	shalt  }
0x4b: {  	_ =	shalt  }
0x4c: {  	_ =	shalt  }
0x4d: {  	_ =	shalt  }
0x4e: {  	_ =	shalt  }
0x4f: {  	_ =	shalt  }
0x50: {  	_ =	shalt  }
0x51: {  	_ =	shalt  }
0x52: {  	_ =	shalt  }
0x53: {  	_ =	shalt  }
0x54: {  	_ =	shalt  }
0x55: {  	_ =	shalt  }
0x56: {  	_ =	shalt  }
0x57: {  	_ =	shalt  }
0x58: {  	_ =	shalt  }
0x59: {  	_ =	shalt  }
0x5a: {  	_ =	shalt  }
0x5b: {  	_ =	shalt  }
0x5c: {  	_ =	shalt  }
0x5d: {  	_ =	shalt  }
0x5e: {  	_ =	shalt  }
0x5f: {  	_ =	shalt  }
0x60: {  	_ =	shalt  }
0x61: {  	_ =	shalt  }
0x62: {  	_ =	shalt  }
0x63: {  	_ =	shalt  }
0x64: {  	_ =	shalt  }
0x65: {  	_ =	shalt  }
0x66: {  	_ =	shalt  }
0x67: {  	_ =	shalt  }
0x68: {  	_ =	shalt  }
0x69: {  	_ =	shalt  }
0x6a: {  	_ =	shalt  }
0x6b: {  	_ =	shalt  }
0x6c: {  	_ =	shalt  }
0x6d: {  	_ =	shalt  }
0x6e: {  	_ =	shalt  }
0x6f: {  	_ =	shalt  }
0x70: {  	_ =	shalt  }
0x71: {  	_ =	shalt  }
0x72: {  	_ =	shalt  }
0x73: {  	_ =	shalt  }
0x74: {  	_ =	shalt  }
0x75: {  	_ =	shalt  }
0x76: {  	_ =	shalt  }
0x77: {  	_ =	shalt  }
0x78: {  	_ =	shalt  }
0x79: {  	_ =	shalt  }
0x7a: {  	_ =	shalt  }
0x7b: {  	_ =	shalt  }
0x7c: {  	_ =	shalt  }
0x7d: {  	_ =	shalt  }
0x7e: {  	_ =	shalt  }
0x7f: {  	_ =	shalt  }
0x80: {  	_ =	shalt  }
0x81: {  	_ =	shalt  }
0x82: {  	_ =	shalt  }
0x83: {  	_ =	shalt  }
0x84: {  	_ =	shalt  }
0x85: {  	_ =	shalt  }
0x86: {  	_ =	shalt  }
0x87: {  	_ =	shalt  }
.Lfunc_end0:
.L_simem_size_0:
called_computation.4_lowered:
.L_overlay_start_0:
0x88: {  	s2 =	sld [smem:$0x3FD9]  }
0x89: {  	s3 =	sld [smem:$0x3FFE];
	_ =	sdelay $0x1  }
0x8a: {  	s1 =	srdreg.scid  }
0x8b: {  	s0 =	sand.u32 $0x1, s1  }
0x8c: {  	s16 =	sshll.u32 s0, $0xA;
	s2 =	sadd.s32 s3, s2  }
0x8d: {  	s2 =	sadd.s32 s2, s16  }
0x8e: {  	[smem:$0x3FAC] =	sst s2  }
0x8f: {  	_ = 	snop  }
0x90: {  	(tm) =	ssettm $0x1  }
0x91: {  	s17 =	sld [smem:$0x3FFB];
	_ =	sdelay $0x3  }
0x92: {  	_ =	strace s17  }
0x93: {  	s2 =	sld [smem:$0x3FFC];
	_ =	sdelay $0x3  }
0x94: {  	_ =	strace s2  }
0x95: {  	s2 =	sld [smem:$0x3FFD];
	_ =	sdelay $0x3  }
0x96: {  	_ =	strace s2  }
0x97: {  	_ =	strace $0x8FFFFFFF  }
0x98: {  	s18 =	sld [smem:$0x3FDB];
	_ =	sdelay $0x1  }
0x99: {  	s19 =	simm.s32 $_scs_section_size  }
0x9a: {  	s4 =	simm.s32 $_size__tile_overlayer_lowered;
	s5 =	simm.s32 $_tile_overlayer_lowered  }
0x9b: {  	s22 =	simm.s32 $0x1BFF;
	s21 =	sshll.u32 s5, $0x1;
	s2 =	sadd.s32 s19, s18  }
0x9c: {  	s6 =	simm.s32 $0x0;
	s20 =	sshll.u32 s4, $0x1;
	s4 =	sadd.s32 s21, s2  }
0x9d: {  	[timem:s6], [sflag:s22] =	dma.local [hbm:s4], s20  }
0x9e: {  	_ =	swait.ge [sflag:s22], s20  }
0x9f: {  	s3 =	ssub.s32 $0x0, s20;
	[sflag:s22] =	ssyncset.done $0x0  }
0xa0: {  	[sflag:s22] =	ssyncadd.s32 s3;
	_ =	sdelay $0x1  }
0xa1: {  	s23 =	simm.s32 $0x1B8B  }
0xa2: {  	_ =	swait.ge [sflag:s23], $0x1  }
0xa3: {  	[sflag:s23] =	ssyncset.done $0x0  }
0xa4: {  	s25 =	simm.s32 $0x1B8E;
	s24 =	sld [smem:$0x3FFE];
	[sflag:s23] =	ssyncadd.s32 $0xFFFFFFFF  }
0xa5: {  	s26 =	simm.s32 $execute0_lowered;
	[smem:$0x3FD2] =	sst s25  }
0xa6: {  	s4 =	sshll.u32 s26, $0x1;
	_ =	strace $0x80000052;
	[dreg:$0x1] =	wrdreg $0xFFFFFFFF  }
0xa7: {  	s28 =	simm.s32 $_size_execute0_lowered;
	s2 =	sadd.s32 s2, s4;
	[dreg:$0x0] =	wrdreg $0x0  }
0xa8: {  	s4 =	sshll.u32 s28, $0x1;
	[dreg:$0x2] =	wrdreg s2  }
0xa9: {  	[dreg:$0x3] =	wrdreg s4  }
0xaa: {  	[dreg:$0x4] =	wrdreg $0xC0  }
0xab: {  	_ =	task [dreg:s6], $0x5FFFF  }
0xac: {  	[dreg:$0x1] =	wrdreg $0xFFFFFFFF  }
0xad: {  	[dreg:$0x0] =	wrdreg $0x60  }
0xae: {  	[dreg:$0x2] =	wrdreg s24  }
0xaf: {  	[dreg:$0x3] =	wrdreg $0x9  }
0xb0: {  	_ =	task.clear_ibuf [dreg:s6], $0x4FFFF;
	_ =	strace $0x90000052  }
0xb1: {  	s29 =	simm.s32 $0x9;
	_ =	strace $0x80000054  }
0xb2: {  	_ =	swait.ge [sflag:s29], $0x1  }
0xb3: {  	[sflag:s29] =	ssyncadd.s32 $0xFFFFFFFF  }
0xb4: {  	_ =	strace $0x90000054  }
0xb5: {  	_ =	sfence  }
0xb6: {  	s30 =	sld [smem:$0x0];
	_ =	sdelay $0x2  }
0xb7: {  	s31 =	sshll.u32 s1, $0xD;
	s1 =	sshrl.u32 s1, $0x2  }
0xb8: {  	s3 =	sand.u32 $0x4000, s31;
	s1 =	sadd.s32 s1, s30  }
0xb9: {  	s0 =	sor.u32 s3, s0;
	s1 =	sshll.u32 s1, $0x11  }
0xba: {  	s0 =	sor.u32 s1, s0  }
0xbb: {  	s0 =	sadd.s32 $0x8F2B, s0  }
0xbc: {  	[sflag:s0] =	ssyncadd.remote.s32 $0x1  }
0xbd: {  	_ =	sfence.sel $0xFFFF  }
0xbe: {  	[dreg:$0x0] =	wrdreg $0xFFFFFFFF;
	(pc) =	sbr.abs _section_cstart, $3  }
0xbf: {  	[dreg:$0x1] =	wrdreg $0xFFFFFFFF  }
0xc0: {  	_ =	task.clear_ibuf [dreg:s6], $0x2FFFF;
	_ =	strace $0x9FFFFFFF  }
0xc1: {  	(tm) =	ssettm $0x7FFFFFFF  }
tec
execute0_lowered:
.L_overlay_start_1:
0x0: {  	(tag) =	ssettag $0x1  }
0x1: {  	s1 =	srdreg.scid  }
0x2: {  	s0 =	stileid.u32;
	s4 =	rddreg [dreg:$0x0]  }
0x3: {  	s2 =	simm.s32 $0x0;
	s30 =	simm.s32 $0x80;
	s31 =	simm.s32 $0x6400  }
0x4: {  	s11 =	simm.s32 $0xA400;
	s12 =	simm.s32 $0xE400;
	s13 =	simm.s32 $0x4  }
0x5: {  	s14 =	simm.s32 $0x5;
	s15 =	simm.s32 $0x6;
	s16 =	simm.s32 $0x7  }
0x6: {  	s17 =	simm.s32 $0x8;
	s5 =	sand.u32 $0x1, s1;
	s1 =	rddreg [dreg:$0x1]  }
0x7: {  	s18 =	simm.s32 $0x0;
	s3 =	sshll.u32 s0, $0x1;
	[smem:$0x7FF] =	sst s2  }
0x8: {  	s7 =	smul.u32 $0xC8000, s0;
	_ =	strace $0x80000053;
	[dreg:$0x2] =	wrdreg s30  }
0x9: {  	s3 =	sor.u32 s5, s3;
	s8 =	ssub.s32 $0x2, s5;
	[dreg:$0x3] =	wrdreg s31  }
0xa: {  	s10 =	smul.u32 $0x64000, s5;
	[dreg:$0x4] =	wrdreg s11;
	s11 =	simm.s32 $0x3  }
0xb: {  	s6 =	smul.u32 $0x6400, s3;
	s9 =	sshrl.u32 s8, $0x1;
	s7 =	sadd.s32 s7, s4  }
0xc: {  	s3 =	sadd.s32 $0x29E5E00, s4;
	s28 =	ssub.s32 s8, s9;
	s29 =	sadd.s32 s10, s7  }
0xd: {  	s7 =	simm.s32 $0x9;
	s8 =	simm.s32 $0x12400;
	s6 =	sshrl.u32 s6, $0x3  }
0xe: {  	s9 =	simm.s32 $0x1;
	s10 =	simm.s32 $0x2;
	s6 =	sadd.s32 s6, s4  }
0xf: {  	s5 =	smax.u32 s28, $0x1;
	s4 =	sadd.s32 $0x1A17E00, s6;
	s6 =	sadd.s32 $0x3D000, s29  }
.LBB2_1:
0x10: {  	[tilespmem:s2], [sflag:$0x9] =	stream.linear.gather [hbm4b:s4+s2], $0x6400, $0x38;
	[tilespmem:$0x16400] =	vst v63  }
0x11: {  	p0 =	por $0x1, $0x1  }
0x12: {  	_ =	swait.ge [sflag:s7], $0x6400;
	p0 =	por p0, p0  }
0x13: {  	[sflag:s7] =	ssyncset.done $0x0;
	s19 =	simm.s32 @p0 $0x0  }
0x14: {  	s20 =	simm.s32 @p0 $0x80;
	s21 =	simm.s32 @p0 $0x6400;
	[sflag:s7] =	ssyncadd.s32 $0xFFFF9C00  }
0x15: {  	[tilespmem:s21], [sflag:$0x1] =	stream.indirect.gather @p0 [hbm4b:s3+s20], $0x80, s19, s20, $0xb8;
	[tilespmem:$0x16400] =	vst v63  }
0x16: {  	s19 =	simm.s32 @p0 $0x80;
	s21 =	simm.s32 @p0 $0xA400  }
0x17: {  	[tilespmem:s21], [sflag:$0x2] =	stream.indirect.gather @p0 [hbm4b:s3+s20], $0x80, s19, s20, $0xb8;
	[tilespmem:$0x16400] =	vst v63  }
0x18: {  	s22 =	simm.s32 @p0 $0xE400;
	s19 =	simm.s32 @!p0 $0x5;
	s21 =	simm.s32 @p0 $0x100  }
0x19: {  	[tilespmem:s22], [sflag:$0x3] =	stream.indirect.gather @p0 [hbm4b:s3+s20], $0x80, s21, s20, $0xb8;
	[tilespmem:$0x16400] =	vst v63  }
0x1a: {  	_ =	swait.ge @!p0 [sflag:s19], $0x4000  }
0x1b: {  	s20 =	simm.s32 @!p0 $0x6400;
	s21 =	simm.s32 @!p0 $0x6;
	[sflag:s19] =	ssyncset.done @!p0 $0x0  }
0x1c: {  	s22 =	simm.s32 @!p0 $0x80;
	[sflag:s19] =	ssyncadd.s32 @!p0 $0xFFFFC000;
	s19 =	simm.s32 @!p0 $0x0  }
0x1d: {  	[tilespmem:s20], [sflag:$0x1] =	stream.indirect.gather @!p0 [hbm4b:s3+s22], $0x80, s19, s22, $0xb8;
	[tilespmem:$0x16400] =	vst v63  }
0x1e: {  	_ =	swait.ge @!p0 [sflag:s21], $0x4000  }
0x1f: {  	s19 =	simm.s32 @!p0 $0x80;
	[sflag:s21] =	ssyncset.done @!p0 $0x0  }
0x20: {  	s20 =	simm.s32 @!p0 $0xA400;
	[sflag:s21] =	ssyncadd.s32 @!p0 $0xFFFFC000;
	s21 =	simm.s32 @!p0 $0x7  }
0x21: {  	[tilespmem:s20], [sflag:$0x2] =	stream.indirect.gather @!p0 [hbm4b:s3+s22], $0x80, s19, s22, $0xb8;
	[tilespmem:$0x16400] =	vst v63  }
0x22: {  	_ =	swait.ge @!p0 [sflag:s21], $0x4000  }
0x23: {  	s19 =	simm.s32 @!p0 $0x100;
	[sflag:s21] =	ssyncset.done @!p0 $0x0  }
0x24: {  	s20 =	simm.s32 @!p0 $0xE400;
	[sflag:s21] =	ssyncadd.s32 @!p0 $0xFFFFC000;
	s21 =	simm.s32 @!p0 $0x8  }
0x25: {  	[tilespmem:s20], [sflag:$0x3] =	stream.indirect.gather @!p0 [hbm4b:s3+s22], $0x80, s19, s22, $0xb8;
	[tilespmem:$0x16400] =	vst v63  }
0x26: {  	_ =	swait.ge @!p0 [sflag:s21], $0x4000  }
0x27: {  	[sflag:s21] =	ssyncset.done @!p0 $0x0  }
0x28: {  	s26 =	simm.s32 $0x180;
	s25 =	rddreg [dreg:$0x2];
	[sflag:s21] =	ssyncadd.s32 @!p0 $0xFFFFC000  }
0x29: {  	[tilespmem:s8], [sflag:$0x4] =	stream.indirect.gather [hbm4b:s3+s25], $0x80, s26, s25, $0xb8;
	[tilespmem:$0x16400] =	vst v63  }
0x2a: {  	_ =	swait.ge [sflag:s9], $0x4000  }
0x2b: {  	[sflag:s9] =	ssyncset.done $0x0  }
0x2c: {  	s29 =	sadd.s32 $0xFFFFF000, s6;
	s28 =	rddreg [dreg:$0x3];
	[sflag:s9] =	ssyncadd.s32 $0xFFFFC000  }
0x2d: {  	[hbm4b:s29+s2] =	stream.linear.scatter [tilespmem:s28], [sflag:$0x5], $0x4000, $0x38;
	[tilespmem:$0x16400] =	vst v63  }
0x2e: {  	_ =	swait.ge [sflag:s10], $0x4000  }
0x2f: {  	[sflag:s10] =	ssyncset.done $0x0  }
0x30: {  	s31 =	sadd.s32 $0xFFFFF800, s6;
	s30 =	rddreg [dreg:$0x4];
	[sflag:s10] =	ssyncadd.s32 $0xFFFFC000  }
0x31: {  	[hbm4b:s31+s2] =	stream.linear.scatter [tilespmem:s30], [sflag:$0x6], $0x4000, $0x38;
	[tilespmem:$0x16400] =	vst v63  }
0x32: {  	_ =	swait.ge [sflag:s11], $0x4000  }
0x33: {  	[sflag:s11] =	ssyncset.done $0x0  }
0x34: {  	p6 =	por $0x0, $0x0;
	[sflag:s11] =	ssyncadd.s32 $0xFFFFC000  }
0x35: {  	[hbm4b:s6+s2] =	stream.linear.scatter [tilespmem:s12], [sflag:$0x7], $0x4000, $0x38;
	[tilespmem:$0x16400] =	vst v63  }
0x36: {  	s20 =	simm.s32 $0x800;
	s19 =	sadd.s32 $0x2000, s6;
	_ =	swait.ge [sflag:s13], $0x4000  }
0x37: {  	s22 =	sadd.s32 $0x800, s6;
	p0 =	por p6, p6;
	[sflag:s13] =	ssyncset.done $0x0  }
0x38: {  	s21 =	simm.s32 $0x1000;
	s23 =	simm.s32 @!p0 $0x5;
	[sflag:s13] =	ssyncadd.s32 $0xFFFFC000  }
.LBB2_2:
0x39: {  	[hbm4b:s22+s2] =	stream.linear.scatter [tilespmem:s8], [sflag:$0x8], $0x4000, $0x38;
	[tilespmem:$0x16400] =	vst v63  }
0x3a: {  	s25 =	sshra.s32 @p0 s20, $0x2;
	s26 =	simm.s32 @p0 $0x80;
	s28 =	simm.s32 @p0 $0x6400  }
0x3b: {  	[tilespmem:s28], [sflag:$0x1] =	stream.indirect.gather @p0 [hbm4b:s3+s26], $0x80, s25, s26, $0xb8;
	[tilespmem:$0x16400] =	vst v63  }
0x3c: {  	s29 =	simm.s32 @p0 $0xA400;
	s28 =	sadd.s32 @p0 $0x80, s25  }
0x3d: {  	[tilespmem:s29], [sflag:$0x2] =	stream.indirect.gather @p0 [hbm4b:s3+s26], $0x80, s28, s26, $0xb8;
	[tilespmem:$0x16400] =	vst v63  }
0x3e: {  	s25 =	sadd.s32 @p0 $0x100, s25;
	s28 =	simm.s32 @p0 $0xE400  }
0x3f: {  	[tilespmem:s28], [sflag:$0x3] =	stream.indirect.gather @p0 [hbm4b:s3+s26], $0x80, s25, s26, $0xb8;
	[tilespmem:$0x16400] =	vst v63  }
0x40: {  	_ =	swait.ge @!p0 [sflag:s23], $0x4000  }
0x41: {  	s25 =	simm.s32 @!p0 $0x6400;
	s26 =	simm.s32 @!p0 $0x6;
	[sflag:s23] =	ssyncset.done @!p0 $0x0  }
0x42: {  	s28 =	simm.s32 @!p0 $0x80;
	[sflag:s23] =	ssyncadd.s32 @!p0 $0xFFFFC000;
	s23 =	sshra.s32 @!p0 s20, $0x2  }
0x43: {  	[tilespmem:s25], [sflag:$0x1] =	stream.indirect.gather @!p0 [hbm4b:s3+s28], $0x80, s23, s28, $0xb8;
	[tilespmem:$0x16400] =	vst v63  }
0x44: {  	_ =	swait.ge @!p0 [sflag:s26], $0x4000  }
0x45: {  	s29 =	simm.s32 @!p0 $0x7;
	[sflag:s26] =	ssyncset.done @!p0 $0x0  }
0x46: {  	s25 =	sadd.s32 @!p0 $0x80, s23;
	[sflag:s26] =	ssyncadd.s32 @!p0 $0xFFFFC000;
	s26 =	simm.s32 @!p0 $0xA400  }
0x47: {  	[tilespmem:s26], [sflag:$0x2] =	stream.indirect.gather @!p0 [hbm4b:s3+s28], $0x80, s25, s28, $0xb8;
	[tilespmem:$0x16400] =	vst v63  }
0x48: {  	_ =	swait.ge @!p0 [sflag:s29], $0x4000  }
0x49: {  	s23 =	sadd.s32 @!p0 $0x100, s23;
	[sflag:s29] =	ssyncset.done @!p0 $0x0  }
0x4a: {  	s25 =	simm.s32 @!p0 $0xE400;
	s26 =	simm.s32 @!p0 $0x8;
	[sflag:s29] =	ssyncadd.s32 @!p0 $0xFFFFC000  }
0x4b: {  	[tilespmem:s25], [sflag:$0x3] =	stream.indirect.gather @!p0 [hbm4b:s3+s28], $0x80, s23, s28, $0xb8;
	[tilespmem:$0x16400] =	vst v63  }
0x4c: {  	_ =	swait.ge @!p0 [sflag:s26], $0x4000  }
0x4d: {  	s31 =	sshra.s32 s20, $0x2;
	[sflag:s26] =	ssyncset.done @!p0 $0x0  }
0x4e: {  	s30 =	rddreg [dreg:$0x2];
	[sflag:s26] =	ssyncadd.s32 @!p0 $0xFFFFC000;
	s26 =	sadd.s32 $0x180, s31  }
0x4f: {  	[tilespmem:s8], [sflag:$0x4] =	stream.indirect.gather [hbm4b:s3+s30], $0x80, s26, s30, $0xb8;
	[tilespmem:$0x16400] =	vst v63  }
0x50: {  	_ =	swait.ge [sflag:s9], $0x4000  }
0x51: {  	[sflag:s9] =	ssyncset.done $0x0  }
0x52: {  	s29 =	sadd.s32 $0xFFFFF000, s19;
	s28 =	rddreg [dreg:$0x3];
	[sflag:s9] =	ssyncadd.s32 $0xFFFFC000  }
0x53: {  	[hbm4b:s29+s2] =	stream.linear.scatter [tilespmem:s28], [sflag:$0x5], $0x4000, $0x38;
	[tilespmem:$0x16400] =	vst v63  }
0x54: {  	_ =	swait.ge [sflag:s10], $0x4000  }
0x55: {  	s24 =	smov.u32 s21;
	[sflag:s10] =	ssyncset.done $0x0  }
0x56: {  	s31 =	sadd.s32 $0xFFFFF800, s19;
	s30 =	rddreg [dreg:$0x4];
	[sflag:s10] =	ssyncadd.s32 $0xFFFFC000  }
0x57: {  	[hbm4b:s31+s2] =	stream.linear.scatter [tilespmem:s30], [sflag:$0x6], $0x4000, $0x38;
	[tilespmem:$0x16400] =	vst v63  }
0x58: {  	p2 =	seq.s32 s21, $0x0;
	s21 =	sadd.s32 $0x800, s21;
	_ =	swait.ge [sflag:s11], $0x4000  }
0x59: {  	p1 =	sne.s32 s21, $0x19000;
	[sflag:s11] =	ssyncset.done $0x0  }
.Ltmp0:
0x5a: {  	s22 =	smov.u32 s19;
	[sflag:s11] =	ssyncadd.s32 $0xFFFFC000;
	(pc) =	sbr.rel @p1 .LBB2_2-.Ltmp0, $4  }
0x5b: {  	[hbm4b:s19+s2] =	stream.linear.scatter [tilespmem:s12], [sflag:$0x7], $0x4000, $0x38;
	[tilespmem:$0x16400] =	vst v63  }
0x5c: {  	s22 =	sadd.s32 $0x800, s22;
	_ =	swait.ge [sflag:s13], $0x4000  }
0x5d: {  	s20 =	smov.u32 s24;
	p0 =	por p2, p2;
	[sflag:s13] =	ssyncset.done $0x0  }
0x5e: {  	s23 =	simm.s32 @!p0 $0x5;
	s19 =	sadd.s32 $0x2000, s19;
	[sflag:s13] =	ssyncadd.s32 $0xFFFFC000  }
0x5f: {  	[hbm4b:s22+s2] =	stream.linear.scatter [tilespmem:s8], [sflag:$0x8], $0x4000, $0x38;
	[tilespmem:$0x16400] =	vst v63  }
0x60: {  	s21 =	sshra.s32 @p0 s20, $0x2;
	s22 =	simm.s32 @p0 $0x80;
	s24 =	simm.s32 @p0 $0x6400  }
0x61: {  	[tilespmem:s24], [sflag:$0x1] =	stream.indirect.gather @p0 [hbm4b:s3+s22], $0x80, s21, s22, $0xb8;
	[tilespmem:$0x16400] =	vst v63  }
0x62: {  	s25 =	simm.s32 @p0 $0xA400;
	s24 =	sadd.s32 @p0 $0x80, s21  }
0x63: {  	[tilespmem:s25], [sflag:$0x2] =	stream.indirect.gather @p0 [hbm4b:s3+s22], $0x80, s24, s22, $0xb8;
	[tilespmem:$0x16400] =	vst v63  }
0x64: {  	s21 =	sadd.s32 @p0 $0x100, s21;
	s24 =	simm.s32 @p0 $0xE400  }
0x65: {  	[tilespmem:s24], [sflag:$0x3] =	stream.indirect.gather @p0 [hbm4b:s3+s22], $0x80, s21, s22, $0xb8;
	[tilespmem:$0x16400] =	vst v63  }
0x66: {  	_ =	swait.ge @!p0 [sflag:s23], $0x4000  }
0x67: {  	s21 =	simm.s32 @!p0 $0x6400;
	s22 =	simm.s32 @!p0 $0x6;
	[sflag:s23] =	ssyncset.done @!p0 $0x0  }
0x68: {  	s24 =	simm.s32 @!p0 $0x80;
	[sflag:s23] =	ssyncadd.s32 @!p0 $0xFFFFC000;
	s23 =	sshra.s32 @!p0 s20, $0x2  }
0x69: {  	[tilespmem:s21], [sflag:$0x1] =	stream.indirect.gather @!p0 [hbm4b:s3+s24], $0x80, s23, s24, $0xb8;
	[tilespmem:$0x16400] =	vst v63  }
0x6a: {  	_ =	swait.ge @!p0 [sflag:s22], $0x4000  }
0x6b: {  	s25 =	simm.s32 @!p0 $0x7;
	[sflag:s22] =	ssyncset.done @!p0 $0x0  }
0x6c: {  	s21 =	sadd.s32 @!p0 $0x80, s23;
	[sflag:s22] =	ssyncadd.s32 @!p0 $0xFFFFC000;
	s22 =	simm.s32 @!p0 $0xA400  }
0x6d: {  	[tilespmem:s22], [sflag:$0x2] =	stream.indirect.gather @!p0 [hbm4b:s3+s24], $0x80, s21, s24, $0xb8;
	[tilespmem:$0x16400] =	vst v63  }
0x6e: {  	_ =	swait.ge @!p0 [sflag:s25], $0x4000  }
0x6f: {  	s21 =	sadd.s32 @!p0 $0x100, s23;
	[sflag:s25] =	ssyncset.done @!p0 $0x0  }
0x70: {  	s22 =	simm.s32 @!p0 $0xE400;
	s23 =	simm.s32 @!p0 $0x8;
	[sflag:s25] =	ssyncadd.s32 @!p0 $0xFFFFC000  }
0x71: {  	[tilespmem:s22], [sflag:$0x3] =	stream.indirect.gather @!p0 [hbm4b:s3+s24], $0x80, s21, s24, $0xb8;
	[tilespmem:$0x16400] =	vst v63  }
0x72: {  	_ =	swait.ge @!p0 [sflag:s23], $0x4000  }
0x73: {  	s25 =	sshra.s32 s20, $0x2;
	[sflag:s23] =	ssyncset.done @!p0 $0x0  }
0x74: {  	s20 =	sadd.s32 $0x180, s25;
	s24 =	rddreg [dreg:$0x2];
	[sflag:s23] =	ssyncadd.s32 @!p0 $0xFFFFC000  }
0x75: {  	[tilespmem:s8], [sflag:$0x4] =	stream.indirect.gather [hbm4b:s3+s24], $0x80, s20, s24, $0xb8;
	[tilespmem:$0x16400] =	vst v63  }
0x76: {  	_ =	swait.ge [sflag:s9], $0x4000  }
0x77: {  	[sflag:s9] =	ssyncset.done $0x0  }
0x78: {  	s28 =	sadd.s32 $0xFFFFF000, s19;
	s26 =	rddreg [dreg:$0x3];
	[sflag:s9] =	ssyncadd.s32 $0xFFFFC000  }
0x79: {  	[hbm4b:s28+s2] =	stream.linear.scatter [tilespmem:s26], [sflag:$0x5], $0x4000, $0x38;
	[tilespmem:$0x16400] =	vst v63  }
0x7a: {  	_ =	swait.ge [sflag:s10], $0x4000  }
0x7b: {  	[sflag:s10] =	ssyncset.done $0x0  }
0x7c: {  	s30 =	sadd.s32 $0xFFFFF800, s19;
	s29 =	rddreg [dreg:$0x4];
	[sflag:s10] =	ssyncadd.s32 $0xFFFFC000  }
0x7d: {  	[hbm4b:s30+s2] =	stream.linear.scatter [tilespmem:s29], [sflag:$0x6], $0x4000, $0x38;
	[tilespmem:$0x16400] =	vst v63  }
0x7e: {  	_ =	swait.ge [sflag:s11], $0x4000  }
0x7f: {  	[sflag:s11] =	ssyncset.done $0x0  }
0x80: {  	[sflag:s11] =	ssyncadd.s32 $0xFFFFC000  }
0x81: {  	[hbm4b:s19+s2] =	stream.linear.scatter [tilespmem:s12], [sflag:$0x7], $0x4000, $0x38;
	[tilespmem:$0x16400] =	vst v63  }
0x82: {  	_ =	swait.ge [sflag:s13], $0x4000  }
0x83: {  	[sflag:s13] =	ssyncset.done $0x0  }
0x84: {  	s31 =	sadd.s32 $0x800, s19;
	[sflag:s13] =	ssyncadd.s32 $0xFFFFC000  }
0x85: {  	[hbm4b:s31+s2] =	stream.linear.scatter [tilespmem:s8], [sflag:$0x8], $0x4000, $0x38;
	[tilespmem:$0x16400] =	vst v63  }
0x86: {  	_ =	swait.ge [sflag:s14], $0x4000  }
0x87: {  	[sflag:s14] =	ssyncset.done $0x0  }
0x88: {  	[sflag:s14] =	ssyncadd.s32 $0xFFFFC000  }
0x89: {  	_ =	swait.ge [sflag:s15], $0x4000  }
0x8a: {  	[sflag:s15] =	ssyncset.done $0x0  }
0x8b: {  	s18 =	sadd.s32 $0x1, s18;
	[sflag:s15] =	ssyncadd.s32 $0xFFFFC000  }
0x8c: {  	p0 =	sne.s32 s18, s5;
	_ =	swait.ge [sflag:s16], $0x4000  }
.Ltmp1:
0x8d: {  	[sflag:s16] =	ssyncset.done $0x0;
	(pc) =	sbr.rel @p0 .LBB2_1-.Ltmp1, $4  }
0x8e: {  	[sflag:s16] =	ssyncadd.s32 $0xFFFFC000  }
0x8f: {  	_ =	swait.ge [sflag:s17], $0x4000  }
0x90: {  	[sflag:s17] =	ssyncset.done $0x0  }
0x91: {  	[sflag:s17] =	ssyncadd.s32 $0xFFFFC000  }
0x92: {  	_ =	sfence.sel $0x180000  }
0x93: {  	[bflag:$0x0] =	sbarrier.arrive $0xFFFF  }
0x94: {  	p0 =	sne.s32 s0, $0x0;
	_ =	strace $0x90000053  }
0x95: {  	s0 =	sadd.s32 @!p0 $0x100000, s1;
	[bflag:$0x2] =	sbarrier.arrive $0xFFFF  }
0x96: {  	[sflag:s0] =	ssyncadd.tile.s32 @!p0 $0x1;
	_ =	shalt  }
.Lfunc_end2:
_tile_overlayer_lowered:
.L_overlay_start_2:
0x97: {  	(tag) =	ssettag $0x2  }
0x98: {  	s0 =	rddreg [dreg:$0x0];
	s2 =	stileid.u32  }
0x99: {  	s1 =	rddreg [dreg:$0x1];
	p0 =	sne.s32 s2, $0x0  }
0x9a: {  	s3 =	rddreg [dreg:$0x2];
	[bflag:$0x3] =	sbarrier.arrive $0xFFFF;
	s2 =	simm.s32 @!p0 $0x1C09  }
0x9b: {  	[timem:s3], [sflag:s2] =	dma.local @!p0 [hbm:s0], s1  }
0x9c: {  	s0 =	simm.s32 @!p0 $0x9  }
0x9d: {  	_ =	swait.ge @!p0 [sflag:s0], s1  }
0x9e: {  	s1 =	ssub.s32 @!p0 $0x0, s1;
	[sflag:s0] =	ssyncset.done @!p0 $0x0  }
0x9f: {  	[sflag:s0] =	ssyncadd.s32 @!p0 s1  }
0xa0: {  	[bflag:$0x3] =	sbarrier.arrive $0xFFFF  }
0xa1: {  	_ =	shalt  }

// kernel: kernel.30.cloned.1.call-start
scs
__scs_entry_jumppad:
0x0: {  	(pc) =	sbr.rel $0x88, $3  }
0x1: {  	(tag) =	ssettag $0x0;
	lr =	simm.s32 $0x1  }
0x2: {  	[smem:$0x3F85] =	sst lr;
	_ =	strace $0xD0000000  }
0x3: {  	_ = 	snop  }
0x4: {  	_ = 	snop  }
0x5: {  	_ = 	snop  }
0x6: {  	_ = 	snop  }
0x7: {  	_ = 	snop  }
__scs_overlays_trampoline_lowered:
0x8: {  	[smem:$0x3F94] =	sst s0  }
0x9: {  	[smem:$0x3F95] =	sst s1  }
0xa: {  	[smem:$0x3F96] =	sst s2  }
0xb: {  	[smem:$0x3F97] =	sst s3  }
0xc: {  	[smem:$0x3F98] =	sst s4  }
0xd: {  	[smem:$0x3F99] =	sst s5  }
0xe: {  	[smem:$0x3F9A] =	sst s6  }
0xf: {  	[smem:$0x3F9B] =	sst s7  }
0x10: {  	[smem:$0x3F9C] =	sst s8  }
0x11: {  	[smem:$0x3F9D] =	sst s9;
	s0 =	simm.s32 @!p0 $0x0  }
0x12: {  	s1 =	sld [smem:$0x3F83];
	s0 =	simm.s32 @p0 $0x1  }
0x13: {  	[smem:$0x3F9E] =	sst s0;
	s0 =	simm.s32 @!p1 $0x0  }
0x14: {  	s2 =	sld [smem:$0x3F82];
	s0 =	simm.s32 @p1 $0x1  }
0x15: {  	[smem:$0x3F9F] =	sst s0;
	s0 =	simm.s32 @!p2 $0x0  }
0x16: {  	s3 =	sld [smem:$0x3FDB];
	s0 =	simm.s32 @p2 $0x1  }
0x17: {  	s4 =	simm.s32 $0x1BF5;
	[smem:$0x3FA1] =	sst s0  }
0x18: {  	s0 =	sld [smem:$0x3F84];
	_ =	swait.ge [sflag:s4], $0x0  }
0x19: {  	s7 =	sld [smem:$0x3F85]  }
0x1a: {  	s8 =	sadd.s32 $0xFFFFE003, lr  }
0x1b: {  	s9 =	sadd.s32 $0xFFFFFEF7, lr;
	s5 =	simm.s32 $0xFFFFFFFF;
	p2 =	slt.u32 s8, $0xFFFFF086  }
0x1c: {  	p1 =	slt.u32 s9, $0xF7A;
	s5 =	simm.s32 @!p2 $0x0  }
0x1d: {  	s5 =	simm.s32 @p1 $0x1;
	p0 =	seq.s32 s7, s2  }
0x1e: {  	s7 =	smul.u32 @!p0 $0xF7A, s2;
	p2 =	seq.s32 @!p0 s5, $0x0  }
0x1f: {  	s9 =	smul.u32 $0xF7A, s1;
	s8 =	simm.s32 @!p0 $0x1BF5;
	p2 =	por !p2, p0  }
0x20: {  	[sflag:s8] =	ssyncset.s32 @!p0 $0xFFFFF086;
	s6 =	sadd.s32 @!p0 s3, s7;
	s7 =	simm.s32 @!p0 $0x108  }
0x21: {  	s3 =	sadd.s32 s3, s9;
	s6 =	sadd.s32 @!p0 $0x88, s6;
	s7 =	simm.s32 @p2 $0x1082  }
0x22: {  	[simem:s7], [sflag:s8] =	dma.local @!p0 [hbm:s6], $0xF7A  }
0x23: {  	s9 =	sor.u32 $0xD0000000, s2;
	s6 =	simm.s32 $0x108;
	_ =	swait.ge @!p0 [sflag:s8], $0x0  }
0x24: {  	s3 =	sadd.s32 $0x88, s3;
	s6 =	simm.s32 @!p1 $0x1082;
	[sflag:s4] =	ssyncset.s32 $0xFFFFF086  }
0x25: {  	[simem:s6], [sflag:s4] =	dma.local [hbm:s3], $0xF7A  }
0x26: {  	[smem:$0x3F85] =	sst s1;
	(tag) =	ssettag s2;
	_ =	strace s9  }
0x27: {  	s1 =	sld [smem:$0x3F95]  }
0x28: {  	s2 =	sld [smem:$0x3F96]  }
0x29: {  	s4 =	sld [smem:$0x3F98]  }
0x2a: {  	p0 =	seq.s32 s5, $0x0;
	s5 =	sld [smem:$0x3F99]  }
0x2b: {  	s6 =	sld [smem:$0x3F9A]  }
0x2c: {  	s7 =	sld [smem:$0x3F9B]  }
0x2d: {  	s3 =	simm.s32 $0x108;
	s8 =	sld [smem:$0x3F9C]  }
0x2e: {  	s3 =	simm.s32 @!p0 $0x1082;
	s9 =	sld [smem:$0x3F9D]  }
0x2f: {  	lr =	sadd.s32 s0, s3;
	s0 =	sld [smem:$0x3F94]  }
0x30: {  	s3 =	sld [smem:$0x3F97]  }
0x31: {  	[smem:$0x3FA0] =	sst s10  }
0x32: {  	s10 =	sld [smem:$0x3F9E];
	_ =	sdelay $0x3  }
0x33: {  	p0 =	seq.s32 s10, $0x1;
	s10 =	sld [smem:$0x3FA0];
	_ =	sdelay $0x3  }
0x34: {  	[smem:$0x3FA0] =	sst s10  }
0x35: {  	s10 =	sld [smem:$0x3F9F];
	_ =	sdelay $0x3  }
0x36: {  	p1 =	seq.s32 s10, $0x1;
	s10 =	sld [smem:$0x3FA0];
	_ =	sdelay $0x3  }
0x37: {  	[smem:$0x3FA0] =	sst s10  }
0x38: {  	s10 =	sld [smem:$0x3FA1]  }
0x39: {  	_ = 	snop;
	(pc) =	sbr.ind lr, $3  }
0x3a: {  	_ = 	snop  }
0x3b: {  	_ = 	snop  }
0x3c: {  	p2 =	seq.s32 s10, $0x1;
	s10 =	sld [smem:$0x3FA0]  }
0x3d: {  	_ =	shalt  }
0x3e: {  	_ =	shalt  }
0x3f: {  	_ =	shalt  }
0x40: {  	_ =	shalt  }
0x41: {  	_ =	shalt  }
0x42: {  	_ =	shalt  }
0x43: {  	_ =	shalt  }
0x44: {  	_ =	shalt  }
0x45: {  	_ =	shalt  }
0x46: {  	_ =	shalt  }
0x47: {  	_ =	shalt  }
0x48: {  	_ =	shalt  }
0x49: {  	_ =	shalt  }
0x4a: {  	_ =	shalt  }
0x4b: {  	_ =	shalt  }
0x4c: {  	_ =	shalt  }
0x4d: {  	_ =	shalt  }
0x4e: {  	_ =	shalt  }
0x4f: {  	_ =	shalt  }
0x50: {  	_ =	shalt  }
0x51: {  	_ =	shalt  }
0x52: {  	_ =	shalt  }
0x53: {  	_ =	shalt  }
0x54: {  	_ =	shalt  }
0x55: {  	_ =	shalt  }
0x56: {  	_ =	shalt  }
0x57: {  	_ =	shalt  }
0x58: {  	_ =	shalt  }
0x59: {  	_ =	shalt  }
0x5a: {  	_ =	shalt  }
0x5b: {  	_ =	shalt  }
0x5c: {  	_ =	shalt  }
0x5d: {  	_ =	shalt  }
0x5e: {  	_ =	shalt  }
0x5f: {  	_ =	shalt  }
0x60: {  	_ =	shalt  }
0x61: {  	_ =	shalt  }
0x62: {  	_ =	shalt  }
0x63: {  	_ =	shalt  }
0x64: {  	_ =	shalt  }
0x65: {  	_ =	shalt  }
0x66: {  	_ =	shalt  }
0x67: {  	_ =	shalt  }
0x68: {  	_ =	shalt  }
0x69: {  	_ =	shalt  }
0x6a: {  	_ =	shalt  }
0x6b: {  	_ =	shalt  }
0x6c: {  	_ =	shalt  }
0x6d: {  	_ =	shalt  }
0x6e: {  	_ =	shalt  }
0x6f: {  	_ =	shalt  }
0x70: {  	_ =	shalt  }
0x71: {  	_ =	shalt  }
0x72: {  	_ =	shalt  }
0x73: {  	_ =	shalt  }
0x74: {  	_ =	shalt  }
0x75: {  	_ =	shalt  }
0x76: {  	_ =	shalt  }
0x77: {  	_ =	shalt  }
0x78: {  	_ =	shalt  }
0x79: {  	_ =	shalt  }
0x7a: {  	_ =	shalt  }
0x7b: {  	_ =	shalt  }
0x7c: {  	_ =	shalt  }
0x7d: {  	_ =	shalt  }
0x7e: {  	_ =	shalt  }
0x7f: {  	_ =	shalt  }
0x80: {  	_ =	shalt  }
0x81: {  	_ =	shalt  }
0x82: {  	_ =	shalt  }
0x83: {  	_ =	shalt  }
0x84: {  	_ =	shalt  }
0x85: {  	_ =	shalt  }
0x86: {  	_ =	shalt  }
0x87: {  	_ =	shalt  }
.Lfunc_end0:
.L_simem_size_0:
called_computation.5_lowered:
.L_overlay_start_0:
0x88: {  	s2 =	sld [smem:$0x3FD9]  }
0x89: {  	s3 =	sld [smem:$0x3FFE];
	_ =	sdelay $0x1  }
0x8a: {  	s1 =	srdreg.scid  }
0x8b: {  	s0 =	sand.u32 $0x1, s1  }
0x8c: {  	s16 =	sshll.u32 s0, $0xA;
	s2 =	sadd.s32 s3, s2  }
0x8d: {  	s2 =	sadd.s32 s2, s16  }
0x8e: {  	[smem:$0x3FAC] =	sst s2  }
0x8f: {  	_ = 	snop  }
0x90: {  	(tm) =	ssettm $0x1  }
0x91: {  	s17 =	sld [smem:$0x3FFB];
	_ =	sdelay $0x3  }
0x92: {  	_ =	strace s17  }
0x93: {  	s2 =	sld [smem:$0x3FFC];
	_ =	sdelay $0x3  }
0x94: {  	_ =	strace s2  }
0x95: {  	s2 =	sld [smem:$0x3FFD];
	_ =	sdelay $0x3  }
0x96: {  	_ =	strace s2  }
0x97: {  	_ =	strace $0x8FFFFFFF  }
0x98: {  	s18 =	sld [smem:$0x3FDB];
	_ =	sdelay $0x1  }
0x99: {  	s19 =	simm.s32 $_scs_section_size  }
0x9a: {  	s4 =	simm.s32 $_size__tile_overlayer_lowered;
	s5 =	simm.s32 $_tile_overlayer_lowered  }
0x9b: {  	s22 =	simm.s32 $0x1BFF;
	s21 =	sshll.u32 s5, $0x1;
	s2 =	sadd.s32 s19, s18  }
0x9c: {  	s6 =	simm.s32 $0x0;
	s20 =	sshll.u32 s4, $0x1;
	s4 =	sadd.s32 s21, s2  }
0x9d: {  	[timem:s6], [sflag:s22] =	dma.local [hbm:s4], s20  }
0x9e: {  	_ =	swait.ge [sflag:s22], s20  }
0x9f: {  	s3 =	ssub.s32 $0x0, s20;
	[sflag:s22] =	ssyncset.done $0x0  }
0xa0: {  	[sflag:s22] =	ssyncadd.s32 s3;
	_ =	sdelay $0x1  }
0xa1: {  	s23 =	simm.s32 $0x1B8B  }
0xa2: {  	_ =	swait.ge [sflag:s23], $0x1  }
0xa3: {  	[sflag:s23] =	ssyncset.done $0x0  }
0xa4: {  	s25 =	simm.s32 $0x1B8E;
	s24 =	sld [smem:$0x3FFE];
	[sflag:s23] =	ssyncadd.s32 $0xFFFFFFFF  }
0xa5: {  	s26 =	simm.s32 $execute0_lowered;
	[smem:$0x3FD2] =	sst s25  }
0xa6: {  	s4 =	sshll.u32 s26, $0x1;
	_ =	strace $0x80000055;
	[dreg:$0x1] =	wrdreg $0xFFFFFFFF  }
0xa7: {  	s28 =	simm.s32 $_size_execute0_lowered;
	s2 =	sadd.s32 s2, s4;
	[dreg:$0x0] =	wrdreg $0x0  }
0xa8: {  	s4 =	sshll.u32 s28, $0x1;
	[dreg:$0x2] =	wrdreg s2  }
0xa9: {  	[dreg:$0x3] =	wrdreg s4  }
0xaa: {  	[dreg:$0x4] =	wrdreg $0xC0  }
0xab: {  	_ =	task [dreg:s6], $0x5FFFF  }
0xac: {  	[dreg:$0x1] =	wrdreg $0xFFFFFFFF  }
0xad: {  	[dreg:$0x0] =	wrdreg $0x60  }
0xae: {  	[dreg:$0x2] =	wrdreg s24  }
0xaf: {  	[dreg:$0x3] =	wrdreg $0x9  }
0xb0: {  	_ =	task.clear_ibuf [dreg:s6], $0x4FFFF;
	_ =	strace $0x90000055  }
0xb1: {  	s29 =	simm.s32 $0x9;
	_ =	strace $0x80000057  }
0xb2: {  	_ =	swait.ge [sflag:s29], $0x1  }
0xb3: {  	[sflag:s29] =	ssyncadd.s32 $0xFFFFFFFF  }
0xb4: {  	_ =	strace $0x90000057  }
0xb5: {  	_ =	sfence  }
0xb6: {  	s30 =	sld [smem:$0x0];
	_ =	sdelay $0x2  }
0xb7: {  	s31 =	sshll.u32 s1, $0xD;
	s1 =	sshrl.u32 s1, $0x2  }
0xb8: {  	s3 =	sand.u32 $0x4000, s31;
	s1 =	sadd.s32 s1, s30  }
0xb9: {  	s0 =	sor.u32 s3, s0;
	s1 =	sshll.u32 s1, $0x11  }
0xba: {  	s0 =	sor.u32 s1, s0  }
0xbb: {  	s0 =	sadd.s32 $0x8F2B, s0  }
0xbc: {  	[sflag:s0] =	ssyncadd.remote.s32 $0x1  }
0xbd: {  	_ =	sfence.sel $0xFFFF  }
0xbe: {  	[dreg:$0x0] =	wrdreg $0xFFFFFFFF;
	(pc) =	sbr.abs _section_cstart, $3  }
0xbf: {  	[dreg:$0x1] =	wrdreg $0xFFFFFFFF  }
0xc0: {  	_ =	task.clear_ibuf [dreg:s6], $0x2FFFF;
	_ =	strace $0x9FFFFFFF  }
0xc1: {  	(tm) =	ssettm $0x7FFFFFFF  }
tec
execute0_lowered:
.L_overlay_start_1:
0x0: {  	(tag) =	ssettag $0x1  }
0x1: {  	s1 =	srdreg.scid  }
0x2: {  	s0 =	stileid.u32;
	s4 =	rddreg [dreg:$0x0]  }
0x3: {  	s2 =	simm.s32 $0x0;
	s14 =	simm.s32 $0xC800;
	s15 =	simm.s32 $0x10800  }
0x4: {  	s16 =	simm.s32 $0x1;
	s17 =	simm.s32 $0x2;
	s18 =	simm.s32 $0x3  }
0x5: {  	s19 =	simm.s32 $0x4;
	s5 =	sand.u32 $0x1, s1;
	s1 =	rddreg [dreg:$0x1]  }
0x6: {  	s20 =	simm.s32 $0x0;
	s3 =	sshll.u32 s0, $0x1;
	[smem:$0x7FF] =	sst s2  }
0x7: {  	s9 =	smul.u32 $0x640000, s0;
	s10 =	sadd.s32 $0x3C000, s4;
	s13 =	sadd.s32 $0xCBC000, s4  }
0x8: {  	s6 =	sor.u32 s5, s3;
	s8 =	ssub.s32 $0x2, s5;
	s12 =	smul.u32 $0x320000, s5  }
0x9: {  	_ =	strace $0x80000056;
	s7 =	smul.u32 $0xC80, s6;
	s11 =	sshrl.u32 s8, $0x1  }
0xa: {  	s3 =	sadd.s32 $0x1A00000, s4;
	s28 =	smul.u32 $0x320000, s6;
	s8 =	ssub.s32 s8, s11  }
0xb: {  	s29 =	sadd.s32 s12, s9;
	s11 =	simm.s32 $0x5;
	s12 =	simm.s32 $0x6400  }
0xc: {  	s7 =	sadd.s32 s7, s4;
	s6 =	smax.u32 s8, $0x1;
	s30 =	sshrl.u32 s28, $0x3  }
0xd: {  	s9 =	sor.u32 $0x4000, s29;
	s4 =	sadd.s32 $0xA000, s7;
	s5 =	sadd.s32 $0x23000, s7  }
0xe: {  	s7 =	sadd.s32 s10, s30;
	s8 =	sadd.s32 s13, s30;
	s31 =	sshrl.u32 s9, $0x3  }
0xf: {  	s9 =	sadd.s32 s31, s13;
	s10 =	sadd.s32 s31, s10;
	s13 =	simm.s32 $0x80  }
.LBB2_1:
0x10: {  	[tilespmem:s2], [sflag:$0x5] =	stream.linear.gather [hbm4b:s4+s2], $0x6400, $0x38;
	[tilespmem:$0x14800] =	vst v63  }
0x11: {  	_ =	swait.ge [sflag:s11], $0x6400  }
0x12: {  	[sflag:s11] =	ssyncset.done $0x0  }
0x13: {  	[sflag:s11] =	ssyncadd.s32 $0xFFFF9C00  }
0x14: {  	[tilespmem:s12], [sflag:$0x5] =	stream.linear.gather [hbm4b:s5+s2], $0x6400, $0x38;
	[tilespmem:$0x14800] =	vst v63  }
0x15: {  	_ =	swait.ge [sflag:s11], $0x6400  }
0x16: {  	[sflag:s11] =	ssyncset.done $0x0  }
0x17: {  	[sflag:s11] =	ssyncadd.s32 $0xFFFF9C00  }
0x18: {  	[tilespmem:s14], [sflag:$0x1] =	stream.indirect.gather [hbm4b:s3+s13], $0x80, s2, s13, $0xb8;
	[tilespmem:$0x14800] =	vst v63  }
0x19: {  	_ = 	snop  }
0x1a: {  	[tilespmem:s15], [sflag:$0x2] =	stream.indirect.gather [hbm4b:s3+s13], $0x80, s12, s13, $0xb8;
	[tilespmem:$0x14800] =	vst v63  }
0x1b: {  	_ =	swait.ge [sflag:s16], $0x4000  }
0x1c: {  	[sflag:s16] =	ssyncset.done $0x0  }
0x1d: {  	[sflag:s16] =	ssyncadd.s32 $0xFFFFC000  }
0x1e: {  	[hbm4b:s7+s2] =	stream.linear.scatter [tilespmem:s14], [sflag:$0x3], $0x4000, $0x38;
	[tilespmem:$0x14800] =	vst v63  }
0x1f: {  	_ =	swait.ge [sflag:s17], $0x4000  }
0x20: {  	[sflag:s17] =	ssyncset.done $0x0  }
0x21: {  	[sflag:s17] =	ssyncadd.s32 $0xFFFFC000  }
0x22: {  	[hbm4b:s8+s2] =	stream.linear.scatter [tilespmem:s15], [sflag:$0x4], $0x4000, $0x38;
	[tilespmem:$0x14800] =	vst v63  }
0x23: {  	_ =	swait.ge [sflag:s18], $0x4000  }
0x24: {  	[sflag:s18] =	ssyncset.done $0x0  }
0x25: {  	[sflag:s18] =	ssyncadd.s32 $0xFFFFC000  }
0x26: {  	_ =	swait.ge [sflag:s19], $0x4000  }
0x27: {  	[sflag:s19] =	ssyncset.done $0x0  }
0x28: {  	s21 =	simm.s32 $0x80;
	[sflag:s19] =	ssyncadd.s32 $0xFFFFC000  }
0x29: {  	[tilespmem:s14], [sflag:$0x1] =	stream.indirect.gather [hbm4b:s3+s13], $0x80, s21, s13, $0xb8;
	[tilespmem:$0x14800] =	vst v63  }
0x2a: {  	s31 =	simm.s32 $0x6480  }
0x2b: {  	[tilespmem:s15], [sflag:$0x2] =	stream.indirect.gather [hbm4b:s3+s13], $0x80, s31, s13, $0xb8;
	[tilespmem:$0x14800] =	vst v63  }
0x2c: {  	_ =	swait.ge [sflag:s16], $0x4000  }
0x2d: {  	[sflag:s16] =	ssyncset.done $0x0  }
0x2e: {  	[sflag:s16] =	ssyncadd.s32 $0xFFFFC000  }
0x2f: {  	[hbm4b:s10+s2] =	stream.linear.scatter [tilespmem:s14], [sflag:$0x3], $0x4000, $0x38;
	[tilespmem:$0x14800] =	vst v63  }
0x30: {  	_ =	swait.ge [sflag:s17], $0x4000  }
0x31: {  	s22 =	sadd.s32 $0x800, s9;
	s23 =	sadd.s32 $0x800, s10;
	[sflag:s17] =	ssyncset.done $0x0  }
0x32: {  	s24 =	smov.u32 s9;
	s21 =	simm.s32 $0x400;
	[sflag:s17] =	ssyncadd.s32 $0xFFFFC000  }
.LBB2_2:
0x33: {  	[hbm4b:s24+s2] =	stream.linear.scatter [tilespmem:s15], [sflag:$0x4], $0x4000, $0x38;
	[tilespmem:$0x14800] =	vst v63  }
0x34: {  	s25 =	smov.u32 s21;
	s24 =	smov.u32 s22  }
0x35: {  	p0 =	sne.s32 s21, $0x18E00;
	s21 =	sadd.s32 $0x200, s21;
	_ =	swait.ge [sflag:s18], $0x4000  }
0x36: {  	[sflag:s18] =	ssyncset.done $0x0  }
0x37: {  	[sflag:s18] =	ssyncadd.s32 $0xFFFFC000  }
0x38: {  	_ =	swait.ge [sflag:s19], $0x4000  }
0x39: {  	[sflag:s19] =	ssyncset.done $0x0  }
0x3a: {  	s25 =	sshra.s32 s25, $0x2;
	[sflag:s19] =	ssyncadd.s32 $0xFFFFC000  }
0x3b: {  	[tilespmem:s14], [sflag:$0x1] =	stream.indirect.gather [hbm4b:s3+s13], $0x80, s25, s13, $0xb8;
	[tilespmem:$0x14800] =	vst v63  }
0x3c: {  	s25 =	sadd.s32 $0x6400, s25  }
0x3d: {  	[tilespmem:s15], [sflag:$0x2] =	stream.indirect.gather [hbm4b:s3+s13], $0x80, s25, s13, $0xb8;
	[tilespmem:$0x14800] =	vst v63  }
0x3e: {  	_ =	swait.ge [sflag:s16], $0x4000  }
0x3f: {  	[sflag:s16] =	ssyncset.done $0x0  }
.Ltmp0:
0x40: {  	[sflag:s16] =	ssyncadd.s32 $0xFFFFC000;
	(pc) =	sbr.rel @p0 .LBB2_2-.Ltmp0, $4  }
0x41: {  	[hbm4b:s23+s2] =	stream.linear.scatter [tilespmem:s14], [sflag:$0x3], $0x4000, $0x38;
	[tilespmem:$0x14800] =	vst v63  }
0x42: {  	_ =	swait.ge [sflag:s17], $0x4000  }
0x43: {  	[sflag:s17] =	ssyncset.done $0x0  }
0x44: {  	s22 =	sadd.s32 $0x800, s22;
	s23 =	sadd.s32 $0x800, s23;
	[sflag:s17] =	ssyncadd.s32 $0xFFFFC000  }
0x45: {  	[hbm4b:s24+s2] =	stream.linear.scatter [tilespmem:s15], [sflag:$0x4], $0x4000, $0x38;
	[tilespmem:$0x14800] =	vst v63  }
0x46: {  	s20 =	sadd.s32 $0x1, s20  }
0x47: {  	_ =	swait.ge [sflag:s18], $0x4000;
	p0 =	sne.s32 s20, s6  }
.Ltmp1:
0x48: {  	[sflag:s18] =	ssyncset.done $0x0;
	(pc) =	sbr.rel @p0 .LBB2_1-.Ltmp1, $4  }
0x49: {  	[sflag:s18] =	ssyncadd.s32 $0xFFFFC000  }
0x4a: {  	_ =	swait.ge [sflag:s19], $0x4000  }
0x4b: {  	[sflag:s19] =	ssyncset.done $0x0  }
0x4c: {  	[sflag:s19] =	ssyncadd.s32 $0xFFFFC000  }
0x4d: {  	_ =	sfence.sel $0x180000  }
0x4e: {  	[bflag:$0x0] =	sbarrier.arrive $0xFFFF  }
0x4f: {  	p0 =	sne.s32 s0, $0x0;
	_ =	strace $0x90000056  }
0x50: {  	s0 =	sadd.s32 @!p0 $0x100000, s1;
	[bflag:$0x2] =	sbarrier.arrive $0xFFFF  }
0x51: {  	[sflag:s0] =	ssyncadd.tile.s32 @!p0 $0x1;
	_ =	shalt  }
.Lfunc_end2:
_tile_overlayer_lowered:
.L_overlay_start_2:
0x52: {  	(tag) =	ssettag $0x2  }
0x53: {  	s0 =	rddreg [dreg:$0x0];
	s2 =	stileid.u32  }
0x54: {  	s1 =	rddreg [dreg:$0x1];
	p0 =	sne.s32 s2, $0x0  }
0x55: {  	s3 =	rddreg [dreg:$0x2];
	[bflag:$0x3] =	sbarrier.arrive $0xFFFF;
	s2 =	simm.s32 @!p0 $0x1C05  }
0x56: {  	[timem:s3], [sflag:s2] =	dma.local @!p0 [hbm:s0], s1  }
0x57: {  	s0 =	simm.s32 @!p0 $0x5  }
0x58: {  	_ =	swait.ge @!p0 [sflag:s0], s1  }
0x59: {  	s1 =	ssub.s32 @!p0 $0x0, s1;
	[sflag:s0] =	ssyncset.done @!p0 $0x0  }
0x5a: {  	[sflag:s0] =	ssyncadd.s32 @!p0 s1  }
0x5b: {  	[bflag:$0x3] =	sbarrier.arrive $0xFFFF  }
0x5c: {  	_ =	shalt  }

</sc_bundles>
